<compile_context>
chip_gen: v7x
topology: tpu7x:2x2x1
jax: 0.10.2.dev20260603
libtpu: 0.0.44.dev20260713+nightly
codegen_flags: <defaults>
</compile_context>

<pallas_src>
import functools

import jax
import jax.numpy as jnp
from jax import lax
from jax.experimental import pallas as pl
from jax.experimental.pallas import tpu as pltpu, tpu_sc as plsc

_NW = 32
_CB = 2000
_L = 16
_NPL = 11


@functools.cache
def _build(n, m):
    num_chunks = n // _CB
    groups = _CB // _L
    max_my = (num_chunks + _NW - 1) // _NW
    assert max_my % 2 == 0, "pipeline assumes an even per-worker chunk bound"
    mesh = plsc.VectorSubcoreMesh(core_axis_name="c", subcore_axis_name="s")
    f32 = jnp.float32

    @functools.partial(
        pl.kernel,
        out_type=tuple(jax.ShapeDtypeStruct((n,), f32) for _ in range(6)),
        mesh=mesh,
        scratch_types=[pltpu.VMEM((m * 16,), f32)]
        + [pltpu.VMEM((_CB,), jnp.int32 if p == _NPL - 1 else f32)
           for _ in range(2) for p in range(_NPL)]
        + [pltpu.VMEM((_CB,), f32) for _ in range(12)]
        + [pltpu.SemaphoreType.DMA for _ in range(4)],
        compiler_params=pltpu.CompilerParams(
            use_tc_tiling_on_sc=False, needs_layout_passes=False),
    )
    def skin(*refs):
        ins = refs[:12]
        outs = refs[12:18]
        tab_v = refs[18]
        in_v = (refs[19:19 + _NPL], refs[19 + _NPL:19 + 2 * _NPL])
        out_v = (refs[41:47], refs[47:53])
        in_sem = refs[53:55]
        out_sem = refs[55:57]

        cid = lax.axis_index("c")
        sid = lax.axis_index("s")
        wid = sid * 2 + cid
        my_chunks = (num_chunks - 1 - wid) // _NW + 1

        pltpu.sync_copy(ins[11], tab_v)

        def in_copies(ci, b):
            base = (wid + ci * _NW) * _CB
            return [pltpu.make_async_copy(
                ins[j].at[pl.ds(base, _CB)], in_v[b][j], in_sem[b])
                for j in range(_NPL)]

        def out_copies(ci, b):
            base = (wid + ci * _NW) * _CB
            return [pltpu.make_async_copy(
                out_v[b][j], outs[j].at[pl.ds(base, _CB)], out_sem[b])
                for j in range(6)]

        def compute(b):
            iv, ov = in_v[b], out_v[b]

            def group(g):
                s = pl.ds(g * _L, _L)
                x, y, z = iv[0][s], iv[1][s], iv[2][s]
                nx, ny, nz = iv[3][s], iv[4][s], iv[5][s]
                bp = iv[10][s]
                av0 = av1 = av2 = jnp.zeros((_L,), f32)
                an0 = an1 = an2 = jnp.zeros((_L,), f32)
                for i in range(4):
                    w = iv[6 + i][s]
                    bi = lax.shift_right_logical(bp, 8 * i) & 0xFF
                    mm = [plsc.load_gather(tab_v.at[pl.ds(k * m, m)], [bi])
                          for k in range(16)]
                    t0 = (x * mm[0] + y * mm[1]) + (z * mm[2] + mm[3])
                    t1 = (x * mm[4] + y * mm[5]) + (z * mm[6] + mm[7])
                    t2 = (x * mm[8] + y * mm[9]) + (z * mm[10] + mm[11])
                    t3 = (x * mm[12] + y * mm[13]) + (z * mm[14] + mm[15])
                    r = w / t3
                    av0 = av0 + t0 * r
                    av1 = av1 + t1 * r
                    av2 = av2 + t2 * r
                    an0 = an0 + w * (nx * mm[0] + ny * mm[1] + nz * mm[2])
                    an1 = an1 + w * (nx * mm[4] + ny * mm[5] + nz * mm[6])
                    an2 = an2 + w * (nx * mm[8] + ny * mm[9] + nz * mm[10])
                ov[0][s], ov[1][s], ov[2][s] = av0, av1, av2
                ov[3][s], ov[4][s], ov[5][s] = an0, an1, an2

            plsc.parallel_loop(0, groups, 1, unroll=4)(group)

        for cp in in_copies(0, 0):
            cp.start()

        def pipe(i, carry):
            for b in range(2):
                ci = 2 * i + b
                active = ci < my_chunks

                @pl.when(ci + 1 < my_chunks)
                def _():
                    for cp in in_copies(ci + 1, 1 - b):
                        cp.start()

                @pl.when(active)
                def _():
                    for cp in in_copies(ci, b):
                        cp.wait()

                @pl.when(active & (ci >= 2))
                def _():
                    for oc in out_copies(ci - 2, b):
                        oc.wait()

                @pl.when(active)
                def _():
                    compute(b)
                    for oc in out_copies(ci, b):
                        oc.start()

            return carry

        lax.fori_loop(0, max_my // 2, pipe, 0, unroll=False)

        for b in range(2):
            for j in range(6):
                pltpu.make_async_copy(
                    out_v[b][j], outs[j].at[pl.ds(0, _CB)], out_sem[b]).wait()

    return skin


def kernel(vertices, normals, bone_weights, bone_indices, bone_matrices):
    n = vertices.shape[0]
    m = bone_matrices.shape[0]
    pad = (-n) % _CB
    if pad:
        vertices = jnp.pad(vertices, ((0, pad), (0, 0)))
        normals = jnp.pad(normals, ((0, pad), (0, 0)))
        bone_weights = jnp.pad(bone_weights, ((0, pad), (0, 0)))
        bone_indices = jnp.pad(bone_indices, ((0, pad), (0, 0)))
    vertices = vertices.astype(jnp.float32)
    normals = normals.astype(jnp.float32)
    bone_weights = bone_weights.astype(jnp.float32)
    idx32 = bone_indices.astype(jnp.int32)
    packed = (idx32[:, 0] | (idx32[:, 1] << 8) | (idx32[:, 2] << 16)
              | (idx32[:, 3] << 24))
    planes = (
        [vertices[:, d] for d in range(3)]
        + [normals[:, d] for d in range(3)]
        + [bone_weights[:, d] for d in range(4)]
        + [packed]
    )
    tab_t = bone_matrices.astype(jnp.float32).reshape(m, 16).T.reshape(-1)
    outs = _build(n + pad, m)(*planes, tab_t)
    ov = jnp.stack(outs[:3], axis=1)[:n]
    on = jnp.stack(outs[3:], axis=1)[:n]
    return ov, on

# --- scband reference (transcript-rebuilt; emitter-appended) ---
"""Pipeline reference for scband-gpuskinning-operator-68186900791877 (READ-ONLY COPY).

The authoritative reference and input builder live on the scoring server;
editing this copy changes nothing except your own understanding.
"""

import jax, jax.numpy as jnp
import numpy as np

N = 1000000
M = 256

def setup_inputs(seed: int = 0) -> dict:
    key = jax.random.key(seed)
    k1, k2, k3, k4, k5 = jax.random.split(key, 5)
    vertices = jax.random.normal(k1, (N, 3), dtype=jnp.float32)
    normals = jax.random.normal(k2, (N, 3), dtype=jnp.float32)
    bone_weights = jax.random.uniform(k3, (N, 4), dtype=jnp.float32)
    bone_indices = jax.random.randint(k4, (N, 4), 0, M, dtype=jnp.int64)
    bone_matrices = jax.random.normal(k5, (M, 4, 4), dtype=jnp.float32)
    return {"vertices": vertices, "normals": normals, "bone_weights": bone_weights,
            "bone_indices": bone_indices, "bone_matrices": bone_matrices}

def _transform_points(points, matrices):
    ones = jnp.ones((points.shape[0], 1), dtype=points.dtype)
    homogeneous = jnp.concatenate([points, ones], axis=1)  # (N, 4)
    # matmul(hom.unsqueeze(1), matrices.transpose(-2,-1)).squeeze(1)
    transformed = jnp.einsum('nj,nkj->nk', homogeneous, matrices)
    return transformed[:, :3] / transformed[:, 3:4]

def _transform_vectors(vectors, matrices):
    rotation = matrices[:, :3, :3]
    return jnp.einsum('nj,nkj->nk', vectors, rotation)

def reference(vertices, normals, bone_weights, bone_indices, bone_matrices):
    transformed_vertices = jnp.zeros_like(vertices)
    transformed_normals = jnp.zeros_like(normals)
    num_bones = bone_weights.shape[1]
    for i in range(num_bones):
        weight = bone_weights[:, i:i + 1]
        bone_idx = bone_indices[:, i]
        bone_matrix = jnp.take(bone_matrices, bone_idx, axis=0)  # gather (N,4,4)
        vertex_transform = _transform_points(vertices, bone_matrix)
        transformed_vertices = transformed_vertices + weight * vertex_transform
        normal_transform = _transform_vectors(normals, bone_matrix)
        transformed_normals = transformed_normals + weight * normal_transform
    return (transformed_vertices, transformed_normals)

if __name__ == "__main__":
    import jax
    _d = setup_inputs()
    print(jax.jit(kernel)(*tuple(_d.values())))

</pallas_src>

<mosaic_0001>
#map = affine_map<(d0, d1) -> (0)>
module attributes {stable_mosaic.version = 14 : i64} {
  func.func @skin(%arg0: i32, %arg1: i32, %arg2: memref<1000000xf32, #tpu.memory_space<hbm>>, %arg3: memref<1000000xf32, #tpu.memory_space<hbm>>, %arg4: memref<1000000xf32, #tpu.memory_space<hbm>>, %arg5: memref<1000000xf32, #tpu.memory_space<hbm>>, %arg6: memref<1000000xf32, #tpu.memory_space<hbm>>, %arg7: memref<1000000xf32, #tpu.memory_space<hbm>>, %arg8: memref<1000000xf32, #tpu.memory_space<hbm>>, %arg9: memref<1000000xf32, #tpu.memory_space<hbm>>, %arg10: memref<1000000xf32, #tpu.memory_space<hbm>>, %arg11: memref<1000000xf32, #tpu.memory_space<hbm>>, %arg12: memref<1000000xi32, #tpu.memory_space<hbm>>, %arg13: memref<4096xf32, #tpu.memory_space<hbm>>, %arg14: memref<1000000xf32, #tpu.memory_space<hbm>>, %arg15: memref<1000000xf32, #tpu.memory_space<hbm>>, %arg16: memref<1000000xf32, #tpu.memory_space<hbm>>, %arg17: memref<1000000xf32, #tpu.memory_space<hbm>>, %arg18: memref<1000000xf32, #tpu.memory_space<hbm>>, %arg19: memref<1000000xf32, #tpu.memory_space<hbm>>, %arg20: memref<4096xf32, #tpu.memory_space<vmem>>, %arg21: memref<2000xf32, #tpu.memory_space<vmem>>, %arg22: memref<2000xf32, #tpu.memory_space<vmem>>, %arg23: memref<2000xf32, #tpu.memory_space<vmem>>, %arg24: memref<2000xf32, #tpu.memory_space<vmem>>, %arg25: memref<2000xf32, #tpu.memory_space<vmem>>, %arg26: memref<2000xf32, #tpu.memory_space<vmem>>, %arg27: memref<2000xf32, #tpu.memory_space<vmem>>, %arg28: memref<2000xf32, #tpu.memory_space<vmem>>, %arg29: memref<2000xf32, #tpu.memory_space<vmem>>, %arg30: memref<2000xf32, #tpu.memory_space<vmem>>, %arg31: memref<2000xi32, #tpu.memory_space<vmem>>, %arg32: memref<2000xf32, #tpu.memory_space<vmem>>, %arg33: memref<2000xf32, #tpu.memory_space<vmem>>, %arg34: memref<2000xf32, #tpu.memory_space<vmem>>, %arg35: memref<2000xf32, #tpu.memory_space<vmem>>, %arg36: memref<2000xf32, #tpu.memory_space<vmem>>, %arg37: memref<2000xf32, #tpu.memory_space<vmem>>, %arg38: memref<2000xf32, #tpu.memory_space<vmem>>, %arg39: memref<2000xf32, #tpu.memory_space<vmem>>, %arg40: memref<2000xf32, #tpu.memory_space<vmem>>, %arg41: memref<2000xf32, #tpu.memory_space<vmem>>, %arg42: memref<2000xi32, #tpu.memory_space<vmem>>, %arg43: memref<2000xf32, #tpu.memory_space<vmem>>, %arg44: memref<2000xf32, #tpu.memory_space<vmem>>, %arg45: memref<2000xf32, #tpu.memory_space<vmem>>, %arg46: memref<2000xf32, #tpu.memory_space<vmem>>, %arg47: memref<2000xf32, #tpu.memory_space<vmem>>, %arg48: memref<2000xf32, #tpu.memory_space<vmem>>, %arg49: memref<2000xf32, #tpu.memory_space<vmem>>, %arg50: memref<2000xf32, #tpu.memory_space<vmem>>, %arg51: memref<2000xf32, #tpu.memory_space<vmem>>, %arg52: memref<2000xf32, #tpu.memory_space<vmem>>, %arg53: memref<2000xf32, #tpu.memory_space<vmem>>, %arg54: memref<2000xf32, #tpu.memory_space<vmem>>, %arg55: memref<!tpu.dma_semaphore, #tpu.memory_space<semaphore_mem>>, %arg56: memref<!tpu.dma_semaphore, #tpu.memory_space<semaphore_mem>>, %arg57: memref<!tpu.dma_semaphore, #tpu.memory_space<semaphore_mem>>, %arg58: memref<!tpu.dma_semaphore, #tpu.memory_space<semaphore_mem>>) attributes {dimension_semantics = [#tpu.dimension_semantics<core_parallel>, #tpu.dimension_semantics<subcore_parallel>], iteration_bounds = array<i64: 2, 16>, scalar_prefetch = 0 : i64, scratch_operands = 39 : i64, tpu.core_type = #tpu.core_type<sc_vector_subcore>, window_params = [{transform_indices = #map}, {transform_indices = #map}, {transform_indices = #map}, {transform_indices = #map}, {transform_indices = #map}, {transform_indices = #map}, {transform_indices = #map}, {transform_indices = #map}, {transform_indices = #map}, {transform_indices = #map}, {transform_indices = #map}, {transform_indices = #map}, {transform_indices = #map}, {transform_indices = #map}, {transform_indices = #map}, {transform_indices = #map}, {transform_indices = #map}, {transform_indices = #map}]} {
    %mul3A = arith.constant 2 : i32
    %mul3A_0 = arith.muli %arg1, %mul3A : i32
    %add3A = arith.addi %mul3A_0, %arg0 : i32
    %sub3A = arith.constant 499 : i32
    %sub3A_1 = arith.subi %sub3A, %add3A : i32
    %jit3A = arith.constant 32 : i32
    %div3A = arith.divsi %sub3A_1, %jit3A : i32
    %sign3A = arith.constant 0 : i32
    %sign3A_2 = arith.cmpi sgt, %sub3A_1, %sign3A : i32
    %sign3A_3 = arith.extui %sign3A_2 : i1 to i32
    %sign3A_4 = arith.constant 0 : i32
    %sign3A_5 = arith.cmpi slt, %sub3A_1, %sign3A_4 : i32
    %sign3A_6 = arith.extui %sign3A_5 : i1 to i32
    %sign3A_7 = arith.subi %sign3A_3, %sign3A_6 : i32
    %sign3A_8 = arith.constant 0 : i32
    %sign3A_9 = arith.cmpi sgt, %jit3A, %sign3A_8 : i32
    %sign3A_10 = arith.extui %sign3A_9 : i1 to i32
    %sign3A_11 = arith.constant 0 : i32
    %sign3A_12 = arith.cmpi slt, %jit3A, %sign3A_11 : i32
    %sign3A_13 = arith.extui %sign3A_12 : i1 to i32
    %sign3A_14 = arith.subi %sign3A_10, %sign3A_13 : i32
    %ne3A = arith.cmpi ne, %sign3A_7, %sign3A_14 : i32
    %rem3A = arith.remsi %sub3A_1, %jit3A : i32
    %ne3A_15 = arith.constant 0 : i32
    %ne3A_16 = arith.cmpi ne, %rem3A, %ne3A_15 : i32
    %and3A = arith.andi %ne3A, %ne3A_16 : i1
    %sub3A_17 = arith.constant 1 : i32
    %sub3A_18 = arith.subi %div3A, %sub3A_17 : i32
    %select_n3A = arith.select %and3A, %sub3A_18, %div3A : i32
    %add3A_19 = arith.constant 1 : i32
    %add3A_20 = arith.addi %select_n3A, %add3A_19 : i32
    "tpu.region"() ({
      %run_scoped3A = tpu.sem_alloc : memref<!tpu.dma_semaphore, #tpu.memory_space<semaphore_mem>>
      tpu.enqueue_dma source(%arg13 : memref<4096xf32, #tpu.memory_space<hbm>>) target(%arg20 : memref<4096xf32, #tpu.memory_space<vmem>>) target_semaphore(%run_scoped3A : memref<!tpu.dma_semaphore, #tpu.memory_space<semaphore_mem>>)
      tpu.wait_dma2 semaphore(%run_scoped3A : memref<!tpu.dma_semaphore, #tpu.memory_space<semaphore_mem>>) src(%arg13 : memref<4096xf32, #tpu.memory_space<hbm>>) dst(%arg20 : memref<4096xf32, #tpu.memory_space<vmem>>)
      tpu.yield
    }) : () -> ()
    %add3A_21 = arith.constant 0 : i32
    %add3A_22 = arith.addi %add3A, %add3A_21 : i32
    %mul3A_23 = arith.constant 2000 : i32
    %mul3A_24 = arith.muli %add3A_22, %mul3A_23 : i32
    %dma_start3A = tpu.memref_slice %arg2[%mul3A_24] : memref<1000000xf32, #tpu.memory_space<hbm>> -> memref<2000xf32, #tpu.memory_space<hbm>>
    %dma_start3A_25 = tpu.memref_slice %arg2[%mul3A_24] : memref<1000000xf32, #tpu.memory_space<hbm>> -> memref<2000xf32, #tpu.memory_space<hbm>>
    tpu.enqueue_dma source(%dma_start3A_25 : memref<2000xf32, #tpu.memory_space<hbm>>) target(%arg21 : memref<2000xf32, #tpu.memory_space<vmem>>) target_semaphore(%arg55 : memref<!tpu.dma_semaphore, #tpu.memory_space<semaphore_mem>>)
    %dma_start3A_26 = tpu.memref_slice %arg3[%mul3A_24] : memref<1000000xf32, #tpu.memory_space<hbm>> -> memref<2000xf32, #tpu.memory_space<hbm>>
    %dma_start3A_27 = tpu.memref_slice %arg3[%mul3A_24] : memref<1000000xf32, #tpu.memory_space<hbm>> -> memref<2000xf32, #tpu.memory_space<hbm>>
    tpu.enqueue_dma source(%dma_start3A_27 : memref<2000xf32, #tpu.memory_space<hbm>>) target(%arg22 : memref<2000xf32, #tpu.memory_space<vmem>>) target_semaphore(%arg55 : memref<!tpu.dma_semaphore, #tpu.memory_space<semaphore_mem>>)
    %dma_start3A_28 = tpu.memref_slice %arg4[%mul3A_24] : memref<1000000xf32, #tpu.memory_space<hbm>> -> memref<2000xf32, #tpu.memory_space<hbm>>
    %dma_start3A_29 = tpu.memref_slice %arg4[%mul3A_24] : memref<1000000xf32, #tpu.memory_space<hbm>> -> memref<2000xf32, #tpu.memory_space<hbm>>
    tpu.enqueue_dma source(%dma_start3A_29 : memref<2000xf32, #tpu.memory_space<hbm>>) target(%arg23 : memref<2000xf32, #tpu.memory_space<vmem>>) target_semaphore(%arg55 : memref<!tpu.dma_semaphore, #tpu.memory_space<semaphore_mem>>)
    %dma_start3A_30 = tpu.memref_slice %arg5[%mul3A_24] : memref<1000000xf32, #tpu.memory_space<hbm>> -> memref<2000xf32, #tpu.memory_space<hbm>>
    %dma_start3A_31 = tpu.memref_slice %arg5[%mul3A_24] : memref<1000000xf32, #tpu.memory_space<hbm>> -> memref<2000xf32, #tpu.memory_space<hbm>>
    tpu.enqueue_dma source(%dma_start3A_31 : memref<2000xf32, #tpu.memory_space<hbm>>) target(%arg24 : memref<2000xf32, #tpu.memory_space<vmem>>) target_semaphore(%arg55 : memref<!tpu.dma_semaphore, #tpu.memory_space<semaphore_mem>>)
    %dma_start3A_32 = tpu.memref_slice %arg6[%mul3A_24] : memref<1000000xf32, #tpu.memory_space<hbm>> -> memref<2000xf32, #tpu.memory_space<hbm>>
    %dma_start3A_33 = tpu.memref_slice %arg6[%mul3A_24] : memref<1000000xf32, #tpu.memory_space<hbm>> -> memref<2000xf32, #tpu.memory_space<hbm>>
    tpu.enqueue_dma source(%dma_start3A_33 : memref<2000xf32, #tpu.memory_space<hbm>>) target(%arg25 : memref<2000xf32, #tpu.memory_space<vmem>>) target_semaphore(%arg55 : memref<!tpu.dma_semaphore, #tpu.memory_space<semaphore_mem>>)
    %dma_start3A_34 = tpu.memref_slice %arg7[%mul3A_24] : memref<1000000xf32, #tpu.memory_space<hbm>> -> memref<2000xf32, #tpu.memory_space<hbm>>
    %dma_start3A_35 = tpu.memref_slice %arg7[%mul3A_24] : memref<1000000xf32, #tpu.memory_space<hbm>> -> memref<2000xf32, #tpu.memory_space<hbm>>
    tpu.enqueue_dma source(%dma_start3A_35 : memref<2000xf32, #tpu.memory_space<hbm>>) target(%arg26 : memref<2000xf32, #tpu.memory_space<vmem>>) target_semaphore(%arg55 : memref<!tpu.dma_semaphore, #tpu.memory_space<semaphore_mem>>)
    %dma_start3A_36 = tpu.memref_slice %arg8[%mul3A_24] : memref<1000000xf32, #tpu.memory_space<hbm>> -> memref<2000xf32, #tpu.memory_space<hbm>>
    %dma_start3A_37 = tpu.memref_slice %arg8[%mul3A_24] : memref<1000000xf32, #tpu.memory_space<hbm>> -> memref<2000xf32, #tpu.memory_space<hbm>>
    tpu.enqueue_dma source(%dma_start3A_37 : memref<2000xf32, #tpu.memory_space<hbm>>) target(%arg27 : memref<2000xf32, #tpu.memory_space<vmem>>) target_semaphore(%arg55 : memref<!tpu.dma_semaphore, #tpu.memory_space<semaphore_mem>>)
    %dma_start3A_38 = tpu.memref_slice %arg9[%mul3A_24] : memref<1000000xf32, #tpu.memory_space<hbm>> -> memref<2000xf32, #tpu.memory_space<hbm>>
    %dma_start3A_39 = tpu.memref_slice %arg9[%mul3A_24] : memref<1000000xf32, #tpu.memory_space<hbm>> -> memref<2000xf32, #tpu.memory_space<hbm>>
    tpu.enqueue_dma source(%dma_start3A_39 : memref<2000xf32, #tpu.memory_space<hbm>>) target(%arg28 : memref<2000xf32, #tpu.memory_space<vmem>>) target_semaphore(%arg55 : memref<!tpu.dma_semaphore, #tpu.memory_space<semaphore_mem>>)
    %dma_start3A_40 = tpu.memref_slice %arg10[%mul3A_24] : memref<1000000xf32, #tpu.memory_space<hbm>> -> memref<2000xf32, #tpu.memory_space<hbm>>
    %dma_start3A_41 = tpu.memref_slice %arg10[%mul3A_24] : memref<1000000xf32, #tpu.memory_space<hbm>> -> memref<2000xf32, #tpu.memory_space<hbm>>
    tpu.enqueue_dma source(%dma_start3A_41 : memref<2000xf32, #tpu.memory_space<hbm>>) target(%arg29 : memref<2000xf32, #tpu.memory_space<vmem>>) target_semaphore(%arg55 : memref<!tpu.dma_semaphore, #tpu.memory_space<semaphore_mem>>)
    %dma_start3A_42 = tpu.memref_slice %arg11[%mul3A_24] : memref<1000000xf32, #tpu.memory_space<hbm>> -> memref<2000xf32, #tpu.memory_space<hbm>>
    %dma_start3A_43 = tpu.memref_slice %arg11[%mul3A_24] : memref<1000000xf32, #tpu.memory_space<hbm>> -> memref<2000xf32, #tpu.memory_space<hbm>>
    tpu.enqueue_dma source(%dma_start3A_43 : memref<2000xf32, #tpu.memory_space<hbm>>) target(%arg30 : memref<2000xf32, #tpu.memory_space<vmem>>) target_semaphore(%arg55 : memref<!tpu.dma_semaphore, #tpu.memory_space<semaphore_mem>>)
    %dma_start3A_44 = tpu.memref_slice %arg12[%mul3A_24] : memref<1000000xi32, #tpu.memory_space<hbm>> -> memref<2000xi32, #tpu.memory_space<hbm>>
    %dma_start3A_45 = tpu.memref_slice %arg12[%mul3A_24] : memref<1000000xi32, #tpu.memory_space<hbm>> -> memref<2000xi32, #tpu.memory_space<hbm>>
    tpu.enqueue_dma source(%dma_start3A_45 : memref<2000xi32, #tpu.memory_space<hbm>>) target(%arg31 : memref<2000xi32, #tpu.memory_space<vmem>>) target_semaphore(%arg55 : memref<!tpu.dma_semaphore, #tpu.memory_space<semaphore_mem>>)
    %scan3A = arith.constant 0 : i32
    %scan3A_46 = arith.constant 0 : i32
    %scan3A_47 = arith.constant 8 : i32
    %scan3A_48 = arith.addi %scan3A_46, %scan3A_47 : i32
    %scan3A_49 = arith.constant 1 : i32
    scf.for %scan3A_98 = %scan3A_46 to %scan3A_48 step %scan3A_49  : i32 {
      %mul3A_99 = arith.constant 2 : i32
      %mul3A_100 = arith.muli %mul3A_99, %scan3A_98 : i32
      %add3A_101 = arith.constant 0 : i32
      %add3A_102 = arith.addi %mul3A_100, %add3A_101 : i32
      %lt3A = arith.cmpi slt, %add3A_102, %add3A_20 : i32
      %add3A_103 = arith.constant 1 : i32
      %add3A_104 = arith.addi %add3A_102, %add3A_103 : i32
      %lt3A_105 = arith.cmpi slt, %add3A_104, %add3A_20 : i32
      %convert_element_type3A = arith.extui %lt3A_105 : i1 to i32
      %cond3A = arith.constant 0 : i32
      %cond3A_106 = arith.cmpi ne, %convert_element_type3A, %cond3A : i32
      scf.if %cond3A_106 {
        %add3A_141 = arith.constant 1 : i32
        %add3A_142 = arith.addi %add3A_102, %add3A_141 : i32
        %mul3A_143 = arith.constant 32 : i32
        %mul3A_144 = arith.muli %add3A_142, %mul3A_143 : i32
        %add3A_145 = arith.addi %add3A, %mul3A_144 : i32
        %mul3A_146 = arith.constant 2000 : i32
        %mul3A_147 = arith.muli %add3A_145, %mul3A_146 : i32
        %dma_start3A_148 = tpu.memref_slice %arg2[%mul3A_147] : memref<1000000xf32, #tpu.memory_space<hbm>> -> memref<2000xf32, #tpu.memory_space<hbm>>
        %dma_start3A_149 = tpu.memref_slice %arg2[%mul3A_147] : memref<1000000xf32, #tpu.memory_space<hbm>> -> memref<2000xf32, #tpu.memory_space<hbm>>
        tpu.enqueue_dma source(%dma_start3A_149 : memref<2000xf32, #tpu.memory_space<hbm>>) target(%arg32 : memref<2000xf32, #tpu.memory_space<vmem>>) target_semaphore(%arg56 : memref<!tpu.dma_semaphore, #tpu.memory_space<semaphore_mem>>)
        %dma_start3A_150 = tpu.memref_slice %arg3[%mul3A_147] : memref<1000000xf32, #tpu.memory_space<hbm>> -> memref<2000xf32, #tpu.memory_space<hbm>>
        %dma_start3A_151 = tpu.memref_slice %arg3[%mul3A_147] : memref<1000000xf32, #tpu.memory_space<hbm>> -> memref<2000xf32, #tpu.memory_space<hbm>>
        tpu.enqueue_dma source(%dma_start3A_151 : memref<2000xf32, #tpu.memory_space<hbm>>) target(%arg33 : memref<2000xf32, #tpu.memory_space<vmem>>) target_semaphore(%arg56 : memref<!tpu.dma_semaphore, #tpu.memory_space<semaphore_mem>>)
        %dma_start3A_152 = tpu.memref_slice %arg4[%mul3A_147] : memref<1000000xf32, #tpu.memory_space<hbm>> -> memref<2000xf32, #tpu.memory_space<hbm>>
        %dma_start3A_153 = tpu.memref_slice %arg4[%mul3A_147] : memref<1000000xf32, #tpu.memory_space<hbm>> -> memref<2000xf32, #tpu.memory_space<hbm>>
        tpu.enqueue_dma source(%dma_start3A_153 : memref<2000xf32, #tpu.memory_space<hbm>>) target(%arg34 : memref<2000xf32, #tpu.memory_space<vmem>>) target_semaphore(%arg56 : memref<!tpu.dma_semaphore, #tpu.memory_space<semaphore_mem>>)
        %dma_start3A_154 = tpu.memref_slice %arg5[%mul3A_147] : memref<1000000xf32, #tpu.memory_space<hbm>> -> memref<2000xf32, #tpu.memory_space<hbm>>
        %dma_start3A_155 = tpu.memref_slice %arg5[%mul3A_147] : memref<1000000xf32, #tpu.memory_space<hbm>> -> memref<2000xf32, #tpu.memory_space<hbm>>
        tpu.enqueue_dma source(%dma_start3A_155 : memref<2000xf32, #tpu.memory_space<hbm>>) target(%arg35 : memref<2000xf32, #tpu.memory_space<vmem>>) target_semaphore(%arg56 : memref<!tpu.dma_semaphore, #tpu.memory_space<semaphore_mem>>)
        %dma_start3A_156 = tpu.memref_slice %arg6[%mul3A_147] : memref<1000000xf32, #tpu.memory_space<hbm>> -> memref<2000xf32, #tpu.memory_space<hbm>>
        %dma_start3A_157 = tpu.memref_slice %arg6[%mul3A_147] : memref<1000000xf32, #tpu.memory_space<hbm>> -> memref<2000xf32, #tpu.memory_space<hbm>>
        tpu.enqueue_dma source(%dma_start3A_157 : memref<2000xf32, #tpu.memory_space<hbm>>) target(%arg36 : memref<2000xf32, #tpu.memory_space<vmem>>) target_semaphore(%arg56 : memref<!tpu.dma_semaphore, #tpu.memory_space<semaphore_mem>>)
        %dma_start3A_158 = tpu.memref_slice %arg7[%mul3A_147] : memref<1000000xf32, #tpu.memory_space<hbm>> -> memref<2000xf32, #tpu.memory_space<hbm>>
        %dma_start3A_159 = tpu.memref_slice %arg7[%mul3A_147] : memref<1000000xf32, #tpu.memory_space<hbm>> -> memref<2000xf32, #tpu.memory_space<hbm>>
        tpu.enqueue_dma source(%dma_start3A_159 : memref<2000xf32, #tpu.memory_space<hbm>>) target(%arg37 : memref<2000xf32, #tpu.memory_space<vmem>>) target_semaphore(%arg56 : memref<!tpu.dma_semaphore, #tpu.memory_space<semaphore_mem>>)
        %dma_start3A_160 = tpu.memref_slice %arg8[%mul3A_147] : memref<1000000xf32, #tpu.memory_space<hbm>> -> memref<2000xf32, #tpu.memory_space<hbm>>
        %dma_start3A_161 = tpu.memref_slice %arg8[%mul3A_147] : memref<1000000xf32, #tpu.memory_space<hbm>> -> memref<2000xf32, #tpu.memory_space<hbm>>
        tpu.enqueue_dma source(%dma_start3A_161 : memref<2000xf32, #tpu.memory_space<hbm>>) target(%arg38 : memref<2000xf32, #tpu.memory_space<vmem>>) target_semaphore(%arg56 : memref<!tpu.dma_semaphore, #tpu.memory_space<semaphore_mem>>)
        %dma_start3A_162 = tpu.memref_slice %arg9[%mul3A_147] : memref<1000000xf32, #tpu.memory_space<hbm>> -> memref<2000xf32, #tpu.memory_space<hbm>>
        %dma_start3A_163 = tpu.memref_slice %arg9[%mul3A_147] : memref<1000000xf32, #tpu.memory_space<hbm>> -> memref<2000xf32, #tpu.memory_space<hbm>>
        tpu.enqueue_dma source(%dma_start3A_163 : memref<2000xf32, #tpu.memory_space<hbm>>) target(%arg39 : memref<2000xf32, #tpu.memory_space<vmem>>) target_semaphore(%arg56 : memref<!tpu.dma_semaphore, #tpu.memory_space<semaphore_mem>>)
        %dma_start3A_164 = tpu.memref_slice %arg10[%mul3A_147] : memref<1000000xf32, #tpu.memory_space<hbm>> -> memref<2000xf32, #tpu.memory_space<hbm>>
        %dma_start3A_165 = tpu.memref_slice %arg10[%mul3A_147] : memref<1000000xf32, #tpu.memory_space<hbm>> -> memref<2000xf32, #tpu.memory_space<hbm>>
        tpu.enqueue_dma source(%dma_start3A_165 : memref<2000xf32, #tpu.memory_space<hbm>>) target(%arg40 : memref<2000xf32, #tpu.memory_space<vmem>>) target_semaphore(%arg56 : memref<!tpu.dma_semaphore, #tpu.memory_space<semaphore_mem>>)
        %dma_start3A_166 = tpu.memref_slice %arg11[%mul3A_147] : memref<1000000xf32, #tpu.memory_space<hbm>> -> memref<2000xf32, #tpu.memory_space<hbm>>
        %dma_start3A_167 = tpu.memref_slice %arg11[%mul3A_147] : memref<1000000xf32, #tpu.memory_space<hbm>> -> memref<2000xf32, #tpu.memory_space<hbm>>
        tpu.enqueue_dma source(%dma_start3A_167 : memref<2000xf32, #tpu.memory_space<hbm>>) target(%arg41 : memref<2000xf32, #tpu.memory_space<vmem>>) target_semaphore(%arg56 : memref<!tpu.dma_semaphore, #tpu.memory_space<semaphore_mem>>)
        %dma_start3A_168 = tpu.memref_slice %arg12[%mul3A_147] : memref<1000000xi32, #tpu.memory_space<hbm>> -> memref<2000xi32, #tpu.memory_space<hbm>>
        %dma_start3A_169 = tpu.memref_slice %arg12[%mul3A_147] : memref<1000000xi32, #tpu.memory_space<hbm>> -> memref<2000xi32, #tpu.memory_space<hbm>>
        tpu.enqueue_dma source(%dma_start3A_169 : memref<2000xi32, #tpu.memory_space<hbm>>) target(%arg42 : memref<2000xi32, #tpu.memory_space<vmem>>) target_semaphore(%arg56 : memref<!tpu.dma_semaphore, #tpu.memory_space<semaphore_mem>>)
      } else {
      }
      %convert_element_type3A_107 = arith.extui %lt3A : i1 to i32
      %cond3A_108 = arith.constant 0 : i32
      %cond3A_109 = arith.cmpi ne, %convert_element_type3A_107, %cond3A_108 : i32
      scf.if %cond3A_109 {
        %mul3A_141 = arith.constant 32 : i32
        %mul3A_142 = arith.muli %add3A_102, %mul3A_141 : i32
        %add3A_143 = arith.addi %add3A, %mul3A_142 : i32
        %mul3A_144 = arith.constant 2000 : i32
        %mul3A_145 = arith.muli %add3A_143, %mul3A_144 : i32
        %dma_wait3A_146 = tpu.memref_slice %arg2[%mul3A_145] : memref<1000000xf32, #tpu.memory_space<hbm>> -> memref<2000xf32, #tpu.memory_space<hbm>>
        %dma_wait3A_147 = tpu.memref_slice %arg2[%mul3A_145] : memref<1000000xf32, #tpu.memory_space<hbm>> -> memref<2000xf32, #tpu.memory_space<hbm>>
        tpu.wait_dma2 semaphore(%arg55 : memref<!tpu.dma_semaphore, #tpu.memory_space<semaphore_mem>>) src(%dma_wait3A_147 : memref<2000xf32, #tpu.memory_space<hbm>>) dst(%arg21 : memref<2000xf32, #tpu.memory_space<vmem>>)
        %dma_wait3A_148 = tpu.memref_slice %arg3[%mul3A_145] : memref<1000000xf32, #tpu.memory_space<hbm>> -> memref<2000xf32, #tpu.memory_space<hbm>>
        %dma_wait3A_149 = tpu.memref_slice %arg3[%mul3A_145] : memref<1000000xf32, #tpu.memory_space<hbm>> -> memref<2000xf32, #tpu.memory_space<hbm>>
        tpu.wait_dma2 semaphore(%arg55 : memref<!tpu.dma_semaphore, #tpu.memory_space<semaphore_mem>>) src(%dma_wait3A_149 : memref<2000xf32, #tpu.memory_space<hbm>>) dst(%arg22 : memref<2000xf32, #tpu.memory_space<vmem>>)
        %dma_wait3A_150 = tpu.memref_slice %arg4[%mul3A_145] : memref<1000000xf32, #tpu.memory_space<hbm>> -> memref<2000xf32, #tpu.memory_space<hbm>>
        %dma_wait3A_151 = tpu.memref_slice %arg4[%mul3A_145] : memref<1000000xf32, #tpu.memory_space<hbm>> -> memref<2000xf32, #tpu.memory_space<hbm>>
        tpu.wait_dma2 semaphore(%arg55 : memref<!tpu.dma_semaphore, #tpu.memory_space<semaphore_mem>>) src(%dma_wait3A_151 : memref<2000xf32, #tpu.memory_space<hbm>>) dst(%arg23 : memref<2000xf32, #tpu.memory_space<vmem>>)
        %dma_wait3A_152 = tpu.memref_slice %arg5[%mul3A_145] : memref<1000000xf32, #tpu.memory_space<hbm>> -> memref<2000xf32, #tpu.memory_space<hbm>>
        %dma_wait3A_153 = tpu.memref_slice %arg5[%mul3A_145] : memref<1000000xf32, #tpu.memory_space<hbm>> -> memref<2000xf32, #tpu.memory_space<hbm>>
        tpu.wait_dma2 semaphore(%arg55 : memref<!tpu.dma_semaphore, #tpu.memory_space<semaphore_mem>>) src(%dma_wait3A_153 : memref<2000xf32, #tpu.memory_space<hbm>>) dst(%arg24 : memref<2000xf32, #tpu.memory_space<vmem>>)
        %dma_wait3A_154 = tpu.memref_slice %arg6[%mul3A_145] : memref<1000000xf32, #tpu.memory_space<hbm>> -> memref<2000xf32, #tpu.memory_space<hbm>>
        %dma_wait3A_155 = tpu.memref_slice %arg6[%mul3A_145] : memref<1000000xf32, #tpu.memory_space<hbm>> -> memref<2000xf32, #tpu.memory_space<hbm>>
        tpu.wait_dma2 semaphore(%arg55 : memref<!tpu.dma_semaphore, #tpu.memory_space<semaphore_mem>>) src(%dma_wait3A_155 : memref<2000xf32, #tpu.memory_space<hbm>>) dst(%arg25 : memref<2000xf32, #tpu.memory_space<vmem>>)
        %dma_wait3A_156 = tpu.memref_slice %arg7[%mul3A_145] : memref<1000000xf32, #tpu.memory_space<hbm>> -> memref<2000xf32, #tpu.memory_space<hbm>>
        %dma_wait3A_157 = tpu.memref_slice %arg7[%mul3A_145] : memref<1000000xf32, #tpu.memory_space<hbm>> -> memref<2000xf32, #tpu.memory_space<hbm>>
        tpu.wait_dma2 semaphore(%arg55 : memref<!tpu.dma_semaphore, #tpu.memory_space<semaphore_mem>>) src(%dma_wait3A_157 : memref<2000xf32, #tpu.memory_space<hbm>>) dst(%arg26 : memref<2000xf32, #tpu.memory_space<vmem>>)
        %dma_wait3A_158 = tpu.memref_slice %arg8[%mul3A_145] : memref<1000000xf32, #tpu.memory_space<hbm>> -> memref<2000xf32, #tpu.memory_space<hbm>>
        %dma_wait3A_159 = tpu.memref_slice %arg8[%mul3A_145] : memref<1000000xf32, #tpu.memory_space<hbm>> -> memref<2000xf32, #tpu.memory_space<hbm>>
        tpu.wait_dma2 semaphore(%arg55 : memref<!tpu.dma_semaphore, #tpu.memory_space<semaphore_mem>>) src(%dma_wait3A_159 : memref<2000xf32, #tpu.memory_space<hbm>>) dst(%arg27 : memref<2000xf32, #tpu.memory_space<vmem>>)
        %dma_wait3A_160 = tpu.memref_slice %arg9[%mul3A_145] : memref<1000000xf32, #tpu.memory_space<hbm>> -> memref<2000xf32, #tpu.memory_space<hbm>>
        %dma_wait3A_161 = tpu.memref_slice %arg9[%mul3A_145] : memref<1000000xf32, #tpu.memory_space<hbm>> -> memref<2000xf32, #tpu.memory_space<hbm>>
        tpu.wait_dma2 semaphore(%arg55 : memref<!tpu.dma_semaphore, #tpu.memory_space<semaphore_mem>>) src(%dma_wait3A_161 : memref<2000xf32, #tpu.memory_space<hbm>>) dst(%arg28 : memref<2000xf32, #tpu.memory_space<vmem>>)
        %dma_wait3A_162 = tpu.memref_slice %arg10[%mul3A_145] : memref<1000000xf32, #tpu.memory_space<hbm>> -> memref<2000xf32, #tpu.memory_space<hbm>>
        %dma_wait3A_163 = tpu.memref_slice %arg10[%mul3A_145] : memref<1000000xf32, #tpu.memory_space<hbm>> -> memref<2000xf32, #tpu.memory_space<hbm>>
        tpu.wait_dma2 semaphore(%arg55 : memref<!tpu.dma_semaphore, #tpu.memory_space<semaphore_mem>>) src(%dma_wait3A_163 : memref<2000xf32, #tpu.memory_space<hbm>>) dst(%arg29 : memref<2000xf32, #tpu.memory_space<vmem>>)
        %dma_wait3A_164 = tpu.memref_slice %arg11[%mul3A_145] : memref<1000000xf32, #tpu.memory_space<hbm>> -> memref<2000xf32, #tpu.memory_space<hbm>>
        %dma_wait3A_165 = tpu.memref_slice %arg11[%mul3A_145] : memref<1000000xf32, #tpu.memory_space<hbm>> -> memref<2000xf32, #tpu.memory_space<hbm>>
        tpu.wait_dma2 semaphore(%arg55 : memref<!tpu.dma_semaphore, #tpu.memory_space<semaphore_mem>>) src(%dma_wait3A_165 : memref<2000xf32, #tpu.memory_space<hbm>>) dst(%arg30 : memref<2000xf32, #tpu.memory_space<vmem>>)
        %dma_wait3A_166 = tpu.memref_slice %arg12[%mul3A_145] : memref<1000000xi32, #tpu.memory_space<hbm>> -> memref<2000xi32, #tpu.memory_space<hbm>>
        %dma_wait3A_167 = tpu.memref_slice %arg12[%mul3A_145] : memref<1000000xi32, #tpu.memory_space<hbm>> -> memref<2000xi32, #tpu.memory_space<hbm>>
        tpu.wait_dma2 semaphore(%arg55 : memref<!tpu.dma_semaphore, #tpu.memory_space<semaphore_mem>>) src(%dma_wait3A_167 : memref<2000xi32, #tpu.memory_space<hbm>>) dst(%arg31 : memref<2000xi32, #tpu.memory_space<vmem>>)
      } else {
      }
      %ge3A = arith.constant 2 : i32
      %ge3A_110 = arith.cmpi sge, %add3A_102, %ge3A : i32
      %and3A_111 = arith.andi %lt3A, %ge3A_110 : i1
      %convert_element_type3A_112 = arith.extui %and3A_111 : i1 to i32
      %cond3A_113 = arith.constant 0 : i32
      %cond3A_114 = arith.cmpi ne, %convert_element_type3A_112, %cond3A_113 : i32
      scf.if %cond3A_114 {
        %sub3A_141 = arith.constant 2 : i32
        %sub3A_142 = arith.subi %add3A_102, %sub3A_141 : i32
        %mul3A_143 = arith.constant 32 : i32
        %mul3A_144 = arith.muli %sub3A_142, %mul3A_143 : i32
        %add3A_145 = arith.addi %add3A, %mul3A_144 : i32
        %mul3A_146 = arith.constant 2000 : i32
        %mul3A_147 = arith.muli %add3A_145, %mul3A_146 : i32
        %dma_wait3A_148 = tpu.memref_slice %arg14[%mul3A_147] : memref<1000000xf32, #tpu.memory_space<hbm>> -> memref<2000xf32, #tpu.memory_space<hbm>>
        %dma_wait3A_149 = tpu.memref_slice %arg14[%mul3A_147] : memref<1000000xf32, #tpu.memory_space<hbm>> -> memref<2000xf32, #tpu.memory_space<hbm>>
        tpu.wait_dma2 semaphore(%arg57 : memref<!tpu.dma_semaphore, #tpu.memory_space<semaphore_mem>>) src(%arg43 : memref<2000xf32, #tpu.memory_space<vmem>>) dst(%dma_wait3A_149 : memref<2000xf32, #tpu.memory_space<hbm>>)
        %dma_wait3A_150 = tpu.memref_slice %arg15[%mul3A_147] : memref<1000000xf32, #tpu.memory_space<hbm>> -> memref<2000xf32, #tpu.memory_space<hbm>>
        %dma_wait3A_151 = tpu.memref_slice %arg15[%mul3A_147] : memref<1000000xf32, #tpu.memory_space<hbm>> -> memref<2000xf32, #tpu.memory_space<hbm>>
        tpu.wait_dma2 semaphore(%arg57 : memref<!tpu.dma_semaphore, #tpu.memory_space<semaphore_mem>>) src(%arg44 : memref<2000xf32, #tpu.memory_space<vmem>>) dst(%dma_wait3A_151 : memref<2000xf32, #tpu.memory_space<hbm>>)
        %dma_wait3A_152 = tpu.memref_slice %arg16[%mul3A_147] : memref<1000000xf32, #tpu.memory_space<hbm>> -> memref<2000xf32, #tpu.memory_space<hbm>>
        %dma_wait3A_153 = tpu.memref_slice %arg16[%mul3A_147] : memref<1000000xf32, #tpu.memory_space<hbm>> -> memref<2000xf32, #tpu.memory_space<hbm>>
        tpu.wait_dma2 semaphore(%arg57 : memref<!tpu.dma_semaphore, #tpu.memory_space<semaphore_mem>>) src(%arg45 : memref<2000xf32, #tpu.memory_space<vmem>>) dst(%dma_wait3A_153 : memref<2000xf32, #tpu.memory_space<hbm>>)
        %dma_wait3A_154 = tpu.memref_slice %arg17[%mul3A_147] : memref<1000000xf32, #tpu.memory_space<hbm>> -> memref<2000xf32, #tpu.memory_space<hbm>>
        %dma_wait3A_155 = tpu.memref_slice %arg17[%mul3A_147] : memref<1000000xf32, #tpu.memory_space<hbm>> -> memref<2000xf32, #tpu.memory_space<hbm>>
        tpu.wait_dma2 semaphore(%arg57 : memref<!tpu.dma_semaphore, #tpu.memory_space<semaphore_mem>>) src(%arg46 : memref<2000xf32, #tpu.memory_space<vmem>>) dst(%dma_wait3A_155 : memref<2000xf32, #tpu.memory_space<hbm>>)
        %dma_wait3A_156 = tpu.memref_slice %arg18[%mul3A_147] : memref<1000000xf32, #tpu.memory_space<hbm>> -> memref<2000xf32, #tpu.memory_space<hbm>>
        %dma_wait3A_157 = tpu.memref_slice %arg18[%mul3A_147] : memref<1000000xf32, #tpu.memory_space<hbm>> -> memref<2000xf32, #tpu.memory_space<hbm>>
        tpu.wait_dma2 semaphore(%arg57 : memref<!tpu.dma_semaphore, #tpu.memory_space<semaphore_mem>>) src(%arg47 : memref<2000xf32, #tpu.memory_space<vmem>>) dst(%dma_wait3A_157 : memref<2000xf32, #tpu.memory_space<hbm>>)
        %dma_wait3A_158 = tpu.memref_slice %arg19[%mul3A_147] : memref<1000000xf32, #tpu.memory_space<hbm>> -> memref<2000xf32, #tpu.memory_space<hbm>>
        %dma_wait3A_159 = tpu.memref_slice %arg19[%mul3A_147] : memref<1000000xf32, #tpu.memory_space<hbm>> -> memref<2000xf32, #tpu.memory_space<hbm>>
        tpu.wait_dma2 semaphore(%arg57 : memref<!tpu.dma_semaphore, #tpu.memory_space<semaphore_mem>>) src(%arg48 : memref<2000xf32, #tpu.memory_space<vmem>>) dst(%dma_wait3A_159 : memref<2000xf32, #tpu.memory_space<hbm>>)
      } else {
      }
      %convert_element_type3A_115 = arith.extui %lt3A : i1 to i32
      %cond3A_116 = arith.constant 0 : i32
      %cond3A_117 = arith.cmpi ne, %convert_element_type3A_115, %cond3A_116 : i32
      scf.if %cond3A_117 {
        %parallel_loop3A = arith.constant 0 : i32
        %parallel_loop3A_141 = arith.constant 125 : i32
        %parallel_loop3A_142 = arith.constant 1 : i32
        scf.for %parallel_loop3A_160 = %parallel_loop3A to %parallel_loop3A_141 step %parallel_loop3A_142  : i32 {
          %parallel_loop3A_161 = arith.constant 16 : i32
          %parallel_loop3A_162 = arith.muli %parallel_loop3A_160, %parallel_loop3A_161 : i32
          %parallel_loop3A_163 = arith.index_cast %parallel_loop3A_162 : i32 to index
          %parallel_loop3A_164 = tpu.vector_load %arg21[%parallel_loop3A_163] {strides = array<i32>} : memref<2000xf32, #tpu.memory_space<vmem>>, vector<16xf32>,
          %parallel_loop3A_165 = arith.index_cast %parallel_loop3A_162 : i32 to index
          %parallel_loop3A_166 = tpu.vector_load %arg22[%parallel_loop3A_165] {strides = array<i32>} : memref<2000xf32, #tpu.memory_space<vmem>>, vector<16xf32>,
          %parallel_loop3A_167 = arith.index_cast %parallel_loop3A_162 : i32 to index
          %parallel_loop3A_168 = tpu.vector_load %arg23[%parallel_loop3A_167] {strides = array<i32>} : memref<2000xf32, #tpu.memory_space<vmem>>, vector<16xf32>,
          %parallel_loop3A_169 = arith.index_cast %parallel_loop3A_162 : i32 to index
          %parallel_loop3A_170 = tpu.vector_load %arg24[%parallel_loop3A_169] {strides = array<i32>} : memref<2000xf32, #tpu.memory_space<vmem>>, vector<16xf32>,
          %parallel_loop3A_171 = arith.index_cast %parallel_loop3A_162 : i32 to index
          %parallel_loop3A_172 = tpu.vector_load %arg25[%parallel_loop3A_171] {strides = array<i32>} : memref<2000xf32, #tpu.memory_space<vmem>>, vector<16xf32>,
          %parallel_loop3A_173 = arith.index_cast %parallel_loop3A_162 : i32 to index
          %parallel_loop3A_174 = tpu.vector_load %arg26[%parallel_loop3A_173] {strides = array<i32>} : memref<2000xf32, #tpu.memory_space<vmem>>, vector<16xf32>,
          %parallel_loop3A_175 = arith.index_cast %parallel_loop3A_162 : i32 to index
          %parallel_loop3A_176 = tpu.vector_load %arg31[%parallel_loop3A_175] {strides = array<i32>} : memref<2000xi32, #tpu.memory_space<vmem>>, vector<16xi32>,
          %parallel_loop3A_177 = arith.constant 0.000000e+00 : f32
          %parallel_loop3A_178 = vector.broadcast %parallel_loop3A_177 : f32 to vector<16xf32>
          %parallel_loop3A_179 = arith.constant 0.000000e+00 : f32
          %parallel_loop3A_180 = vector.broadcast %parallel_loop3A_179 : f32 to vector<16xf32>
          %parallel_loop3A_181 = arith.index_cast %parallel_loop3A_162 : i32 to index
          %parallel_loop3A_182 = tpu.vector_load %arg27[%parallel_loop3A_181] {strides = array<i32>} : memref<2000xf32, #tpu.memory_space<vmem>>, vector<16xf32>,
          %parallel_loop3A_183 = arith.constant 0 : i32
          %parallel_loop3A_184 = vector.broadcast %parallel_loop3A_183 : i32 to vector<16xi32>
          %parallel_loop3A_185 = arith.shrui %parallel_loop3A_176, %parallel_loop3A_184 : vector<16xi32>
          %parallel_loop3A_186 = arith.constant 255 : i32
          %parallel_loop3A_187 = vector.broadcast %parallel_loop3A_186 : i32 to vector<16xi32>
          %parallel_loop3A_188 = arith.andi %parallel_loop3A_185, %parallel_loop3A_187 : vector<16xi32>
          %parallel_loop3A_189 = arith.constant 0 : i32
          %parallel_loop3A_190 = tpu.memref_slice %arg20[%parallel_loop3A_189] : memref<4096xf32, #tpu.memory_space<vmem>> -> memref<256xf32, #tpu.memory_space<vmem>>
          %parallel_loop3A_191 = tpu.vector_load_idx %parallel_loop3A_190[%parallel_loop3A_188] : memref<256xf32, #tpu.memory_space<vmem>>[vector<16xi32>], vector<16xf32>,
          %parallel_loop3A_192 = arith.constant 256 : i32
          %parallel_loop3A_193 = tpu.memref_slice %arg20[%parallel_loop3A_192] : memref<4096xf32, #tpu.memory_space<vmem>> -> memref<256xf32, #tpu.memory_space<vmem>>
          %parallel_loop3A_194 = tpu.vector_load_idx %parallel_loop3A_193[%parallel_loop3A_188] : memref<256xf32, #tpu.memory_space<vmem>>[vector<16xi32>], vector<16xf32>,
          %parallel_loop3A_195 = arith.constant 512 : i32
          %parallel_loop3A_196 = tpu.memref_slice %arg20[%parallel_loop3A_195] : memref<4096xf32, #tpu.memory_space<vmem>> -> memref<256xf32, #tpu.memory_space<vmem>>
          %parallel_loop3A_197 = tpu.vector_load_idx %parallel_loop3A_196[%parallel_loop3A_188] : memref<256xf32, #tpu.memory_space<vmem>>[vector<16xi32>], vector<16xf32>,
          %parallel_loop3A_198 = arith.constant 768 : i32
          %parallel_loop3A_199 = tpu.memref_slice %arg20[%parallel_loop3A_198] : memref<4096xf32, #tpu.memory_space<vmem>> -> memref<256xf32, #tpu.memory_space<vmem>>
          %parallel_loop3A_200 = tpu.vector_load_idx %parallel_loop3A_199[%parallel_loop3A_188] : memref<256xf32, #tpu.memory_space<vmem>>[vector<16xi32>], vector<16xf32>,
          %parallel_loop3A_201 = arith.constant 1024 : i32
          %parallel_loop3A_202 = tpu.memref_slice %arg20[%parallel_loop3A_201] : memref<4096xf32, #tpu.memory_space<vmem>> -> memref<256xf32, #tpu.memory_space<vmem>>
          %parallel_loop3A_203 = tpu.vector_load_idx %parallel_loop3A_202[%parallel_loop3A_188] : memref<256xf32, #tpu.memory_space<vmem>>[vector<16xi32>], vector<16xf32>,
          %parallel_loop3A_204 = arith.constant 1280 : i32
          %parallel_loop3A_205 = tpu.memref_slice %arg20[%parallel_loop3A_204] : memref<4096xf32, #tpu.memory_space<vmem>> -> memref<256xf32, #tpu.memory_space<vmem>>
          %parallel_loop3A_206 = tpu.vector_load_idx %parallel_loop3A_205[%parallel_loop3A_188] : memref<256xf32, #tpu.memory_space<vmem>>[vector<16xi32>], vector<16xf32>,
          %parallel_loop3A_207 = arith.constant 1536 : i32
          %parallel_loop3A_208 = tpu.memref_slice %arg20[%parallel_loop3A_207] : memref<4096xf32, #tpu.memory_space<vmem>> -> memref<256xf32, #tpu.memory_space<vmem>>
          %parallel_loop3A_209 = tpu.vector_load_idx %parallel_loop3A_208[%parallel_loop3A_188] : memref<256xf32, #tpu.memory_space<vmem>>[vector<16xi32>], vector<16xf32>,
          %parallel_loop3A_210 = arith.constant 1792 : i32
          %parallel_loop3A_211 = tpu.memref_slice %arg20[%parallel_loop3A_210] : memref<4096xf32, #tpu.memory_space<vmem>> -> memref<256xf32, #tpu.memory_space<vmem>>
          %parallel_loop3A_212 = tpu.vector_load_idx %parallel_loop3A_211[%parallel_loop3A_188] : memref<256xf32, #tpu.memory_space<vmem>>[vector<16xi32>], vector<16xf32>,
          %parallel_loop3A_213 = arith.constant 2048 : i32
          %parallel_loop3A_214 = tpu.memref_slice %arg20[%parallel_loop3A_213] : memref<4096xf32, #tpu.memory_space<vmem>> -> memref<256xf32, #tpu.memory_space<vmem>>
          %parallel_loop3A_215 = tpu.vector_load_idx %parallel_loop3A_214[%parallel_loop3A_188] : memref<256xf32, #tpu.memory_space<vmem>>[vector<16xi32>], vector<16xf32>,
          %parallel_loop3A_216 = arith.constant 2304 : i32
          %parallel_loop3A_217 = tpu.memref_slice %arg20[%parallel_loop3A_216] : memref<4096xf32, #tpu.memory_space<vmem>> -> memref<256xf32, #tpu.memory_space<vmem>>
          %parallel_loop3A_218 = tpu.vector_load_idx %parallel_loop3A_217[%parallel_loop3A_188] : memref<256xf32, #tpu.memory_space<vmem>>[vector<16xi32>], vector<16xf32>,
          %parallel_loop3A_219 = arith.constant 2560 : i32
          %parallel_loop3A_220 = tpu.memref_slice %arg20[%parallel_loop3A_219] : memref<4096xf32, #tpu.memory_space<vmem>> -> memref<256xf32, #tpu.memory_space<vmem>>
          %parallel_loop3A_221 = tpu.vector_load_idx %parallel_loop3A_220[%parallel_loop3A_188] : memref<256xf32, #tpu.memory_space<vmem>>[vector<16xi32>], vector<16xf32>,
          %parallel_loop3A_222 = arith.constant 2816 : i32
          %parallel_loop3A_223 = tpu.memref_slice %arg20[%parallel_loop3A_222] : memref<4096xf32, #tpu.memory_space<vmem>> -> memref<256xf32, #tpu.memory_space<vmem>>
          %parallel_loop3A_224 = tpu.vector_load_idx %parallel_loop3A_223[%parallel_loop3A_188] : memref<256xf32, #tpu.memory_space<vmem>>[vector<16xi32>], vector<16xf32>,
          %parallel_loop3A_225 = arith.constant 3072 : i32
          %parallel_loop3A_226 = tpu.memref_slice %arg20[%parallel_loop3A_225] : memref<4096xf32, #tpu.memory_space<vmem>> -> memref<256xf32, #tpu.memory_space<vmem>>
          %parallel_loop3A_227 = tpu.vector_load_idx %parallel_loop3A_226[%parallel_loop3A_188] : memref<256xf32, #tpu.memory_space<vmem>>[vector<16xi32>], vector<16xf32>,
          %parallel_loop3A_228 = arith.constant 3328 : i32
          %parallel_loop3A_229 = tpu.memref_slice %arg20[%parallel_loop3A_228] : memref<4096xf32, #tpu.memory_space<vmem>> -> memref<256xf32, #tpu.memory_space<vmem>>
          %parallel_loop3A_230 = tpu.vector_load_idx %parallel_loop3A_229[%parallel_loop3A_188] : memref<256xf32, #tpu.memory_space<vmem>>[vector<16xi32>], vector<16xf32>,
          %parallel_loop3A_231 = arith.constant 3584 : i32
          %parallel_loop3A_232 = tpu.memref_slice %arg20[%parallel_loop3A_231] : memref<4096xf32, #tpu.memory_space<vmem>> -> memref<256xf32, #tpu.memory_space<vmem>>
          %parallel_loop3A_233 = tpu.vector_load_idx %parallel_loop3A_232[%parallel_loop3A_188] : memref<256xf32, #tpu.memory_space<vmem>>[vector<16xi32>], vector<16xf32>,
          %parallel_loop3A_234 = arith.constant 3840 : i32
          %parallel_loop3A_235 = tpu.memref_slice %arg20[%parallel_loop3A_234] : memref<4096xf32, #tpu.memory_space<vmem>> -> memref<256xf32, #tpu.memory_space<vmem>>
          %parallel_loop3A_236 = tpu.vector_load_idx %parallel_loop3A_235[%parallel_loop3A_188] : memref<256xf32, #tpu.memory_space<vmem>>[vector<16xi32>], vector<16xf32>,
          %parallel_loop3A_237 = arith.mulf %parallel_loop3A_164, %parallel_loop3A_191 : vector<16xf32>
          %parallel_loop3A_238 = arith.mulf %parallel_loop3A_166, %parallel_loop3A_194 : vector<16xf32>
          %parallel_loop3A_239 = arith.addf %parallel_loop3A_237, %parallel_loop3A_238 : vector<16xf32>
          %parallel_loop3A_240 = arith.mulf %parallel_loop3A_168, %parallel_loop3A_197 : vector<16xf32>
          %parallel_loop3A_241 = arith.addf %parallel_loop3A_240, %parallel_loop3A_200 : vector<16xf32>
          %parallel_loop3A_242 = arith.addf %parallel_loop3A_239, %parallel_loop3A_241 : vector<16xf32>
          %parallel_loop3A_243 = arith.mulf %parallel_loop3A_164, %parallel_loop3A_203 : vector<16xf32>
          %parallel_loop3A_244 = arith.mulf %parallel_loop3A_166, %parallel_loop3A_206 : vector<16xf32>
          %parallel_loop3A_245 = arith.addf %parallel_loop3A_243, %parallel_loop3A_244 : vector<16xf32>
          %parallel_loop3A_246 = arith.mulf %parallel_loop3A_168, %parallel_loop3A_209 : vector<16xf32>
          %parallel_loop3A_247 = arith.addf %parallel_loop3A_246, %parallel_loop3A_212 : vector<16xf32>
          %parallel_loop3A_248 = arith.addf %parallel_loop3A_245, %parallel_loop3A_247 : vector<16xf32>
          %parallel_loop3A_249 = arith.mulf %parallel_loop3A_164, %parallel_loop3A_215 : vector<16xf32>
          %parallel_loop3A_250 = arith.mulf %parallel_loop3A_166, %parallel_loop3A_218 : vector<16xf32>
          %parallel_loop3A_251 = arith.addf %parallel_loop3A_249, %parallel_loop3A_250 : vector<16xf32>
          %parallel_loop3A_252 = arith.mulf %parallel_loop3A_168, %parallel_loop3A_221 : vector<16xf32>
          %parallel_loop3A_253 = arith.addf %parallel_loop3A_252, %parallel_loop3A_224 : vector<16xf32>
          %parallel_loop3A_254 = arith.addf %parallel_loop3A_251, %parallel_loop3A_253 : vector<16xf32>
          %parallel_loop3A_255 = arith.mulf %parallel_loop3A_164, %parallel_loop3A_227 : vector<16xf32>
          %parallel_loop3A_256 = arith.mulf %parallel_loop3A_166, %parallel_loop3A_230 : vector<16xf32>
          %parallel_loop3A_257 = arith.addf %parallel_loop3A_255, %parallel_loop3A_256 : vector<16xf32>
          %parallel_loop3A_258 = arith.mulf %parallel_loop3A_168, %parallel_loop3A_233 : vector<16xf32>
          %parallel_loop3A_259 = arith.addf %parallel_loop3A_258, %parallel_loop3A_236 : vector<16xf32>
          %parallel_loop3A_260 = arith.addf %parallel_loop3A_257, %parallel_loop3A_259 : vector<16xf32>
          %parallel_loop3A_261 = arith.divf %parallel_loop3A_182, %parallel_loop3A_260 : vector<16xf32>
          %parallel_loop3A_262 = arith.mulf %parallel_loop3A_242, %parallel_loop3A_261 : vector<16xf32>
          %parallel_loop3A_263 = arith.addf %parallel_loop3A_178, %parallel_loop3A_262 : vector<16xf32>
          %parallel_loop3A_264 = arith.mulf %parallel_loop3A_248, %parallel_loop3A_261 : vector<16xf32>
          %parallel_loop3A_265 = arith.addf %parallel_loop3A_178, %parallel_loop3A_264 : vector<16xf32>
          %parallel_loop3A_266 = arith.mulf %parallel_loop3A_254, %parallel_loop3A_261 : vector<16xf32>
          %parallel_loop3A_267 = arith.addf %parallel_loop3A_178, %parallel_loop3A_266 : vector<16xf32>
          %parallel_loop3A_268 = arith.mulf %parallel_loop3A_170, %parallel_loop3A_191 : vector<16xf32>
          %parallel_loop3A_269 = arith.mulf %parallel_loop3A_172, %parallel_loop3A_194 : vector<16xf32>
          %parallel_loop3A_270 = arith.addf %parallel_loop3A_268, %parallel_loop3A_269 : vector<16xf32>
          %parallel_loop3A_271 = arith.mulf %parallel_loop3A_174, %parallel_loop3A_197 : vector<16xf32>
          %parallel_loop3A_272 = arith.addf %parallel_loop3A_270, %parallel_loop3A_271 : vector<16xf32>
          %parallel_loop3A_273 = arith.mulf %parallel_loop3A_182, %parallel_loop3A_272 : vector<16xf32>
          %parallel_loop3A_274 = arith.addf %parallel_loop3A_180, %parallel_loop3A_273 : vector<16xf32>
          %parallel_loop3A_275 = arith.mulf %parallel_loop3A_170, %parallel_loop3A_203 : vector<16xf32>
          %parallel_loop3A_276 = arith.mulf %parallel_loop3A_172, %parallel_loop3A_206 : vector<16xf32>
          %parallel_loop3A_277 = arith.addf %parallel_loop3A_275, %parallel_loop3A_276 : vector<16xf32>
          %parallel_loop3A_278 = arith.mulf %parallel_loop3A_174, %parallel_loop3A_209 : vector<16xf32>
          %parallel_loop3A_279 = arith.addf %parallel_loop3A_277, %parallel_loop3A_278 : vector<16xf32>
          %parallel_loop3A_280 = arith.mulf %parallel_loop3A_182, %parallel_loop3A_279 : vector<16xf32>
          %parallel_loop3A_281 = arith.addf %parallel_loop3A_180, %parallel_loop3A_280 : vector<16xf32>
          %parallel_loop3A_282 = arith.mulf %parallel_loop3A_170, %parallel_loop3A_215 : vector<16xf32>
          %parallel_loop3A_283 = arith.mulf %parallel_loop3A_172, %parallel_loop3A_218 : vector<16xf32>
          %parallel_loop3A_284 = arith.addf %parallel_loop3A_282, %parallel_loop3A_283 : vector<16xf32>
          %parallel_loop3A_285 = arith.mulf %parallel_loop3A_174, %parallel_loop3A_221 : vector<16xf32>
          %parallel_loop3A_286 = arith.addf %parallel_loop3A_284, %parallel_loop3A_285 : vector<16xf32>
          %parallel_loop3A_287 = arith.mulf %parallel_loop3A_182, %parallel_loop3A_286 : vector<16xf32>
          %parallel_loop3A_288 = arith.addf %parallel_loop3A_180, %parallel_loop3A_287 : vector<16xf32>
          %parallel_loop3A_289 = arith.index_cast %parallel_loop3A_162 : i32 to index
          %parallel_loop3A_290 = tpu.vector_load %arg28[%parallel_loop3A_289] {strides = array<i32>} : memref<2000xf32, #tpu.memory_space<vmem>>, vector<16xf32>,
          %parallel_loop3A_291 = arith.constant 8 : i32
          %parallel_loop3A_292 = vector.broadcast %parallel_loop3A_291 : i32 to vector<16xi32>
          %parallel_loop3A_293 = arith.shrui %parallel_loop3A_176, %parallel_loop3A_292 : vector<16xi32>
          %parallel_loop3A_294 = arith.constant 255 : i32
          %parallel_loop3A_295 = vector.broadcast %parallel_loop3A_294 : i32 to vector<16xi32>
          %parallel_loop3A_296 = arith.andi %parallel_loop3A_293, %parallel_loop3A_295 : vector<16xi32>
          %parallel_loop3A_297 = arith.constant 0 : i32
          %parallel_loop3A_298 = tpu.memref_slice %arg20[%parallel_loop3A_297] : memref<4096xf32, #tpu.memory_space<vmem>> -> memref<256xf32, #tpu.memory_space<vmem>>
          %parallel_loop3A_299 = tpu.vector_load_idx %parallel_loop3A_298[%parallel_loop3A_296] : memref<256xf32, #tpu.memory_space<vmem>>[vector<16xi32>], vector<16xf32>,
          %parallel_loop3A_300 = arith.constant 256 : i32
          %parallel_loop3A_301 = tpu.memref_slice %arg20[%parallel_loop3A_300] : memref<4096xf32, #tpu.memory_space<vmem>> -> memref<256xf32, #tpu.memory_space<vmem>>
          %parallel_loop3A_302 = tpu.vector_load_idx %parallel_loop3A_301[%parallel_loop3A_296] : memref<256xf32, #tpu.memory_space<vmem>>[vector<16xi32>], vector<16xf32>,
          %parallel_loop3A_303 = arith.constant 512 : i32
          %parallel_loop3A_304 = tpu.memref_slice %arg20[%parallel_loop3A_303] : memref<4096xf32, #tpu.memory_space<vmem>> -> memref<256xf32, #tpu.memory_space<vmem>>
          %parallel_loop3A_305 = tpu.vector_load_idx %parallel_loop3A_304[%parallel_loop3A_296] : memref<256xf32, #tpu.memory_space<vmem>>[vector<16xi32>], vector<16xf32>,
          %parallel_loop3A_306 = arith.constant 768 : i32
          %parallel_loop3A_307 = tpu.memref_slice %arg20[%parallel_loop3A_306] : memref<4096xf32, #tpu.memory_space<vmem>> -> memref<256xf32, #tpu.memory_space<vmem>>
          %parallel_loop3A_308 = tpu.vector_load_idx %parallel_loop3A_307[%parallel_loop3A_296] : memref<256xf32, #tpu.memory_space<vmem>>[vector<16xi32>], vector<16xf32>,
          %parallel_loop3A_309 = arith.constant 1024 : i32
          %parallel_loop3A_310 = tpu.memref_slice %arg20[%parallel_loop3A_309] : memref<4096xf32, #tpu.memory_space<vmem>> -> memref<256xf32, #tpu.memory_space<vmem>>
          %parallel_loop3A_311 = tpu.vector_load_idx %parallel_loop3A_310[%parallel_loop3A_296] : memref<256xf32, #tpu.memory_space<vmem>>[vector<16xi32>], vector<16xf32>,
          %parallel_loop3A_312 = arith.constant 1280 : i32
          %parallel_loop3A_313 = tpu.memref_slice %arg20[%parallel_loop3A_312] : memref<4096xf32, #tpu.memory_space<vmem>> -> memref<256xf32, #tpu.memory_space<vmem>>
          %parallel_loop3A_314 = tpu.vector_load_idx %parallel_loop3A_313[%parallel_loop3A_296] : memref<256xf32, #tpu.memory_space<vmem>>[vector<16xi32>], vector<16xf32>,
          %parallel_loop3A_315 = arith.constant 1536 : i32
          %parallel_loop3A_316 = tpu.memref_slice %arg20[%parallel_loop3A_315] : memref<4096xf32, #tpu.memory_space<vmem>> -> memref<256xf32, #tpu.memory_space<vmem>>
          %parallel_loop3A_317 = tpu.vector_load_idx %parallel_loop3A_316[%parallel_loop3A_296] : memref<256xf32, #tpu.memory_space<vmem>>[vector<16xi32>], vector<16xf32>,
          %parallel_loop3A_318 = arith.constant 1792 : i32
          %parallel_loop3A_319 = tpu.memref_slice %arg20[%parallel_loop3A_318] : memref<4096xf32, #tpu.memory_space<vmem>> -> memref<256xf32, #tpu.memory_space<vmem>>
          %parallel_loop3A_320 = tpu.vector_load_idx %parallel_loop3A_319[%parallel_loop3A_296] : memref<256xf32, #tpu.memory_space<vmem>>[vector<16xi32>], vector<16xf32>,
          %parallel_loop3A_321 = arith.constant 2048 : i32
          %parallel_loop3A_322 = tpu.memref_slice %arg20[%parallel_loop3A_321] : memref<4096xf32, #tpu.memory_space<vmem>> -> memref<256xf32, #tpu.memory_space<vmem>>
          %parallel_loop3A_323 = tpu.vector_load_idx %parallel_loop3A_322[%parallel_loop3A_296] : memref<256xf32, #tpu.memory_space<vmem>>[vector<16xi32>], vector<16xf32>,
          %parallel_loop3A_324 = arith.constant 2304 : i32
          %parallel_loop3A_325 = tpu.memref_slice %arg20[%parallel_loop3A_324] : memref<4096xf32, #tpu.memory_space<vmem>> -> memref<256xf32, #tpu.memory_space<vmem>>
          %parallel_loop3A_326 = tpu.vector_load_idx %parallel_loop3A_325[%parallel_loop3A_296] : memref<256xf32, #tpu.memory_space<vmem>>[vector<16xi32>], vector<16xf32>,
          %parallel_loop3A_327 = arith.constant 2560 : i32
          %parallel_loop3A_328 = tpu.memref_slice %arg20[%parallel_loop3A_327] : memref<4096xf32, #tpu.memory_space<vmem>> -> memref<256xf32, #tpu.memory_space<vmem>>
          %parallel_loop3A_329 = tpu.vector_load_idx %parallel_loop3A_328[%parallel_loop3A_296] : memref<256xf32, #tpu.memory_space<vmem>>[vector<16xi32>], vector<16xf32>,
          %parallel_loop3A_330 = arith.constant 2816 : i32
          %parallel_loop3A_331 = tpu.memref_slice %arg20[%parallel_loop3A_330] : memref<4096xf32, #tpu.memory_space<vmem>> -> memref<256xf32, #tpu.memory_space<vmem>>
          %parallel_loop3A_332 = tpu.vector_load_idx %parallel_loop3A_331[%parallel_loop3A_296] : memref<256xf32, #tpu.memory_space<vmem>>[vector<16xi32>], vector<16xf32>,
          %parallel_loop3A_333 = arith.constant 3072 : i32
          %parallel_loop3A_334 = tpu.memref_slice %arg20[%parallel_loop3A_333] : memref<4096xf32, #tpu.memory_space<vmem>> -> memref<256xf32, #tpu.memory_space<vmem>>
          %parallel_loop3A_335 = tpu.vector_load_idx %parallel_loop3A_334[%parallel_loop3A_296] : memref<256xf32, #tpu.memory_space<vmem>>[vector<16xi32>], vector<16xf32>,
          %parallel_loop3A_336 = arith.constant 3328 : i32
          %parallel_loop3A_337 = tpu.memref_slice %arg20[%parallel_loop3A_336] : memref<4096xf32, #tpu.memory_space<vmem>> -> memref<256xf32, #tpu.memory_space<vmem>>
          %parallel_loop3A_338 = tpu.vector_load_idx %parallel_loop3A_337[%parallel_loop3A_296] : memref<256xf32, #tpu.memory_space<vmem>>[vector<16xi32>], vector<16xf32>,
          %parallel_loop3A_339 = arith.constant 3584 : i32
          %parallel_loop3A_340 = tpu.memref_slice %arg20[%parallel_loop3A_339] : memref<4096xf32, #tpu.memory_space<vmem>> -> memref<256xf32, #tpu.memory_space<vmem>>
          %parallel_loop3A_341 = tpu.vector_load_idx %parallel_loop3A_340[%parallel_loop3A_296] : memref<256xf32, #tpu.memory_space<vmem>>[vector<16xi32>], vector<16xf32>,
          %parallel_loop3A_342 = arith.constant 3840 : i32
          %parallel_loop3A_343 = tpu.memref_slice %arg20[%parallel_loop3A_342] : memref<4096xf32, #tpu.memory_space<vmem>> -> memref<256xf32, #tpu.memory_space<vmem>>
          %parallel_loop3A_344 = tpu.vector_load_idx %parallel_loop3A_343[%parallel_loop3A_296] : memref<256xf32, #tpu.memory_space<vmem>>[vector<16xi32>], vector<16xf32>,
          %parallel_loop3A_345 = arith.mulf %parallel_loop3A_164, %parallel_loop3A_299 : vector<16xf32>
          %parallel_loop3A_346 = arith.mulf %parallel_loop3A_166, %parallel_loop3A_302 : vector<16xf32>
          %parallel_loop3A_347 = arith.addf %parallel_loop3A_345, %parallel_loop3A_346 : vector<16xf32>
          %parallel_loop3A_348 = arith.mulf %parallel_loop3A_168, %parallel_loop3A_305 : vector<16xf32>
          %parallel_loop3A_349 = arith.addf %parallel_loop3A_348, %parallel_loop3A_308 : vector<16xf32>
          %parallel_loop3A_350 = arith.addf %parallel_loop3A_347, %parallel_loop3A_349 : vector<16xf32>
          %parallel_loop3A_351 = arith.mulf %parallel_loop3A_164, %parallel_loop3A_311 : vector<16xf32>
          %parallel_loop3A_352 = arith.mulf %parallel_loop3A_166, %parallel_loop3A_314 : vector<16xf32>
          %parallel_loop3A_353 = arith.addf %parallel_loop3A_351, %parallel_loop3A_352 : vector<16xf32>
          %parallel_loop3A_354 = arith.mulf %parallel_loop3A_168, %parallel_loop3A_317 : vector<16xf32>
          %parallel_loop3A_355 = arith.addf %parallel_loop3A_354, %parallel_loop3A_320 : vector<16xf32>
          %parallel_loop3A_356 = arith.addf %parallel_loop3A_353, %parallel_loop3A_355 : vector<16xf32>
          %parallel_loop3A_357 = arith.mulf %parallel_loop3A_164, %parallel_loop3A_323 : vector<16xf32>
          %parallel_loop3A_358 = arith.mulf %parallel_loop3A_166, %parallel_loop3A_326 : vector<16xf32>
          %parallel_loop3A_359 = arith.addf %parallel_loop3A_357, %parallel_loop3A_358 : vector<16xf32>
          %parallel_loop3A_360 = arith.mulf %parallel_loop3A_168, %parallel_loop3A_329 : vector<16xf32>
          %parallel_loop3A_361 = arith.addf %parallel_loop3A_360, %parallel_loop3A_332 : vector<16xf32>
          %parallel_loop3A_362 = arith.addf %parallel_loop3A_359, %parallel_loop3A_361 : vector<16xf32>
          %parallel_loop3A_363 = arith.mulf %parallel_loop3A_164, %parallel_loop3A_335 : vector<16xf32>
          %parallel_loop3A_364 = arith.mulf %parallel_loop3A_166, %parallel_loop3A_338 : vector<16xf32>
          %parallel_loop3A_365 = arith.addf %parallel_loop3A_363, %parallel_loop3A_364 : vector<16xf32>
          %parallel_loop3A_366 = arith.mulf %parallel_loop3A_168, %parallel_loop3A_341 : vector<16xf32>
          %parallel_loop3A_367 = arith.addf %parallel_loop3A_366, %parallel_loop3A_344 : vector<16xf32>
          %parallel_loop3A_368 = arith.addf %parallel_loop3A_365, %parallel_loop3A_367 : vector<16xf32>
          %parallel_loop3A_369 = arith.divf %parallel_loop3A_290, %parallel_loop3A_368 : vector<16xf32>
          %parallel_loop3A_370 = arith.mulf %parallel_loop3A_350, %parallel_loop3A_369 : vector<16xf32>
          %parallel_loop3A_371 = arith.addf %parallel_loop3A_263, %parallel_loop3A_370 : vector<16xf32>
          %parallel_loop3A_372 = arith.mulf %parallel_loop3A_356, %parallel_loop3A_369 : vector<16xf32>
          %parallel_loop3A_373 = arith.addf %parallel_loop3A_265, %parallel_loop3A_372 : vector<16xf32>
          %parallel_loop3A_374 = arith.mulf %parallel_loop3A_362, %parallel_loop3A_369 : vector<16xf32>
          %parallel_loop3A_375 = arith.addf %parallel_loop3A_267, %parallel_loop3A_374 : vector<16xf32>
          %parallel_loop3A_376 = arith.mulf %parallel_loop3A_170, %parallel_loop3A_299 : vector<16xf32>
          %parallel_loop3A_377 = arith.mulf %parallel_loop3A_172, %parallel_loop3A_302 : vector<16xf32>
          %parallel_loop3A_378 = arith.addf %parallel_loop3A_376, %parallel_loop3A_377 : vector<16xf32>
          %parallel_loop3A_379 = arith.mulf %parallel_loop3A_174, %parallel_loop3A_305 : vector<16xf32>
          %parallel_loop3A_380 = arith.addf %parallel_loop3A_378, %parallel_loop3A_379 : vector<16xf32>
          %parallel_loop3A_381 = arith.mulf %parallel_loop3A_290, %parallel_loop3A_380 : vector<16xf32>
          %parallel_loop3A_382 = arith.addf %parallel_loop3A_274, %parallel_loop3A_381 : vector<16xf32>
          %parallel_loop3A_383 = arith.mulf %parallel_loop3A_170, %parallel_loop3A_311 : vector<16xf32>
          %parallel_loop3A_384 = arith.mulf %parallel_loop3A_172, %parallel_loop3A_314 : vector<16xf32>
          %parallel_loop3A_385 = arith.addf %parallel_loop3A_383, %parallel_loop3A_384 : vector<16xf32>
          %parallel_loop3A_386 = arith.mulf %parallel_loop3A_174, %parallel_loop3A_317 : vector<16xf32>
          %parallel_loop3A_387 = arith.addf %parallel_loop3A_385, %parallel_loop3A_386 : vector<16xf32>
          %parallel_loop3A_388 = arith.mulf %parallel_loop3A_290, %parallel_loop3A_387 : vector<16xf32>
          %parallel_loop3A_389 = arith.addf %parallel_loop3A_281, %parallel_loop3A_388 : vector<16xf32>
          %parallel_loop3A_390 = arith.mulf %parallel_loop3A_170, %parallel_loop3A_323 : vector<16xf32>
          %parallel_loop3A_391 = arith.mulf %parallel_loop3A_172, %parallel_loop3A_326 : vector<16xf32>
          %parallel_loop3A_392 = arith.addf %parallel_loop3A_390, %parallel_loop3A_391 : vector<16xf32>
          %parallel_loop3A_393 = arith.mulf %parallel_loop3A_174, %parallel_loop3A_329 : vector<16xf32>
          %parallel_loop3A_394 = arith.addf %parallel_loop3A_392, %parallel_loop3A_393 : vector<16xf32>
          %parallel_loop3A_395 = arith.mulf %parallel_loop3A_290, %parallel_loop3A_394 : vector<16xf32>
          %parallel_loop3A_396 = arith.addf %parallel_loop3A_288, %parallel_loop3A_395 : vector<16xf32>
          %parallel_loop3A_397 = arith.index_cast %parallel_loop3A_162 : i32 to index
          %parallel_loop3A_398 = tpu.vector_load %arg29[%parallel_loop3A_397] {strides = array<i32>} : memref<2000xf32, #tpu.memory_space<vmem>>, vector<16xf32>,
          %parallel_loop3A_399 = arith.constant 16 : i32
          %parallel_loop3A_400 = vector.broadcast %parallel_loop3A_399 : i32 to vector<16xi32>
          %parallel_loop3A_401 = arith.shrui %parallel_loop3A_176, %parallel_loop3A_400 : vector<16xi32>
          %parallel_loop3A_402 = arith.constant 255 : i32
          %parallel_loop3A_403 = vector.broadcast %parallel_loop3A_402 : i32 to vector<16xi32>
          %parallel_loop3A_404 = arith.andi %parallel_loop3A_401, %parallel_loop3A_403 : vector<16xi32>
          %parallel_loop3A_405 = arith.constant 0 : i32
          %parallel_loop3A_406 = tpu.memref_slice %arg20[%parallel_loop3A_405] : memref<4096xf32, #tpu.memory_space<vmem>> -> memref<256xf32, #tpu.memory_space<vmem>>
          %parallel_loop3A_407 = tpu.vector_load_idx %parallel_loop3A_406[%parallel_loop3A_404] : memref<256xf32, #tpu.memory_space<vmem>>[vector<16xi32>], vector<16xf32>,
          %parallel_loop3A_408 = arith.constant 256 : i32
          %parallel_loop3A_409 = tpu.memref_slice %arg20[%parallel_loop3A_408] : memref<4096xf32, #tpu.memory_space<vmem>> -> memref<256xf32, #tpu.memory_space<vmem>>
          %parallel_loop3A_410 = tpu.vector_load_idx %parallel_loop3A_409[%parallel_loop3A_404] : memref<256xf32, #tpu.memory_space<vmem>>[vector<16xi32>], vector<16xf32>,
          %parallel_loop3A_411 = arith.constant 512 : i32
          %parallel_loop3A_412 = tpu.memref_slice %arg20[%parallel_loop3A_411] : memref<4096xf32, #tpu.memory_space<vmem>> -> memref<256xf32, #tpu.memory_space<vmem>>
          %parallel_loop3A_413 = tpu.vector_load_idx %parallel_loop3A_412[%parallel_loop3A_404] : memref<256xf32, #tpu.memory_space<vmem>>[vector<16xi32>], vector<16xf32>,
          %parallel_loop3A_414 = arith.constant 768 : i32
          %parallel_loop3A_415 = tpu.memref_slice %arg20[%parallel_loop3A_414] : memref<4096xf32, #tpu.memory_space<vmem>> -> memref<256xf32, #tpu.memory_space<vmem>>
          %parallel_loop3A_416 = tpu.vector_load_idx %parallel_loop3A_415[%parallel_loop3A_404] : memref<256xf32, #tpu.memory_space<vmem>>[vector<16xi32>], vector<16xf32>,
          %parallel_loop3A_417 = arith.constant 1024 : i32
          %parallel_loop3A_418 = tpu.memref_slice %arg20[%parallel_loop3A_417] : memref<4096xf32, #tpu.memory_space<vmem>> -> memref<256xf32, #tpu.memory_space<vmem>>
          %parallel_loop3A_419 = tpu.vector_load_idx %parallel_loop3A_418[%parallel_loop3A_404] : memref<256xf32, #tpu.memory_space<vmem>>[vector<16xi32>], vector<16xf32>,
          %parallel_loop3A_420 = arith.constant 1280 : i32
          %parallel_loop3A_421 = tpu.memref_slice %arg20[%parallel_loop3A_420] : memref<4096xf32, #tpu.memory_space<vmem>> -> memref<256xf32, #tpu.memory_space<vmem>>
          %parallel_loop3A_422 = tpu.vector_load_idx %parallel_loop3A_421[%parallel_loop3A_404] : memref<256xf32, #tpu.memory_space<vmem>>[vector<16xi32>], vector<16xf32>,
          %parallel_loop3A_423 = arith.constant 1536 : i32
          %parallel_loop3A_424 = tpu.memref_slice %arg20[%parallel_loop3A_423] : memref<4096xf32, #tpu.memory_space<vmem>> -> memref<256xf32, #tpu.memory_space<vmem>>
          %parallel_loop3A_425 = tpu.vector_load_idx %parallel_loop3A_424[%parallel_loop3A_404] : memref<256xf32, #tpu.memory_space<vmem>>[vector<16xi32>], vector<16xf32>,
          %parallel_loop3A_426 = arith.constant 1792 : i32
          %parallel_loop3A_427 = tpu.memref_slice %arg20[%parallel_loop3A_426] : memref<4096xf32, #tpu.memory_space<vmem>> -> memref<256xf32, #tpu.memory_space<vmem>>
          %parallel_loop3A_428 = tpu.vector_load_idx %parallel_loop3A_427[%parallel_loop3A_404] : memref<256xf32, #tpu.memory_space<vmem>>[vector<16xi32>], vector<16xf32>,
          %parallel_loop3A_429 = arith.constant 2048 : i32
          %parallel_loop3A_430 = tpu.memref_slice %arg20[%parallel_loop3A_429] : memref<4096xf32, #tpu.memory_space<vmem>> -> memref<256xf32, #tpu.memory_space<vmem>>
          %parallel_loop3A_431 = tpu.vector_load_idx %parallel_loop3A_430[%parallel_loop3A_404] : memref<256xf32, #tpu.memory_space<vmem>>[vector<16xi32>], vector<16xf32>,
          %parallel_loop3A_432 = arith.constant 2304 : i32
          %parallel_loop3A_433 = tpu.memref_slice %arg20[%parallel_loop3A_432] : memref<4096xf32, #tpu.memory_space<vmem>> -> memref<256xf32, #tpu.memory_space<vmem>>
          %parallel_loop3A_434 = tpu.vector_load_idx %parallel_loop3A_433[%parallel_loop3A_404] : memref<256xf32, #tpu.memory_space<vmem>>[vector<16xi32>], vector<16xf32>,
          %parallel_loop3A_435 = arith.constant 2560 : i32
          %parallel_loop3A_436 = tpu.memref_slice %arg20[%parallel_loop3A_435] : memref<4096xf32, #tpu.memory_space<vmem>> -> memref<256xf32, #tpu.memory_space<vmem>>
          %parallel_loop3A_437 = tpu.vector_load_idx %parallel_loop3A_436[%parallel_loop3A_404] : memref<256xf32, #tpu.memory_space<vmem>>[vector<16xi32>], vector<16xf32>,
          %parallel_loop3A_438 = arith.constant 2816 : i32
          %parallel_loop3A_439 = tpu.memref_slice %arg20[%parallel_loop3A_438] : memref<4096xf32, #tpu.memory_space<vmem>> -> memref<256xf32, #tpu.memory_space<vmem>>
          %parallel_loop3A_440 = tpu.vector_load_idx %parallel_loop3A_439[%parallel_loop3A_404] : memref<256xf32, #tpu.memory_space<vmem>>[vector<16xi32>], vector<16xf32>,
          %parallel_loop3A_441 = arith.constant 3072 : i32
          %parallel_loop3A_442 = tpu.memref_slice %arg20[%parallel_loop3A_441] : memref<4096xf32, #tpu.memory_space<vmem>> -> memref<256xf32, #tpu.memory_space<vmem>>
          %parallel_loop3A_443 = tpu.vector_load_idx %parallel_loop3A_442[%parallel_loop3A_404] : memref<256xf32, #tpu.memory_space<vmem>>[vector<16xi32>], vector<16xf32>,
          %parallel_loop3A_444 = arith.constant 3328 : i32
          %parallel_loop3A_445 = tpu.memref_slice %arg20[%parallel_loop3A_444] : memref<4096xf32, #tpu.memory_space<vmem>> -> memref<256xf32, #tpu.memory_space<vmem>>
          %parallel_loop3A_446 = tpu.vector_load_idx %parallel_loop3A_445[%parallel_loop3A_404] : memref<256xf32, #tpu.memory_space<vmem>>[vector<16xi32>], vector<16xf32>,
          %parallel_loop3A_447 = arith.constant 3584 : i32
          %parallel_loop3A_448 = tpu.memref_slice %arg20[%parallel_loop3A_447] : memref<4096xf32, #tpu.memory_space<vmem>> -> memref<256xf32, #tpu.memory_space<vmem>>
          %parallel_loop3A_449 = tpu.vector_load_idx %parallel_loop3A_448[%parallel_loop3A_404] : memref<256xf32, #tpu.memory_space<vmem>>[vector<16xi32>], vector<16xf32>,
          %parallel_loop3A_450 = arith.constant 3840 : i32
          %parallel_loop3A_451 = tpu.memref_slice %arg20[%parallel_loop3A_450] : memref<4096xf32, #tpu.memory_space<vmem>> -> memref<256xf32, #tpu.memory_space<vmem>>
          %parallel_loop3A_452 = tpu.vector_load_idx %parallel_loop3A_451[%parallel_loop3A_404] : memref<256xf32, #tpu.memory_space<vmem>>[vector<16xi32>], vector<16xf32>,
          %parallel_loop3A_453 = arith.mulf %parallel_loop3A_164, %parallel_loop3A_407 : vector<16xf32>
          %parallel_loop3A_454 = arith.mulf %parallel_loop3A_166, %parallel_loop3A_410 : vector<16xf32>
          %parallel_loop3A_455 = arith.addf %parallel_loop3A_453, %parallel_loop3A_454 : vector<16xf32>
          %parallel_loop3A_456 = arith.mulf %parallel_loop3A_168, %parallel_loop3A_413 : vector<16xf32>
          %parallel_loop3A_457 = arith.addf %parallel_loop3A_456, %parallel_loop3A_416 : vector<16xf32>
          %parallel_loop3A_458 = arith.addf %parallel_loop3A_455, %parallel_loop3A_457 : vector<16xf32>
          %parallel_loop3A_459 = arith.mulf %parallel_loop3A_164, %parallel_loop3A_419 : vector<16xf32>
          %parallel_loop3A_460 = arith.mulf %parallel_loop3A_166, %parallel_loop3A_422 : vector<16xf32>
          %parallel_loop3A_461 = arith.addf %parallel_loop3A_459, %parallel_loop3A_460 : vector<16xf32>
          %parallel_loop3A_462 = arith.mulf %parallel_loop3A_168, %parallel_loop3A_425 : vector<16xf32>
          %parallel_loop3A_463 = arith.addf %parallel_loop3A_462, %parallel_loop3A_428 : vector<16xf32>
          %parallel_loop3A_464 = arith.addf %parallel_loop3A_461, %parallel_loop3A_463 : vector<16xf32>
          %parallel_loop3A_465 = arith.mulf %parallel_loop3A_164, %parallel_loop3A_431 : vector<16xf32>
          %parallel_loop3A_466 = arith.mulf %parallel_loop3A_166, %parallel_loop3A_434 : vector<16xf32>
          %parallel_loop3A_467 = arith.addf %parallel_loop3A_465, %parallel_loop3A_466 : vector<16xf32>
          %parallel_loop3A_468 = arith.mulf %parallel_loop3A_168, %parallel_loop3A_437 : vector<16xf32>
          %parallel_loop3A_469 = arith.addf %parallel_loop3A_468, %parallel_loop3A_440 : vector<16xf32>
          %parallel_loop3A_470 = arith.addf %parallel_loop3A_467, %parallel_loop3A_469 : vector<16xf32>
          %parallel_loop3A_471 = arith.mulf %parallel_loop3A_164, %parallel_loop3A_443 : vector<16xf32>
          %parallel_loop3A_472 = arith.mulf %parallel_loop3A_166, %parallel_loop3A_446 : vector<16xf32>
          %parallel_loop3A_473 = arith.addf %parallel_loop3A_471, %parallel_loop3A_472 : vector<16xf32>
          %parallel_loop3A_474 = arith.mulf %parallel_loop3A_168, %parallel_loop3A_449 : vector<16xf32>
          %parallel_loop3A_475 = arith.addf %parallel_loop3A_474, %parallel_loop3A_452 : vector<16xf32>
          %parallel_loop3A_476 = arith.addf %parallel_loop3A_473, %parallel_loop3A_475 : vector<16xf32>
          %parallel_loop3A_477 = arith.divf %parallel_loop3A_398, %parallel_loop3A_476 : vector<16xf32>
          %parallel_loop3A_478 = arith.mulf %parallel_loop3A_458, %parallel_loop3A_477 : vector<16xf32>
          %parallel_loop3A_479 = arith.addf %parallel_loop3A_371, %parallel_loop3A_478 : vector<16xf32>
          %parallel_loop3A_480 = arith.mulf %parallel_loop3A_464, %parallel_loop3A_477 : vector<16xf32>
          %parallel_loop3A_481 = arith.addf %parallel_loop3A_373, %parallel_loop3A_480 : vector<16xf32>
          %parallel_loop3A_482 = arith.mulf %parallel_loop3A_470, %parallel_loop3A_477 : vector<16xf32>
          %parallel_loop3A_483 = arith.addf %parallel_loop3A_375, %parallel_loop3A_482 : vector<16xf32>
          %parallel_loop3A_484 = arith.mulf %parallel_loop3A_170, %parallel_loop3A_407 : vector<16xf32>
          %parallel_loop3A_485 = arith.mulf %parallel_loop3A_172, %parallel_loop3A_410 : vector<16xf32>
          %parallel_loop3A_486 = arith.addf %parallel_loop3A_484, %parallel_loop3A_485 : vector<16xf32>
          %parallel_loop3A_487 = arith.mulf %parallel_loop3A_174, %parallel_loop3A_413 : vector<16xf32>
          %parallel_loop3A_488 = arith.addf %parallel_loop3A_486, %parallel_loop3A_487 : vector<16xf32>
          %parallel_loop3A_489 = arith.mulf %parallel_loop3A_398, %parallel_loop3A_488 : vector<16xf32>
          %parallel_loop3A_490 = arith.addf %parallel_loop3A_382, %parallel_loop3A_489 : vector<16xf32>
          %parallel_loop3A_491 = arith.mulf %parallel_loop3A_170, %parallel_loop3A_419 : vector<16xf32>
          %parallel_loop3A_492 = arith.mulf %parallel_loop3A_172, %parallel_loop3A_422 : vector<16xf32>
          %parallel_loop3A_493 = arith.addf %parallel_loop3A_491, %parallel_loop3A_492 : vector<16xf32>
          %parallel_loop3A_494 = arith.mulf %parallel_loop3A_174, %parallel_loop3A_425 : vector<16xf32>
          %parallel_loop3A_495 = arith.addf %parallel_loop3A_493, %parallel_loop3A_494 : vector<16xf32>
          %parallel_loop3A_496 = arith.mulf %parallel_loop3A_398, %parallel_loop3A_495 : vector<16xf32>
          %parallel_loop3A_497 = arith.addf %parallel_loop3A_389, %parallel_loop3A_496 : vector<16xf32>
          %parallel_loop3A_498 = arith.mulf %parallel_loop3A_170, %parallel_loop3A_431 : vector<16xf32>
          %parallel_loop3A_499 = arith.mulf %parallel_loop3A_172, %parallel_loop3A_434 : vector<16xf32>
          %parallel_loop3A_500 = arith.addf %parallel_loop3A_498, %parallel_loop3A_499 : vector<16xf32>
          %parallel_loop3A_501 = arith.mulf %parallel_loop3A_174, %parallel_loop3A_437 : vector<16xf32>
          %parallel_loop3A_502 = arith.addf %parallel_loop3A_500, %parallel_loop3A_501 : vector<16xf32>
          %parallel_loop3A_503 = arith.mulf %parallel_loop3A_398, %parallel_loop3A_502 : vector<16xf32>
          %parallel_loop3A_504 = arith.addf %parallel_loop3A_396, %parallel_loop3A_503 : vector<16xf32>
          %parallel_loop3A_505 = arith.index_cast %parallel_loop3A_162 : i32 to index
          %parallel_loop3A_506 = tpu.vector_load %arg30[%parallel_loop3A_505] {strides = array<i32>} : memref<2000xf32, #tpu.memory_space<vmem>>, vector<16xf32>,
          %parallel_loop3A_507 = arith.constant 24 : i32
          %parallel_loop3A_508 = vector.broadcast %parallel_loop3A_507 : i32 to vector<16xi32>
          %parallel_loop3A_509 = arith.shrui %parallel_loop3A_176, %parallel_loop3A_508 : vector<16xi32>
          %parallel_loop3A_510 = arith.constant 255 : i32
          %parallel_loop3A_511 = vector.broadcast %parallel_loop3A_510 : i32 to vector<16xi32>
          %parallel_loop3A_512 = arith.andi %parallel_loop3A_509, %parallel_loop3A_511 : vector<16xi32>
          %parallel_loop3A_513 = arith.constant 0 : i32
          %parallel_loop3A_514 = tpu.memref_slice %arg20[%parallel_loop3A_513] : memref<4096xf32, #tpu.memory_space<vmem>> -> memref<256xf32, #tpu.memory_space<vmem>>
          %parallel_loop3A_515 = tpu.vector_load_idx %parallel_loop3A_514[%parallel_loop3A_512] : memref<256xf32, #tpu.memory_space<vmem>>[vector<16xi32>], vector<16xf32>,
          %parallel_loop3A_516 = arith.constant 256 : i32
          %parallel_loop3A_517 = tpu.memref_slice %arg20[%parallel_loop3A_516] : memref<4096xf32, #tpu.memory_space<vmem>> -> memref<256xf32, #tpu.memory_space<vmem>>
          %parallel_loop3A_518 = tpu.vector_load_idx %parallel_loop3A_517[%parallel_loop3A_512] : memref<256xf32, #tpu.memory_space<vmem>>[vector<16xi32>], vector<16xf32>,
          %parallel_loop3A_519 = arith.constant 512 : i32
          %parallel_loop3A_520 = tpu.memref_slice %arg20[%parallel_loop3A_519] : memref<4096xf32, #tpu.memory_space<vmem>> -> memref<256xf32, #tpu.memory_space<vmem>>
          %parallel_loop3A_521 = tpu.vector_load_idx %parallel_loop3A_520[%parallel_loop3A_512] : memref<256xf32, #tpu.memory_space<vmem>>[vector<16xi32>], vector<16xf32>,
          %parallel_loop3A_522 = arith.constant 768 : i32
          %parallel_loop3A_523 = tpu.memref_slice %arg20[%parallel_loop3A_522] : memref<4096xf32, #tpu.memory_space<vmem>> -> memref<256xf32, #tpu.memory_space<vmem>>
          %parallel_loop3A_524 = tpu.vector_load_idx %parallel_loop3A_523[%parallel_loop3A_512] : memref<256xf32, #tpu.memory_space<vmem>>[vector<16xi32>], vector<16xf32>,
          %parallel_loop3A_525 = arith.constant 1024 : i32
          %parallel_loop3A_526 = tpu.memref_slice %arg20[%parallel_loop3A_525] : memref<4096xf32, #tpu.memory_space<vmem>> -> memref<256xf32, #tpu.memory_space<vmem>>
          %parallel_loop3A_527 = tpu.vector_load_idx %parallel_loop3A_526[%parallel_loop3A_512] : memref<256xf32, #tpu.memory_space<vmem>>[vector<16xi32>], vector<16xf32>,
          %parallel_loop3A_528 = arith.constant 1280 : i32
          %parallel_loop3A_529 = tpu.memref_slice %arg20[%parallel_loop3A_528] : memref<4096xf32, #tpu.memory_space<vmem>> -> memref<256xf32, #tpu.memory_space<vmem>>
          %parallel_loop3A_530 = tpu.vector_load_idx %parallel_loop3A_529[%parallel_loop3A_512] : memref<256xf32, #tpu.memory_space<vmem>>[vector<16xi32>], vector<16xf32>,
          %parallel_loop3A_531 = arith.constant 1536 : i32
          %parallel_loop3A_532 = tpu.memref_slice %arg20[%parallel_loop3A_531] : memref<4096xf32, #tpu.memory_space<vmem>> -> memref<256xf32, #tpu.memory_space<vmem>>
          %parallel_loop3A_533 = tpu.vector_load_idx %parallel_loop3A_532[%parallel_loop3A_512] : memref<256xf32, #tpu.memory_space<vmem>>[vector<16xi32>], vector<16xf32>,
          %parallel_loop3A_534 = arith.constant 1792 : i32
          %parallel_loop3A_535 = tpu.memref_slice %arg20[%parallel_loop3A_534] : memref<4096xf32, #tpu.memory_space<vmem>> -> memref<256xf32, #tpu.memory_space<vmem>>
          %parallel_loop3A_536 = tpu.vector_load_idx %parallel_loop3A_535[%parallel_loop3A_512] : memref<256xf32, #tpu.memory_space<vmem>>[vector<16xi32>], vector<16xf32>,
          %parallel_loop3A_537 = arith.constant 2048 : i32
          %parallel_loop3A_538 = tpu.memref_slice %arg20[%parallel_loop3A_537] : memref<4096xf32, #tpu.memory_space<vmem>> -> memref<256xf32, #tpu.memory_space<vmem>>
          %parallel_loop3A_539 = tpu.vector_load_idx %parallel_loop3A_538[%parallel_loop3A_512] : memref<256xf32, #tpu.memory_space<vmem>>[vector<16xi32>], vector<16xf32>,
          %parallel_loop3A_540 = arith.constant 2304 : i32
          %parallel_loop3A_541 = tpu.memref_slice %arg20[%parallel_loop3A_540] : memref<4096xf32, #tpu.memory_space<vmem>> -> memref<256xf32, #tpu.memory_space<vmem>>
          %parallel_loop3A_542 = tpu.vector_load_idx %parallel_loop3A_541[%parallel_loop3A_512] : memref<256xf32, #tpu.memory_space<vmem>>[vector<16xi32>], vector<16xf32>,
          %parallel_loop3A_543 = arith.constant 2560 : i32
          %parallel_loop3A_544 = tpu.memref_slice %arg20[%parallel_loop3A_543] : memref<4096xf32, #tpu.memory_space<vmem>> -> memref<256xf32, #tpu.memory_space<vmem>>
          %parallel_loop3A_545 = tpu.vector_load_idx %parallel_loop3A_544[%parallel_loop3A_512] : memref<256xf32, #tpu.memory_space<vmem>>[vector<16xi32>], vector<16xf32>,
          %parallel_loop3A_546 = arith.constant 2816 : i32
          %parallel_loop3A_547 = tpu.memref_slice %arg20[%parallel_loop3A_546] : memref<4096xf32, #tpu.memory_space<vmem>> -> memref<256xf32, #tpu.memory_space<vmem>>
          %parallel_loop3A_548 = tpu.vector_load_idx %parallel_loop3A_547[%parallel_loop3A_512] : memref<256xf32, #tpu.memory_space<vmem>>[vector<16xi32>], vector<16xf32>,
          %parallel_loop3A_549 = arith.constant 3072 : i32
          %parallel_loop3A_550 = tpu.memref_slice %arg20[%parallel_loop3A_549] : memref<4096xf32, #tpu.memory_space<vmem>> -> memref<256xf32, #tpu.memory_space<vmem>>
          %parallel_loop3A_551 = tpu.vector_load_idx %parallel_loop3A_550[%parallel_loop3A_512] : memref<256xf32, #tpu.memory_space<vmem>>[vector<16xi32>], vector<16xf32>,
          %parallel_loop3A_552 = arith.constant 3328 : i32
          %parallel_loop3A_553 = tpu.memref_slice %arg20[%parallel_loop3A_552] : memref<4096xf32, #tpu.memory_space<vmem>> -> memref<256xf32, #tpu.memory_space<vmem>>
          %parallel_loop3A_554 = tpu.vector_load_idx %parallel_loop3A_553[%parallel_loop3A_512] : memref<256xf32, #tpu.memory_space<vmem>>[vector<16xi32>], vector<16xf32>,
          %parallel_loop3A_555 = arith.constant 3584 : i32
          %parallel_loop3A_556 = tpu.memref_slice %arg20[%parallel_loop3A_555] : memref<4096xf32, #tpu.memory_space<vmem>> -> memref<256xf32, #tpu.memory_space<vmem>>
          %parallel_loop3A_557 = tpu.vector_load_idx %parallel_loop3A_556[%parallel_loop3A_512] : memref<256xf32, #tpu.memory_space<vmem>>[vector<16xi32>], vector<16xf32>,
          %parallel_loop3A_558 = arith.constant 3840 : i32
          %parallel_loop3A_559 = tpu.memref_slice %arg20[%parallel_loop3A_558] : memref<4096xf32, #tpu.memory_space<vmem>> -> memref<256xf32, #tpu.memory_space<vmem>>
          %parallel_loop3A_560 = tpu.vector_load_idx %parallel_loop3A_559[%parallel_loop3A_512] : memref<256xf32, #tpu.memory_space<vmem>>[vector<16xi32>], vector<16xf32>,
          %parallel_loop3A_561 = arith.mulf %parallel_loop3A_164, %parallel_loop3A_515 : vector<16xf32>
          %parallel_loop3A_562 = arith.mulf %parallel_loop3A_166, %parallel_loop3A_518 : vector<16xf32>
          %parallel_loop3A_563 = arith.addf %parallel_loop3A_561, %parallel_loop3A_562 : vector<16xf32>
          %parallel_loop3A_564 = arith.mulf %parallel_loop3A_168, %parallel_loop3A_521 : vector<16xf32>
          %parallel_loop3A_565 = arith.addf %parallel_loop3A_564, %parallel_loop3A_524 : vector<16xf32>
          %parallel_loop3A_566 = arith.addf %parallel_loop3A_563, %parallel_loop3A_565 : vector<16xf32>
          %parallel_loop3A_567 = arith.mulf %parallel_loop3A_164, %parallel_loop3A_527 : vector<16xf32>
          %parallel_loop3A_568 = arith.mulf %parallel_loop3A_166, %parallel_loop3A_530 : vector<16xf32>
          %parallel_loop3A_569 = arith.addf %parallel_loop3A_567, %parallel_loop3A_568 : vector<16xf32>
          %parallel_loop3A_570 = arith.mulf %parallel_loop3A_168, %parallel_loop3A_533 : vector<16xf32>
          %parallel_loop3A_571 = arith.addf %parallel_loop3A_570, %parallel_loop3A_536 : vector<16xf32>
          %parallel_loop3A_572 = arith.addf %parallel_loop3A_569, %parallel_loop3A_571 : vector<16xf32>
          %parallel_loop3A_573 = arith.mulf %parallel_loop3A_164, %parallel_loop3A_539 : vector<16xf32>
          %parallel_loop3A_574 = arith.mulf %parallel_loop3A_166, %parallel_loop3A_542 : vector<16xf32>
          %parallel_loop3A_575 = arith.addf %parallel_loop3A_573, %parallel_loop3A_574 : vector<16xf32>
          %parallel_loop3A_576 = arith.mulf %parallel_loop3A_168, %parallel_loop3A_545 : vector<16xf32>
          %parallel_loop3A_577 = arith.addf %parallel_loop3A_576, %parallel_loop3A_548 : vector<16xf32>
          %parallel_loop3A_578 = arith.addf %parallel_loop3A_575, %parallel_loop3A_577 : vector<16xf32>
          %parallel_loop3A_579 = arith.mulf %parallel_loop3A_164, %parallel_loop3A_551 : vector<16xf32>
          %parallel_loop3A_580 = arith.mulf %parallel_loop3A_166, %parallel_loop3A_554 : vector<16xf32>
          %parallel_loop3A_581 = arith.addf %parallel_loop3A_579, %parallel_loop3A_580 : vector<16xf32>
          %parallel_loop3A_582 = arith.mulf %parallel_loop3A_168, %parallel_loop3A_557 : vector<16xf32>
          %parallel_loop3A_583 = arith.addf %parallel_loop3A_582, %parallel_loop3A_560 : vector<16xf32>
          %parallel_loop3A_584 = arith.addf %parallel_loop3A_581, %parallel_loop3A_583 : vector<16xf32>
          %parallel_loop3A_585 = arith.divf %parallel_loop3A_506, %parallel_loop3A_584 : vector<16xf32>
          %parallel_loop3A_586 = arith.mulf %parallel_loop3A_566, %parallel_loop3A_585 : vector<16xf32>
          %parallel_loop3A_587 = arith.addf %parallel_loop3A_479, %parallel_loop3A_586 : vector<16xf32>
          %parallel_loop3A_588 = arith.mulf %parallel_loop3A_572, %parallel_loop3A_585 : vector<16xf32>
          %parallel_loop3A_589 = arith.addf %parallel_loop3A_481, %parallel_loop3A_588 : vector<16xf32>
          %parallel_loop3A_590 = arith.mulf %parallel_loop3A_578, %parallel_loop3A_585 : vector<16xf32>
          %parallel_loop3A_591 = arith.addf %parallel_loop3A_483, %parallel_loop3A_590 : vector<16xf32>
          %parallel_loop3A_592 = arith.mulf %parallel_loop3A_170, %parallel_loop3A_515 : vector<16xf32>
          %parallel_loop3A_593 = arith.mulf %parallel_loop3A_172, %parallel_loop3A_518 : vector<16xf32>
          %parallel_loop3A_594 = arith.addf %parallel_loop3A_592, %parallel_loop3A_593 : vector<16xf32>
          %parallel_loop3A_595 = arith.mulf %parallel_loop3A_174, %parallel_loop3A_521 : vector<16xf32>
          %parallel_loop3A_596 = arith.addf %parallel_loop3A_594, %parallel_loop3A_595 : vector<16xf32>
          %parallel_loop3A_597 = arith.mulf %parallel_loop3A_506, %parallel_loop3A_596 : vector<16xf32>
          %parallel_loop3A_598 = arith.addf %parallel_loop3A_490, %parallel_loop3A_597 : vector<16xf32>
          %parallel_loop3A_599 = arith.mulf %parallel_loop3A_170, %parallel_loop3A_527 : vector<16xf32>
          %parallel_loop3A_600 = arith.mulf %parallel_loop3A_172, %parallel_loop3A_530 : vector<16xf32>
          %parallel_loop3A_601 = arith.addf %parallel_loop3A_599, %parallel_loop3A_600 : vector<16xf32>
          %parallel_loop3A_602 = arith.mulf %parallel_loop3A_174, %parallel_loop3A_533 : vector<16xf32>
          %parallel_loop3A_603 = arith.addf %parallel_loop3A_601, %parallel_loop3A_602 : vector<16xf32>
          %parallel_loop3A_604 = arith.mulf %parallel_loop3A_506, %parallel_loop3A_603 : vector<16xf32>
          %parallel_loop3A_605 = arith.addf %parallel_loop3A_497, %parallel_loop3A_604 : vector<16xf32>
          %parallel_loop3A_606 = arith.mulf %parallel_loop3A_170, %parallel_loop3A_539 : vector<16xf32>
          %parallel_loop3A_607 = arith.mulf %parallel_loop3A_172, %parallel_loop3A_542 : vector<16xf32>
          %parallel_loop3A_608 = arith.addf %parallel_loop3A_606, %parallel_loop3A_607 : vector<16xf32>
          %parallel_loop3A_609 = arith.mulf %parallel_loop3A_174, %parallel_loop3A_545 : vector<16xf32>
          %parallel_loop3A_610 = arith.addf %parallel_loop3A_608, %parallel_loop3A_609 : vector<16xf32>
          %parallel_loop3A_611 = arith.mulf %parallel_loop3A_506, %parallel_loop3A_610 : vector<16xf32>
          %parallel_loop3A_612 = arith.addf %parallel_loop3A_504, %parallel_loop3A_611 : vector<16xf32>
          %parallel_loop3A_613 = arith.index_cast %parallel_loop3A_162 : i32 to index
          %parallel_loop3A_614 = tpu.vector_load %arg43[%parallel_loop3A_613] {strides = array<i32>} : memref<2000xf32, #tpu.memory_space<vmem>>, vector<16xf32>,
          tpu.vector_store %arg43[%parallel_loop3A_613], %parallel_loop3A_587 {strides = array<i32>} : memref<2000xf32, #tpu.memory_space<vmem>>, vector<16xf32>,
          %parallel_loop3A_615 = arith.index_cast %parallel_loop3A_162 : i32 to index
          %parallel_loop3A_616 = tpu.vector_load %arg44[%parallel_loop3A_615] {strides = array<i32>} : memref<2000xf32, #tpu.memory_space<vmem>>, vector<16xf32>,
          tpu.vector_store %arg44[%parallel_loop3A_615], %parallel_loop3A_589 {strides = array<i32>} : memref<2000xf32, #tpu.memory_space<vmem>>, vector<16xf32>,
          %parallel_loop3A_617 = arith.index_cast %parallel_loop3A_162 : i32 to index
          %parallel_loop3A_618 = tpu.vector_load %arg45[%parallel_loop3A_617] {strides = array<i32>} : memref<2000xf32, #tpu.memory_space<vmem>>, vector<16xf32>,
          tpu.vector_store %arg45[%parallel_loop3A_617], %parallel_loop3A_591 {strides = array<i32>} : memref<2000xf32, #tpu.memory_space<vmem>>, vector<16xf32>,
          %parallel_loop3A_619 = arith.index_cast %parallel_loop3A_162 : i32 to index
          %parallel_loop3A_620 = tpu.vector_load %arg46[%parallel_loop3A_619] {strides = array<i32>} : memref<2000xf32, #tpu.memory_space<vmem>>, vector<16xf32>,
          tpu.vector_store %arg46[%parallel_loop3A_619], %parallel_loop3A_598 {strides = array<i32>} : memref<2000xf32, #tpu.memory_space<vmem>>, vector<16xf32>,
          %parallel_loop3A_621 = arith.index_cast %parallel_loop3A_162 : i32 to index
          %parallel_loop3A_622 = tpu.vector_load %arg47[%parallel_loop3A_621] {strides = array<i32>} : memref<2000xf32, #tpu.memory_space<vmem>>, vector<16xf32>,
          tpu.vector_store %arg47[%parallel_loop3A_621], %parallel_loop3A_605 {strides = array<i32>} : memref<2000xf32, #tpu.memory_space<vmem>>, vector<16xf32>,
          %parallel_loop3A_623 = arith.index_cast %parallel_loop3A_162 : i32 to index
          %parallel_loop3A_624 = tpu.vector_load %arg48[%parallel_loop3A_623] {strides = array<i32>} : memref<2000xf32, #tpu.memory_space<vmem>>, vector<16xf32>,
          tpu.vector_store %arg48[%parallel_loop3A_623], %parallel_loop3A_612 {strides = array<i32>} : memref<2000xf32, #tpu.memory_space<vmem>>, vector<16xf32>,
        } {sc.loop_unroll_factor = 4 : i64, sc.parallel_access}
        %mul3A_143 = arith.constant 32 : i32
        %mul3A_144 = arith.muli %add3A_102, %mul3A_143 : i32
        %add3A_145 = arith.addi %add3A, %mul3A_144 : i32
        %mul3A_146 = arith.constant 2000 : i32
        %mul3A_147 = arith.muli %add3A_145, %mul3A_146 : i32
        %dma_start3A_148 = tpu.memref_slice %arg14[%mul3A_147] : memref<1000000xf32, #tpu.memory_space<hbm>> -> memref<2000xf32, #tpu.memory_space<hbm>>
        %dma_start3A_149 = tpu.memref_slice %arg14[%mul3A_147] : memref<1000000xf32, #tpu.memory_space<hbm>> -> memref<2000xf32, #tpu.memory_space<hbm>>
        tpu.enqueue_dma source(%arg43 : memref<2000xf32, #tpu.memory_space<vmem>>) target(%dma_start3A_149 : memref<2000xf32, #tpu.memory_space<hbm>>) target_semaphore(%arg57 : memref<!tpu.dma_semaphore, #tpu.memory_space<semaphore_mem>>)
        %dma_start3A_150 = tpu.memref_slice %arg15[%mul3A_147] : memref<1000000xf32, #tpu.memory_space<hbm>> -> memref<2000xf32, #tpu.memory_space<hbm>>
        %dma_start3A_151 = tpu.memref_slice %arg15[%mul3A_147] : memref<1000000xf32, #tpu.memory_space<hbm>> -> memref<2000xf32, #tpu.memory_space<hbm>>
        tpu.enqueue_dma source(%arg44 : memref<2000xf32, #tpu.memory_space<vmem>>) target(%dma_start3A_151 : memref<2000xf32, #tpu.memory_space<hbm>>) target_semaphore(%arg57 : memref<!tpu.dma_semaphore, #tpu.memory_space<semaphore_mem>>)
        %dma_start3A_152 = tpu.memref_slice %arg16[%mul3A_147] : memref<1000000xf32, #tpu.memory_space<hbm>> -> memref<2000xf32, #tpu.memory_space<hbm>>
        %dma_start3A_153 = tpu.memref_slice %arg16[%mul3A_147] : memref<1000000xf32, #tpu.memory_space<hbm>> -> memref<2000xf32, #tpu.memory_space<hbm>>
        tpu.enqueue_dma source(%arg45 : memref<2000xf32, #tpu.memory_space<vmem>>) target(%dma_start3A_153 : memref<2000xf32, #tpu.memory_space<hbm>>) target_semaphore(%arg57 : memref<!tpu.dma_semaphore, #tpu.memory_space<semaphore_mem>>)
        %dma_start3A_154 = tpu.memref_slice %arg17[%mul3A_147] : memref<1000000xf32, #tpu.memory_space<hbm>> -> memref<2000xf32, #tpu.memory_space<hbm>>
        %dma_start3A_155 = tpu.memref_slice %arg17[%mul3A_147] : memref<1000000xf32, #tpu.memory_space<hbm>> -> memref<2000xf32, #tpu.memory_space<hbm>>
        tpu.enqueue_dma source(%arg46 : memref<2000xf32, #tpu.memory_space<vmem>>) target(%dma_start3A_155 : memref<2000xf32, #tpu.memory_space<hbm>>) target_semaphore(%arg57 : memref<!tpu.dma_semaphore, #tpu.memory_space<semaphore_mem>>)
        %dma_start3A_156 = tpu.memref_slice %arg18[%mul3A_147] : memref<1000000xf32, #tpu.memory_space<hbm>> -> memref<2000xf32, #tpu.memory_space<hbm>>
        %dma_start3A_157 = tpu.memref_slice %arg18[%mul3A_147] : memref<1000000xf32, #tpu.memory_space<hbm>> -> memref<2000xf32, #tpu.memory_space<hbm>>
        tpu.enqueue_dma source(%arg47 : memref<2000xf32, #tpu.memory_space<vmem>>) target(%dma_start3A_157 : memref<2000xf32, #tpu.memory_space<hbm>>) target_semaphore(%arg57 : memref<!tpu.dma_semaphore, #tpu.memory_space<semaphore_mem>>)
        %dma_start3A_158 = tpu.memref_slice %arg19[%mul3A_147] : memref<1000000xf32, #tpu.memory_space<hbm>> -> memref<2000xf32, #tpu.memory_space<hbm>>
        %dma_start3A_159 = tpu.memref_slice %arg19[%mul3A_147] : memref<1000000xf32, #tpu.memory_space<hbm>> -> memref<2000xf32, #tpu.memory_space<hbm>>
        tpu.enqueue_dma source(%arg48 : memref<2000xf32, #tpu.memory_space<vmem>>) target(%dma_start3A_159 : memref<2000xf32, #tpu.memory_space<hbm>>) target_semaphore(%arg57 : memref<!tpu.dma_semaphore, #tpu.memory_space<semaphore_mem>>)
      } else {
      }
      %mul3A_118 = arith.constant 2 : i32
      %mul3A_119 = arith.muli %mul3A_118, %scan3A_98 : i32
      %add3A_120 = arith.constant 1 : i32
      %add3A_121 = arith.addi %mul3A_119, %add3A_120 : i32
      %lt3A_122 = arith.cmpi slt, %add3A_121, %add3A_20 : i32
      %add3A_123 = arith.constant 1 : i32
      %add3A_124 = arith.addi %add3A_121, %add3A_123 : i32
      %lt3A_125 = arith.cmpi slt, %add3A_124, %add3A_20 : i32
      %convert_element_type3A_126 = arith.extui %lt3A_125 : i1 to i32
      %cond3A_127 = arith.constant 0 : i32
      %cond3A_128 = arith.cmpi ne, %convert_element_type3A_126, %cond3A_127 : i32
      scf.if %cond3A_128 {
        %add3A_141 = arith.constant 1 : i32
        %add3A_142 = arith.addi %add3A_121, %add3A_141 : i32
        %mul3A_143 = arith.constant 32 : i32
        %mul3A_144 = arith.muli %add3A_142, %mul3A_143 : i32
        %add3A_145 = arith.addi %add3A, %mul3A_144 : i32
        %mul3A_146 = arith.constant 2000 : i32
        %mul3A_147 = arith.muli %add3A_145, %mul3A_146 : i32
        %dma_start3A_148 = tpu.memref_slice %arg2[%mul3A_147] : memref<1000000xf32, #tpu.memory_space<hbm>> -> memref<2000xf32, #tpu.memory_space<hbm>>
        %dma_start3A_149 = tpu.memref_slice %arg2[%mul3A_147] : memref<1000000xf32, #tpu.memory_space<hbm>> -> memref<2000xf32, #tpu.memory_space<hbm>>
        tpu.enqueue_dma source(%dma_start3A_149 : memref<2000xf32, #tpu.memory_space<hbm>>) target(%arg21 : memref<2000xf32, #tpu.memory_space<vmem>>) target_semaphore(%arg55 : memref<!tpu.dma_semaphore, #tpu.memory_space<semaphore_mem>>)
        %dma_start3A_150 = tpu.memref_slice %arg3[%mul3A_147] : memref<1000000xf32, #tpu.memory_space<hbm>> -> memref<2000xf32, #tpu.memory_space<hbm>>
        %dma_start3A_151 = tpu.memref_slice %arg3[%mul3A_147] : memref<1000000xf32, #tpu.memory_space<hbm>> -> memref<2000xf32, #tpu.memory_space<hbm>>
        tpu.enqueue_dma source(%dma_start3A_151 : memref<2000xf32, #tpu.memory_space<hbm>>) target(%arg22 : memref<2000xf32, #tpu.memory_space<vmem>>) target_semaphore(%arg55 : memref<!tpu.dma_semaphore, #tpu.memory_space<semaphore_mem>>)
        %dma_start3A_152 = tpu.memref_slice %arg4[%mul3A_147] : memref<1000000xf32, #tpu.memory_space<hbm>> -> memref<2000xf32, #tpu.memory_space<hbm>>
        %dma_start3A_153 = tpu.memref_slice %arg4[%mul3A_147] : memref<1000000xf32, #tpu.memory_space<hbm>> -> memref<2000xf32, #tpu.memory_space<hbm>>
        tpu.enqueue_dma source(%dma_start3A_153 : memref<2000xf32, #tpu.memory_space<hbm>>) target(%arg23 : memref<2000xf32, #tpu.memory_space<vmem>>) target_semaphore(%arg55 : memref<!tpu.dma_semaphore, #tpu.memory_space<semaphore_mem>>)
        %dma_start3A_154 = tpu.memref_slice %arg5[%mul3A_147] : memref<1000000xf32, #tpu.memory_space<hbm>> -> memref<2000xf32, #tpu.memory_space<hbm>>
        %dma_start3A_155 = tpu.memref_slice %arg5[%mul3A_147] : memref<1000000xf32, #tpu.memory_space<hbm>> -> memref<2000xf32, #tpu.memory_space<hbm>>
        tpu.enqueue_dma source(%dma_start3A_155 : memref<2000xf32, #tpu.memory_space<hbm>>) target(%arg24 : memref<2000xf32, #tpu.memory_space<vmem>>) target_semaphore(%arg55 : memref<!tpu.dma_semaphore, #tpu.memory_space<semaphore_mem>>)
        %dma_start3A_156 = tpu.memref_slice %arg6[%mul3A_147] : memref<1000000xf32, #tpu.memory_space<hbm>> -> memref<2000xf32, #tpu.memory_space<hbm>>
        %dma_start3A_157 = tpu.memref_slice %arg6[%mul3A_147] : memref<1000000xf32, #tpu.memory_space<hbm>> -> memref<2000xf32, #tpu.memory_space<hbm>>
        tpu.enqueue_dma source(%dma_start3A_157 : memref<2000xf32, #tpu.memory_space<hbm>>) target(%arg25 : memref<2000xf32, #tpu.memory_space<vmem>>) target_semaphore(%arg55 : memref<!tpu.dma_semaphore, #tpu.memory_space<semaphore_mem>>)
        %dma_start3A_158 = tpu.memref_slice %arg7[%mul3A_147] : memref<1000000xf32, #tpu.memory_space<hbm>> -> memref<2000xf32, #tpu.memory_space<hbm>>
        %dma_start3A_159 = tpu.memref_slice %arg7[%mul3A_147] : memref<1000000xf32, #tpu.memory_space<hbm>> -> memref<2000xf32, #tpu.memory_space<hbm>>
        tpu.enqueue_dma source(%dma_start3A_159 : memref<2000xf32, #tpu.memory_space<hbm>>) target(%arg26 : memref<2000xf32, #tpu.memory_space<vmem>>) target_semaphore(%arg55 : memref<!tpu.dma_semaphore, #tpu.memory_space<semaphore_mem>>)
        %dma_start3A_160 = tpu.memref_slice %arg8[%mul3A_147] : memref<1000000xf32, #tpu.memory_space<hbm>> -> memref<2000xf32, #tpu.memory_space<hbm>>
        %dma_start3A_161 = tpu.memref_slice %arg8[%mul3A_147] : memref<1000000xf32, #tpu.memory_space<hbm>> -> memref<2000xf32, #tpu.memory_space<hbm>>
        tpu.enqueue_dma source(%dma_start3A_161 : memref<2000xf32, #tpu.memory_space<hbm>>) target(%arg27 : memref<2000xf32, #tpu.memory_space<vmem>>) target_semaphore(%arg55 : memref<!tpu.dma_semaphore, #tpu.memory_space<semaphore_mem>>)
        %dma_start3A_162 = tpu.memref_slice %arg9[%mul3A_147] : memref<1000000xf32, #tpu.memory_space<hbm>> -> memref<2000xf32, #tpu.memory_space<hbm>>
        %dma_start3A_163 = tpu.memref_slice %arg9[%mul3A_147] : memref<1000000xf32, #tpu.memory_space<hbm>> -> memref<2000xf32, #tpu.memory_space<hbm>>
        tpu.enqueue_dma source(%dma_start3A_163 : memref<2000xf32, #tpu.memory_space<hbm>>) target(%arg28 : memref<2000xf32, #tpu.memory_space<vmem>>) target_semaphore(%arg55 : memref<!tpu.dma_semaphore, #tpu.memory_space<semaphore_mem>>)
        %dma_start3A_164 = tpu.memref_slice %arg10[%mul3A_147] : memref<1000000xf32, #tpu.memory_space<hbm>> -> memref<2000xf32, #tpu.memory_space<hbm>>
        %dma_start3A_165 = tpu.memref_slice %arg10[%mul3A_147] : memref<1000000xf32, #tpu.memory_space<hbm>> -> memref<2000xf32, #tpu.memory_space<hbm>>
        tpu.enqueue_dma source(%dma_start3A_165 : memref<2000xf32, #tpu.memory_space<hbm>>) target(%arg29 : memref<2000xf32, #tpu.memory_space<vmem>>) target_semaphore(%arg55 : memref<!tpu.dma_semaphore, #tpu.memory_space<semaphore_mem>>)
        %dma_start3A_166 = tpu.memref_slice %arg11[%mul3A_147] : memref<1000000xf32, #tpu.memory_space<hbm>> -> memref<2000xf32, #tpu.memory_space<hbm>>
        %dma_start3A_167 = tpu.memref_slice %arg11[%mul3A_147] : memref<1000000xf32, #tpu.memory_space<hbm>> -> memref<2000xf32, #tpu.memory_space<hbm>>
        tpu.enqueue_dma source(%dma_start3A_167 : memref<2000xf32, #tpu.memory_space<hbm>>) target(%arg30 : memref<2000xf32, #tpu.memory_space<vmem>>) target_semaphore(%arg55 : memref<!tpu.dma_semaphore, #tpu.memory_space<semaphore_mem>>)
        %dma_start3A_168 = tpu.memref_slice %arg12[%mul3A_147] : memref<1000000xi32, #tpu.memory_space<hbm>> -> memref<2000xi32, #tpu.memory_space<hbm>>
        %dma_start3A_169 = tpu.memref_slice %arg12[%mul3A_147] : memref<1000000xi32, #tpu.memory_space<hbm>> -> memref<2000xi32, #tpu.memory_space<hbm>>
        tpu.enqueue_dma source(%dma_start3A_169 : memref<2000xi32, #tpu.memory_space<hbm>>) target(%arg31 : memref<2000xi32, #tpu.memory_space<vmem>>) target_semaphore(%arg55 : memref<!tpu.dma_semaphore, #tpu.memory_space<semaphore_mem>>)
      } else {
      }
      %convert_element_type3A_129 = arith.extui %lt3A_122 : i1 to i32
      %cond3A_130 = arith.constant 0 : i32
      %cond3A_131 = arith.cmpi ne, %convert_element_type3A_129, %cond3A_130 : i32
      scf.if %cond3A_131 {
        %mul3A_141 = arith.constant 32 : i32
        %mul3A_142 = arith.muli %add3A_121, %mul3A_141 : i32
        %add3A_143 = arith.addi %add3A, %mul3A_142 : i32
        %mul3A_144 = arith.constant 2000 : i32
        %mul3A_145 = arith.muli %add3A_143, %mul3A_144 : i32
        %dma_wait3A_146 = tpu.memref_slice %arg2[%mul3A_145] : memref<1000000xf32, #tpu.memory_space<hbm>> -> memref<2000xf32, #tpu.memory_space<hbm>>
        %dma_wait3A_147 = tpu.memref_slice %arg2[%mul3A_145] : memref<1000000xf32, #tpu.memory_space<hbm>> -> memref<2000xf32, #tpu.memory_space<hbm>>
        tpu.wait_dma2 semaphore(%arg56 : memref<!tpu.dma_semaphore, #tpu.memory_space<semaphore_mem>>) src(%dma_wait3A_147 : memref<2000xf32, #tpu.memory_space<hbm>>) dst(%arg32 : memref<2000xf32, #tpu.memory_space<vmem>>)
        %dma_wait3A_148 = tpu.memref_slice %arg3[%mul3A_145] : memref<1000000xf32, #tpu.memory_space<hbm>> -> memref<2000xf32, #tpu.memory_space<hbm>>
        %dma_wait3A_149 = tpu.memref_slice %arg3[%mul3A_145] : memref<1000000xf32, #tpu.memory_space<hbm>> -> memref<2000xf32, #tpu.memory_space<hbm>>
        tpu.wait_dma2 semaphore(%arg56 : memref<!tpu.dma_semaphore, #tpu.memory_space<semaphore_mem>>) src(%dma_wait3A_149 : memref<2000xf32, #tpu.memory_space<hbm>>) dst(%arg33 : memref<2000xf32, #tpu.memory_space<vmem>>)
        %dma_wait3A_150 = tpu.memref_slice %arg4[%mul3A_145] : memref<1000000xf32, #tpu.memory_space<hbm>> -> memref<2000xf32, #tpu.memory_space<hbm>>
        %dma_wait3A_151 = tpu.memref_slice %arg4[%mul3A_145] : memref<1000000xf32, #tpu.memory_space<hbm>> -> memref<2000xf32, #tpu.memory_space<hbm>>
        tpu.wait_dma2 semaphore(%arg56 : memref<!tpu.dma_semaphore, #tpu.memory_space<semaphore_mem>>) src(%dma_wait3A_151 : memref<2000xf32, #tpu.memory_space<hbm>>) dst(%arg34 : memref<2000xf32, #tpu.memory_space<vmem>>)
        %dma_wait3A_152 = tpu.memref_slice %arg5[%mul3A_145] : memref<1000000xf32, #tpu.memory_space<hbm>> -> memref<2000xf32, #tpu.memory_space<hbm>>
        %dma_wait3A_153 = tpu.memref_slice %arg5[%mul3A_145] : memref<1000000xf32, #tpu.memory_space<hbm>> -> memref<2000xf32, #tpu.memory_space<hbm>>
        tpu.wait_dma2 semaphore(%arg56 : memref<!tpu.dma_semaphore, #tpu.memory_space<semaphore_mem>>) src(%dma_wait3A_153 : memref<2000xf32, #tpu.memory_space<hbm>>) dst(%arg35 : memref<2000xf32, #tpu.memory_space<vmem>>)
        %dma_wait3A_154 = tpu.memref_slice %arg6[%mul3A_145] : memref<1000000xf32, #tpu.memory_space<hbm>> -> memref<2000xf32, #tpu.memory_space<hbm>>
        %dma_wait3A_155 = tpu.memref_slice %arg6[%mul3A_145] : memref<1000000xf32, #tpu.memory_space<hbm>> -> memref<2000xf32, #tpu.memory_space<hbm>>
        tpu.wait_dma2 semaphore(%arg56 : memref<!tpu.dma_semaphore, #tpu.memory_space<semaphore_mem>>) src(%dma_wait3A_155 : memref<2000xf32, #tpu.memory_space<hbm>>) dst(%arg36 : memref<2000xf32, #tpu.memory_space<vmem>>)
        %dma_wait3A_156 = tpu.memref_slice %arg7[%mul3A_145] : memref<1000000xf32, #tpu.memory_space<hbm>> -> memref<2000xf32, #tpu.memory_space<hbm>>
        %dma_wait3A_157 = tpu.memref_slice %arg7[%mul3A_145] : memref<1000000xf32, #tpu.memory_space<hbm>> -> memref<2000xf32, #tpu.memory_space<hbm>>
        tpu.wait_dma2 semaphore(%arg56 : memref<!tpu.dma_semaphore, #tpu.memory_space<semaphore_mem>>) src(%dma_wait3A_157 : memref<2000xf32, #tpu.memory_space<hbm>>) dst(%arg37 : memref<2000xf32, #tpu.memory_space<vmem>>)
        %dma_wait3A_158 = tpu.memref_slice %arg8[%mul3A_145] : memref<1000000xf32, #tpu.memory_space<hbm>> -> memref<2000xf32, #tpu.memory_space<hbm>>
        %dma_wait3A_159 = tpu.memref_slice %arg8[%mul3A_145] : memref<1000000xf32, #tpu.memory_space<hbm>> -> memref<2000xf32, #tpu.memory_space<hbm>>
        tpu.wait_dma2 semaphore(%arg56 : memref<!tpu.dma_semaphore, #tpu.memory_space<semaphore_mem>>) src(%dma_wait3A_159 : memref<2000xf32, #tpu.memory_space<hbm>>) dst(%arg38 : memref<2000xf32, #tpu.memory_space<vmem>>)
        %dma_wait3A_160 = tpu.memref_slice %arg9[%mul3A_145] : memref<1000000xf32, #tpu.memory_space<hbm>> -> memref<2000xf32, #tpu.memory_space<hbm>>
        %dma_wait3A_161 = tpu.memref_slice %arg9[%mul3A_145] : memref<1000000xf32, #tpu.memory_space<hbm>> -> memref<2000xf32, #tpu.memory_space<hbm>>
        tpu.wait_dma2 semaphore(%arg56 : memref<!tpu.dma_semaphore, #tpu.memory_space<semaphore_mem>>) src(%dma_wait3A_161 : memref<2000xf32, #tpu.memory_space<hbm>>) dst(%arg39 : memref<2000xf32, #tpu.memory_space<vmem>>)
        %dma_wait3A_162 = tpu.memref_slice %arg10[%mul3A_145] : memref<1000000xf32, #tpu.memory_space<hbm>> -> memref<2000xf32, #tpu.memory_space<hbm>>
        %dma_wait3A_163 = tpu.memref_slice %arg10[%mul3A_145] : memref<1000000xf32, #tpu.memory_space<hbm>> -> memref<2000xf32, #tpu.memory_space<hbm>>
        tpu.wait_dma2 semaphore(%arg56 : memref<!tpu.dma_semaphore, #tpu.memory_space<semaphore_mem>>) src(%dma_wait3A_163 : memref<2000xf32, #tpu.memory_space<hbm>>) dst(%arg40 : memref<2000xf32, #tpu.memory_space<vmem>>)
        %dma_wait3A_164 = tpu.memref_slice %arg11[%mul3A_145] : memref<1000000xf32, #tpu.memory_space<hbm>> -> memref<2000xf32, #tpu.memory_space<hbm>>
        %dma_wait3A_165 = tpu.memref_slice %arg11[%mul3A_145] : memref<1000000xf32, #tpu.memory_space<hbm>> -> memref<2000xf32, #tpu.memory_space<hbm>>
        tpu.wait_dma2 semaphore(%arg56 : memref<!tpu.dma_semaphore, #tpu.memory_space<semaphore_mem>>) src(%dma_wait3A_165 : memref<2000xf32, #tpu.memory_space<hbm>>) dst(%arg41 : memref<2000xf32, #tpu.memory_space<vmem>>)
        %dma_wait3A_166 = tpu.memref_slice %arg12[%mul3A_145] : memref<1000000xi32, #tpu.memory_space<hbm>> -> memref<2000xi32, #tpu.memory_space<hbm>>
        %dma_wait3A_167 = tpu.memref_slice %arg12[%mul3A_145] : memref<1000000xi32, #tpu.memory_space<hbm>> -> memref<2000xi32, #tpu.memory_space<hbm>>
        tpu.wait_dma2 semaphore(%arg56 : memref<!tpu.dma_semaphore, #tpu.memory_space<semaphore_mem>>) src(%dma_wait3A_167 : memref<2000xi32, #tpu.memory_space<hbm>>) dst(%arg42 : memref<2000xi32, #tpu.memory_space<vmem>>)
      } else {
      }
      %ge3A_132 = arith.constant 2 : i32
      %ge3A_133 = arith.cmpi sge, %add3A_121, %ge3A_132 : i32
      %and3A_134 = arith.andi %lt3A_122, %ge3A_133 : i1
      %convert_element_type3A_135 = arith.extui %and3A_134 : i1 to i32
      %cond3A_136 = arith.constant 0 : i32
      %cond3A_137 = arith.cmpi ne, %convert_element_type3A_135, %cond3A_136 : i32
      scf.if %cond3A_137 {
        %sub3A_141 = arith.constant 2 : i32
        %sub3A_142 = arith.subi %add3A_121, %sub3A_141 : i32
        %mul3A_143 = arith.constant 32 : i32
        %mul3A_144 = arith.muli %sub3A_142, %mul3A_143 : i32
        %add3A_145 = arith.addi %add3A, %mul3A_144 : i32
        %mul3A_146 = arith.constant 2000 : i32
        %mul3A_147 = arith.muli %add3A_145, %mul3A_146 : i32
        %dma_wait3A_148 = tpu.memref_slice %arg14[%mul3A_147] : memref<1000000xf32, #tpu.memory_space<hbm>> -> memref<2000xf32, #tpu.memory_space<hbm>>
        %dma_wait3A_149 = tpu.memref_slice %arg14[%mul3A_147] : memref<1000000xf32, #tpu.memory_space<hbm>> -> memref<2000xf32, #tpu.memory_space<hbm>>
        tpu.wait_dma2 semaphore(%arg58 : memref<!tpu.dma_semaphore, #tpu.memory_space<semaphore_mem>>) src(%arg49 : memref<2000xf32, #tpu.memory_space<vmem>>) dst(%dma_wait3A_149 : memref<2000xf32, #tpu.memory_space<hbm>>)
        %dma_wait3A_150 = tpu.memref_slice %arg15[%mul3A_147] : memref<1000000xf32, #tpu.memory_space<hbm>> -> memref<2000xf32, #tpu.memory_space<hbm>>
        %dma_wait3A_151 = tpu.memref_slice %arg15[%mul3A_147] : memref<1000000xf32, #tpu.memory_space<hbm>> -> memref<2000xf32, #tpu.memory_space<hbm>>
        tpu.wait_dma2 semaphore(%arg58 : memref<!tpu.dma_semaphore, #tpu.memory_space<semaphore_mem>>) src(%arg50 : memref<2000xf32, #tpu.memory_space<vmem>>) dst(%dma_wait3A_151 : memref<2000xf32, #tpu.memory_space<hbm>>)
        %dma_wait3A_152 = tpu.memref_slice %arg16[%mul3A_147] : memref<1000000xf32, #tpu.memory_space<hbm>> -> memref<2000xf32, #tpu.memory_space<hbm>>
        %dma_wait3A_153 = tpu.memref_slice %arg16[%mul3A_147] : memref<1000000xf32, #tpu.memory_space<hbm>> -> memref<2000xf32, #tpu.memory_space<hbm>>
        tpu.wait_dma2 semaphore(%arg58 : memref<!tpu.dma_semaphore, #tpu.memory_space<semaphore_mem>>) src(%arg51 : memref<2000xf32, #tpu.memory_space<vmem>>) dst(%dma_wait3A_153 : memref<2000xf32, #tpu.memory_space<hbm>>)
        %dma_wait3A_154 = tpu.memref_slice %arg17[%mul3A_147] : memref<1000000xf32, #tpu.memory_space<hbm>> -> memref<2000xf32, #tpu.memory_space<hbm>>
        %dma_wait3A_155 = tpu.memref_slice %arg17[%mul3A_147] : memref<1000000xf32, #tpu.memory_space<hbm>> -> memref<2000xf32, #tpu.memory_space<hbm>>
        tpu.wait_dma2 semaphore(%arg58 : memref<!tpu.dma_semaphore, #tpu.memory_space<semaphore_mem>>) src(%arg52 : memref<2000xf32, #tpu.memory_space<vmem>>) dst(%dma_wait3A_155 : memref<2000xf32, #tpu.memory_space<hbm>>)
        %dma_wait3A_156 = tpu.memref_slice %arg18[%mul3A_147] : memref<1000000xf32, #tpu.memory_space<hbm>> -> memref<2000xf32, #tpu.memory_space<hbm>>
        %dma_wait3A_157 = tpu.memref_slice %arg18[%mul3A_147] : memref<1000000xf32, #tpu.memory_space<hbm>> -> memref<2000xf32, #tpu.memory_space<hbm>>
        tpu.wait_dma2 semaphore(%arg58 : memref<!tpu.dma_semaphore, #tpu.memory_space<semaphore_mem>>) src(%arg53 : memref<2000xf32, #tpu.memory_space<vmem>>) dst(%dma_wait3A_157 : memref<2000xf32, #tpu.memory_space<hbm>>)
        %dma_wait3A_158 = tpu.memref_slice %arg19[%mul3A_147] : memref<1000000xf32, #tpu.memory_space<hbm>> -> memref<2000xf32, #tpu.memory_space<hbm>>
        %dma_wait3A_159 = tpu.memref_slice %arg19[%mul3A_147] : memref<1000000xf32, #tpu.memory_space<hbm>> -> memref<2000xf32, #tpu.memory_space<hbm>>
        tpu.wait_dma2 semaphore(%arg58 : memref<!tpu.dma_semaphore, #tpu.memory_space<semaphore_mem>>) src(%arg54 : memref<2000xf32, #tpu.memory_space<vmem>>) dst(%dma_wait3A_159 : memref<2000xf32, #tpu.memory_space<hbm>>)
      } else {
      }
      %convert_element_type3A_138 = arith.extui %lt3A_122 : i1 to i32
      %cond3A_139 = arith.constant 0 : i32
      %cond3A_140 = arith.cmpi ne, %convert_element_type3A_138, %cond3A_139 : i32
      scf.if %cond3A_140 {
        %parallel_loop3A = arith.constant 0 : i32
        %parallel_loop3A_141 = arith.constant 125 : i32
        %parallel_loop3A_142 = arith.constant 1 : i32
        scf.for %parallel_loop3A_160 = %parallel_loop3A to %parallel_loop3A_141 step %parallel_loop3A_142  : i32 {
          %parallel_loop3A_161 = arith.constant 16 : i32
          %parallel_loop3A_162 = arith.muli %parallel_loop3A_160, %parallel_loop3A_161 : i32
          %parallel_loop3A_163 = arith.index_cast %parallel_loop3A_162 : i32 to index
          %parallel_loop3A_164 = tpu.vector_load %arg32[%parallel_loop3A_163] {strides = array<i32>} : memref<2000xf32, #tpu.memory_space<vmem>>, vector<16xf32>,
          %parallel_loop3A_165 = arith.index_cast %parallel_loop3A_162 : i32 to index
          %parallel_loop3A_166 = tpu.vector_load %arg33[%parallel_loop3A_165] {strides = array<i32>} : memref<2000xf32, #tpu.memory_space<vmem>>, vector<16xf32>,
          %parallel_loop3A_167 = arith.index_cast %parallel_loop3A_162 : i32 to index
          %parallel_loop3A_168 = tpu.vector_load %arg34[%parallel_loop3A_167] {strides = array<i32>} : memref<2000xf32, #tpu.memory_space<vmem>>, vector<16xf32>,
          %parallel_loop3A_169 = arith.index_cast %parallel_loop3A_162 : i32 to index
          %parallel_loop3A_170 = tpu.vector_load %arg35[%parallel_loop3A_169] {strides = array<i32>} : memref<2000xf32, #tpu.memory_space<vmem>>, vector<16xf32>,
          %parallel_loop3A_171 = arith.index_cast %parallel_loop3A_162 : i32 to index
          %parallel_loop3A_172 = tpu.vector_load %arg36[%parallel_loop3A_171] {strides = array<i32>} : memref<2000xf32, #tpu.memory_space<vmem>>, vector<16xf32>,
          %parallel_loop3A_173 = arith.index_cast %parallel_loop3A_162 : i32 to index
          %parallel_loop3A_174 = tpu.vector_load %arg37[%parallel_loop3A_173] {strides = array<i32>} : memref<2000xf32, #tpu.memory_space<vmem>>, vector<16xf32>,
          %parallel_loop3A_175 = arith.index_cast %parallel_loop3A_162 : i32 to index
          %parallel_loop3A_176 = tpu.vector_load %arg42[%parallel_loop3A_175] {strides = array<i32>} : memref<2000xi32, #tpu.memory_space<vmem>>, vector<16xi32>,
          %parallel_loop3A_177 = arith.constant 0.000000e+00 : f32
          %parallel_loop3A_178 = vector.broadcast %parallel_loop3A_177 : f32 to vector<16xf32>
          %parallel_loop3A_179 = arith.constant 0.000000e+00 : f32
          %parallel_loop3A_180 = vector.broadcast %parallel_loop3A_179 : f32 to vector<16xf32>
          %parallel_loop3A_181 = arith.index_cast %parallel_loop3A_162 : i32 to index
          %parallel_loop3A_182 = tpu.vector_load %arg38[%parallel_loop3A_181] {strides = array<i32>} : memref<2000xf32, #tpu.memory_space<vmem>>, vector<16xf32>,
          %parallel_loop3A_183 = arith.constant 0 : i32
          %parallel_loop3A_184 = vector.broadcast %parallel_loop3A_183 : i32 to vector<16xi32>
          %parallel_loop3A_185 = arith.shrui %parallel_loop3A_176, %parallel_loop3A_184 : vector<16xi32>
          %parallel_loop3A_186 = arith.constant 255 : i32
          %parallel_loop3A_187 = vector.broadcast %parallel_loop3A_186 : i32 to vector<16xi32>
          %parallel_loop3A_188 = arith.andi %parallel_loop3A_185, %parallel_loop3A_187 : vector<16xi32>
          %parallel_loop3A_189 = arith.constant 0 : i32
          %parallel_loop3A_190 = tpu.memref_slice %arg20[%parallel_loop3A_189] : memref<4096xf32, #tpu.memory_space<vmem>> -> memref<256xf32, #tpu.memory_space<vmem>>
          %parallel_loop3A_191 = tpu.vector_load_idx %parallel_loop3A_190[%parallel_loop3A_188] : memref<256xf32, #tpu.memory_space<vmem>>[vector<16xi32>], vector<16xf32>,
          %parallel_loop3A_192 = arith.constant 256 : i32
          %parallel_loop3A_193 = tpu.memref_slice %arg20[%parallel_loop3A_192] : memref<4096xf32, #tpu.memory_space<vmem>> -> memref<256xf32, #tpu.memory_space<vmem>>
          %parallel_loop3A_194 = tpu.vector_load_idx %parallel_loop3A_193[%parallel_loop3A_188] : memref<256xf32, #tpu.memory_space<vmem>>[vector<16xi32>], vector<16xf32>,
          %parallel_loop3A_195 = arith.constant 512 : i32
          %parallel_loop3A_196 = tpu.memref_slice %arg20[%parallel_loop3A_195] : memref<4096xf32, #tpu.memory_space<vmem>> -> memref<256xf32, #tpu.memory_space<vmem>>
          %parallel_loop3A_197 = tpu.vector_load_idx %parallel_loop3A_196[%parallel_loop3A_188] : memref<256xf32, #tpu.memory_space<vmem>>[vector<16xi32>], vector<16xf32>,
          %parallel_loop3A_198 = arith.constant 768 : i32
          %parallel_loop3A_199 = tpu.memref_slice %arg20[%parallel_loop3A_198] : memref<4096xf32, #tpu.memory_space<vmem>> -> memref<256xf32, #tpu.memory_space<vmem>>
          %parallel_loop3A_200 = tpu.vector_load_idx %parallel_loop3A_199[%parallel_loop3A_188] : memref<256xf32, #tpu.memory_space<vmem>>[vector<16xi32>], vector<16xf32>,
          %parallel_loop3A_201 = arith.constant 1024 : i32
          %parallel_loop3A_202 = tpu.memref_slice %arg20[%parallel_loop3A_201] : memref<4096xf32, #tpu.memory_space<vmem>> -> memref<256xf32, #tpu.memory_space<vmem>>
          %parallel_loop3A_203 = tpu.vector_load_idx %parallel_loop3A_202[%parallel_loop3A_188] : memref<256xf32, #tpu.memory_space<vmem>>[vector<16xi32>], vector<16xf32>,
          %parallel_loop3A_204 = arith.constant 1280 : i32
          %parallel_loop3A_205 = tpu.memref_slice %arg20[%parallel_loop3A_204] : memref<4096xf32, #tpu.memory_space<vmem>> -> memref<256xf32, #tpu.memory_space<vmem>>
          %parallel_loop3A_206 = tpu.vector_load_idx %parallel_loop3A_205[%parallel_loop3A_188] : memref<256xf32, #tpu.memory_space<vmem>>[vector<16xi32>], vector<16xf32>,
          %parallel_loop3A_207 = arith.constant 1536 : i32
          %parallel_loop3A_208 = tpu.memref_slice %arg20[%parallel_loop3A_207] : memref<4096xf32, #tpu.memory_space<vmem>> -> memref<256xf32, #tpu.memory_space<vmem>>
          %parallel_loop3A_209 = tpu.vector_load_idx %parallel_loop3A_208[%parallel_loop3A_188] : memref<256xf32, #tpu.memory_space<vmem>>[vector<16xi32>], vector<16xf32>,
          %parallel_loop3A_210 = arith.constant 1792 : i32
          %parallel_loop3A_211 = tpu.memref_slice %arg20[%parallel_loop3A_210] : memref<4096xf32, #tpu.memory_space<vmem>> -> memref<256xf32, #tpu.memory_space<vmem>>
          %parallel_loop3A_212 = tpu.vector_load_idx %parallel_loop3A_211[%parallel_loop3A_188] : memref<256xf32, #tpu.memory_space<vmem>>[vector<16xi32>], vector<16xf32>,
          %parallel_loop3A_213 = arith.constant 2048 : i32
          %parallel_loop3A_214 = tpu.memref_slice %arg20[%parallel_loop3A_213] : memref<4096xf32, #tpu.memory_space<vmem>> -> memref<256xf32, #tpu.memory_space<vmem>>
          %parallel_loop3A_215 = tpu.vector_load_idx %parallel_loop3A_214[%parallel_loop3A_188] : memref<256xf32, #tpu.memory_space<vmem>>[vector<16xi32>], vector<16xf32>,
          %parallel_loop3A_216 = arith.constant 2304 : i32
          %parallel_loop3A_217 = tpu.memref_slice %arg20[%parallel_loop3A_216] : memref<4096xf32, #tpu.memory_space<vmem>> -> memref<256xf32, #tpu.memory_space<vmem>>
          %parallel_loop3A_218 = tpu.vector_load_idx %parallel_loop3A_217[%parallel_loop3A_188] : memref<256xf32, #tpu.memory_space<vmem>>[vector<16xi32>], vector<16xf32>,
          %parallel_loop3A_219 = arith.constant 2560 : i32
          %parallel_loop3A_220 = tpu.memref_slice %arg20[%parallel_loop3A_219] : memref<4096xf32, #tpu.memory_space<vmem>> -> memref<256xf32, #tpu.memory_space<vmem>>
          %parallel_loop3A_221 = tpu.vector_load_idx %parallel_loop3A_220[%parallel_loop3A_188] : memref<256xf32, #tpu.memory_space<vmem>>[vector<16xi32>], vector<16xf32>,
          %parallel_loop3A_222 = arith.constant 2816 : i32
          %parallel_loop3A_223 = tpu.memref_slice %arg20[%parallel_loop3A_222] : memref<4096xf32, #tpu.memory_space<vmem>> -> memref<256xf32, #tpu.memory_space<vmem>>
          %parallel_loop3A_224 = tpu.vector_load_idx %parallel_loop3A_223[%parallel_loop3A_188] : memref<256xf32, #tpu.memory_space<vmem>>[vector<16xi32>], vector<16xf32>,
          %parallel_loop3A_225 = arith.constant 3072 : i32
          %parallel_loop3A_226 = tpu.memref_slice %arg20[%parallel_loop3A_225] : memref<4096xf32, #tpu.memory_space<vmem>> -> memref<256xf32, #tpu.memory_space<vmem>>
          %parallel_loop3A_227 = tpu.vector_load_idx %parallel_loop3A_226[%parallel_loop3A_188] : memref<256xf32, #tpu.memory_space<vmem>>[vector<16xi32>], vector<16xf32>,
          %parallel_loop3A_228 = arith.constant 3328 : i32
          %parallel_loop3A_229 = tpu.memref_slice %arg20[%parallel_loop3A_228] : memref<4096xf32, #tpu.memory_space<vmem>> -> memref<256xf32, #tpu.memory_space<vmem>>
          %parallel_loop3A_230 = tpu.vector_load_idx %parallel_loop3A_229[%parallel_loop3A_188] : memref<256xf32, #tpu.memory_space<vmem>>[vector<16xi32>], vector<16xf32>,
          %parallel_loop3A_231 = arith.constant 3584 : i32
          %parallel_loop3A_232 = tpu.memref_slice %arg20[%parallel_loop3A_231] : memref<4096xf32, #tpu.memory_space<vmem>> -> memref<256xf32, #tpu.memory_space<vmem>>
          %parallel_loop3A_233 = tpu.vector_load_idx %parallel_loop3A_232[%parallel_loop3A_188] : memref<256xf32, #tpu.memory_space<vmem>>[vector<16xi32>], vector<16xf32>,
          %parallel_loop3A_234 = arith.constant 3840 : i32
          %parallel_loop3A_235 = tpu.memref_slice %arg20[%parallel_loop3A_234] : memref<4096xf32, #tpu.memory_space<vmem>> -> memref<256xf32, #tpu.memory_space<vmem>>
          %parallel_loop3A_236 = tpu.vector_load_idx %parallel_loop3A_235[%parallel_loop3A_188] : memref<256xf32, #tpu.memory_space<vmem>>[vector<16xi32>], vector<16xf32>,
          %parallel_loop3A_237 = arith.mulf %parallel_loop3A_164, %parallel_loop3A_191 : vector<16xf32>
          %parallel_loop3A_238 = arith.mulf %parallel_loop3A_166, %parallel_loop3A_194 : vector<16xf32>
          %parallel_loop3A_239 = arith.addf %parallel_loop3A_237, %parallel_loop3A_238 : vector<16xf32>
          %parallel_loop3A_240 = arith.mulf %parallel_loop3A_168, %parallel_loop3A_197 : vector<16xf32>
          %parallel_loop3A_241 = arith.addf %parallel_loop3A_240, %parallel_loop3A_200 : vector<16xf32>
          %parallel_loop3A_242 = arith.addf %parallel_loop3A_239, %parallel_loop3A_241 : vector<16xf32>
          %parallel_loop3A_243 = arith.mulf %parallel_loop3A_164, %parallel_loop3A_203 : vector<16xf32>
          %parallel_loop3A_244 = arith.mulf %parallel_loop3A_166, %parallel_loop3A_206 : vector<16xf32>
          %parallel_loop3A_245 = arith.addf %parallel_loop3A_243, %parallel_loop3A_244 : vector<16xf32>
          %parallel_loop3A_246 = arith.mulf %parallel_loop3A_168, %parallel_loop3A_209 : vector<16xf32>
          %parallel_loop3A_247 = arith.addf %parallel_loop3A_246, %parallel_loop3A_212 : vector<16xf32>
          %parallel_loop3A_248 = arith.addf %parallel_loop3A_245, %parallel_loop3A_247 : vector<16xf32>
          %parallel_loop3A_249 = arith.mulf %parallel_loop3A_164, %parallel_loop3A_215 : vector<16xf32>
          %parallel_loop3A_250 = arith.mulf %parallel_loop3A_166, %parallel_loop3A_218 : vector<16xf32>
          %parallel_loop3A_251 = arith.addf %parallel_loop3A_249, %parallel_loop3A_250 : vector<16xf32>
          %parallel_loop3A_252 = arith.mulf %parallel_loop3A_168, %parallel_loop3A_221 : vector<16xf32>
          %parallel_loop3A_253 = arith.addf %parallel_loop3A_252, %parallel_loop3A_224 : vector<16xf32>
          %parallel_loop3A_254 = arith.addf %parallel_loop3A_251, %parallel_loop3A_253 : vector<16xf32>
          %parallel_loop3A_255 = arith.mulf %parallel_loop3A_164, %parallel_loop3A_227 : vector<16xf32>
          %parallel_loop3A_256 = arith.mulf %parallel_loop3A_166, %parallel_loop3A_230 : vector<16xf32>
          %parallel_loop3A_257 = arith.addf %parallel_loop3A_255, %parallel_loop3A_256 : vector<16xf32>
          %parallel_loop3A_258 = arith.mulf %parallel_loop3A_168, %parallel_loop3A_233 : vector<16xf32>
          %parallel_loop3A_259 = arith.addf %parallel_loop3A_258, %parallel_loop3A_236 : vector<16xf32>
          %parallel_loop3A_260 = arith.addf %parallel_loop3A_257, %parallel_loop3A_259 : vector<16xf32>
          %parallel_loop3A_261 = arith.divf %parallel_loop3A_182, %parallel_loop3A_260 : vector<16xf32>
          %parallel_loop3A_262 = arith.mulf %parallel_loop3A_242, %parallel_loop3A_261 : vector<16xf32>
          %parallel_loop3A_263 = arith.addf %parallel_loop3A_178, %parallel_loop3A_262 : vector<16xf32>
          %parallel_loop3A_264 = arith.mulf %parallel_loop3A_248, %parallel_loop3A_261 : vector<16xf32>
          %parallel_loop3A_265 = arith.addf %parallel_loop3A_178, %parallel_loop3A_264 : vector<16xf32>
          %parallel_loop3A_266 = arith.mulf %parallel_loop3A_254, %parallel_loop3A_261 : vector<16xf32>
          %parallel_loop3A_267 = arith.addf %parallel_loop3A_178, %parallel_loop3A_266 : vector<16xf32>
          %parallel_loop3A_268 = arith.mulf %parallel_loop3A_170, %parallel_loop3A_191 : vector<16xf32>
          %parallel_loop3A_269 = arith.mulf %parallel_loop3A_172, %parallel_loop3A_194 : vector<16xf32>
          %parallel_loop3A_270 = arith.addf %parallel_loop3A_268, %parallel_loop3A_269 : vector<16xf32>
          %parallel_loop3A_271 = arith.mulf %parallel_loop3A_174, %parallel_loop3A_197 : vector<16xf32>
          %parallel_loop3A_272 = arith.addf %parallel_loop3A_270, %parallel_loop3A_271 : vector<16xf32>
          %parallel_loop3A_273 = arith.mulf %parallel_loop3A_182, %parallel_loop3A_272 : vector<16xf32>
          %parallel_loop3A_274 = arith.addf %parallel_loop3A_180, %parallel_loop3A_273 : vector<16xf32>
          %parallel_loop3A_275 = arith.mulf %parallel_loop3A_170, %parallel_loop3A_203 : vector<16xf32>
          %parallel_loop3A_276 = arith.mulf %parallel_loop3A_172, %parallel_loop3A_206 : vector<16xf32>
          %parallel_loop3A_277 = arith.addf %parallel_loop3A_275, %parallel_loop3A_276 : vector<16xf32>
          %parallel_loop3A_278 = arith.mulf %parallel_loop3A_174, %parallel_loop3A_209 : vector<16xf32>
          %parallel_loop3A_279 = arith.addf %parallel_loop3A_277, %parallel_loop3A_278 : vector<16xf32>
          %parallel_loop3A_280 = arith.mulf %parallel_loop3A_182, %parallel_loop3A_279 : vector<16xf32>
          %parallel_loop3A_281 = arith.addf %parallel_loop3A_180, %parallel_loop3A_280 : vector<16xf32>
          %parallel_loop3A_282 = arith.mulf %parallel_loop3A_170, %parallel_loop3A_215 : vector<16xf32>
          %parallel_loop3A_283 = arith.mulf %parallel_loop3A_172, %parallel_loop3A_218 : vector<16xf32>
          %parallel_loop3A_284 = arith.addf %parallel_loop3A_282, %parallel_loop3A_283 : vector<16xf32>
          %parallel_loop3A_285 = arith.mulf %parallel_loop3A_174, %parallel_loop3A_221 : vector<16xf32>
          %parallel_loop3A_286 = arith.addf %parallel_loop3A_284, %parallel_loop3A_285 : vector<16xf32>
          %parallel_loop3A_287 = arith.mulf %parallel_loop3A_182, %parallel_loop3A_286 : vector<16xf32>
          %parallel_loop3A_288 = arith.addf %parallel_loop3A_180, %parallel_loop3A_287 : vector<16xf32>
          %parallel_loop3A_289 = arith.index_cast %parallel_loop3A_162 : i32 to index
          %parallel_loop3A_290 = tpu.vector_load %arg39[%parallel_loop3A_289] {strides = array<i32>} : memref<2000xf32, #tpu.memory_space<vmem>>, vector<16xf32>,
          %parallel_loop3A_291 = arith.constant 8 : i32
          %parallel_loop3A_292 = vector.broadcast %parallel_loop3A_291 : i32 to vector<16xi32>
          %parallel_loop3A_293 = arith.shrui %parallel_loop3A_176, %parallel_loop3A_292 : vector<16xi32>
          %parallel_loop3A_294 = arith.constant 255 : i32
          %parallel_loop3A_295 = vector.broadcast %parallel_loop3A_294 : i32 to vector<16xi32>
          %parallel_loop3A_296 = arith.andi %parallel_loop3A_293, %parallel_loop3A_295 : vector<16xi32>
          %parallel_loop3A_297 = arith.constant 0 : i32
          %parallel_loop3A_298 = tpu.memref_slice %arg20[%parallel_loop3A_297] : memref<4096xf32, #tpu.memory_space<vmem>> -> memref<256xf32, #tpu.memory_space<vmem>>
          %parallel_loop3A_299 = tpu.vector_load_idx %parallel_loop3A_298[%parallel_loop3A_296] : memref<256xf32, #tpu.memory_space<vmem>>[vector<16xi32>], vector<16xf32>,
          %parallel_loop3A_300 = arith.constant 256 : i32
          %parallel_loop3A_301 = tpu.memref_slice %arg20[%parallel_loop3A_300] : memref<4096xf32, #tpu.memory_space<vmem>> -> memref<256xf32, #tpu.memory_space<vmem>>
          %parallel_loop3A_302 = tpu.vector_load_idx %parallel_loop3A_301[%parallel_loop3A_296] : memref<256xf32, #tpu.memory_space<vmem>>[vector<16xi32>], vector<16xf32>,
          %parallel_loop3A_303 = arith.constant 512 : i32
          %parallel_loop3A_304 = tpu.memref_slice %arg20[%parallel_loop3A_303] : memref<4096xf32, #tpu.memory_space<vmem>> -> memref<256xf32, #tpu.memory_space<vmem>>
          %parallel_loop3A_305 = tpu.vector_load_idx %parallel_loop3A_304[%parallel_loop3A_296] : memref<256xf32, #tpu.memory_space<vmem>>[vector<16xi32>], vector<16xf32>,
          %parallel_loop3A_306 = arith.constant 768 : i32
          %parallel_loop3A_307 = tpu.memref_slice %arg20[%parallel_loop3A_306] : memref<4096xf32, #tpu.memory_space<vmem>> -> memref<256xf32, #tpu.memory_space<vmem>>
          %parallel_loop3A_308 = tpu.vector_load_idx %parallel_loop3A_307[%parallel_loop3A_296] : memref<256xf32, #tpu.memory_space<vmem>>[vector<16xi32>], vector<16xf32>,
          %parallel_loop3A_309 = arith.constant 1024 : i32
          %parallel_loop3A_310 = tpu.memref_slice %arg20[%parallel_loop3A_309] : memref<4096xf32, #tpu.memory_space<vmem>> -> memref<256xf32, #tpu.memory_space<vmem>>
          %parallel_loop3A_311 = tpu.vector_load_idx %parallel_loop3A_310[%parallel_loop3A_296] : memref<256xf32, #tpu.memory_space<vmem>>[vector<16xi32>], vector<16xf32>,
          %parallel_loop3A_312 = arith.constant 1280 : i32
          %parallel_loop3A_313 = tpu.memref_slice %arg20[%parallel_loop3A_312] : memref<4096xf32, #tpu.memory_space<vmem>> -> memref<256xf32, #tpu.memory_space<vmem>>
          %parallel_loop3A_314 = tpu.vector_load_idx %parallel_loop3A_313[%parallel_loop3A_296] : memref<256xf32, #tpu.memory_space<vmem>>[vector<16xi32>], vector<16xf32>,
          %parallel_loop3A_315 = arith.constant 1536 : i32
          %parallel_loop3A_316 = tpu.memref_slice %arg20[%parallel_loop3A_315] : memref<4096xf32, #tpu.memory_space<vmem>> -> memref<256xf32, #tpu.memory_space<vmem>>
          %parallel_loop3A_317 = tpu.vector_load_idx %parallel_loop3A_316[%parallel_loop3A_296] : memref<256xf32, #tpu.memory_space<vmem>>[vector<16xi32>], vector<16xf32>,
          %parallel_loop3A_318 = arith.constant 1792 : i32
          %parallel_loop3A_319 = tpu.memref_slice %arg20[%parallel_loop3A_318] : memref<4096xf32, #tpu.memory_space<vmem>> -> memref<256xf32, #tpu.memory_space<vmem>>
          %parallel_loop3A_320 = tpu.vector_load_idx %parallel_loop3A_319[%parallel_loop3A_296] : memref<256xf32, #tpu.memory_space<vmem>>[vector<16xi32>], vector<16xf32>,
          %parallel_loop3A_321 = arith.constant 2048 : i32
          %parallel_loop3A_322 = tpu.memref_slice %arg20[%parallel_loop3A_321] : memref<4096xf32, #tpu.memory_space<vmem>> -> memref<256xf32, #tpu.memory_space<vmem>>
          %parallel_loop3A_323 = tpu.vector_load_idx %parallel_loop3A_322[%parallel_loop3A_296] : memref<256xf32, #tpu.memory_space<vmem>>[vector<16xi32>], vector<16xf32>,
          %parallel_loop3A_324 = arith.constant 2304 : i32
          %parallel_loop3A_325 = tpu.memref_slice %arg20[%parallel_loop3A_324] : memref<4096xf32, #tpu.memory_space<vmem>> -> memref<256xf32, #tpu.memory_space<vmem>>
          %parallel_loop3A_326 = tpu.vector_load_idx %parallel_loop3A_325[%parallel_loop3A_296] : memref<256xf32, #tpu.memory_space<vmem>>[vector<16xi32>], vector<16xf32>,
          %parallel_loop3A_327 = arith.constant 2560 : i32
          %parallel_loop3A_328 = tpu.memref_slice %arg20[%parallel_loop3A_327] : memref<4096xf32, #tpu.memory_space<vmem>> -> memref<256xf32, #tpu.memory_space<vmem>>
          %parallel_loop3A_329 = tpu.vector_load_idx %parallel_loop3A_328[%parallel_loop3A_296] : memref<256xf32, #tpu.memory_space<vmem>>[vector<16xi32>], vector<16xf32>,
          %parallel_loop3A_330 = arith.constant 2816 : i32
          %parallel_loop3A_331 = tpu.memref_slice %arg20[%parallel_loop3A_330] : memref<4096xf32, #tpu.memory_space<vmem>> -> memref<256xf32, #tpu.memory_space<vmem>>
          %parallel_loop3A_332 = tpu.vector_load_idx %parallel_loop3A_331[%parallel_loop3A_296] : memref<256xf32, #tpu.memory_space<vmem>>[vector<16xi32>], vector<16xf32>,
          %parallel_loop3A_333 = arith.constant 3072 : i32
          %parallel_loop3A_334 = tpu.memref_slice %arg20[%parallel_loop3A_333] : memref<4096xf32, #tpu.memory_space<vmem>> -> memref<256xf32, #tpu.memory_space<vmem>>
          %parallel_loop3A_335 = tpu.vector_load_idx %parallel_loop3A_334[%parallel_loop3A_296] : memref<256xf32, #tpu.memory_space<vmem>>[vector<16xi32>], vector<16xf32>,
          %parallel_loop3A_336 = arith.constant 3328 : i32
          %parallel_loop3A_337 = tpu.memref_slice %arg20[%parallel_loop3A_336] : memref<4096xf32, #tpu.memory_space<vmem>> -> memref<256xf32, #tpu.memory_space<vmem>>
          %parallel_loop3A_338 = tpu.vector_load_idx %parallel_loop3A_337[%parallel_loop3A_296] : memref<256xf32, #tpu.memory_space<vmem>>[vector<16xi32>], vector<16xf32>,
          %parallel_loop3A_339 = arith.constant 3584 : i32
          %parallel_loop3A_340 = tpu.memref_slice %arg20[%parallel_loop3A_339] : memref<4096xf32, #tpu.memory_space<vmem>> -> memref<256xf32, #tpu.memory_space<vmem>>
          %parallel_loop3A_341 = tpu.vector_load_idx %parallel_loop3A_340[%parallel_loop3A_296] : memref<256xf32, #tpu.memory_space<vmem>>[vector<16xi32>], vector<16xf32>,
          %parallel_loop3A_342 = arith.constant 3840 : i32
          %parallel_loop3A_343 = tpu.memref_slice %arg20[%parallel_loop3A_342] : memref<4096xf32, #tpu.memory_space<vmem>> -> memref<256xf32, #tpu.memory_space<vmem>>
          %parallel_loop3A_344 = tpu.vector_load_idx %parallel_loop3A_343[%parallel_loop3A_296] : memref<256xf32, #tpu.memory_space<vmem>>[vector<16xi32>], vector<16xf32>,
          %parallel_loop3A_345 = arith.mulf %parallel_loop3A_164, %parallel_loop3A_299 : vector<16xf32>
          %parallel_loop3A_346 = arith.mulf %parallel_loop3A_166, %parallel_loop3A_302 : vector<16xf32>
          %parallel_loop3A_347 = arith.addf %parallel_loop3A_345, %parallel_loop3A_346 : vector<16xf32>
          %parallel_loop3A_348 = arith.mulf %parallel_loop3A_168, %parallel_loop3A_305 : vector<16xf32>
          %parallel_loop3A_349 = arith.addf %parallel_loop3A_348, %parallel_loop3A_308 : vector<16xf32>
          %parallel_loop3A_350 = arith.addf %parallel_loop3A_347, %parallel_loop3A_349 : vector<16xf32>
          %parallel_loop3A_351 = arith.mulf %parallel_loop3A_164, %parallel_loop3A_311 : vector<16xf32>
          %parallel_loop3A_352 = arith.mulf %parallel_loop3A_166, %parallel_loop3A_314 : vector<16xf32>
          %parallel_loop3A_353 = arith.addf %parallel_loop3A_351, %parallel_loop3A_352 : vector<16xf32>
          %parallel_loop3A_354 = arith.mulf %parallel_loop3A_168, %parallel_loop3A_317 : vector<16xf32>
          %parallel_loop3A_355 = arith.addf %parallel_loop3A_354, %parallel_loop3A_320 : vector<16xf32>
          %parallel_loop3A_356 = arith.addf %parallel_loop3A_353, %parallel_loop3A_355 : vector<16xf32>
          %parallel_loop3A_357 = arith.mulf %parallel_loop3A_164, %parallel_loop3A_323 : vector<16xf32>
          %parallel_loop3A_358 = arith.mulf %parallel_loop3A_166, %parallel_loop3A_326 : vector<16xf32>
          %parallel_loop3A_359 = arith.addf %parallel_loop3A_357, %parallel_loop3A_358 : vector<16xf32>
          %parallel_loop3A_360 = arith.mulf %parallel_loop3A_168, %parallel_loop3A_329 : vector<16xf32>
          %parallel_loop3A_361 = arith.addf %parallel_loop3A_360, %parallel_loop3A_332 : vector<16xf32>
          %parallel_loop3A_362 = arith.addf %parallel_loop3A_359, %parallel_loop3A_361 : vector<16xf32>
          %parallel_loop3A_363 = arith.mulf %parallel_loop3A_164, %parallel_loop3A_335 : vector<16xf32>
          %parallel_loop3A_364 = arith.mulf %parallel_loop3A_166, %parallel_loop3A_338 : vector<16xf32>
          %parallel_loop3A_365 = arith.addf %parallel_loop3A_363, %parallel_loop3A_364 : vector<16xf32>
          %parallel_loop3A_366 = arith.mulf %parallel_loop3A_168, %parallel_loop3A_341 : vector<16xf32>
          %parallel_loop3A_367 = arith.addf %parallel_loop3A_366, %parallel_loop3A_344 : vector<16xf32>
          %parallel_loop3A_368 = arith.addf %parallel_loop3A_365, %parallel_loop3A_367 : vector<16xf32>
          %parallel_loop3A_369 = arith.divf %parallel_loop3A_290, %parallel_loop3A_368 : vector<16xf32>
          %parallel_loop3A_370 = arith.mulf %parallel_loop3A_350, %parallel_loop3A_369 : vector<16xf32>
          %parallel_loop3A_371 = arith.addf %parallel_loop3A_263, %parallel_loop3A_370 : vector<16xf32>
          %parallel_loop3A_372 = arith.mulf %parallel_loop3A_356, %parallel_loop3A_369 : vector<16xf32>
          %parallel_loop3A_373 = arith.addf %parallel_loop3A_265, %parallel_loop3A_372 : vector<16xf32>
          %parallel_loop3A_374 = arith.mulf %parallel_loop3A_362, %parallel_loop3A_369 : vector<16xf32>
          %parallel_loop3A_375 = arith.addf %parallel_loop3A_267, %parallel_loop3A_374 : vector<16xf32>
          %parallel_loop3A_376 = arith.mulf %parallel_loop3A_170, %parallel_loop3A_299 : vector<16xf32>
          %parallel_loop3A_377 = arith.mulf %parallel_loop3A_172, %parallel_loop3A_302 : vector<16xf32>
          %parallel_loop3A_378 = arith.addf %parallel_loop3A_376, %parallel_loop3A_377 : vector<16xf32>
          %parallel_loop3A_379 = arith.mulf %parallel_loop3A_174, %parallel_loop3A_305 : vector<16xf32>
          %parallel_loop3A_380 = arith.addf %parallel_loop3A_378, %parallel_loop3A_379 : vector<16xf32>
          %parallel_loop3A_381 = arith.mulf %parallel_loop3A_290, %parallel_loop3A_380 : vector<16xf32>
          %parallel_loop3A_382 = arith.addf %parallel_loop3A_274, %parallel_loop3A_381 : vector<16xf32>
          %parallel_loop3A_383 = arith.mulf %parallel_loop3A_170, %parallel_loop3A_311 : vector<16xf32>
          %parallel_loop3A_384 = arith.mulf %parallel_loop3A_172, %parallel_loop3A_314 : vector<16xf32>
          %parallel_loop3A_385 = arith.addf %parallel_loop3A_383, %parallel_loop3A_384 : vector<16xf32>
          %parallel_loop3A_386 = arith.mulf %parallel_loop3A_174, %parallel_loop3A_317 : vector<16xf32>
          %parallel_loop3A_387 = arith.addf %parallel_loop3A_385, %parallel_loop3A_386 : vector<16xf32>
          %parallel_loop3A_388 = arith.mulf %parallel_loop3A_290, %parallel_loop3A_387 : vector<16xf32>
          %parallel_loop3A_389 = arith.addf %parallel_loop3A_281, %parallel_loop3A_388 : vector<16xf32>
          %parallel_loop3A_390 = arith.mulf %parallel_loop3A_170, %parallel_loop3A_323 : vector<16xf32>
          %parallel_loop3A_391 = arith.mulf %parallel_loop3A_172, %parallel_loop3A_326 : vector<16xf32>
          %parallel_loop3A_392 = arith.addf %parallel_loop3A_390, %parallel_loop3A_391 : vector<16xf32>
          %parallel_loop3A_393 = arith.mulf %parallel_loop3A_174, %parallel_loop3A_329 : vector<16xf32>
          %parallel_loop3A_394 = arith.addf %parallel_loop3A_392, %parallel_loop3A_393 : vector<16xf32>
          %parallel_loop3A_395 = arith.mulf %parallel_loop3A_290, %parallel_loop3A_394 : vector<16xf32>
          %parallel_loop3A_396 = arith.addf %parallel_loop3A_288, %parallel_loop3A_395 : vector<16xf32>
          %parallel_loop3A_397 = arith.index_cast %parallel_loop3A_162 : i32 to index
          %parallel_loop3A_398 = tpu.vector_load %arg40[%parallel_loop3A_397] {strides = array<i32>} : memref<2000xf32, #tpu.memory_space<vmem>>, vector<16xf32>,
          %parallel_loop3A_399 = arith.constant 16 : i32
          %parallel_loop3A_400 = vector.broadcast %parallel_loop3A_399 : i32 to vector<16xi32>
          %parallel_loop3A_401 = arith.shrui %parallel_loop3A_176, %parallel_loop3A_400 : vector<16xi32>
          %parallel_loop3A_402 = arith.constant 255 : i32
          %parallel_loop3A_403 = vector.broadcast %parallel_loop3A_402 : i32 to vector<16xi32>
          %parallel_loop3A_404 = arith.andi %parallel_loop3A_401, %parallel_loop3A_403 : vector<16xi32>
          %parallel_loop3A_405 = arith.constant 0 : i32
          %parallel_loop3A_406 = tpu.memref_slice %arg20[%parallel_loop3A_405] : memref<4096xf32, #tpu.memory_space<vmem>> -> memref<256xf32, #tpu.memory_space<vmem>>
          %parallel_loop3A_407 = tpu.vector_load_idx %parallel_loop3A_406[%parallel_loop3A_404] : memref<256xf32, #tpu.memory_space<vmem>>[vector<16xi32>], vector<16xf32>,
          %parallel_loop3A_408 = arith.constant 256 : i32
          %parallel_loop3A_409 = tpu.memref_slice %arg20[%parallel_loop3A_408] : memref<4096xf32, #tpu.memory_space<vmem>> -> memref<256xf32, #tpu.memory_space<vmem>>
          %parallel_loop3A_410 = tpu.vector_load_idx %parallel_loop3A_409[%parallel_loop3A_404] : memref<256xf32, #tpu.memory_space<vmem>>[vector<16xi32>], vector<16xf32>,
          %parallel_loop3A_411 = arith.constant 512 : i32
          %parallel_loop3A_412 = tpu.memref_slice %arg20[%parallel_loop3A_411] : memref<4096xf32, #tpu.memory_space<vmem>> -> memref<256xf32, #tpu.memory_space<vmem>>
          %parallel_loop3A_413 = tpu.vector_load_idx %parallel_loop3A_412[%parallel_loop3A_404] : memref<256xf32, #tpu.memory_space<vmem>>[vector<16xi32>], vector<16xf32>,
          %parallel_loop3A_414 = arith.constant 768 : i32
          %parallel_loop3A_415 = tpu.memref_slice %arg20[%parallel_loop3A_414] : memref<4096xf32, #tpu.memory_space<vmem>> -> memref<256xf32, #tpu.memory_space<vmem>>
          %parallel_loop3A_416 = tpu.vector_load_idx %parallel_loop3A_415[%parallel_loop3A_404] : memref<256xf32, #tpu.memory_space<vmem>>[vector<16xi32>], vector<16xf32>,
          %parallel_loop3A_417 = arith.constant 1024 : i32
          %parallel_loop3A_418 = tpu.memref_slice %arg20[%parallel_loop3A_417] : memref<4096xf32, #tpu.memory_space<vmem>> -> memref<256xf32, #tpu.memory_space<vmem>>
          %parallel_loop3A_419 = tpu.vector_load_idx %parallel_loop3A_418[%parallel_loop3A_404] : memref<256xf32, #tpu.memory_space<vmem>>[vector<16xi32>], vector<16xf32>,
          %parallel_loop3A_420 = arith.constant 1280 : i32
          %parallel_loop3A_421 = tpu.memref_slice %arg20[%parallel_loop3A_420] : memref<4096xf32, #tpu.memory_space<vmem>> -> memref<256xf32, #tpu.memory_space<vmem>>
          %parallel_loop3A_422 = tpu.vector_load_idx %parallel_loop3A_421[%parallel_loop3A_404] : memref<256xf32, #tpu.memory_space<vmem>>[vector<16xi32>], vector<16xf32>,
          %parallel_loop3A_423 = arith.constant 1536 : i32
          %parallel_loop3A_424 = tpu.memref_slice %arg20[%parallel_loop3A_423] : memref<4096xf32, #tpu.memory_space<vmem>> -> memref<256xf32, #tpu.memory_space<vmem>>
          %parallel_loop3A_425 = tpu.vector_load_idx %parallel_loop3A_424[%parallel_loop3A_404] : memref<256xf32, #tpu.memory_space<vmem>>[vector<16xi32>], vector<16xf32>,
          %parallel_loop3A_426 = arith.constant 1792 : i32
          %parallel_loop3A_427 = tpu.memref_slice %arg20[%parallel_loop3A_426] : memref<4096xf32, #tpu.memory_space<vmem>> -> memref<256xf32, #tpu.memory_space<vmem>>
          %parallel_loop3A_428 = tpu.vector_load_idx %parallel_loop3A_427[%parallel_loop3A_404] : memref<256xf32, #tpu.memory_space<vmem>>[vector<16xi32>], vector<16xf32>,
          %parallel_loop3A_429 = arith.constant 2048 : i32
          %parallel_loop3A_430 = tpu.memref_slice %arg20[%parallel_loop3A_429] : memref<4096xf32, #tpu.memory_space<vmem>> -> memref<256xf32, #tpu.memory_space<vmem>>
          %parallel_loop3A_431 = tpu.vector_load_idx %parallel_loop3A_430[%parallel_loop3A_404] : memref<256xf32, #tpu.memory_space<vmem>>[vector<16xi32>], vector<16xf32>,
          %parallel_loop3A_432 = arith.constant 2304 : i32
          %parallel_loop3A_433 = tpu.memref_slice %arg20[%parallel_loop3A_432] : memref<4096xf32, #tpu.memory_space<vmem>> -> memref<256xf32, #tpu.memory_space<vmem>>
          %parallel_loop3A_434 = tpu.vector_load_idx %parallel_loop3A_433[%parallel_loop3A_404] : memref<256xf32, #tpu.memory_space<vmem>>[vector<16xi32>], vector<16xf32>,
          %parallel_loop3A_435 = arith.constant 2560 : i32
          %parallel_loop3A_436 = tpu.memref_slice %arg20[%parallel_loop3A_435] : memref<4096xf32, #tpu.memory_space<vmem>> -> memref<256xf32, #tpu.memory_space<vmem>>
          %parallel_loop3A_437 = tpu.vector_load_idx %parallel_loop3A_436[%parallel_loop3A_404] : memref<256xf32, #tpu.memory_space<vmem>>[vector<16xi32>], vector<16xf32>,
          %parallel_loop3A_438 = arith.constant 2816 : i32
          %parallel_loop3A_439 = tpu.memref_slice %arg20[%parallel_loop3A_438] : memref<4096xf32, #tpu.memory_space<vmem>> -> memref<256xf32, #tpu.memory_space<vmem>>
          %parallel_loop3A_440 = tpu.vector_load_idx %parallel_loop3A_439[%parallel_loop3A_404] : memref<256xf32, #tpu.memory_space<vmem>>[vector<16xi32>], vector<16xf32>,
          %parallel_loop3A_441 = arith.constant 3072 : i32
          %parallel_loop3A_442 = tpu.memref_slice %arg20[%parallel_loop3A_441] : memref<4096xf32, #tpu.memory_space<vmem>> -> memref<256xf32, #tpu.memory_space<vmem>>
          %parallel_loop3A_443 = tpu.vector_load_idx %parallel_loop3A_442[%parallel_loop3A_404] : memref<256xf32, #tpu.memory_space<vmem>>[vector<16xi32>], vector<16xf32>,
          %parallel_loop3A_444 = arith.constant 3328 : i32
          %parallel_loop3A_445 = tpu.memref_slice %arg20[%parallel_loop3A_444] : memref<4096xf32, #tpu.memory_space<vmem>> -> memref<256xf32, #tpu.memory_space<vmem>>
          %parallel_loop3A_446 = tpu.vector_load_idx %parallel_loop3A_445[%parallel_loop3A_404] : memref<256xf32, #tpu.memory_space<vmem>>[vector<16xi32>], vector<16xf32>,
          %parallel_loop3A_447 = arith.constant 3584 : i32
          %parallel_loop3A_448 = tpu.memref_slice %arg20[%parallel_loop3A_447] : memref<4096xf32, #tpu.memory_space<vmem>> -> memref<256xf32, #tpu.memory_space<vmem>>
          %parallel_loop3A_449 = tpu.vector_load_idx %parallel_loop3A_448[%parallel_loop3A_404] : memref<256xf32, #tpu.memory_space<vmem>>[vector<16xi32>], vector<16xf32>,
          %parallel_loop3A_450 = arith.constant 3840 : i32
          %parallel_loop3A_451 = tpu.memref_slice %arg20[%parallel_loop3A_450] : memref<4096xf32, #tpu.memory_space<vmem>> -> memref<256xf32, #tpu.memory_space<vmem>>
          %parallel_loop3A_452 = tpu.vector_load_idx %parallel_loop3A_451[%parallel_loop3A_404] : memref<256xf32, #tpu.memory_space<vmem>>[vector<16xi32>], vector<16xf32>,
          %parallel_loop3A_453 = arith.mulf %parallel_loop3A_164, %parallel_loop3A_407 : vector<16xf32>
          %parallel_loop3A_454 = arith.mulf %parallel_loop3A_166, %parallel_loop3A_410 : vector<16xf32>
          %parallel_loop3A_455 = arith.addf %parallel_loop3A_453, %parallel_loop3A_454 : vector<16xf32>
          %parallel_loop3A_456 = arith.mulf %parallel_loop3A_168, %parallel_loop3A_413 : vector<16xf32>
          %parallel_loop3A_457 = arith.addf %parallel_loop3A_456, %parallel_loop3A_416 : vector<16xf32>
          %parallel_loop3A_458 = arith.addf %parallel_loop3A_455, %parallel_loop3A_457 : vector<16xf32>
          %parallel_loop3A_459 = arith.mulf %parallel_loop3A_164, %parallel_loop3A_419 : vector<16xf32>
          %parallel_loop3A_460 = arith.mulf %parallel_loop3A_166, %parallel_loop3A_422 : vector<16xf32>
          %parallel_loop3A_461 = arith.addf %parallel_loop3A_459, %parallel_loop3A_460 : vector<16xf32>
          %parallel_loop3A_462 = arith.mulf %parallel_loop3A_168, %parallel_loop3A_425 : vector<16xf32>
          %parallel_loop3A_463 = arith.addf %parallel_loop3A_462, %parallel_loop3A_428 : vector<16xf32>
          %parallel_loop3A_464 = arith.addf %parallel_loop3A_461, %parallel_loop3A_463 : vector<16xf32>
          %parallel_loop3A_465 = arith.mulf %parallel_loop3A_164, %parallel_loop3A_431 : vector<16xf32>
          %parallel_loop3A_466 = arith.mulf %parallel_loop3A_166, %parallel_loop3A_434 : vector<16xf32>
          %parallel_loop3A_467 = arith.addf %parallel_loop3A_465, %parallel_loop3A_466 : vector<16xf32>
          %parallel_loop3A_468 = arith.mulf %parallel_loop3A_168, %parallel_loop3A_437 : vector<16xf32>
          %parallel_loop3A_469 = arith.addf %parallel_loop3A_468, %parallel_loop3A_440 : vector<16xf32>
          %parallel_loop3A_470 = arith.addf %parallel_loop3A_467, %parallel_loop3A_469 : vector<16xf32>
          %parallel_loop3A_471 = arith.mulf %parallel_loop3A_164, %parallel_loop3A_443 : vector<16xf32>
          %parallel_loop3A_472 = arith.mulf %parallel_loop3A_166, %parallel_loop3A_446 : vector<16xf32>
          %parallel_loop3A_473 = arith.addf %parallel_loop3A_471, %parallel_loop3A_472 : vector<16xf32>
          %parallel_loop3A_474 = arith.mulf %parallel_loop3A_168, %parallel_loop3A_449 : vector<16xf32>
          %parallel_loop3A_475 = arith.addf %parallel_loop3A_474, %parallel_loop3A_452 : vector<16xf32>
          %parallel_loop3A_476 = arith.addf %parallel_loop3A_473, %parallel_loop3A_475 : vector<16xf32>
          %parallel_loop3A_477 = arith.divf %parallel_loop3A_398, %parallel_loop3A_476 : vector<16xf32>
          %parallel_loop3A_478 = arith.mulf %parallel_loop3A_458, %parallel_loop3A_477 : vector<16xf32>
          %parallel_loop3A_479 = arith.addf %parallel_loop3A_371, %parallel_loop3A_478 : vector<16xf32>
          %parallel_loop3A_480 = arith.mulf %parallel_loop3A_464, %parallel_loop3A_477 : vector<16xf32>
          %parallel_loop3A_481 = arith.addf %parallel_loop3A_373, %parallel_loop3A_480 : vector<16xf32>
          %parallel_loop3A_482 = arith.mulf %parallel_loop3A_470, %parallel_loop3A_477 : vector<16xf32>
          %parallel_loop3A_483 = arith.addf %parallel_loop3A_375, %parallel_loop3A_482 : vector<16xf32>
          %parallel_loop3A_484 = arith.mulf %parallel_loop3A_170, %parallel_loop3A_407 : vector<16xf32>
          %parallel_loop3A_485 = arith.mulf %parallel_loop3A_172, %parallel_loop3A_410 : vector<16xf32>
          %parallel_loop3A_486 = arith.addf %parallel_loop3A_484, %parallel_loop3A_485 : vector<16xf32>
          %parallel_loop3A_487 = arith.mulf %parallel_loop3A_174, %parallel_loop3A_413 : vector<16xf32>
          %parallel_loop3A_488 = arith.addf %parallel_loop3A_486, %parallel_loop3A_487 : vector<16xf32>
          %parallel_loop3A_489 = arith.mulf %parallel_loop3A_398, %parallel_loop3A_488 : vector<16xf32>
          %parallel_loop3A_490 = arith.addf %parallel_loop3A_382, %parallel_loop3A_489 : vector<16xf32>
          %parallel_loop3A_491 = arith.mulf %parallel_loop3A_170, %parallel_loop3A_419 : vector<16xf32>
          %parallel_loop3A_492 = arith.mulf %parallel_loop3A_172, %parallel_loop3A_422 : vector<16xf32>
          %parallel_loop3A_493 = arith.addf %parallel_loop3A_491, %parallel_loop3A_492 : vector<16xf32>
          %parallel_loop3A_494 = arith.mulf %parallel_loop3A_174, %parallel_loop3A_425 : vector<16xf32>
          %parallel_loop3A_495 = arith.addf %parallel_loop3A_493, %parallel_loop3A_494 : vector<16xf32>
          %parallel_loop3A_496 = arith.mulf %parallel_loop3A_398, %parallel_loop3A_495 : vector<16xf32>
          %parallel_loop3A_497 = arith.addf %parallel_loop3A_389, %parallel_loop3A_496 : vector<16xf32>
          %parallel_loop3A_498 = arith.mulf %parallel_loop3A_170, %parallel_loop3A_431 : vector<16xf32>
          %parallel_loop3A_499 = arith.mulf %parallel_loop3A_172, %parallel_loop3A_434 : vector<16xf32>
          %parallel_loop3A_500 = arith.addf %parallel_loop3A_498, %parallel_loop3A_499 : vector<16xf32>
          %parallel_loop3A_501 = arith.mulf %parallel_loop3A_174, %parallel_loop3A_437 : vector<16xf32>
          %parallel_loop3A_502 = arith.addf %parallel_loop3A_500, %parallel_loop3A_501 : vector<16xf32>
          %parallel_loop3A_503 = arith.mulf %parallel_loop3A_398, %parallel_loop3A_502 : vector<16xf32>
          %parallel_loop3A_504 = arith.addf %parallel_loop3A_396, %parallel_loop3A_503 : vector<16xf32>
          %parallel_loop3A_505 = arith.index_cast %parallel_loop3A_162 : i32 to index
          %parallel_loop3A_506 = tpu.vector_load %arg41[%parallel_loop3A_505] {strides = array<i32>} : memref<2000xf32, #tpu.memory_space<vmem>>, vector<16xf32>,
          %parallel_loop3A_507 = arith.constant 24 : i32
          %parallel_loop3A_508 = vector.broadcast %parallel_loop3A_507 : i32 to vector<16xi32>
          %parallel_loop3A_509 = arith.shrui %parallel_loop3A_176, %parallel_loop3A_508 : vector<16xi32>
          %parallel_loop3A_510 = arith.constant 255 : i32
          %parallel_loop3A_511 = vector.broadcast %parallel_loop3A_510 : i32 to vector<16xi32>
          %parallel_loop3A_512 = arith.andi %parallel_loop3A_509, %parallel_loop3A_511 : vector<16xi32>
          %parallel_loop3A_513 = arith.constant 0 : i32
          %parallel_loop3A_514 = tpu.memref_slice %arg20[%parallel_loop3A_513] : memref<4096xf32, #tpu.memory_space<vmem>> -> memref<256xf32, #tpu.memory_space<vmem>>
          %parallel_loop3A_515 = tpu.vector_load_idx %parallel_loop3A_514[%parallel_loop3A_512] : memref<256xf32, #tpu.memory_space<vmem>>[vector<16xi32>], vector<16xf32>,
          %parallel_loop3A_516 = arith.constant 256 : i32
          %parallel_loop3A_517 = tpu.memref_slice %arg20[%parallel_loop3A_516] : memref<4096xf32, #tpu.memory_space<vmem>> -> memref<256xf32, #tpu.memory_space<vmem>>
          %parallel_loop3A_518 = tpu.vector_load_idx %parallel_loop3A_517[%parallel_loop3A_512] : memref<256xf32, #tpu.memory_space<vmem>>[vector<16xi32>], vector<16xf32>,
          %parallel_loop3A_519 = arith.constant 512 : i32
          %parallel_loop3A_520 = tpu.memref_slice %arg20[%parallel_loop3A_519] : memref<4096xf32, #tpu.memory_space<vmem>> -> memref<256xf32, #tpu.memory_space<vmem>>
          %parallel_loop3A_521 = tpu.vector_load_idx %parallel_loop3A_520[%parallel_loop3A_512] : memref<256xf32, #tpu.memory_space<vmem>>[vector<16xi32>], vector<16xf32>,
          %parallel_loop3A_522 = arith.constant 768 : i32
          %parallel_loop3A_523 = tpu.memref_slice %arg20[%parallel_loop3A_522] : memref<4096xf32, #tpu.memory_space<vmem>> -> memref<256xf32, #tpu.memory_space<vmem>>
          %parallel_loop3A_524 = tpu.vector_load_idx %parallel_loop3A_523[%parallel_loop3A_512] : memref<256xf32, #tpu.memory_space<vmem>>[vector<16xi32>], vector<16xf32>,
          %parallel_loop3A_525 = arith.constant 1024 : i32
          %parallel_loop3A_526 = tpu.memref_slice %arg20[%parallel_loop3A_525] : memref<4096xf32, #tpu.memory_space<vmem>> -> memref<256xf32, #tpu.memory_space<vmem>>
          %parallel_loop3A_527 = tpu.vector_load_idx %parallel_loop3A_526[%parallel_loop3A_512] : memref<256xf32, #tpu.memory_space<vmem>>[vector<16xi32>], vector<16xf32>,
          %parallel_loop3A_528 = arith.constant 1280 : i32
          %parallel_loop3A_529 = tpu.memref_slice %arg20[%parallel_loop3A_528] : memref<4096xf32, #tpu.memory_space<vmem>> -> memref<256xf32, #tpu.memory_space<vmem>>
          %parallel_loop3A_530 = tpu.vector_load_idx %parallel_loop3A_529[%parallel_loop3A_512] : memref<256xf32, #tpu.memory_space<vmem>>[vector<16xi32>], vector<16xf32>,
          %parallel_loop3A_531 = arith.constant 1536 : i32
          %parallel_loop3A_532 = tpu.memref_slice %arg20[%parallel_loop3A_531] : memref<4096xf32, #tpu.memory_space<vmem>> -> memref<256xf32, #tpu.memory_space<vmem>>
          %parallel_loop3A_533 = tpu.vector_load_idx %parallel_loop3A_532[%parallel_loop3A_512] : memref<256xf32, #tpu.memory_space<vmem>>[vector<16xi32>], vector<16xf32>,
          %parallel_loop3A_534 = arith.constant 1792 : i32
          %parallel_loop3A_535 = tpu.memref_slice %arg20[%parallel_loop3A_534] : memref<4096xf32, #tpu.memory_space<vmem>> -> memref<256xf32, #tpu.memory_space<vmem>>
          %parallel_loop3A_536 = tpu.vector_load_idx %parallel_loop3A_535[%parallel_loop3A_512] : memref<256xf32, #tpu.memory_space<vmem>>[vector<16xi32>], vector<16xf32>,
          %parallel_loop3A_537 = arith.constant 2048 : i32
          %parallel_loop3A_538 = tpu.memref_slice %arg20[%parallel_loop3A_537] : memref<4096xf32, #tpu.memory_space<vmem>> -> memref<256xf32, #tpu.memory_space<vmem>>
          %parallel_loop3A_539 = tpu.vector_load_idx %parallel_loop3A_538[%parallel_loop3A_512] : memref<256xf32, #tpu.memory_space<vmem>>[vector<16xi32>], vector<16xf32>,
          %parallel_loop3A_540 = arith.constant 2304 : i32
          %parallel_loop3A_541 = tpu.memref_slice %arg20[%parallel_loop3A_540] : memref<4096xf32, #tpu.memory_space<vmem>> -> memref<256xf32, #tpu.memory_space<vmem>>
          %parallel_loop3A_542 = tpu.vector_load_idx %parallel_loop3A_541[%parallel_loop3A_512] : memref<256xf32, #tpu.memory_space<vmem>>[vector<16xi32>], vector<16xf32>,
          %parallel_loop3A_543 = arith.constant 2560 : i32
          %parallel_loop3A_544 = tpu.memref_slice %arg20[%parallel_loop3A_543] : memref<4096xf32, #tpu.memory_space<vmem>> -> memref<256xf32, #tpu.memory_space<vmem>>
          %parallel_loop3A_545 = tpu.vector_load_idx %parallel_loop3A_544[%parallel_loop3A_512] : memref<256xf32, #tpu.memory_space<vmem>>[vector<16xi32>], vector<16xf32>,
          %parallel_loop3A_546 = arith.constant 2816 : i32
          %parallel_loop3A_547 = tpu.memref_slice %arg20[%parallel_loop3A_546] : memref<4096xf32, #tpu.memory_space<vmem>> -> memref<256xf32, #tpu.memory_space<vmem>>
          %parallel_loop3A_548 = tpu.vector_load_idx %parallel_loop3A_547[%parallel_loop3A_512] : memref<256xf32, #tpu.memory_space<vmem>>[vector<16xi32>], vector<16xf32>,
          %parallel_loop3A_549 = arith.constant 3072 : i32
          %parallel_loop3A_550 = tpu.memref_slice %arg20[%parallel_loop3A_549] : memref<4096xf32, #tpu.memory_space<vmem>> -> memref<256xf32, #tpu.memory_space<vmem>>
          %parallel_loop3A_551 = tpu.vector_load_idx %parallel_loop3A_550[%parallel_loop3A_512] : memref<256xf32, #tpu.memory_space<vmem>>[vector<16xi32>], vector<16xf32>,
          %parallel_loop3A_552 = arith.constant 3328 : i32
          %parallel_loop3A_553 = tpu.memref_slice %arg20[%parallel_loop3A_552] : memref<4096xf32, #tpu.memory_space<vmem>> -> memref<256xf32, #tpu.memory_space<vmem>>
          %parallel_loop3A_554 = tpu.vector_load_idx %parallel_loop3A_553[%parallel_loop3A_512] : memref<256xf32, #tpu.memory_space<vmem>>[vector<16xi32>], vector<16xf32>,
          %parallel_loop3A_555 = arith.constant 3584 : i32
          %parallel_loop3A_556 = tpu.memref_slice %arg20[%parallel_loop3A_555] : memref<4096xf32, #tpu.memory_space<vmem>> -> memref<256xf32, #tpu.memory_space<vmem>>
          %parallel_loop3A_557 = tpu.vector_load_idx %parallel_loop3A_556[%parallel_loop3A_512] : memref<256xf32, #tpu.memory_space<vmem>>[vector<16xi32>], vector<16xf32>,
          %parallel_loop3A_558 = arith.constant 3840 : i32
          %parallel_loop3A_559 = tpu.memref_slice %arg20[%parallel_loop3A_558] : memref<4096xf32, #tpu.memory_space<vmem>> -> memref<256xf32, #tpu.memory_space<vmem>>
          %parallel_loop3A_560 = tpu.vector_load_idx %parallel_loop3A_559[%parallel_loop3A_512] : memref<256xf32, #tpu.memory_space<vmem>>[vector<16xi32>], vector<16xf32>,
          %parallel_loop3A_561 = arith.mulf %parallel_loop3A_164, %parallel_loop3A_515 : vector<16xf32>
          %parallel_loop3A_562 = arith.mulf %parallel_loop3A_166, %parallel_loop3A_518 : vector<16xf32>
          %parallel_loop3A_563 = arith.addf %parallel_loop3A_561, %parallel_loop3A_562 : vector<16xf32>
          %parallel_loop3A_564 = arith.mulf %parallel_loop3A_168, %parallel_loop3A_521 : vector<16xf32>
          %parallel_loop3A_565 = arith.addf %parallel_loop3A_564, %parallel_loop3A_524 : vector<16xf32>
          %parallel_loop3A_566 = arith.addf %parallel_loop3A_563, %parallel_loop3A_565 : vector<16xf32>
          %parallel_loop3A_567 = arith.mulf %parallel_loop3A_164, %parallel_loop3A_527 : vector<16xf32>
          %parallel_loop3A_568 = arith.mulf %parallel_loop3A_166, %parallel_loop3A_530 : vector<16xf32>
          %parallel_loop3A_569 = arith.addf %parallel_loop3A_567, %parallel_loop3A_568 : vector<16xf32>
          %parallel_loop3A_570 = arith.mulf %parallel_loop3A_168, %parallel_loop3A_533 : vector<16xf32>
          %parallel_loop3A_571 = arith.addf %parallel_loop3A_570, %parallel_loop3A_536 : vector<16xf32>
          %parallel_loop3A_572 = arith.addf %parallel_loop3A_569, %parallel_loop3A_571 : vector<16xf32>
          %parallel_loop3A_573 = arith.mulf %parallel_loop3A_164, %parallel_loop3A_539 : vector<16xf32>
          %parallel_loop3A_574 = arith.mulf %parallel_loop3A_166, %parallel_loop3A_542 : vector<16xf32>
          %parallel_loop3A_575 = arith.addf %parallel_loop3A_573, %parallel_loop3A_574 : vector<16xf32>
          %parallel_loop3A_576 = arith.mulf %parallel_loop3A_168, %parallel_loop3A_545 : vector<16xf32>
          %parallel_loop3A_577 = arith.addf %parallel_loop3A_576, %parallel_loop3A_548 : vector<16xf32>
          %parallel_loop3A_578 = arith.addf %parallel_loop3A_575, %parallel_loop3A_577 : vector<16xf32>
          %parallel_loop3A_579 = arith.mulf %parallel_loop3A_164, %parallel_loop3A_551 : vector<16xf32>
          %parallel_loop3A_580 = arith.mulf %parallel_loop3A_166, %parallel_loop3A_554 : vector<16xf32>
          %parallel_loop3A_581 = arith.addf %parallel_loop3A_579, %parallel_loop3A_580 : vector<16xf32>
          %parallel_loop3A_582 = arith.mulf %parallel_loop3A_168, %parallel_loop3A_557 : vector<16xf32>
          %parallel_loop3A_583 = arith.addf %parallel_loop3A_582, %parallel_loop3A_560 : vector<16xf32>
          %parallel_loop3A_584 = arith.addf %parallel_loop3A_581, %parallel_loop3A_583 : vector<16xf32>
          %parallel_loop3A_585 = arith.divf %parallel_loop3A_506, %parallel_loop3A_584 : vector<16xf32>
          %parallel_loop3A_586 = arith.mulf %parallel_loop3A_566, %parallel_loop3A_585 : vector<16xf32>
          %parallel_loop3A_587 = arith.addf %parallel_loop3A_479, %parallel_loop3A_586 : vector<16xf32>
          %parallel_loop3A_588 = arith.mulf %parallel_loop3A_572, %parallel_loop3A_585 : vector<16xf32>
          %parallel_loop3A_589 = arith.addf %parallel_loop3A_481, %parallel_loop3A_588 : vector<16xf32>
          %parallel_loop3A_590 = arith.mulf %parallel_loop3A_578, %parallel_loop3A_585 : vector<16xf32>
          %parallel_loop3A_591 = arith.addf %parallel_loop3A_483, %parallel_loop3A_590 : vector<16xf32>
          %parallel_loop3A_592 = arith.mulf %parallel_loop3A_170, %parallel_loop3A_515 : vector<16xf32>
          %parallel_loop3A_593 = arith.mulf %parallel_loop3A_172, %parallel_loop3A_518 : vector<16xf32>
          %parallel_loop3A_594 = arith.addf %parallel_loop3A_592, %parallel_loop3A_593 : vector<16xf32>
          %parallel_loop3A_595 = arith.mulf %parallel_loop3A_174, %parallel_loop3A_521 : vector<16xf32>
          %parallel_loop3A_596 = arith.addf %parallel_loop3A_594, %parallel_loop3A_595 : vector<16xf32>
          %parallel_loop3A_597 = arith.mulf %parallel_loop3A_506, %parallel_loop3A_596 : vector<16xf32>
          %parallel_loop3A_598 = arith.addf %parallel_loop3A_490, %parallel_loop3A_597 : vector<16xf32>
          %parallel_loop3A_599 = arith.mulf %parallel_loop3A_170, %parallel_loop3A_527 : vector<16xf32>
          %parallel_loop3A_600 = arith.mulf %parallel_loop3A_172, %parallel_loop3A_530 : vector<16xf32>
          %parallel_loop3A_601 = arith.addf %parallel_loop3A_599, %parallel_loop3A_600 : vector<16xf32>
          %parallel_loop3A_602 = arith.mulf %parallel_loop3A_174, %parallel_loop3A_533 : vector<16xf32>
          %parallel_loop3A_603 = arith.addf %parallel_loop3A_601, %parallel_loop3A_602 : vector<16xf32>
          %parallel_loop3A_604 = arith.mulf %parallel_loop3A_506, %parallel_loop3A_603 : vector<16xf32>
          %parallel_loop3A_605 = arith.addf %parallel_loop3A_497, %parallel_loop3A_604 : vector<16xf32>
          %parallel_loop3A_606 = arith.mulf %parallel_loop3A_170, %parallel_loop3A_539 : vector<16xf32>
          %parallel_loop3A_607 = arith.mulf %parallel_loop3A_172, %parallel_loop3A_542 : vector<16xf32>
          %parallel_loop3A_608 = arith.addf %parallel_loop3A_606, %parallel_loop3A_607 : vector<16xf32>
          %parallel_loop3A_609 = arith.mulf %parallel_loop3A_174, %parallel_loop3A_545 : vector<16xf32>
          %parallel_loop3A_610 = arith.addf %parallel_loop3A_608, %parallel_loop3A_609 : vector<16xf32>
          %parallel_loop3A_611 = arith.mulf %parallel_loop3A_506, %parallel_loop3A_610 : vector<16xf32>
          %parallel_loop3A_612 = arith.addf %parallel_loop3A_504, %parallel_loop3A_611 : vector<16xf32>
          %parallel_loop3A_613 = arith.index_cast %parallel_loop3A_162 : i32 to index
          %parallel_loop3A_614 = tpu.vector_load %arg49[%parallel_loop3A_613] {strides = array<i32>} : memref<2000xf32, #tpu.memory_space<vmem>>, vector<16xf32>,
          tpu.vector_store %arg49[%parallel_loop3A_613], %parallel_loop3A_587 {strides = array<i32>} : memref<2000xf32, #tpu.memory_space<vmem>>, vector<16xf32>,
          %parallel_loop3A_615 = arith.index_cast %parallel_loop3A_162 : i32 to index
          %parallel_loop3A_616 = tpu.vector_load %arg50[%parallel_loop3A_615] {strides = array<i32>} : memref<2000xf32, #tpu.memory_space<vmem>>, vector<16xf32>,
          tpu.vector_store %arg50[%parallel_loop3A_615], %parallel_loop3A_589 {strides = array<i32>} : memref<2000xf32, #tpu.memory_space<vmem>>, vector<16xf32>,
          %parallel_loop3A_617 = arith.index_cast %parallel_loop3A_162 : i32 to index
          %parallel_loop3A_618 = tpu.vector_load %arg51[%parallel_loop3A_617] {strides = array<i32>} : memref<2000xf32, #tpu.memory_space<vmem>>, vector<16xf32>,
          tpu.vector_store %arg51[%parallel_loop3A_617], %parallel_loop3A_591 {strides = array<i32>} : memref<2000xf32, #tpu.memory_space<vmem>>, vector<16xf32>,
          %parallel_loop3A_619 = arith.index_cast %parallel_loop3A_162 : i32 to index
          %parallel_loop3A_620 = tpu.vector_load %arg52[%parallel_loop3A_619] {strides = array<i32>} : memref<2000xf32, #tpu.memory_space<vmem>>, vector<16xf32>,
          tpu.vector_store %arg52[%parallel_loop3A_619], %parallel_loop3A_598 {strides = array<i32>} : memref<2000xf32, #tpu.memory_space<vmem>>, vector<16xf32>,
          %parallel_loop3A_621 = arith.index_cast %parallel_loop3A_162 : i32 to index
          %parallel_loop3A_622 = tpu.vector_load %arg53[%parallel_loop3A_621] {strides = array<i32>} : memref<2000xf32, #tpu.memory_space<vmem>>, vector<16xf32>,
          tpu.vector_store %arg53[%parallel_loop3A_621], %parallel_loop3A_605 {strides = array<i32>} : memref<2000xf32, #tpu.memory_space<vmem>>, vector<16xf32>,
          %parallel_loop3A_623 = arith.index_cast %parallel_loop3A_162 : i32 to index
          %parallel_loop3A_624 = tpu.vector_load %arg54[%parallel_loop3A_623] {strides = array<i32>} : memref<2000xf32, #tpu.memory_space<vmem>>, vector<16xf32>,
          tpu.vector_store %arg54[%parallel_loop3A_623], %parallel_loop3A_612 {strides = array<i32>} : memref<2000xf32, #tpu.memory_space<vmem>>, vector<16xf32>,
        } {sc.loop_unroll_factor = 4 : i64, sc.parallel_access}
        %mul3A_143 = arith.constant 32 : i32
        %mul3A_144 = arith.muli %add3A_121, %mul3A_143 : i32
        %add3A_145 = arith.addi %add3A, %mul3A_144 : i32
        %mul3A_146 = arith.constant 2000 : i32
        %mul3A_147 = arith.muli %add3A_145, %mul3A_146 : i32
        %dma_start3A_148 = tpu.memref_slice %arg14[%mul3A_147] : memref<1000000xf32, #tpu.memory_space<hbm>> -> memref<2000xf32, #tpu.memory_space<hbm>>
        %dma_start3A_149 = tpu.memref_slice %arg14[%mul3A_147] : memref<1000000xf32, #tpu.memory_space<hbm>> -> memref<2000xf32, #tpu.memory_space<hbm>>
        tpu.enqueue_dma source(%arg49 : memref<2000xf32, #tpu.memory_space<vmem>>) target(%dma_start3A_149 : memref<2000xf32, #tpu.memory_space<hbm>>) target_semaphore(%arg58 : memref<!tpu.dma_semaphore, #tpu.memory_space<semaphore_mem>>)
        %dma_start3A_150 = tpu.memref_slice %arg15[%mul3A_147] : memref<1000000xf32, #tpu.memory_space<hbm>> -> memref<2000xf32, #tpu.memory_space<hbm>>
        %dma_start3A_151 = tpu.memref_slice %arg15[%mul3A_147] : memref<1000000xf32, #tpu.memory_space<hbm>> -> memref<2000xf32, #tpu.memory_space<hbm>>
        tpu.enqueue_dma source(%arg50 : memref<2000xf32, #tpu.memory_space<vmem>>) target(%dma_start3A_151 : memref<2000xf32, #tpu.memory_space<hbm>>) target_semaphore(%arg58 : memref<!tpu.dma_semaphore, #tpu.memory_space<semaphore_mem>>)
        %dma_start3A_152 = tpu.memref_slice %arg16[%mul3A_147] : memref<1000000xf32, #tpu.memory_space<hbm>> -> memref<2000xf32, #tpu.memory_space<hbm>>
        %dma_start3A_153 = tpu.memref_slice %arg16[%mul3A_147] : memref<1000000xf32, #tpu.memory_space<hbm>> -> memref<2000xf32, #tpu.memory_space<hbm>>
        tpu.enqueue_dma source(%arg51 : memref<2000xf32, #tpu.memory_space<vmem>>) target(%dma_start3A_153 : memref<2000xf32, #tpu.memory_space<hbm>>) target_semaphore(%arg58 : memref<!tpu.dma_semaphore, #tpu.memory_space<semaphore_mem>>)
        %dma_start3A_154 = tpu.memref_slice %arg17[%mul3A_147] : memref<1000000xf32, #tpu.memory_space<hbm>> -> memref<2000xf32, #tpu.memory_space<hbm>>
        %dma_start3A_155 = tpu.memref_slice %arg17[%mul3A_147] : memref<1000000xf32, #tpu.memory_space<hbm>> -> memref<2000xf32, #tpu.memory_space<hbm>>
        tpu.enqueue_dma source(%arg52 : memref<2000xf32, #tpu.memory_space<vmem>>) target(%dma_start3A_155 : memref<2000xf32, #tpu.memory_space<hbm>>) target_semaphore(%arg58 : memref<!tpu.dma_semaphore, #tpu.memory_space<semaphore_mem>>)
        %dma_start3A_156 = tpu.memref_slice %arg18[%mul3A_147] : memref<1000000xf32, #tpu.memory_space<hbm>> -> memref<2000xf32, #tpu.memory_space<hbm>>
        %dma_start3A_157 = tpu.memref_slice %arg18[%mul3A_147] : memref<1000000xf32, #tpu.memory_space<hbm>> -> memref<2000xf32, #tpu.memory_space<hbm>>
        tpu.enqueue_dma source(%arg53 : memref<2000xf32, #tpu.memory_space<vmem>>) target(%dma_start3A_157 : memref<2000xf32, #tpu.memory_space<hbm>>) target_semaphore(%arg58 : memref<!tpu.dma_semaphore, #tpu.memory_space<semaphore_mem>>)
        %dma_start3A_158 = tpu.memref_slice %arg19[%mul3A_147] : memref<1000000xf32, #tpu.memory_space<hbm>> -> memref<2000xf32, #tpu.memory_space<hbm>>
        %dma_start3A_159 = tpu.memref_slice %arg19[%mul3A_147] : memref<1000000xf32, #tpu.memory_space<hbm>> -> memref<2000xf32, #tpu.memory_space<hbm>>
        tpu.enqueue_dma source(%arg54 : memref<2000xf32, #tpu.memory_space<vmem>>) target(%dma_start3A_159 : memref<2000xf32, #tpu.memory_space<hbm>>) target_semaphore(%arg58 : memref<!tpu.dma_semaphore, #tpu.memory_space<semaphore_mem>>)
      } else {
      }
    }
    %scan3A_50 = arith.constant 8 : i32
    %dma_wait3A = arith.constant 0 : i32
    %dma_wait3A_51 = tpu.memref_slice %arg14[%dma_wait3A] : memref<1000000xf32, #tpu.memory_space<hbm>> -> memref<2000xf32, #tpu.memory_space<hbm>>
    %dma_wait3A_52 = arith.constant 0 : i32
    %dma_wait3A_53 = tpu.memref_slice %arg14[%dma_wait3A_52] : memref<1000000xf32, #tpu.memory_space<hbm>> -> memref<2000xf32, #tpu.memory_space<hbm>>
    tpu.wait_dma2 semaphore(%arg57 : memref<!tpu.dma_semaphore, #tpu.memory_space<semaphore_mem>>) src(%arg43 : memref<2000xf32, #tpu.memory_space<vmem>>) dst(%dma_wait3A_53 : memref<2000xf32, #tpu.memory_space<hbm>>)
    %dma_wait3A_54 = arith.constant 0 : i32
    %dma_wait3A_55 = tpu.memref_slice %arg15[%dma_wait3A_54] : memref<1000000xf32, #tpu.memory_space<hbm>> -> memref<2000xf32, #tpu.memory_space<hbm>>
    %dma_wait3A_56 = arith.constant 0 : i32
    %dma_wait3A_57 = tpu.memref_slice %arg15[%dma_wait3A_56] : memref<1000000xf32, #tpu.memory_space<hbm>> -> memref<2000xf32, #tpu.memory_space<hbm>>
    tpu.wait_dma2 semaphore(%arg57 : memref<!tpu.dma_semaphore, #tpu.memory_space<semaphore_mem>>) src(%arg44 : memref<2000xf32, #tpu.memory_space<vmem>>) dst(%dma_wait3A_57 : memref<2000xf32, #tpu.memory_space<hbm>>)
    %dma_wait3A_58 = arith.constant 0 : i32
    %dma_wait3A_59 = tpu.memref_slice %arg16[%dma_wait3A_58] : memref<1000000xf32, #tpu.memory_space<hbm>> -> memref<2000xf32, #tpu.memory_space<hbm>>
    %dma_wait3A_60 = arith.constant 0 : i32
    %dma_wait3A_61 = tpu.memref_slice %arg16[%dma_wait3A_60] : memref<1000000xf32, #tpu.memory_space<hbm>> -> memref<2000xf32, #tpu.memory_space<hbm>>
    tpu.wait_dma2 semaphore(%arg57 : memref<!tpu.dma_semaphore, #tpu.memory_space<semaphore_mem>>) src(%arg45 : memref<2000xf32, #tpu.memory_space<vmem>>) dst(%dma_wait3A_61 : memref<2000xf32, #tpu.memory_space<hbm>>)
    %dma_wait3A_62 = arith.constant 0 : i32
    %dma_wait3A_63 = tpu.memref_slice %arg17[%dma_wait3A_62] : memref<1000000xf32, #tpu.memory_space<hbm>> -> memref<2000xf32, #tpu.memory_space<hbm>>
    %dma_wait3A_64 = arith.constant 0 : i32
    %dma_wait3A_65 = tpu.memref_slice %arg17[%dma_wait3A_64] : memref<1000000xf32, #tpu.memory_space<hbm>> -> memref<2000xf32, #tpu.memory_space<hbm>>
    tpu.wait_dma2 semaphore(%arg57 : memref<!tpu.dma_semaphore, #tpu.memory_space<semaphore_mem>>) src(%arg46 : memref<2000xf32, #tpu.memory_space<vmem>>) dst(%dma_wait3A_65 : memref<2000xf32, #tpu.memory_space<hbm>>)
    %dma_wait3A_66 = arith.constant 0 : i32
    %dma_wait3A_67 = tpu.memref_slice %arg18[%dma_wait3A_66] : memref<1000000xf32, #tpu.memory_space<hbm>> -> memref<2000xf32, #tpu.memory_space<hbm>>
    %dma_wait3A_68 = arith.constant 0 : i32
    %dma_wait3A_69 = tpu.memref_slice %arg18[%dma_wait3A_68] : memref<1000000xf32, #tpu.memory_space<hbm>> -> memref<2000xf32, #tpu.memory_space<hbm>>
    tpu.wait_dma2 semaphore(%arg57 : memref<!tpu.dma_semaphore, #tpu.memory_space<semaphore_mem>>) src(%arg47 : memref<2000xf32, #tpu.memory_space<vmem>>) dst(%dma_wait3A_69 : memref<2000xf32, #tpu.memory_space<hbm>>)
    %dma_wait3A_70 = arith.constant 0 : i32
    %dma_wait3A_71 = tpu.memref_slice %arg19[%dma_wait3A_70] : memref<1000000xf32, #tpu.memory_space<hbm>> -> memref<2000xf32, #tpu.memory_space<hbm>>
    %dma_wait3A_72 = arith.constant 0 : i32
    %dma_wait3A_73 = tpu.memref_slice %arg19[%dma_wait3A_72] : memref<1000000xf32, #tpu.memory_space<hbm>> -> memref<2000xf32, #tpu.memory_space<hbm>>
    tpu.wait_dma2 semaphore(%arg57 : memref<!tpu.dma_semaphore, #tpu.memory_space<semaphore_mem>>) src(%arg48 : memref<2000xf32, #tpu.memory_space<vmem>>) dst(%dma_wait3A_73 : memref<2000xf32, #tpu.memory_space<hbm>>)
    %dma_wait3A_74 = arith.constant 0 : i32
    %dma_wait3A_75 = tpu.memref_slice %arg14[%dma_wait3A_74] : memref<1000000xf32, #tpu.memory_space<hbm>> -> memref<2000xf32, #tpu.memory_space<hbm>>
    %dma_wait3A_76 = arith.constant 0 : i32
    %dma_wait3A_77 = tpu.memref_slice %arg14[%dma_wait3A_76] : memref<1000000xf32, #tpu.memory_space<hbm>> -> memref<2000xf32, #tpu.memory_space<hbm>>
    tpu.wait_dma2 semaphore(%arg58 : memref<!tpu.dma_semaphore, #tpu.memory_space<semaphore_mem>>) src(%arg49 : memref<2000xf32, #tpu.memory_space<vmem>>) dst(%dma_wait3A_77 : memref<2000xf32, #tpu.memory_space<hbm>>)
    %dma_wait3A_78 = arith.constant 0 : i32
    %dma_wait3A_79 = tpu.memref_slice %arg15[%dma_wait3A_78] : memref<1000000xf32, #tpu.memory_space<hbm>> -> memref<2000xf32, #tpu.memory_space<hbm>>
    %dma_wait3A_80 = arith.constant 0 : i32
    %dma_wait3A_81 = tpu.memref_slice %arg15[%dma_wait3A_80] : memref<1000000xf32, #tpu.memory_space<hbm>> -> memref<2000xf32, #tpu.memory_space<hbm>>
    tpu.wait_dma2 semaphore(%arg58 : memref<!tpu.dma_semaphore, #tpu.memory_space<semaphore_mem>>) src(%arg50 : memref<2000xf32, #tpu.memory_space<vmem>>) dst(%dma_wait3A_81 : memref<2000xf32, #tpu.memory_space<hbm>>)
    %dma_wait3A_82 = arith.constant 0 : i32
    %dma_wait3A_83 = tpu.memref_slice %arg16[%dma_wait3A_82] : memref<1000000xf32, #tpu.memory_space<hbm>> -> memref<2000xf32, #tpu.memory_space<hbm>>
    %dma_wait3A_84 = arith.constant 0 : i32
    %dma_wait3A_85 = tpu.memref_slice %arg16[%dma_wait3A_84] : memref<1000000xf32, #tpu.memory_space<hbm>> -> memref<2000xf32, #tpu.memory_space<hbm>>
    tpu.wait_dma2 semaphore(%arg58 : memref<!tpu.dma_semaphore, #tpu.memory_space<semaphore_mem>>) src(%arg51 : memref<2000xf32, #tpu.memory_space<vmem>>) dst(%dma_wait3A_85 : memref<2000xf32, #tpu.memory_space<hbm>>)
    %dma_wait3A_86 = arith.constant 0 : i32
    %dma_wait3A_87 = tpu.memref_slice %arg17[%dma_wait3A_86] : memref<1000000xf32, #tpu.memory_space<hbm>> -> memref<2000xf32, #tpu.memory_space<hbm>>
    %dma_wait3A_88 = arith.constant 0 : i32
    %dma_wait3A_89 = tpu.memref_slice %arg17[%dma_wait3A_88] : memref<1000000xf32, #tpu.memory_space<hbm>> -> memref<2000xf32, #tpu.memory_space<hbm>>
    tpu.wait_dma2 semaphore(%arg58 : memref<!tpu.dma_semaphore, #tpu.memory_space<semaphore_mem>>) src(%arg52 : memref<2000xf32, #tpu.memory_space<vmem>>) dst(%dma_wait3A_89 : memref<2000xf32, #tpu.memory_space<hbm>>)
    %dma_wait3A_90 = arith.constant 0 : i32
    %dma_wait3A_91 = tpu.memref_slice %arg18[%dma_wait3A_90] : memref<1000000xf32, #tpu.memory_space<hbm>> -> memref<2000xf32, #tpu.memory_space<hbm>>
    %dma_wait3A_92 = arith.constant 0 : i32
    %dma_wait3A_93 = tpu.memref_slice %arg18[%dma_wait3A_92] : memref<1000000xf32, #tpu.memory_space<hbm>> -> memref<2000xf32, #tpu.memory_space<hbm>>
    tpu.wait_dma2 semaphore(%arg58 : memref<!tpu.dma_semaphore, #tpu.memory_space<semaphore_mem>>) src(%arg53 : memref<2000xf32, #tpu.memory_space<vmem>>) dst(%dma_wait3A_93 : memref<2000xf32, #tpu.memory_space<hbm>>)
    %dma_wait3A_94 = arith.constant 0 : i32
    %dma_wait3A_95 = tpu.memref_slice %arg19[%dma_wait3A_94] : memref<1000000xf32, #tpu.memory_space<hbm>> -> memref<2000xf32, #tpu.memory_space<hbm>>
    %dma_wait3A_96 = arith.constant 0 : i32
    %dma_wait3A_97 = tpu.memref_slice %arg19[%dma_wait3A_96] : memref<1000000xf32, #tpu.memory_space<hbm>> -> memref<2000xf32, #tpu.memory_space<hbm>>
    tpu.wait_dma2 semaphore(%arg58 : memref<!tpu.dma_semaphore, #tpu.memory_space<semaphore_mem>>) src(%arg54 : memref<2000xf32, #tpu.memory_space<vmem>>) dst(%dma_wait3A_97 : memref<2000xf32, #tpu.memory_space<hbm>>)
    return
  }
}

</mosaic_0001>

<sc_bundles>
// kernel: kernel.3.cloned.1.call-start
scs
__scs_entry_jumppad:
0x0: {  	(pc) =	sbr.rel $0x88, $3  }
0x1: {  	(tag) =	ssettag $0x0;
	lr =	simm.s32 $0x1  }
0x2: {  	[smem:$0x3F9C] =	sst lr;
	_ =	strace $0xD0000000  }
0x3: {  	_ = 	snop  }
0x4: {  	_ = 	snop  }
0x5: {  	_ = 	snop  }
0x6: {  	_ = 	snop  }
0x7: {  	_ = 	snop  }
__scs_overlays_trampoline_lowered:
0x8: {  	[smem:$0x3FAB] =	sst s0  }
0x9: {  	[smem:$0x3FAC] =	sst s1  }
0xa: {  	[smem:$0x3FAD] =	sst s2  }
0xb: {  	[smem:$0x3FAE] =	sst s3  }
0xc: {  	[smem:$0x3FAF] =	sst s4  }
0xd: {  	[smem:$0x3FB0] =	sst s5  }
0xe: {  	[smem:$0x3FB1] =	sst s6  }
0xf: {  	[smem:$0x3FB2] =	sst s7  }
0x10: {  	[smem:$0x3FB3] =	sst s8  }
0x11: {  	[smem:$0x3FB4] =	sst s9;
	s0 =	simm.s32 @!p0 $0x0  }
0x12: {  	s1 =	sld [smem:$0x3F9A];
	s0 =	simm.s32 @p0 $0x1  }
0x13: {  	[smem:$0x3FB5] =	sst s0;
	s0 =	simm.s32 @!p1 $0x0  }
0x14: {  	s2 =	sld [smem:$0x3F99];
	s0 =	simm.s32 @p1 $0x1  }
0x15: {  	[smem:$0x3FB6] =	sst s0;
	s0 =	simm.s32 @!p2 $0x0  }
0x16: {  	s3 =	sld [smem:$0x3FDB];
	s0 =	simm.s32 @p2 $0x1  }
0x17: {  	s4 =	simm.s32 $0x1BF5;
	[smem:$0x3FB8] =	sst s0  }
0x18: {  	s0 =	sld [smem:$0x3F9B];
	_ =	swait.ge [sflag:s4], $0x0  }
0x19: {  	s7 =	sld [smem:$0x3F9C]  }
0x1a: {  	s8 =	sadd.s32 $0xFFFFE003, lr  }
0x1b: {  	s9 =	sadd.s32 $0xFFFFFEF7, lr;
	s5 =	simm.s32 $0xFFFFFFFF;
	p2 =	slt.u32 s8, $0xFFFFF086  }
0x1c: {  	p1 =	slt.u32 s9, $0xF7A;
	s5 =	simm.s32 @!p2 $0x0  }
0x1d: {  	s5 =	simm.s32 @p1 $0x1;
	p0 =	seq.s32 s7, s2  }
0x1e: {  	s7 =	smul.u32 @!p0 $0xF7A, s2;
	p2 =	seq.s32 @!p0 s5, $0x0  }
0x1f: {  	s9 =	smul.u32 $0xF7A, s1;
	s8 =	simm.s32 @!p0 $0x1BF5;
	p2 =	por !p2, p0  }
0x20: {  	[sflag:s8] =	ssyncset.s32 @!p0 $0xFFFFF086;
	s6 =	sadd.s32 @!p0 s3, s7;
	s7 =	simm.s32 @!p0 $0x108  }
0x21: {  	s3 =	sadd.s32 s3, s9;
	s6 =	sadd.s32 @!p0 $0x88, s6;
	s7 =	simm.s32 @p2 $0x1082  }
0x22: {  	[simem:s7], [sflag:s8] =	dma.local @!p0 [hbm:s6], $0xF7A  }
0x23: {  	s9 =	sor.u32 $0xD0000000, s2;
	s6 =	simm.s32 $0x108;
	_ =	swait.ge @!p0 [sflag:s8], $0x0  }
0x24: {  	s3 =	sadd.s32 $0x88, s3;
	s6 =	simm.s32 @!p1 $0x1082;
	[sflag:s4] =	ssyncset.s32 $0xFFFFF086  }
0x25: {  	[simem:s6], [sflag:s4] =	dma.local [hbm:s3], $0xF7A  }
0x26: {  	[smem:$0x3F9C] =	sst s1;
	(tag) =	ssettag s2;
	_ =	strace s9  }
0x27: {  	s1 =	sld [smem:$0x3FAC]  }
0x28: {  	s2 =	sld [smem:$0x3FAD]  }
0x29: {  	s4 =	sld [smem:$0x3FAF]  }
0x2a: {  	p0 =	seq.s32 s5, $0x0;
	s5 =	sld [smem:$0x3FB0]  }
0x2b: {  	s6 =	sld [smem:$0x3FB1]  }
0x2c: {  	s7 =	sld [smem:$0x3FB2]  }
0x2d: {  	s3 =	simm.s32 $0x108;
	s8 =	sld [smem:$0x3FB3]  }
0x2e: {  	s3 =	simm.s32 @!p0 $0x1082;
	s9 =	sld [smem:$0x3FB4]  }
0x2f: {  	lr =	sadd.s32 s0, s3;
	s0 =	sld [smem:$0x3FAB]  }
0x30: {  	s3 =	sld [smem:$0x3FAE]  }
0x31: {  	[smem:$0x3FB7] =	sst s10  }
0x32: {  	s10 =	sld [smem:$0x3FB5];
	_ =	sdelay $0x3  }
0x33: {  	p0 =	seq.s32 s10, $0x1;
	s10 =	sld [smem:$0x3FB7];
	_ =	sdelay $0x3  }
0x34: {  	[smem:$0x3FB7] =	sst s10  }
0x35: {  	s10 =	sld [smem:$0x3FB6];
	_ =	sdelay $0x3  }
0x36: {  	p1 =	seq.s32 s10, $0x1;
	s10 =	sld [smem:$0x3FB7];
	_ =	sdelay $0x3  }
0x37: {  	[smem:$0x3FB7] =	sst s10  }
0x38: {  	s10 =	sld [smem:$0x3FB8]  }
0x39: {  	_ = 	snop;
	(pc) =	sbr.ind lr, $3  }
0x3a: {  	_ = 	snop  }
0x3b: {  	_ = 	snop  }
0x3c: {  	p2 =	seq.s32 s10, $0x1;
	s10 =	sld [smem:$0x3FB7]  }
0x3d: {  	_ =	shalt  }
0x3e: {  	_ =	shalt  }
0x3f: {  	_ =	shalt  }
0x40: {  	_ =	shalt  }
0x41: {  	_ =	shalt  }
0x42: {  	_ =	shalt  }
0x43: {  	_ =	shalt  }
0x44: {  	_ =	shalt  }
0x45: {  	_ =	shalt  }
0x46: {  	_ =	shalt  }
0x47: {  	_ =	shalt  }
0x48: {  	_ =	shalt  }
0x49: {  	_ =	shalt  }
0x4a: {  	_ =	shalt  }
0x4b: {  	_ =	shalt  }
0x4c: {  	_ =	shalt  }
0x4d: {  	_ =	shalt  }
0x4e: {  	_ =	shalt  }
0x4f: {  	_ =	shalt  }
0x50: {  	_ =	shalt  }
0x51: {  	_ =	shalt  }
0x52: {  	_ =	shalt  }
0x53: {  	_ =	shalt  }
0x54: {  	_ =	shalt  }
0x55: {  	_ =	shalt  }
0x56: {  	_ =	shalt  }
0x57: {  	_ =	shalt  }
0x58: {  	_ =	shalt  }
0x59: {  	_ =	shalt  }
0x5a: {  	_ =	shalt  }
0x5b: {  	_ =	shalt  }
0x5c: {  	_ =	shalt  }
0x5d: {  	_ =	shalt  }
0x5e: {  	_ =	shalt  }
0x5f: {  	_ =	shalt  }
0x60: {  	_ =	shalt  }
0x61: {  	_ =	shalt  }
0x62: {  	_ =	shalt  }
0x63: {  	_ =	shalt  }
0x64: {  	_ =	shalt  }
0x65: {  	_ =	shalt  }
0x66: {  	_ =	shalt  }
0x67: {  	_ =	shalt  }
0x68: {  	_ =	shalt  }
0x69: {  	_ =	shalt  }
0x6a: {  	_ =	shalt  }
0x6b: {  	_ =	shalt  }
0x6c: {  	_ =	shalt  }
0x6d: {  	_ =	shalt  }
0x6e: {  	_ =	shalt  }
0x6f: {  	_ =	shalt  }
0x70: {  	_ =	shalt  }
0x71: {  	_ =	shalt  }
0x72: {  	_ =	shalt  }
0x73: {  	_ =	shalt  }
0x74: {  	_ =	shalt  }
0x75: {  	_ =	shalt  }
0x76: {  	_ =	shalt  }
0x77: {  	_ =	shalt  }
0x78: {  	_ =	shalt  }
0x79: {  	_ =	shalt  }
0x7a: {  	_ =	shalt  }
0x7b: {  	_ =	shalt  }
0x7c: {  	_ =	shalt  }
0x7d: {  	_ =	shalt  }
0x7e: {  	_ =	shalt  }
0x7f: {  	_ =	shalt  }
0x80: {  	_ =	shalt  }
0x81: {  	_ =	shalt  }
0x82: {  	_ =	shalt  }
0x83: {  	_ =	shalt  }
0x84: {  	_ =	shalt  }
0x85: {  	_ =	shalt  }
0x86: {  	_ =	shalt  }
0x87: {  	_ =	shalt  }
.Lfunc_end0:
.L_simem_size_0:
called_computation_lowered:
.L_overlay_start_0:
0x88: {  	s2 =	sld [smem:$0x3FD9]  }
0x89: {  	s3 =	sld [smem:$0x3FFE];
	_ =	sdelay $0x1  }
0x8a: {  	s1 =	srdreg.scid  }
0x8b: {  	s0 =	sand.u32 $0x1, s1  }
0x8c: {  	s14 =	sshll.u32 s0, $0xA;
	s2 =	sadd.s32 s3, s2  }
0x8d: {  	s2 =	sadd.s32 s2, s14  }
0x8e: {  	[smem:$0x3FC3] =	sst s2  }
0x8f: {  	_ = 	snop  }
0x90: {  	s2 =	sld [smem:$0x3FD0];
	_ =	sdelay $0x2  }
0x91: {  	s15 =	simm.s32 $0xA;
	s4 =	simm.s32 $0x10  }
0x92: {  	[smem:s4], [sflag:s15] =	dma.local [hbm:s2], $0x1  }
0x93: {  	_ =	swait.eq [sflag:s15], $0x1  }
0x94: {  	[sflag:s15] =	ssyncset.done $0x0  }
0x95: {  	s16 =	sld [smem:$0x10];
	[sflag:s15] =	ssyncadd.s32 $0xFFFFFFFF  }
0x96: {  	s17 =	sld [smem:$0x11];
	(tm) =	ssettm $0x1  }
0x97: {  	s18 =	sld [smem:$0x3FFB];
	_ =	sdelay $0x3  }
0x98: {  	_ =	strace s18  }
0x99: {  	s4 =	sld [smem:$0x3FFC];
	_ =	sdelay $0x3  }
0x9a: {  	_ =	strace s4  }
0x9b: {  	s4 =	sld [smem:$0x3FFD];
	_ =	sdelay $0x3  }
0x9c: {  	_ =	strace s4  }
0x9d: {  	_ =	strace $0x8FFFFFFF  }
0x9e: {  	s19 =	sld [smem:$0x3FDB];
	_ =	sdelay $0x1  }
0x9f: {  	s5 =	simm.s32 $_scs_section_size  }
0xa0: {  	s6 =	simm.s32 $_size__tile_overlayer_lowered;
	s7 =	simm.s32 $_tile_overlayer_lowered  }
0xa1: {  	s22 =	simm.s32 $0x1BFF;
	s21 =	sshll.u32 s7, $0x1;
	s4 =	sadd.s32 s5, s19  }
0xa2: {  	s8 =	simm.s32 $0x0;
	s20 =	sshll.u32 s6, $0x1;
	s6 =	sadd.s32 s21, s4  }
0xa3: {  	[timem:s8], [sflag:s22] =	dma.local [hbm:s6], s20  }
0xa4: {  	_ =	swait.ge [sflag:s22], s20  }
0xa5: {  	s5 =	ssub.s32 $0x0, s20;
	[sflag:s22] =	ssyncset.done $0x0  }
0xa6: {  	[sflag:s22] =	ssyncadd.s32 s5;
	_ =	sdelay $0x1  }
0xa7: {  	s23 =	simm.s32 $0x1B8B  }
0xa8: {  	_ =	swait.ge [sflag:s23], $0x1  }
0xa9: {  	[sflag:s23] =	ssyncset.done $0x0  }
0xaa: {  	s25 =	simm.s32 $0x1B8E;
	s24 =	sld [smem:$0x3FFE];
	[sflag:s23] =	ssyncadd.s32 $0xFFFFFFFF  }
0xab: {  	s26 =	simm.s32 $execute0_lowered;
	[smem:$0x3FD2] =	sst s25  }
0xac: {  	s6 =	sshll.u32 s26, $0x1;
	_ =	strace $0x80000046;
	[dreg:$0x1] =	wrdreg $0xFFFFFFFF  }
0xad: {  	s28 =	simm.s32 $_size_execute0_lowered;
	s4 =	sadd.s32 s4, s6;
	[dreg:$0x0] =	wrdreg $0x0  }
0xae: {  	s6 =	sshll.u32 s28, $0x1;
	[dreg:$0x2] =	wrdreg s4  }
0xaf: {  	[dreg:$0x3] =	wrdreg s6  }
0xb0: {  	[dreg:$0x4] =	wrdreg $0xC0  }
0xb1: {  	_ =	task [dreg:s8], $0x5FFFF  }
0xb2: {  	[dreg:$0x1] =	wrdreg $0xFFFFFFFF  }
0xb3: {  	[dreg:$0x0] =	wrdreg $0x60  }
0xb4: {  	[dreg:$0x2] =	wrdreg s24  }
0xb5: {  	[dreg:$0x3] =	wrdreg s16  }
0xb6: {  	[dreg:$0x4] =	wrdreg s17  }
0xb7: {  	[dreg:$0x5] =	wrdreg $0x9  }
0xb8: {  	_ =	task.clear_ibuf [dreg:s8], $0x6FFFF;
	_ =	strace $0x90000046  }
0xb9: {  	s29 =	simm.s32 $0x9;
	_ =	strace $0x80000048  }
0xba: {  	_ =	swait.ge [sflag:s29], $0x1  }
0xbb: {  	[sflag:s29] =	ssyncadd.s32 $0xFFFFFFFF  }
0xbc: {  	_ =	strace $0x90000048  }
0xbd: {  	_ =	sfence  }
0xbe: {  	s30 =	sld [smem:$0x0];
	_ =	sdelay $0x2  }
0xbf: {  	s31 =	sshll.u32 s1, $0xD;
	s1 =	sshrl.u32 s1, $0x2  }
0xc0: {  	s3 =	sand.u32 $0x4000, s31;
	s1 =	sadd.s32 s1, s30  }
0xc1: {  	s0 =	sor.u32 s3, s0;
	s1 =	sshll.u32 s1, $0x11  }
0xc2: {  	s0 =	sor.u32 s1, s0  }
0xc3: {  	s0 =	sadd.s32 $0x8F2B, s0  }
0xc4: {  	[sflag:s0] =	ssyncadd.remote.s32 $0x1  }
0xc5: {  	_ =	sfence.sel $0xFFFF  }
0xc6: {  	[dreg:$0x0] =	wrdreg $0xFFFFFFFF;
	(pc) =	sbr.abs _section_cstart, $3  }
0xc7: {  	[dreg:$0x1] =	wrdreg $0xFFFFFFFF  }
0xc8: {  	_ =	task.clear_ibuf [dreg:s8], $0x2FFFF;
	_ =	strace $0x9FFFFFFF  }
0xc9: {  	(tm) =	ssettm $0x7FFFFFFF  }
tec
execute0_lowered:
.L_overlay_start_1:
0x0: {  	(tag) =	ssettag $0x1  }
0x1: {  	s5 =	rddreg [dreg:$0x0]  }
0x2: {  	s6 =	rddreg [dreg:$0x1]  }
0x3: {  	s7 =	rddreg [dreg:$0x2]  }
0x4: {  	s4 =	simm.s32 $0x0;
	s0 =	srdreg.scid;
	s1 =	stileid.u32  }
0x5: {  	s28 =	simm.s32 $0x700;
	s29 =	simm.s32 $0x800;
	s30 =	simm.s32 $0xE00  }
0x6: {  	s31 =	simm.s32 $0xF00;
	[smem:$0x7FF] =	sst s4;
	s10 =	sadd.s32 $0x1EC00, s5  }
0x7: {  	s8 =	sadd.s32 $0x7AA00, s5;
	s9 =	sadd.s32 $0x5C000, s5;
	s2 =	sadd.s32 $0x113C00, s5  }
0x8: {  	s11 =	sadd.s32 $0x3D600, s5;
	_ =	strace $0x80000047;
	[dreg:$0x8] =	wrdreg s2  }
0x9: {  	s16 =	sadd.s32 $0xF5200, s5;
	s18 =	sadd.s32 $0xD6800, s5;
	[dreg:$0x4] =	wrdreg s8  }
0xa: {  	s0 =	sand.u32 $0x1, s0;
	s1 =	sshll.u32 s1, $0x1;
	[dreg:$0x5] =	wrdreg s9  }
0xb: {  	s19 =	sadd.s32 $0xB7E00, s5;
	s20 =	sadd.s32 $0x99400, s5;
	[dreg:$0x6] =	wrdreg s11  }
0xc: {  	s21 =	sadd.s32 $0x200, s5;
	s22 =	sadd.s32 $0x132600, s5;
	[dreg:$0x7] =	wrdreg s16  }
0xd: {  	s23 =	sadd.s32 $0x151000, s5;
	s24 =	sadd.s32 $0x16FA00, s5;
	[dreg:$0x15] =	wrdreg s22  }
0xe: {  	s14 =	sor.u32 s0, s1;
	s0 =	ssub.s32 $0x2, s0;
	[dreg:$0x16] =	wrdreg s23  }
0xf: {  	[dreg:$0x18] =	wrdreg s24;
	s22 =	simm.s32 $0x200;
	s3 =	ssub.s32 $0x1F3, s14  }
0x10: {  	s1 =	smul.u32 $0xFA, s14;
	s25 =	sshrl.u32 s0, $0x1;
	s26 =	sshrl.u32 s3, $0x5  }
0x11: {  	s0 =	ssub.s32 s0, s25;
	s25 =	sadd.s32 $0x18E400, s5;
	[dreg:$0x9] =	wrdreg s26  }
0x12: {  	s23 =	simm.s32 $0x300;
	s3 =	sadd.s32 s10, s1;
	[dreg:$0x19] =	wrdreg s25  }
0x13: {  	s24 =	simm.s32 $0x400;
	s6 =	sadd.s32 s6, s1;
	[dreg:$0xa] =	wrdreg s3  }
0x14: {  	s2 =	simm.s32 $0xB00;
	s7 =	sadd.s32 s7, s1;
	[dreg:$0xb] =	wrdreg s6  }
0x15: {  	s12 =	sadd.s32 s8, s1;
	s13 =	sadd.s32 s9, s1;
	[dreg:$0xc] =	wrdreg s7  }
0x16: {  	s15 =	sadd.s32 s11, s1;
	s17 =	sadd.s32 s16, s1;
	[dreg:$0xd] =	wrdreg s12  }
0x17: {  	s0 =	smax.u32 s0, $0x1;
	s26 =	sadd.s32 $0x1ACE00, s5;
	[dreg:$0xe] =	wrdreg s13  }
0x18: {  	s25 =	simm.s32 $0x500;
	s16 =	simm.s32 $0xD00;
	[dreg:$0xf] =	wrdreg s15  }
0x19: {  	[dreg:$0x10] =	wrdreg s17;
	s12 =	smov.u32 s18;
	s18 =	sadd.s32 s18, s1  }
0x1a: {  	s13 =	smov.u32 s19;
	s19 =	sadd.s32 s19, s1;
	s15 =	smov.u32 s20  }
0x1b: {  	s20 =	sadd.s32 s20, s1;
	s17 =	smov.u32 s21;
	[dreg:$0x17] =	wrdreg s0  }
.Ltmp0:
0x1c: {  	s1 =	sadd.s32 s21, s1;
	[dreg:$0x1a] =	wrdreg s26;
	(pc) =	sbr.rel .LBB2_1-.Ltmp0, $4  }
0x1d: {  	s21 =	simm.s32 $0x100;
	s26 =	simm.s32 $0x600;
	[dreg:$0x11] =	wrdreg s18  }
0x1e: {  	s0 =	simm.s32 $0x900;
	s3 =	simm.s32 $0xC00;
	[dreg:$0x12] =	wrdreg s19  }
0x1f: {  	s7 =	simm.s32 $0x2;
	s6 =	simm.s32 $0x0;
	[dreg:$0x13] =	wrdreg s20  }
0x20: {  	[dreg:$0x14] =	wrdreg s1;
	s20 =	simm.s32 $0x1;
	s19 =	simm.s32 $0xA00  }
.LBB2_9:
0x21: {  	s1 =	simm.s32 $0x3  }
0x22: {  	_ =	swait.ge [sflag:s1], $0x7D0  }
0x23: {  	[sflag:s1] =	ssyncset.done $0x0  }
0x24: {  	[sflag:s1] =	ssyncadd.s32 $0xFFFFF830  }
0x25: {  	_ =	swait.ge [sflag:s1], $0x7D0  }
0x26: {  	[sflag:s1] =	ssyncset.done $0x0  }
0x27: {  	[sflag:s1] =	ssyncadd.s32 $0xFFFFF830  }
0x28: {  	_ =	swait.ge [sflag:s1], $0x7D0  }
0x29: {  	[sflag:s1] =	ssyncset.done $0x0  }
0x2a: {  	[sflag:s1] =	ssyncadd.s32 $0xFFFFF830  }
0x2b: {  	_ =	swait.ge [sflag:s1], $0x7D0  }
0x2c: {  	[sflag:s1] =	ssyncset.done $0x0  }
0x2d: {  	[sflag:s1] =	ssyncadd.s32 $0xFFFFF830  }
0x2e: {  	_ =	swait.ge [sflag:s1], $0x7D0  }
0x2f: {  	[sflag:s1] =	ssyncset.done $0x0  }
0x30: {  	[sflag:s1] =	ssyncadd.s32 $0xFFFFF830  }
0x31: {  	_ =	swait.ge [sflag:s1], $0x7D0  }
0x32: {  	[sflag:s1] =	ssyncset.done $0x0  }
0x33: {  	s5 =	simm.s32 $0x4;
	[sflag:s1] =	ssyncadd.s32 $0xFFFFF830  }
0x34: {  	_ =	swait.ge [sflag:s5], $0x7D0  }
0x35: {  	[sflag:s5] =	ssyncset.done $0x0  }
0x36: {  	[sflag:s5] =	ssyncadd.s32 $0xFFFFF830  }
0x37: {  	_ =	swait.ge [sflag:s5], $0x7D0  }
0x38: {  	[sflag:s5] =	ssyncset.done $0x0  }
0x39: {  	[sflag:s5] =	ssyncadd.s32 $0xFFFFF830  }
0x3a: {  	_ =	swait.ge [sflag:s5], $0x7D0  }
0x3b: {  	[sflag:s5] =	ssyncset.done $0x0  }
0x3c: {  	[sflag:s5] =	ssyncadd.s32 $0xFFFFF830  }
0x3d: {  	_ =	swait.ge [sflag:s5], $0x7D0  }
0x3e: {  	[sflag:s5] =	ssyncset.done $0x0  }
0x3f: {  	[sflag:s5] =	ssyncadd.s32 $0xFFFFF830  }
0x40: {  	_ =	swait.ge [sflag:s5], $0x7D0  }
0x41: {  	[sflag:s5] =	ssyncset.done $0x0  }
0x42: {  	[sflag:s5] =	ssyncadd.s32 $0xFFFFF830  }
0x43: {  	_ =	swait.ge [sflag:s5], $0x7D0  }
0x44: {  	s6 =	rddreg [dreg:$0x1b]  }
0x45: {  	s18 =	rddreg [dreg:$0x17];
	s6 =	sadd.s32 $0x1, s6  }
0x46: {  	p0 =	sne.s32 s6, s18  }
.Ltmp1:
0x47: {  	_ = 	snop;
	(pc) =	sbr.rel @!p0 .LBB2_10-.Ltmp1, $3  }
0x48: {  	_ =	sdelay $0x1  }
0x49: {  	[sflag:s5] =	ssyncset.done $0x0  }
0x4a: {  	[sflag:s5] =	ssyncadd.s32 $0xFFFFF830  }
.LBB2_1:
0x4b: {  	[dreg:$0x1b] =	wrdreg s6  }
0x4c: {  	s1 =	rddreg [dreg:$0x0];
	s8 =	simm.s32 $0x5  }
0x4d: {  	[tilespmem:s4], [sflag:$0x5] =	stream.linear.gather [hbm4b:s1+s4], $0x1000, $0x38;
	[tilespmem:$0x119A0] =	vst v63  }
0x4e: {  	_ =	swait.ge [sflag:s8], $0x1000  }
0x4f: {  	[sflag:s8] =	ssyncset.done $0x0  }
0x50: {  	s5 =	simm.s32 $0x1000;
	s9 =	rddreg [dreg:$0xa];
	[sflag:s8] =	ssyncadd.s32 $0xFFFFF000  }
0x51: {  	[tilespmem:s5], [sflag:$0x1] =	stream.linear.gather [hbm4b:s9+s4], $0x7D0, $0x38;
	[tilespmem:$0x119A0] =	vst v63  }
0x52: {  	s18 =	simm.s32 $0x17D0;
	s11 =	rddreg [dreg:$0xb]  }
0x53: {  	[tilespmem:s18], [sflag:$0x1] =	stream.linear.gather [hbm4b:s11+s4], $0x7D0, $0x38;
	[tilespmem:$0x119A0] =	vst v63  }
0x54: {  	s6 =	simm.s32 $0x1FA0;
	s5 =	rddreg [dreg:$0xc]  }
0x55: {  	[tilespmem:s6], [sflag:$0x1] =	stream.linear.gather [hbm4b:s5+s4], $0x7D0, $0x38;
	[tilespmem:$0x119A0] =	vst v63  }
0x56: {  	s8 =	rddreg [dreg:$0xd];
	s9 =	simm.s32 $0x2770  }
0x57: {  	[tilespmem:s9], [sflag:$0x1] =	stream.linear.gather [hbm4b:s8+s4], $0x7D0, $0x38;
	[tilespmem:$0x119A0] =	vst v63  }
0x58: {  	s11 =	rddreg [dreg:$0xe];
	s18 =	simm.s32 $0x2F40  }
0x59: {  	[tilespmem:s18], [sflag:$0x1] =	stream.linear.gather [hbm4b:s11+s4], $0x7D0, $0x38;
	[tilespmem:$0x119A0] =	vst v63  }
0x5a: {  	s5 =	rddreg [dreg:$0xf];
	s6 =	simm.s32 $0x3710  }
0x5b: {  	[tilespmem:s6], [sflag:$0x1] =	stream.linear.gather [hbm4b:s5+s4], $0x7D0, $0x38;
	[tilespmem:$0x119A0] =	vst v63  }
0x5c: {  	s8 =	rddreg [dreg:$0x10];
	s9 =	simm.s32 $0x3EE0  }
0x5d: {  	[tilespmem:s9], [sflag:$0x1] =	stream.linear.gather [hbm4b:s8+s4], $0x7D0, $0x38;
	[tilespmem:$0x119A0] =	vst v63  }
0x5e: {  	s11 =	rddreg [dreg:$0x11];
	s18 =	simm.s32 $0x46B0  }
0x5f: {  	[tilespmem:s18], [sflag:$0x1] =	stream.linear.gather [hbm4b:s11+s4], $0x7D0, $0x38;
	[tilespmem:$0x119A0] =	vst v63  }
0x60: {  	s5 =	rddreg [dreg:$0x12];
	s6 =	simm.s32 $0x4E80  }
0x61: {  	[tilespmem:s6], [sflag:$0x1] =	stream.linear.gather [hbm4b:s5+s4], $0x7D0, $0x38;
	[tilespmem:$0x119A0] =	vst v63  }
.Ltmp2:
0x62: {  	_ = 	snop;
	(pc) =	sbr.rel .LBB2_2-.Ltmp2, $4  }
0x63: {  	s8 =	rddreg [dreg:$0x13];
	s9 =	simm.s32 $0x5650  }
0x64: {  	[tilespmem:s9], [sflag:$0x1] =	stream.linear.gather [hbm4b:s8+s4], $0x7D0, $0x38;
	[tilespmem:$0x119A0] =	vst v63  }
0x65: {  	s1 =	simm.s32 $0x0;
	s11 =	rddreg [dreg:$0x14];
	s18 =	simm.s32 $0x5E20  }
0x66: {  	[tilespmem:s18], [sflag:$0x1] =	stream.linear.gather [hbm4b:s11+s4], $0x7D0, $0x38;
	[tilespmem:$0x119A0] =	vst v63  }
.LBB2_8:
0x67: {  	s1 =	sadd.s32 $0x1, s1  }
0x68: {  	p0 =	sne.s32 s1, $0x8  }
.Ltmp3:
0x69: {  	_ = 	snop;
	(pc) =	sbr.rel @!p0 .LBB2_9-.Ltmp3, $1  }
0x6a: {  	_ =	sdelay $0x3  }
.LBB2_2:
0x6b: {  	s5 =	sshll.u32 s1, $0x1;
	s6 =	rddreg [dreg:$0x9]  }
0x6c: {  	s18 =	sshllo.u32 s1, $0x1;
	p0 =	sge.u32 s5, s6  }
0x6d: {  	s6 =	sshll.u32 @!p0 s18, $0x5  }
0x6e: {  	s6 =	sor.u32 @!p0 s14, s6  }
0x6f: {  	s6 =	smul.u32 @!p0 $0xFA, s6  }
0x70: {  	s11 =	smov.u32 s10  }
0x71: {  	s9 =	simm.s32 @!p0 $0x0;
	s8 =	sadd.s32 @!p0 s10, s6;
	s10 =	simm.s32 @!p0 $0x65F0  }
0x72: {  	[tilespmem:s10], [sflag:$0x2] =	stream.linear.gather @!p0 [hbm4b:s8+s9], $0x7D0, $0x38;
	[tilespmem:$0x119A0] =	vst v63  }
0x73: {  	s8 =	rddreg [dreg:$0x1]  }
0x74: {  	s10 =	simm.s32 @!p0 $0x6DC0;
	s8 =	sadd.s32 @!p0 s8, s6  }
0x75: {  	[tilespmem:s10], [sflag:$0x2] =	stream.linear.gather @!p0 [hbm4b:s8+s9], $0x7D0, $0x38;
	[tilespmem:$0x119A0] =	vst v63  }
0x76: {  	s8 =	rddreg [dreg:$0x2]  }
0x77: {  	s10 =	simm.s32 @!p0 $0x7590;
	s8 =	sadd.s32 @!p0 s8, s6  }
0x78: {  	[tilespmem:s10], [sflag:$0x2] =	stream.linear.gather @!p0 [hbm4b:s8+s9], $0x7D0, $0x38;
	[tilespmem:$0x119A0] =	vst v63  }
0x79: {  	s8 =	rddreg [dreg:$0x4]  }
0x7a: {  	s10 =	simm.s32 @!p0 $0x7D60;
	s8 =	sadd.s32 @!p0 s8, s6  }
0x7b: {  	[tilespmem:s10], [sflag:$0x2] =	stream.linear.gather @!p0 [hbm4b:s8+s9], $0x7D0, $0x38;
	[tilespmem:$0x119A0] =	vst v63  }
0x7c: {  	s8 =	rddreg [dreg:$0x5]  }
0x7d: {  	s10 =	simm.s32 @!p0 $0x8530;
	s8 =	sadd.s32 @!p0 s8, s6  }
0x7e: {  	[tilespmem:s10], [sflag:$0x2] =	stream.linear.gather @!p0 [hbm4b:s8+s9], $0x7D0, $0x38;
	[tilespmem:$0x119A0] =	vst v63  }
0x7f: {  	s8 =	rddreg [dreg:$0x6]  }
0x80: {  	s10 =	simm.s32 @!p0 $0x8D00;
	s8 =	sadd.s32 @!p0 s8, s6  }
0x81: {  	[tilespmem:s10], [sflag:$0x2] =	stream.linear.gather @!p0 [hbm4b:s8+s9], $0x7D0, $0x38;
	[tilespmem:$0x119A0] =	vst v63  }
0x82: {  	s8 =	rddreg [dreg:$0x7]  }
0x83: {  	s10 =	simm.s32 @!p0 $0x94D0;
	s8 =	sadd.s32 @!p0 s8, s6  }
0x84: {  	[tilespmem:s10], [sflag:$0x2] =	stream.linear.gather @!p0 [hbm4b:s8+s9], $0x7D0, $0x38;
	[tilespmem:$0x119A0] =	vst v63  }
0x85: {  	s8 =	sadd.s32 @!p0 s12, s6;
	s10 =	simm.s32 @!p0 $0x9CA0  }
0x86: {  	[tilespmem:s10], [sflag:$0x2] =	stream.linear.gather @!p0 [hbm4b:s8+s9], $0x7D0, $0x38;
	[tilespmem:$0x119A0] =	vst v63  }
0x87: {  	s8 =	sadd.s32 @!p0 s13, s6;
	s10 =	simm.s32 @!p0 $0xA470  }
0x88: {  	[tilespmem:s10], [sflag:$0x2] =	stream.linear.gather @!p0 [hbm4b:s8+s9], $0x7D0, $0x38;
	[tilespmem:$0x119A0] =	vst v63  }
0x89: {  	s8 =	sadd.s32 @!p0 s15, s6;
	s10 =	simm.s32 @!p0 $0xAC40  }
0x8a: {  	[tilespmem:s10], [sflag:$0x2] =	stream.linear.gather @!p0 [hbm4b:s8+s9], $0x7D0, $0x38;
	[tilespmem:$0x119A0] =	vst v63  }
0x8b: {  	s6 =	sadd.s32 @!p0 s17, s6;
	s8 =	simm.s32 @!p0 $0xB410  }
0x8c: {  	[tilespmem:s8], [sflag:$0x2] =	stream.linear.gather @!p0 [hbm4b:s6+s9], $0x7D0, $0x38;
	[tilespmem:$0x119A0] =	vst v63  }
0x8d: {  	_ =	swait.ge [sflag:s20], $0x7D0  }
0x8e: {  	[sflag:s20] =	ssyncset.done $0x0  }
0x8f: {  	[sflag:s20] =	ssyncadd.s32 $0xFFFFF830  }
0x90: {  	_ =	swait.ge [sflag:s20], $0x7D0  }
0x91: {  	[sflag:s20] =	ssyncset.done $0x0  }
0x92: {  	[sflag:s20] =	ssyncadd.s32 $0xFFFFF830  }
0x93: {  	_ =	swait.ge [sflag:s20], $0x7D0  }
0x94: {  	[sflag:s20] =	ssyncset.done $0x0  }
0x95: {  	[sflag:s20] =	ssyncadd.s32 $0xFFFFF830  }
0x96: {  	_ =	swait.ge [sflag:s20], $0x7D0  }
0x97: {  	[sflag:s20] =	ssyncset.done $0x0  }
0x98: {  	[sflag:s20] =	ssyncadd.s32 $0xFFFFF830  }
0x99: {  	_ =	swait.ge [sflag:s20], $0x7D0  }
0x9a: {  	[sflag:s20] =	ssyncset.done $0x0  }
0x9b: {  	[sflag:s20] =	ssyncadd.s32 $0xFFFFF830  }
0x9c: {  	_ =	swait.ge [sflag:s20], $0x7D0  }
0x9d: {  	[sflag:s20] =	ssyncset.done $0x0  }
0x9e: {  	[sflag:s20] =	ssyncadd.s32 $0xFFFFF830  }
0x9f: {  	_ =	swait.ge [sflag:s20], $0x7D0  }
0xa0: {  	[sflag:s20] =	ssyncset.done $0x0  }
0xa1: {  	[sflag:s20] =	ssyncadd.s32 $0xFFFFF830  }
0xa2: {  	_ =	swait.ge [sflag:s20], $0x7D0  }
0xa3: {  	[sflag:s20] =	ssyncset.done $0x0  }
0xa4: {  	[sflag:s20] =	ssyncadd.s32 $0xFFFFF830  }
0xa5: {  	_ =	swait.ge [sflag:s20], $0x7D0  }
0xa6: {  	[sflag:s20] =	ssyncset.done $0x0  }
0xa7: {  	[sflag:s20] =	ssyncadd.s32 $0xFFFFF830  }
0xa8: {  	_ =	swait.ge [sflag:s20], $0x7D0  }
0xa9: {  	[sflag:s20] =	ssyncset.done $0x0  }
0xaa: {  	[sflag:s20] =	ssyncadd.s32 $0xFFFFF830  }
0xab: {  	_ =	swait.ge [sflag:s20], $0x7D0  }
0xac: {  	p1 =	seq.s32 s1, $0x0;
	[sflag:s20] =	ssyncset.done $0x0  }
0xad: {  	s6 =	simm.s32 @!p1 $0x3;
	[sflag:s20] =	ssyncadd.s32 $0xFFFFF830  }
0xae: {  	_ =	swait.ge @!p1 [sflag:s6], $0x7D0  }
0xaf: {  	[sflag:s6] =	ssyncset.done @!p1 $0x0  }
0xb0: {  	[sflag:s6] =	ssyncadd.s32 @!p1 $0xFFFFF830  }
0xb1: {  	_ =	swait.ge @!p1 [sflag:s6], $0x7D0  }
0xb2: {  	[sflag:s6] =	ssyncset.done @!p1 $0x0  }
0xb3: {  	[sflag:s6] =	ssyncadd.s32 @!p1 $0xFFFFF830  }
0xb4: {  	_ =	swait.ge @!p1 [sflag:s6], $0x7D0  }
0xb5: {  	[sflag:s6] =	ssyncset.done @!p1 $0x0  }
0xb6: {  	[sflag:s6] =	ssyncadd.s32 @!p1 $0xFFFFF830  }
0xb7: {  	_ =	swait.ge @!p1 [sflag:s6], $0x7D0  }
0xb8: {  	[sflag:s6] =	ssyncset.done @!p1 $0x0  }
0xb9: {  	[sflag:s6] =	ssyncadd.s32 @!p1 $0xFFFFF830  }
0xba: {  	_ =	swait.ge @!p1 [sflag:s6], $0x7D0  }
0xbb: {  	[sflag:s6] =	ssyncset.done @!p1 $0x0  }
0xbc: {  	[sflag:s6] =	ssyncadd.s32 @!p1 $0xFFFFF830  }
0xbd: {  	_ =	swait.ge @!p1 [sflag:s6], $0x7D0  }
0xbe: {  	[sflag:s6] =	ssyncset.done @!p1 $0x0  }
0xbf: {  	s8 =	simm.s32 $0x0;
	[sflag:s6] =	ssyncadd.s32 @!p1 $0xFFFFF830;
	s6 =	simm.s32 $0xFFFFFFFC  }
.LBB2_3:
0xc0: {  	s9 =	sshra.s32 s8, $0x2  }
0xc1: {  	v6 =	vld [tilespmem:s9+$0x5E20];
	_ =	sdelay $0x2  }
0xc2: {  	v1 =	vld [tilespmem:s9+$0x1000]  }
0xc3: {  	v2 =	vld [tilespmem:s9+$0x17D0]  }
0xc4: {  	v0 =	vld [tilespmem:s9+$0x1FA0];
	v3 =	vand.u32 $0xFF, v6  }
0xc5: {  	v5 =	vld [tilespmem:s9+$0x2770]  }
0xc6: {  	v12 =	vld [tilespmem:s9+$0x2F40]  }
0xc7: {  	v4 =	vld [tilespmem:s9+$0x3710]  }
0xc8: {  	v8 =	vld [tilespmem:s9+$0x3EE0]  }
0xc9: {  	v7 =	vld.idx.msk [tilespmem:v3+s3+$0x0], $0xffff  }
0xca: {  	v9 =	vld.idx.msk [tilespmem:v3+s16+$0x0], $0xffff  }
0xcb: {  	v10 =	vld.idx.msk [tilespmem:v3+s30+$0x0], $0xffff  }
0xcc: {  	v11 =	vld.idx.msk [tilespmem:v3+s4+$0x0], $0xffff  }
0xcd: {  	v13 =	vld.idx.msk [tilespmem:v3+s31+$0x0], $0xffff  }
0xce: {  	v14 =	vld.idx.msk [tilespmem:v3+s21+$0x0], $0xffff  }
0xcf: {  	v15 =	vld.idx.msk [tilespmem:v3+s22+$0x0], $0xffff  }
0xd0: {  	v16 =	vld.idx.msk [tilespmem:v3+s23+$0x0], $0xffff  }
0xd1: {  	v17 =	vld.idx.msk [tilespmem:v3+s24+$0x0], $0xffff  }
0xd2: {  	v18 =	vld.idx.msk [tilespmem:v3+s25+$0x0], $0xffff;
	v7 =	vmul.f32 v7, v1  }
0xd3: {  	v63 =	vld.idx.msk [tilespmem:v3+s26+$0x0], $0xffff;
	v9 =	vmul.f32 v9, v2;
	v10 =	vmul.f32 v10, v0  }
0xd4: {  	v35 =	vshrl.u32 v6, $0x8;
	v34 =	vld.idx.msk [tilespmem:v3+s28+$0x0], $0xffff  }
0xd5: {  	v19 =	vld.idx.msk [tilespmem:v3+s29+$0x0], $0xffff;
	v7 =	vadd.f32 v9, v7;
	v62 =	vadd.f32 v13, v10;
	v9 =	vand.u32 $0xFF, v35  }
0xd6: {  	v20 =	vld.idx.msk [tilespmem:v3+s0+$0x0], $0xffff  }
0xd7: {  	v21 =	vld.idx.msk [tilespmem:v3+s19+$0x0], $0xffff;
	v22 =	vmul.f32 v11, v1;
	v7 =	vadd.f32 v62, v7  }
0xd8: {  	v3 =	vld.idx.msk [tilespmem:v3+s2+$0x0], $0xffff;
	v24 =	vmul.f32 v14, v2;
	v25 =	vmul.f32 v15, v0  }
0xd9: {  	v27 =	vmul.f32 v17, v1;
	(erf) = vrcp.f32 v7;
	v7 =	vld [tilespmem:s9+$0x46B0]  }
0xda: {  	v28 =	vmul.f32 v18, v2;
	v36 =	vmul.f32 v63, v0;
	v23 =	vld.idx.msk [tilespmem:v9+s3+$0x0], $0xffff  }
0xdb: {  	v38 =	vmul.f32 v19, v1;
	v40 =	vmul.f32 v20, v2;
	v26 =	vld.idx.msk [tilespmem:v9+s16+$0x0], $0xffff  }
0xdc: {  	v45 =	vshrl.u32 v6, $0x10;
	v31 =	vmul.f32 v21, v0;
	v11 =	vmul.f32 v11, v5;
	v29 =	vld.idx.msk [tilespmem:v9+s30+$0x0], $0xffff  }
0xdd: {  	v6 =	vshrl.u32 v6, $0x18;
	v17 =	vmul.f32 v17, v5;
	v18 =	vmul.f32 v18, v12;
	v30 =	vld.idx.msk [tilespmem:v9+s4+$0x0], $0xffff  }
0xde: {  	v46 =	vmul.f32 v15, v4;
	v22 =	vadd.f32 v24, v22;
	v24 =	vadd.f32 v40, v38;
	v15 =	vld.idx.msk [tilespmem:v9+s29+$0x0], $0xffff  }
0xdf: {  	v14 =	vmul.f32 v14, v12;
	v3 =	vadd.f32 v3, v31;
	v17 =	vadd.f32 v18, v17;
	v18 =	vld.idx.msk [tilespmem:v9+s0+$0x0], $0xffff  }
0xe0: {  	v19 =	vmul.f32 v19, v5;
	v20 =	vmul.f32 v20, v12;
	v37 =	vadd.f32 v28, v27;
	v39 =	vld.idx.msk [tilespmem:v9+s31+$0x0], $0xffff  }
0xe1: {  	v49 =	vmul.f32 v21, v4;
	v13 =	vadd.f32 v34, v36;
	v3 =	vadd.f32 v3, v24;
	v24 =	vld.idx.msk [tilespmem:v9+s26+$0x0], $0xffff  }
0xe2: {  	v11 =	vadd.f32 v14, v11;
	v10 =	vmul.f32 v63, v4;
	v33 =	vld.idx.msk [tilespmem:v9+s21+$0x0], $0xffff;
	v23 =	vmul.f32 v23, v1  }
0xe3: {  	v48 =	vadd.f32 v20, v19;
	v44 =	vld.idx.msk [tilespmem:v9+s28+$0x0], $0xffff;
	v26 =	vmul.f32 v26, v2;
	v29 =	vmul.f32 v29, v0  }
0xe4: {  	v13 =	vadd.f32 v13, v37;
	v42 =	vld.idx.msk [tilespmem:v9+s23+$0x0], $0xffff;
	v37 =	vmul.f32 v15, v1;
	v57 =	vmul.f32 v18, v2  }
0xe5: {  	v11 =	vadd.f32 v46, v11;
	v27 =	vld.idx.msk [tilespmem:v9+s24+$0x0], $0xffff;
	v15 =	vmul.f32 v15, v5;
	v18 =	vmul.f32 v18, v12  }
0xe6: {  	v10 =	vadd.f32 v10, v17;
	v31 =	vld.idx.msk [tilespmem:v9+s25+$0x0], $0xffff;
	v36 =	vmul.f32 v24, v0;
	v23 =	vadd.f32 v26, v23  }
0xe7: {  	v43 =	vadd.f32 v39, v29;
	v26 =	vand.u32 $0xFF, v45;
	v15 =	vadd.f32 v18, v15;
	v18 =	vld.idx.msk [tilespmem:v6+s4+$0x0], $0xffff  }
0xe8: {  	v17 =	vadd.f32 v49, v48;
	v58 =	vadd.f32 v44, v36;
	v36 =	vld.idx.msk [tilespmem:v6+s25+$0x0], $0xffff;
	v32 =	vpop (erf)  }
0xe9: {  	v11 =	vmul.f32 v11, v8;
	v41 =	vmul.f32 v32, v8;
	v32 =	vld.idx.msk [tilespmem:v9+s22+$0x0], $0xffff;
	v23 =	vadd.f32 v43, v23  }
0xea: {  	v10 =	vmul.f32 v10, v8;
	v8 =	vmul.f32 v17, v8;
	v17 =	vadd.f32 v57, v37;
	v37 =	vld.idx.msk [tilespmem:v6+s26+$0x0], $0xffff  }
0xeb: {  	(erf) = vrcp.f32 v23;
	v23 =	vld.idx.msk [tilespmem:v9+s19+$0x0], $0xffff  }
0xec: {  	v20 =	vld.idx.msk [tilespmem:v26+s4+$0x0], $0xffff  }
0xed: {  	v16 =	vadd.f32 v16, v25;
	v50 =	vmul.f32 v30, v1;
	v51 =	vmul.f32 v33, v2;
	v34 =	vld.idx.msk [tilespmem:v26+s22+$0x0], $0xffff  }
0xee: {  	v55 =	vmul.f32 v27, v1;
	v56 =	vmul.f32 v31, v2;
	v54 =	vld.idx.msk [tilespmem:v26+s3+$0x0], $0xffff  }
0xef: {  	v16 =	vadd.f32 v16, v22;
	v62 =	vmul.f32 v30, v5;
	v63 =	vmul.f32 v33, v12;
	v35 =	vld.idx.msk [tilespmem:v26+s16+$0x0], $0xffff  }
0xf0: {  	v11 =	vadd.f32 $0.0e+00, v11;
	v24 =	vmul.f32 v24, v4;
	v44 =	vmul.f32 v27, v5;
	v39 =	vld.idx.msk [tilespmem:v26+s30+$0x0], $0xffff  }
0xf1: {  	v10 =	vadd.f32 $0.0e+00, v10;
	v45 =	vmul.f32 v31, v12;
	v16 =	vmul.f32 v41, v16;
	v30 =	vld.idx.msk [tilespmem:v26+s24+$0x0], $0xffff  }
0xf2: {  	v21 =	vadd.f32 v56, v55;
	v13 =	vmul.f32 v41, v13;
	v47 =	vmul.f32 v41, v3;
	v33 =	vld.idx.msk [tilespmem:v26+s25+$0x0], $0xffff  }
0xf3: {  	v53 =	vadd.f32 v51, v50;
	v25 =	vld.idx.msk [tilespmem:v26+s26+$0x0], $0xffff;
	v52 =	vmul.f32 v32, v0;
	v32 =	vmul.f32 v32, v4  }
0xf4: {  	v21 =	vadd.f32 v58, v21;
	v9 =	vld.idx.msk [tilespmem:v9+s2+$0x0], $0xffff;
	v59 =	vmul.f32 v23, v0;
	v48 =	vmul.f32 v23, v4  }
0xf5: {  	v8 =	vadd.f32 $0.0e+00, v8;
	v22 =	vld.idx.msk [tilespmem:v26+s21+$0x0], $0xffff;
	v19 =	vmul.f32 v54, v1;
	v35 =	vmul.f32 v35, v2  }
0xf6: {  	v41 =	vld.idx.msk [tilespmem:v26+s29+$0x0], $0xffff;
	v14 =	vadd.f32 v42, v52;
	v39 =	vmul.f32 v39, v0;
	v52 =	vmul.f32 v20, v1  }
0xf7: {  	v60 =	vld.idx.msk [tilespmem:v26+s31+$0x0], $0xffff;
	v16 =	vadd.f32 $0.0e+00, v16;
	v54 =	vmul.f32 v34, v0;
	v55 =	vmul.f32 v30, v1  }
0xf8: {  	v58 =	vld.idx.msk [tilespmem:v6+s3+$0x0], $0xffff;
	v13 =	vadd.f32 $0.0e+00, v13;
	v56 =	vmul.f32 v33, v2;
	v57 =	vmul.f32 v25, v0  }
0xf9: {  	v28 =	vld.idx.msk [tilespmem:v26+s0+$0x0], $0xffff;
	v29 =	vadd.f32 $0.0e+00, v47;
	v20 =	vmul.f32 v20, v5;
	v25 =	vmul.f32 v25, v4  }
0xfa: {  	v3 =	vld [tilespmem:s9+$0x4E80];
	v14 =	vadd.f32 v14, v53;
	v9 =	vadd.f32 v9, v59;
	v53 =	vmul.f32 v22, v2  }
0xfb: {  	v40 =	vld.idx.msk [tilespmem:v26+s23+$0x0], $0xffff;
	v15 =	vadd.f32 v48, v15;
	v59 =	vmul.f32 v41, v1;
	v22 =	vmul.f32 v22, v12  }
0xfc: {  	v46 =	vld.idx.msk [tilespmem:v26+s28+$0x0], $0xffff;
	v48 =	vmul.f32 v34, v4;
	v19 =	vadd.f32 v35, v19;
	v47 =	vadd.f32 v60, v39;
	v38 =	vpop (erf)  }
0xfd: {  	v27 =	vld.idx.msk [tilespmem:v26+s19+$0x0], $0xffff;
	v9 =	vadd.f32 v9, v17;
	v17 =	vadd.f32 v45, v44;
	v38 =	vmul.f32 v38, v7  }
0xfe: {  	v49 =	vld.idx.msk [tilespmem:v26+s2+$0x0], $0xffff;
	v60 =	vmul.f32 v28, v2;
	v20 =	vadd.f32 v22, v20;
	v19 =	vadd.f32 v47, v19  }
0xff: {  	v26 =	vld.idx.msk [tilespmem:v6+s23+$0x0], $0xffff;
	v47 =	vmul.f32 v33, v12;
	v61 =	vmul.f32 v38, v14;
	v14 =	vadd.f32 v63, v62  }
0x100: {  	v44 =	vld.idx.msk [tilespmem:v6+s30+$0x0], $0xffff;
	v17 =	vadd.f32 v24, v17;
	v20 =	vadd.f32 v48, v20;
	v21 =	vmul.f32 v38, v21  }
0x101: {  	v34 =	vld.idx.msk [tilespmem:v6+s0+$0x0], $0xffff;
	(erf) = vrcp.f32 v19;
	v9 =	vmul.f32 v38, v9;
	v50 =	vadd.f32 v32, v14  }
0x102: {  	v45 =	vld.idx.msk [tilespmem:v6+s31+$0x0], $0xffff;
	v17 =	vmul.f32 v17, v7;
	v16 =	vadd.f32 v61, v16;
	v19 =	vadd.f32 v21, v13  }
0x103: {  	v33 =	vld.idx.msk [tilespmem:v6+s28+$0x0], $0xffff;
	v9 =	vadd.f32 v9, v29;
	v51 =	vmul.f32 v50, v7;
	v7 =	vmul.f32 v15, v7  }
0x104: {  	v28 =	vmul.f32 v28, v12;
	v24 =	vld.idx.msk [tilespmem:v6+s22+$0x0], $0xffff;
	v17 =	vadd.f32 v17, v10;
	v10 =	vadd.f32 v40, v54  }
0x105: {  	v62 =	vld.idx.msk [tilespmem:v6+s16+$0x0], $0xffff;
	v50 =	vmul.f32 v44, v0;
	v15 =	vadd.f32 v51, v11;
	v35 =	vadd.f32 v7, v8  }
0x106: {  	v48 =	vmul.f32 v37, v0;
	v14 =	vld [tilespmem:s9+$0x5650];
	v11 =	vadd.f32 v53, v52;
	v7 =	vadd.f32 v56, v55  }
0x107: {  	v21 =	vld.idx.msk [tilespmem:v6+s21+$0x0], $0xffff;
	v8 =	vadd.f32 v46, v57;
	v46 =	vmul.f32 v30, v5;
	v53 =	vadd.f32 v45, v50  }
0x108: {  	v63 =	vmul.f32 v27, v0;
	v13 =	vld [tilespmem:s9+$0x5E30];
	v50 =	vadd.f32 v33, v48;
	v10 =	vadd.f32 v10, v11  }
0x109: {  	v32 =	vld.idx.msk [tilespmem:v6+s24+$0x0], $0xffff;
	v29 =	vmul.f32 v58, v1;
	v7 =	vadd.f32 v8, v7;
	v23 =	vadd.f32 v47, v46  }
0x10a: {  	v30 =	vld.idx.msk [tilespmem:v6+s29+$0x0], $0xffff;
	v55 =	vmul.f32 v20, v3;
	v11 =	vadd.f32 v60, v59;
	v8 =	vadd.f32 v49, v63  }
0x10b: {  	v49 =	vmul.f32 v62, v2;
	v60 =	vmul.f32 v18, v1;
	v61 =	vpop (erf);
	v51 =	vadd.f32 v25, v23;
	v23 =	vld.idx.msk [tilespmem:v6+s19+$0x0], $0xffff  }
0x10c: {  	v38 =	vadd.f32 v55, v15;
	v63 =	vmul.f32 v24, v0;
	v31 =	vmul.f32 v61, v3;
	v25 =	vld.idx.msk [tilespmem:v6+s2+$0x0], $0xffff  }
0x10d: {  	v8 =	vadd.f32 v8, v11;
	v52 =	vadd.f32 v49, v29;
	v29 =	vand.u32 $0xFF, v13;
	v11 =	vld [tilespmem:s9+$0x17E0]  }
0x10e: {  	v6 =	vld [tilespmem:s9+$0x1FB0];
	v61 =	vmul.f32 v21, v2;
	v20 =	vadd.f32 v26, v63;
	v10 =	vmul.f32 v31, v10  }
0x10f: {  	v7 =	vmul.f32 v31, v7;
	v54 =	vmul.f32 v31, v8;
	v57 =	vadd.f32 v53, v52;
	v8 =	vld [tilespmem:s9+$0x2F50]  }
0x110: {  	v58 =	vmul.f32 v41, v5;
	v15 =	vadd.f32 v61, v60;
	v16 =	vadd.f32 v10, v16;
	v10 =	vld [tilespmem:s9+$0x1010]  }
0x111: {  	v45 =	vmul.f32 v32, v1;
	v33 =	vmul.f32 v32, v5;
	v19 =	vadd.f32 v7, v19;
	v7 =	vld [tilespmem:s9+$0x2780]  }
0x112: {  	v47 =	vmul.f32 v36, v2;
	(erf) = vrcp.f32 v57;
	v20 =	vadd.f32 v20, v15;
	v15 =	vld [tilespmem:s9+$0x3EF0]  }
0x113: {  	v18 =	vmul.f32 v18, v5;
	v21 =	vmul.f32 v21, v12;
	v62 =	vld.idx.msk [tilespmem:v29+s3+$0x0], $0xffff  }
0x114: {  	v59 =	vmul.f32 v27, v4;
	v31 =	vadd.f32 v54, v9;
	v9 =	vadd.f32 v28, v58;
	v46 =	vld.idx.msk [tilespmem:v29+s16+$0x0], $0xffff  }
0x115: {  	v49 =	vadd.f32 v47, v45;
	v57 =	vadd.f32 v21, v18;
	v58 =	vmul.f32 v24, v4;
	v42 =	vld.idx.msk [tilespmem:v29+s30+$0x0], $0xffff  }
0x116: {  	v2 =	vmul.f32 v34, v2;
	v56 =	vmul.f32 v51, v3;
	v51 =	vld.idx.msk [tilespmem:v29+s31+$0x0], $0xffff;
	v9 =	vadd.f32 v59, v9  }
0x117: {  	v1 =	vmul.f32 v30, v1;
	v5 =	vmul.f32 v30, v5;
	v27 =	vld.idx.msk [tilespmem:v29+s4+$0x0], $0xffff;
	v18 =	vadd.f32 v58, v57  }
0x118: {  	v63 =	vshrl.u32 v13, $0x8;
	v0 =	vmul.f32 v23, v0;
	v39 =	vld.idx.msk [tilespmem:v29+s21+$0x0], $0xffff;
	v3 =	vmul.f32 v9, v3  }
0x119: {  	v22 =	vadd.f32 v50, v49;
	v40 =	vld.idx.msk [tilespmem:v29+s22+$0x0], $0xffff;
	v61 =	vmul.f32 v18, v14;
	v52 =	vmul.f32 v62, v10  }
0x11a: {  	v1 =	vadd.f32 v2, v1;
	v24 =	vld.idx.msk [tilespmem:v29+s24+$0x0], $0xffff;
	v53 =	vmul.f32 v46, v11;
	v54 =	vmul.f32 v42, v6  }
0x11b: {  	v28 =	vld.idx.msk [tilespmem:v29+s29+$0x0], $0xffff;
	v60 =	vadd.f32 v3, v35;
	v35 =	vmul.f32 v36, v12;
	v12 =	vmul.f32 v34, v12;
	v55 =	vpop (erf)  }
0x11c: {  	v30 =	vld.idx.msk [tilespmem:v29+s0+$0x0], $0xffff;
	v0 =	vadd.f32 v25, v0;
	v36 =	vmul.f32 v37, v4;
	v25 =	vmul.f32 v55, v14  }
0x11d: {  	v17 =	vadd.f32 v56, v17;
	v59 =	vld.idx.msk [tilespmem:v29+s23+$0x0], $0xffff;
	v4 =	vmul.f32 v23, v4;
	v37 =	vmul.f32 v27, v10  }
0x11e: {  	v9 =	vld [tilespmem:s9+$0x3720];
	v2 =	vadd.f32 v53, v52;
	v56 =	vadd.f32 v51, v54;
	v22 =	vmul.f32 v25, v22  }
0x11f: {  	v0 =	vadd.f32 v0, v1;
	v62 =	vld.idx.msk [tilespmem:v29+s28+$0x0], $0xffff;
	v41 =	vmul.f32 v40, v6;
	v42 =	vmul.f32 v24, v10  }
0x120: {  	v23 =	vld.idx.msk [tilespmem:v29+s19+$0x0], $0xffff;
	v2 =	vadd.f32 v56, v2;
	v1 =	vadd.f32 v22, v19;
	v19 =	vand.u32 $0xFF, v63  }
0x121: {  	v47 =	vmul.f32 v28, v10;
	v5 =	vadd.f32 v12, v5;
	v12 =	vld [tilespmem:s9+$0x46C0];
	v20 =	vmul.f32 v25, v20  }
0x122: {  	v0 =	vmul.f32 v25, v0;
	v25 =	vld.idx.msk [tilespmem:v29+s25+$0x0], $0xffff;
	(erf) = vrcp.f32 v2  }
0x123: {  	v27 =	vmul.f32 v27, v7;
	v57 =	vmul.f32 v39, v8;
	v3 =	vadd.f32 v20, v16;
	v16 =	vld.idx.msk [tilespmem:v29+s26+$0x0], $0xffff  }
0x124: {  	v50 =	vmul.f32 v30, v11;
	v24 =	vmul.f32 v24, v7;
	v21 =	vadd.f32 v59, v41;
	v29 =	vld.idx.msk [tilespmem:v29+s2+$0x0], $0xffff  }
0x125: {  	v28 =	vmul.f32 v28, v7;
	v26 =	vadd.f32 v57, v27;
	v20 =	vadd.f32 v35, v33;
	v35 =	vld.idx.msk [tilespmem:v19+s4+$0x0], $0xffff  }
0x126: {  	v30 =	vmul.f32 v30, v8;
	v4 =	vadd.f32 v4, v5;
	v55 =	vadd.f32 v50, v47;
	v45 =	vld.idx.msk [tilespmem:v19+s3+$0x0], $0xffff  }
0x127: {  	v54 =	vmul.f32 v23, v6;
	v2 =	vadd.f32 v61, v38;
	v38 =	vmul.f32 v39, v11;
	v49 =	vld.idx.msk [tilespmem:v19+s16+$0x0], $0xffff  }
0x128: {  	v0 =	vadd.f32 v0, v31;
	v43 =	vmul.f32 v25, v11;
	v25 =	vmul.f32 v25, v8;
	v52 =	vld.idx.msk [tilespmem:v19+s30+$0x0], $0xffff  }
0x129: {  	v23 =	vmul.f32 v23, v9;
	v31 =	vadd.f32 v38, v37;
	v20 =	vadd.f32 v36, v20;
	v56 =	vld.idx.msk [tilespmem:v19+s31+$0x0], $0xffff  }
0x12a: {  	v44 =	vmul.f32 v16, v6;
	v58 =	vld.idx.msk [tilespmem:v19+s23+$0x0], $0xffff;
	v24 =	vadd.f32 v25, v24;
	v16 =	vmul.f32 v16, v9  }
0x12b: {  	v4 =	vmul.f32 v4, v14;
	v21 =	vadd.f32 v21, v31;
	v46 =	vadd.f32 v43, v42;
	v33 =	vld.idx.msk [tilespmem:v19+s24+$0x0], $0xffff;
	v48 =	vpop (erf)  }
0x12c: {  	v27 =	vld.idx.msk [tilespmem:v19+s25+$0x0], $0xffff;
	v18 =	vadd.f32 v62, v44;
	v16 =	vadd.f32 v16, v24;
	v51 =	vmul.f32 v48, v15  }
0x12d: {  	v4 =	vadd.f32 v4, v60;
	v20 =	vmul.f32 v20, v14;
	v36 =	vld.idx.msk [tilespmem:v19+s26+$0x0], $0xffff;
	v62 =	vmul.f32 v40, v9  }
0x12e: {  	v37 =	vld.idx.msk [tilespmem:v19+s29+$0x0], $0xffff;
	v53 =	vadd.f32 v18, v46;
	v16 =	vmul.f32 v16, v15;
	v21 =	vmul.f32 v51, v21  }
0x12f: {  	v34 =	vld.idx.msk [tilespmem:v19+s0+$0x0], $0xffff;
	v18 =	vadd.f32 v29, v54;
	v22 =	vmul.f32 v45, v10;
	v59 =	vmul.f32 v49, v11  }
0x130: {  	v63 =	vld.idx.msk [tilespmem:v19+s28+$0x0], $0xffff;
	v60 =	vmul.f32 v52, v6;
	v45 =	vshrl.u32 v13, $0x10;
	v13 =	vshrl.u32 v13, $0x18  }
0x131: {  	v5 =	vadd.f32 v20, v17;
	v20 =	vld.idx.msk [tilespmem:v19+s21+$0x0], $0xffff;
	v46 =	vmul.f32 v35, v10;
	v50 =	vmul.f32 v33, v10  }
0x132: {  	v24 =	vld.idx.msk [tilespmem:v19+s19+$0x0], $0xffff;
	v14 =	vadd.f32 v18, v55;
	v18 =	vadd.f32 v59, v22;
	v22 =	vand.u32 $0xFF, v45  }
0x133: {  	v28 =	vadd.f32 v30, v28;
	v29 =	vld.idx.msk [tilespmem:v19+s22+$0x0], $0xffff;
	v52 =	vmul.f32 v36, v6;
	v54 =	vmul.f32 v37, v10  }
0x134: {  	v26 =	vadd.f32 v62, v26;
	v19 =	vld.idx.msk [tilespmem:v19+s2+$0x0], $0xffff;
	v43 =	vmul.f32 v34, v11;
	v35 =	vmul.f32 v35, v7  }
0x135: {  	v23 =	vadd.f32 v23, v28;
	v62 =	vmul.f32 v33, v7;
	v17 =	vmul.f32 v51, v53;
	v42 =	vld.idx.msk [tilespmem:v13+s21+$0x0], $0xffff  }
0x136: {  	v26 =	vmul.f32 v26, v15;
	v47 =	vmul.f32 v20, v11;
	v57 =	vadd.f32 v43, v54;
	v43 =	vld.idx.msk [tilespmem:v13+s26+$0x0], $0xffff  }
0x137: {  	v16 =	vadd.f32 $0.0e+00, v16;
	v15 =	vmul.f32 v23, v15;
	v20 =	vmul.f32 v20, v8;
	v31 =	vld.idx.msk [tilespmem:v22+s4+$0x0], $0xffff  }
0x138: {  	v61 =	vadd.f32 v56, v60;
	v21 =	vadd.f32 $0.0e+00, v21;
	v55 =	vmul.f32 v24, v6;
	v39 =	vld.idx.msk [tilespmem:v22+s21+$0x0], $0xffff  }
0x139: {  	v25 =	vadd.f32 v63, v52;
	v63 =	vmul.f32 v36, v9;
	v14 =	vmul.f32 v51, v14;
	v30 =	vld.idx.msk [tilespmem:v22+s22+$0x0], $0xffff  }
0x13a: {  	v17 =	vadd.f32 $0.0e+00, v17;
	v49 =	vadd.f32 v47, v46;
	v51 =	vmul.f32 v27, v11;
	v53 =	vld.idx.msk [tilespmem:v22+s3+$0x0], $0xffff  }
0x13b: {  	v27 =	vmul.f32 v27, v8;
	v20 =	vadd.f32 v20, v35;
	v18 =	vadd.f32 v61, v18;
	v44 =	vld.idx.msk [tilespmem:v22+s16+$0x0], $0xffff  }
0x13c: {  	v48 =	vmul.f32 v29, v6;
	v19 =	vadd.f32 v19, v55;
	v29 =	vmul.f32 v29, v9;
	v56 =	vld.idx.msk [tilespmem:v22+s30+$0x0], $0xffff  }
0x13d: {  	v55 =	vmul.f32 v24, v9;
	v28 =	vadd.f32 v51, v50;
	v27 =	vadd.f32 v27, v62;
	v59 =	vld.idx.msk [tilespmem:v22+s23+$0x0], $0xffff  }
0x13e: {  	(erf) = vrcp.f32 v18;
	v32 =	vadd.f32 v58, v48;
	v20 =	vadd.f32 v29, v20;
	v61 =	vld.idx.msk [tilespmem:v22+s31+$0x0], $0xffff  }
0x13f: {  	v48 =	vmul.f32 v37, v7;
	v25 =	vadd.f32 v25, v28;
	v45 =	vld.idx.msk [tilespmem:v22+s29+$0x0], $0xffff;
	v27 =	vadd.f32 v63, v27  }
0x140: {  	v28 =	vld.idx.msk [tilespmem:v22+s0+$0x0], $0xffff;
	v23 =	vadd.f32 v32, v49;
	v20 =	vmul.f32 v20, v12;
	v49 =	vmul.f32 v34, v8  }
0x141: {  	v26 =	vadd.f32 $0.0e+00, v26;
	v33 =	vld.idx.msk [tilespmem:v22+s24+$0x0], $0xffff;
	v47 =	vmul.f32 v27, v12;
	v41 =	vmul.f32 v53, v10  }
0x142: {  	v15 =	vadd.f32 $0.0e+00, v15;
	v32 =	vld.idx.msk [tilespmem:v22+s19+$0x0], $0xffff;
	v44 =	vmul.f32 v44, v11;
	v38 =	vmul.f32 v56, v6  }
0x143: {  	v14 =	vadd.f32 $0.0e+00, v14;
	v40 =	vld.idx.msk [tilespmem:v22+s25+$0x0], $0xffff;
	v50 =	vmul.f32 v31, v10;
	v51 =	vmul.f32 v39, v11  }
0x144: {  	v19 =	vadd.f32 v19, v57;
	v35 =	vld.idx.msk [tilespmem:v22+s26+$0x0], $0xffff;
	v52 =	vmul.f32 v30, v6;
	v62 =	vmul.f32 v45, v10  }
0x145: {  	v36 =	vld.idx.msk [tilespmem:v22+s28+$0x0], $0xffff;
	v20 =	vadd.f32 v20, v26;
	v63 =	vmul.f32 v28, v11;
	v31 =	vmul.f32 v31, v7  }
0x146: {  	v34 =	vld.idx.msk [tilespmem:v13+s4+$0x0], $0xffff;
	v54 =	vadd.f32 v49, v48;
	v39 =	vmul.f32 v39, v8;
	v30 =	vmul.f32 v30, v9  }
0x147: {  	v53 =	vld.idx.msk [tilespmem:v13+s3+$0x0], $0xffff;
	v49 =	vmul.f32 v32, v6;
	v41 =	vadd.f32 v44, v41;
	v38 =	vadd.f32 v61, v38  }
0x148: {  	v56 =	vld.idx.msk [tilespmem:v13+s16+$0x0], $0xffff;
	v32 =	vmul.f32 v32, v9;
	v26 =	vadd.f32 v51, v50;
	v57 =	vadd.f32 v59, v52  }
0x149: {  	v22 =	vld.idx.msk [tilespmem:v22+s2+$0x0], $0xffff;
	v61 =	vmul.f32 v35, v6;
	v27 =	vadd.f32 v63, v62;
	v35 =	vmul.f32 v35, v9;
	v58 =	vpop (erf)  }
0x14a: {  	v18 =	vld [tilespmem:s9+$0x4E90];
	v62 =	vmul.f32 v42, v11;
	v60 =	vmul.f32 v58, v12;
	v46 =	vadd.f32 v38, v41  }
0x14b: {  	v29 =	vld.idx.msk [tilespmem:v13+s0+$0x0], $0xffff;
	v58 =	vmul.f32 v33, v10;
	v26 =	vadd.f32 v57, v26;
	v57 =	vmul.f32 v40, v8  }
0x14c: {  	v59 =	vld.idx.msk [tilespmem:v13+s30+$0x0], $0xffff;
	v36 =	vadd.f32 v36, v61;
	v61 =	vmul.f32 v34, v10;
	v38 =	vmul.f32 v53, v10  }
0x14d: {  	v48 =	vld.idx.msk [tilespmem:v13+s31+$0x0], $0xffff;
	v31 =	vadd.f32 v39, v31;
	v24 =	vmul.f32 v56, v11;
	(erf) = vrcp.f32 v46  }
0x14e: {  	v39 =	vld.idx.msk [tilespmem:v13+s25+$0x0], $0xffff;
	v22 =	vadd.f32 v22, v49;
	v23 =	vmul.f32 v60, v23;
	v25 =	vmul.f32 v60, v25  }
0x14f: {  	v41 =	vld.idx.msk [tilespmem:v13+s23+$0x0], $0xffff;
	v30 =	vadd.f32 v30, v31;
	v44 =	vmul.f32 v60, v19;
	v60 =	vmul.f32 v40, v11  }
0x150: {  	v22 =	vadd.f32 v22, v27;
	v27 =	vld.idx.msk [tilespmem:v13+s28+$0x0], $0xffff;
	v56 =	vmul.f32 v33, v7;
	v24 =	vadd.f32 v24, v38  }
0x151: {  	v46 =	vld.idx.msk [tilespmem:v13+s22+$0x0], $0xffff;
	v37 =	vmul.f32 v59, v6;
	v25 =	vadd.f32 v25, v17;
	v17 =	vadd.f32 v60, v58  }
0x152: {  	v59 =	vmul.f32 v45, v7;
	v21 =	vadd.f32 v23, v21;
	v23 =	vadd.f32 v47, v16;
	v47 =	vld.idx.msk [tilespmem:v13+s24+$0x0], $0xffff  }
0x153: {  	v49 =	vmul.f32 v39, v11;
	v16 =	vadd.f32 v55, v54;
	v52 =	vadd.f32 v36, v17;
	v17 =	vld [tilespmem:s9+$0x5E40]  }
0x154: {  	v19 =	vld [tilespmem:s9+$0x5660];
	v11 =	vmul.f32 v29, v11;
	v55 =	vmul.f32 v30, v18;
	v37 =	vadd.f32 v48, v37  }
0x155: {  	v14 =	vadd.f32 v44, v14;
	v30 =	vld.idx.msk [tilespmem:v13+s19+$0x0], $0xffff;
	v60 =	vmul.f32 v28, v8;
	v12 =	vmul.f32 v16, v12  }
0x156: {  	v58 =	vld.idx.msk [tilespmem:v13+s2+$0x0], $0xffff;
	v44 =	vmul.f32 v39, v8;
	v20 =	vadd.f32 v55, v20;
	v24 =	vadd.f32 v37, v24;
	v50 =	vpop (erf)  }
0x157: {  	v16 =	vld [tilespmem:s9+$0x17F0];
	v31 =	vadd.f32 v12, v15;
	v12 =	vadd.f32 v57, v56;
	v51 =	vmul.f32 v50, v18  }
0x158: {  	v63 =	vmul.f32 v46, v6;
	v15 =	vld [tilespmem:s9+$0x1FC0];
	v48 =	vmul.f32 v47, v10;
	v28 =	vand.u32 $0xFF, v17  }
0x159: {  	v35 =	vadd.f32 v35, v12;
	v12 =	vld [tilespmem:s9+$0x2790];
	v53 =	vmul.f32 v51, v52;
	v54 =	vmul.f32 v51, v22  }
0x15a: {  	(erf) = vrcp.f32 v24;
	v38 =	vadd.f32 v49, v48;
	v22 =	vld.idx.msk [tilespmem:v13+s29+$0x0], $0xffff;
	v13 =	vadd.f32 v60, v59  }
0x15b: {  	v48 =	vmul.f32 v43, v9;
	v24 =	vadd.f32 v53, v25;
	v25 =	vadd.f32 v54, v14;
	v14 =	vld [tilespmem:s9+$0x1020]  }
0x15c: {  	v50 =	vmul.f32 v43, v6;
	v6 =	vmul.f32 v30, v6;
	v32 =	vadd.f32 v32, v13;
	v13 =	vld [tilespmem:s9+$0x2F60]  }
0x15d: {  	v49 =	vshrl.u32 v17, $0x8;
	v35 =	vmul.f32 v35, v18;
	v26 =	vmul.f32 v51, v26;
	v52 =	vld.idx.msk [tilespmem:v28+s3+$0x0], $0xffff  }
0x15e: {  	v51 =	vadd.f32 v41, v63;
	v6 =	vadd.f32 v58, v6;
	v58 =	vmul.f32 v34, v7;
	v54 =	vld.idx.msk [tilespmem:v28+s16+$0x0], $0xffff  }
0x15f: {  	v27 =	vadd.f32 v27, v50;
	v59 =	vmul.f32 v42, v8;
	v63 =	vmul.f32 v47, v7;
	v55 =	vld.idx.msk [tilespmem:v28+s30+$0x0], $0xffff  }
0x160: {  	v47 =	vmul.f32 v46, v9;
	v26 =	vadd.f32 v26, v21;
	v21 =	vadd.f32 v62, v61;
	v34 =	vld.idx.msk [tilespmem:v28+s4+$0x0], $0xffff  }
0x161: {  	v23 =	vadd.f32 v35, v23;
	v50 =	vmul.f32 v29, v8;
	v37 =	vld.idx.msk [tilespmem:v28+s22+$0x0], $0xffff;
	v18 =	vmul.f32 v32, v18  }
0x162: {  	v9 =	vmul.f32 v30, v9;
	v27 =	vadd.f32 v27, v38;
	v41 =	vld.idx.msk [tilespmem:v28+s26+$0x0], $0xffff;
	v36 =	vadd.f32 v51, v21  }
0x163: {  	v57 =	vld.idx.msk [tilespmem:v28+s31+$0x0], $0xffff;
	v10 =	vmul.f32 v22, v10;
	v7 =	vmul.f32 v22, v7;
	v53 =	vpop (erf);
	v18 =	vadd.f32 v18, v31  }
0x164: {  	v35 =	vld.idx.msk [tilespmem:v28+s21+$0x0], $0xffff;
	v31 =	vadd.f32 v59, v58;
	v40 =	vmul.f32 v53, v19;
	v60 =	vmul.f32 v52, v14  }
0x165: {  	v45 =	vld.idx.msk [tilespmem:v28+s23+$0x0], $0xffff;
	v10 =	vadd.f32 v11, v10;
	v61 =	vmul.f32 v54, v16;
	v62 =	vmul.f32 v55, v15  }
0x166: {  	v33 =	vld.idx.msk [tilespmem:v28+s29+$0x0], $0xffff;
	v11 =	vadd.f32 v44, v63;
	v22 =	vadd.f32 v50, v7;
	v58 =	vmul.f32 v37, v15  }
0x167: {  	v51 =	vld.idx.msk [tilespmem:v28+s28+$0x0], $0xffff;
	v43 =	vmul.f32 v41, v15;
	v50 =	vmul.f32 v34, v12;
	v31 =	vadd.f32 v47, v31  }
0x168: {  	v38 =	vld [tilespmem:s9+$0x46D0];
	v56 =	vmul.f32 v40, v36;
	v36 =	vadd.f32 v61, v60;
	v32 =	vadd.f32 v57, v62  }
0x169: {  	v52 =	vld.idx.msk [tilespmem:v28+s0+$0x0], $0xffff;
	v27 =	vmul.f32 v40, v27;
	v10 =	vadd.f32 v6, v10;
	v11 =	vadd.f32 v48, v11  }
0x16a: {  	v54 =	vld.idx.msk [tilespmem:v28+s19+$0x0], $0xffff;
	v22 =	vadd.f32 v9, v22;
	v32 =	vadd.f32 v32, v36;
	v36 =	vand.u32 $0xFF, v49  }
0x16b: {  	v55 =	vld.idx.msk [tilespmem:v28+s2+$0x0], $0xffff;
	v57 =	vmul.f32 v35, v16;
	v63 =	vadd.f32 v45, v58;
	v45 =	vmul.f32 v33, v14  }
0x16c: {  	v29 =	vadd.f32 v51, v43;
	v53 =	vmul.f32 v31, v19;
	v10 =	vmul.f32 v40, v10;
	v40 =	vld.idx.msk [tilespmem:v28+s24+$0x0], $0xffff  }
0x16d: {  	v6 =	vadd.f32 v56, v26;
	v26 =	vld.idx.msk [tilespmem:v28+s25+$0x0], $0xffff;
	v11 =	vmul.f32 v11, v19;
	(erf) = vrcp.f32 v32  }
0x16e: {  	v56 =	vmul.f32 v34, v14;
	v7 =	vadd.f32 v10, v25;
	v10 =	vadd.f32 v53, v20;
	v20 =	vld [tilespmem:s9+$0x3730]  }
0x16f: {  	v8 =	vadd.f32 v27, v24;
	v19 =	vmul.f32 v22, v19;
	v46 =	vmul.f32 v52, v16;
	v59 =	vld.idx.msk [tilespmem:v36+s3+$0x0], $0xffff  }
0x170: {  	v47 =	vmul.f32 v54, v15;
	v9 =	vadd.f32 v11, v23;
	v60 =	vadd.f32 v57, v56;
	v62 =	vld.idx.msk [tilespmem:v36+s16+$0x0], $0xffff  }
0x171: {  	v35 =	vmul.f32 v35, v13;
	v11 =	vadd.f32 v19, v18;
	v18 =	vadd.f32 v46, v45;
	v44 =	vld.idx.msk [tilespmem:v36+s30+$0x0], $0xffff  }
0x172: {  	v21 =	vld [tilespmem:s9+$0x3F00];
	v24 =	vmul.f32 v52, v13;
	v27 =	vadd.f32 v55, v47;
	v22 =	vadd.f32 v63, v60  }
0x173: {  	v60 =	vshrl.u32 v17, $0x10;
	v61 =	vmul.f32 v40, v14;
	v42 =	vmul.f32 v26, v16;
	v48 =	vld.idx.msk [tilespmem:v36+s31+$0x0], $0xffff  }
0x174: {  	v31 =	vld.idx.msk [tilespmem:v36+s4+$0x0], $0xffff;
	v18 =	vadd.f32 v27, v18;
	v56 =	vmul.f32 v40, v12;
	v26 =	vmul.f32 v26, v13  }
0x175: {  	v34 =	vld.idx.msk [tilespmem:v36+s22+$0x0], $0xffff;
	v28 =	vadd.f32 v42, v61;
	v57 =	vmul.f32 v37, v20;
	v23 =	vmul.f32 v59, v14  }
0x176: {  	v51 =	vld.idx.msk [tilespmem:v36+s23+$0x0], $0xffff;
	v27 =	vadd.f32 v35, v50;
	v30 =	vmul.f32 v62, v16;
	v39 =	vmul.f32 v44, v15;
	v49 =	vpop (erf)  }
0x177: {  	v40 =	vld.idx.msk [tilespmem:v36+s28+$0x0], $0xffff;
	v58 =	vmul.f32 v41, v20;
	v28 =	vadd.f32 v29, v28;
	v19 =	vmul.f32 v49, v21  }
0x178: {  	v37 =	vld.idx.msk [tilespmem:v36+s25+$0x0], $0xffff;
	v25 =	vmul.f32 v54, v20;
	v23 =	vadd.f32 v30, v23;
	v55 =	vadd.f32 v48, v39  }
0x179: {  	v35 =	vld.idx.msk [tilespmem:v36+s29+$0x0], $0xffff;
	v27 =	vadd.f32 v57, v27;
	v59 =	vmul.f32 v33, v12;
	v22 =	vmul.f32 v19, v22  }
0x17a: {  	v63 =	vld.idx.msk [tilespmem:v36+s2+$0x0], $0xffff;
	v52 =	vmul.f32 v31, v14;
	v54 =	vmul.f32 v34, v15;
	v23 =	vadd.f32 v55, v23  }
0x17b: {  	v29 =	vld.idx.msk [tilespmem:v36+s21+$0x0], $0xffff;
	v31 =	vmul.f32 v31, v12;
	v34 =	vmul.f32 v34, v20;
	v32 =	vadd.f32 $0.0e+00, v22  }
0x17c: {  	v33 =	vld.idx.msk [tilespmem:v36+s26+$0x0], $0xffff;
	v22 =	vadd.f32 v26, v56;
	(erf) = vrcp.f32 v23;
	v23 =	vand.u32 $0xFF, v60  }
0x17d: {  	v61 =	vmul.f32 v27, v21;
	v27 =	vld.idx.msk [tilespmem:v36+s19+$0x0], $0xffff;
	v24 =	vadd.f32 v24, v59;
	v57 =	vmul.f32 v37, v16  }
0x17e: {  	v39 =	vld.idx.msk [tilespmem:v36+s24+$0x0], $0xffff;
	v59 =	vmul.f32 v35, v14;
	v37 =	vmul.f32 v37, v13;
	v22 =	vadd.f32 v58, v22  }
0x17f: {  	v35 =	vmul.f32 v35, v12;
	v28 =	vmul.f32 v19, v28;
	v24 =	vadd.f32 v25, v24;
	v26 =	vld.idx.msk [tilespmem:v36+s0+$0x0], $0xffff  }
0x180: {  	v53 =	vmul.f32 v29, v16;
	v62 =	vmul.f32 v22, v21;
	v22 =	vld [tilespmem:s9+$0x4EA0]  }
0x181: {  	v17 =	vshrl.u32 v17, $0x18;
	v29 =	vmul.f32 v29, v13;
	v21 =	vmul.f32 v24, v21;
	v24 =	vld.idx.msk [tilespmem:v23+s4+$0x0], $0xffff  }
0x182: {  	v18 =	vmul.f32 v19, v18;
	v19 =	vadd.f32 $0.0e+00, v61;
	v55 =	vadd.f32 v51, v54;
	v43 =	vld.idx.msk [tilespmem:v23+s21+$0x0], $0xffff  }
0x183: {  	v36 =	vadd.f32 v53, v52;
	v61 =	vmul.f32 v27, v15;
	v29 =	vadd.f32 v29, v31;
	v46 =	vld.idx.msk [tilespmem:v23+s22+$0x0], $0xffff  }
0x184: {  	v28 =	vadd.f32 $0.0e+00, v28;
	v56 =	vmul.f32 v39, v14;
	v39 =	vmul.f32 v39, v12;
	v49 =	vld.idx.msk [tilespmem:v23+s3+$0x0], $0xffff  }
0x185: {  	v58 =	vmul.f32 v33, v15;
	v36 =	vadd.f32 v55, v36;
	v29 =	vadd.f32 v34, v29;
	v50 =	vld.idx.msk [tilespmem:v23+s16+$0x0], $0xffff  }
0x186: {  	v25 =	vadd.f32 v63, v61;
	v33 =	vmul.f32 v33, v20;
	v37 =	vadd.f32 v37, v39;
	v42 =	vld.idx.msk [tilespmem:v23+s23+$0x0], $0xffff  }
0x187: {  	v40 =	vadd.f32 v40, v58;
	v29 =	vmul.f32 v29, v38;
	v60 =	vmul.f32 v26, v16;
	v63 =	vld.idx.msk [tilespmem:v23+s31+$0x0], $0xffff  }
0x188: {  	v26 =	vmul.f32 v26, v13;
	v33 =	vadd.f32 v33, v37;
	v30 =	vadd.f32 $0.0e+00, v62;
	v62 =	vld.idx.msk [tilespmem:v23+s30+$0x0], $0xffff  }
0x189: {  	v27 =	vmul.f32 v27, v20;
	v31 =	vld.idx.msk [tilespmem:v23+s26+$0x0], $0xffff;
	v44 =	vadd.f32 $0.0e+00, v21;
	v21 =	vadd.f32 v57, v56  }
0x18a: {  	v39 =	vld.idx.msk [tilespmem:v23+s28+$0x0], $0xffff;
	v19 =	vadd.f32 v29, v19;
	v26 =	vadd.f32 v26, v35;
	v55 =	vmul.f32 v33, v38;
	v48 =	vpop (erf)  }
0x18b: {  	v34 =	vld.idx.msk [tilespmem:v23+s0+$0x0], $0xffff;
	v41 =	vadd.f32 v60, v59;
	v48 =	vmul.f32 v48, v38;
	v52 =	vmul.f32 v49, v14  }
0x18c: {  	v35 =	vld.idx.msk [tilespmem:v23+s19+$0x0], $0xffff;
	v26 =	vadd.f32 v27, v26;
	v53 =	vmul.f32 v50, v16;
	v57 =	vmul.f32 v24, v14  }
0x18d: {  	v33 =	vld.idx.msk [tilespmem:v17+s3+$0x0], $0xffff;
	v21 =	vadd.f32 v40, v21;
	v58 =	vmul.f32 v43, v16;
	v45 =	vmul.f32 v62, v15  }
0x18e: {  	v60 =	vld.idx.msk [tilespmem:v17+s16+$0x0], $0xffff;
	v25 =	vadd.f32 v25, v41;
	v59 =	vmul.f32 v46, v15;
	v56 =	vmul.f32 v26, v38  }
0x18f: {  	v29 =	vld.idx.msk [tilespmem:v17+s4+$0x0], $0xffff;
	v36 =	vmul.f32 v48, v36;
	v47 =	vadd.f32 v53, v52;
	v40 =	vadd.f32 v63, v45  }
0x190: {  	v18 =	vadd.f32 $0.0e+00, v18;
	v41 =	vld.idx.msk [tilespmem:v23+s24+$0x0], $0xffff;
	v21 =	vmul.f32 v48, v21;
	v25 =	vmul.f32 v48, v25  }
0x191: {  	v50 =	vld.idx.msk [tilespmem:v23+s29+$0x0], $0xffff;
	v52 =	vadd.f32 v58, v57;
	v53 =	vmul.f32 v31, v15;
	v54 =	vadd.f32 v40, v47  }
0x192: {  	v37 =	vadd.f32 v42, v59;
	v57 =	vmul.f32 v35, v15;
	v33 =	vmul.f32 v33, v14;
	v63 =	vld.idx.msk [tilespmem:v17+s30+$0x0], $0xffff  }
0x193: {  	v38 =	vmul.f32 v60, v16;
	v32 =	vadd.f32 v36, v32;
	v36 =	vld.idx.msk [tilespmem:v23+s25+$0x0], $0xffff;
	(erf) = vrcp.f32 v54  }
0x194: {  	v60 =	vmul.f32 v24, v12;
	v44 =	vadd.f32 v56, v44;
	v56 =	vmul.f32 v34, v16;
	v23 =	vld.idx.msk [tilespmem:v23+s2+$0x0], $0xffff  }
0x195: {  	v48 =	vld.idx.msk [tilespmem:v17+s22+$0x0], $0xffff;
	v34 =	vmul.f32 v34, v13;
	v27 =	vadd.f32 v21, v28;
	v25 =	vadd.f32 v25, v18  }
0x196: {  	v28 =	vadd.f32 v55, v30;
	v26 =	vadd.f32 v39, v53;
	v55 =	vmul.f32 v50, v14;
	v54 =	vld.idx.msk [tilespmem:v17+s31+$0x0], $0xffff  }
0x197: {  	v61 =	vmul.f32 v41, v14;
	v18 =	vadd.f32 v37, v52;
	v33 =	vadd.f32 v38, v33;
	v47 =	vld.idx.msk [tilespmem:v17+s21+$0x0], $0xffff  }
0x198: {  	v49 =	vld.idx.msk [tilespmem:v17+s25+$0x0], $0xffff;
	v39 =	vadd.f32 v56, v55;
	v45 =	vmul.f32 v63, v15;
	v62 =	vmul.f32 v36, v16  }
0x199: {  	v63 =	vmul.f32 v46, v20;
	v23 =	vadd.f32 v23, v57;
	v46 =	vmul.f32 v36, v13;
	v36 =	vld.idx.msk [tilespmem:v17+s29+$0x0], $0xffff  }
0x19a: {  	v52 =	vmul.f32 v50, v12;
	v30 =	vadd.f32 v62, v61;
	v61 =	vmul.f32 v43, v13;
	v43 =	vld.idx.msk [tilespmem:v17+s26+$0x0], $0xffff  }
0x19b: {  	v57 =	vmul.f32 v48, v15;
	v23 =	vadd.f32 v23, v39;
	v39 =	vld.idx.msk [tilespmem:v17+s0+$0x0], $0xffff;
	v59 =	vadd.f32 v54, v45  }
0x19c: {  	v24 =	vld [tilespmem:s9+$0x5E50];
	v53 =	vadd.f32 v34, v52;
	v56 =	vmul.f32 v47, v16;
	v45 =	vmul.f32 v41, v12;
	v58 =	vpop (erf)  }
0x19d: {  	v40 =	vld.idx.msk [tilespmem:v17+s19+$0x0], $0xffff;
	v54 =	vmul.f32 v35, v20;
	v33 =	vadd.f32 v59, v33;
	v37 =	vmul.f32 v58, v22  }
0x19e: {  	v42 =	vld.idx.msk [tilespmem:v17+s24+$0x0], $0xffff;
	v62 =	vadd.f32 v61, v60;
	v61 =	vmul.f32 v49, v16;
	v52 =	vmul.f32 v36, v14  }
0x19f: {  	v35 =	vld.idx.msk [tilespmem:v17+s2+$0x0], $0xffff;
	(erf) = vrcp.f32 v33;
	v18 =	vmul.f32 v37, v18  }
0x1a0: {  	v21 =	vld [tilespmem:s9+$0x5670];
	v51 =	vadd.f32 v63, v62;
	v63 =	vmul.f32 v43, v15;
	v16 =	vmul.f32 v39, v16  }
0x1a1: {  	v41 =	vld.idx.msk [tilespmem:v17+s28+$0x0], $0xffff;
	v32 =	vadd.f32 v18, v32;
	v18 =	vadd.f32 v46, v45;
	v45 =	vand.u32 $0xFF, v24  }
0x1a2: {  	v26 =	vadd.f32 v26, v30;
	v30 =	vld.idx.msk [tilespmem:v17+s23+$0x0], $0xffff;
	v15 =	vmul.f32 v40, v15;
	v33 =	vmul.f32 v51, v22  }
0x1a3: {  	v31 =	vmul.f32 v31, v20;
	v55 =	vmul.f32 v29, v14;
	v17 =	vld [tilespmem:s9+$0x1030];
	v16 =	vadd.f32 v16, v52  }
0x1a4: {  	v29 =	vmul.f32 v29, v12;
	v15 =	vadd.f32 v35, v15;
	v33 =	vadd.f32 v33, v19;
	v19 =	vld [tilespmem:s9+$0x1FD0]  }
0x1a5: {  	v60 =	vmul.f32 v42, v14;
	v23 =	vmul.f32 v37, v23;
	v31 =	vadd.f32 v31, v18;
	v18 =	vld [tilespmem:s9+$0x1800]  }
0x1a6: {  	v58 =	vadd.f32 v56, v55;
	v26 =	vmul.f32 v37, v26;
	v15 =	vadd.f32 v15, v16;
	v59 =	vld.idx.msk [tilespmem:v45+s3+$0x0], $0xffff  }
0x1a7: {  	v42 =	vmul.f32 v42, v12;
	v23 =	vadd.f32 v23, v25;
	v25 =	vadd.f32 v30, v57;
	v62 =	vld.idx.msk [tilespmem:v45+s16+$0x0], $0xffff  }
0x1a8: {  	v12 =	vmul.f32 v36, v12;
	v26 =	vadd.f32 v26, v27;
	v27 =	vadd.f32 v54, v53;
	v53 =	vpop (erf);
	v54 =	vld.idx.msk [tilespmem:v45+s30+$0x0], $0xffff  }
0x1a9: {  	v14 =	vld [tilespmem:s9+$0x27A0];
	v25 =	vadd.f32 v25, v58;
	v31 =	vmul.f32 v31, v22;
	v55 =	vmul.f32 v53, v21  }
0x1aa: {  	v30 =	vadd.f32 v61, v60;
	v60 =	vmul.f32 v48, v20;
	v22 =	vmul.f32 v27, v22;
	v56 =	vld.idx.msk [tilespmem:v45+s31+$0x0], $0xffff  }
0x1ab: {  	v35 =	vld.idx.msk [tilespmem:v45+s4+$0x0], $0xffff;
	v28 =	vadd.f32 v31, v28;
	v57 =	vmul.f32 v55, v25;
	v15 =	vmul.f32 v55, v15  }
0x1ac: {  	v61 =	vld.idx.msk [tilespmem:v45+s23+$0x0], $0xffff;
	v31 =	vadd.f32 v41, v63;
	v34 =	vmul.f32 v59, v17;
	v38 =	vmul.f32 v62, v18  }
0x1ad: {  	v36 =	vld.idx.msk [tilespmem:v45+s24+$0x0], $0xffff;
	v63 =	vshrl.u32 v24, $0x8;
	v58 =	vmul.f32 v54, v19;
	v59 =	vmul.f32 v47, v13  }
0x1ae: {  	v50 =	vld.idx.msk [tilespmem:v45+s28+$0x0], $0xffff;
	v30 =	vadd.f32 v31, v30;
	v62 =	vmul.f32 v49, v13;
	v13 =	vmul.f32 v39, v13  }
0x1af: {  	v27 =	vld.idx.msk [tilespmem:v45+s0+$0x0], $0xffff;
	v15 =	vadd.f32 v15, v23;
	v49 =	vmul.f32 v43, v20;
	v20 =	vmul.f32 v40, v20  }
0x1b0: {  	v31 =	vld.idx.msk [tilespmem:v45+s21+$0x0], $0xffff;
	v30 =	vmul.f32 v55, v30;
	v52 =	vmul.f32 v35, v17;
	v34 =	vadd.f32 v38, v34  }
0x1b1: {  	v23 =	vld [tilespmem:s9+$0x2F70];
	v35 =	vmul.f32 v35, v14;
	v37 =	vadd.f32 v56, v58;
	v16 =	vadd.f32 v59, v29  }
0x1b2: {  	v47 =	vld.idx.msk [tilespmem:v45+s22+$0x0], $0xffff;
	v29 =	vadd.f32 v62, v42;
	v13 =	vadd.f32 v13, v12;
	v56 =	vmul.f32 v36, v17  }
0x1b3: {  	v38 =	vld.idx.msk [tilespmem:v45+s25+$0x0], $0xffff;
	v36 =	vmul.f32 v36, v14;
	v34 =	vadd.f32 v37, v34;
	v16 =	vadd.f32 v60, v16  }
0x1b4: {  	v42 =	vld.idx.msk [tilespmem:v45+s26+$0x0], $0xffff;
	v37 =	vand.u32 $0xFF, v63;
	v29 =	vadd.f32 v49, v29;
	v20 =	vadd.f32 v20, v13  }
0x1b5: {  	v59 =	vld.idx.msk [tilespmem:v45+s2+$0x0], $0xffff;
	(erf) = vrcp.f32 v34;
	v16 =	vmul.f32 v16, v21  }
0x1b6: {  	v22 =	vadd.f32 v22, v44;
	v34 =	vld.idx.msk [tilespmem:v45+s29+$0x0], $0xffff;
	v51 =	vmul.f32 v29, v21;
	v21 =	vmul.f32 v20, v21  }
0x1b7: {  	v12 =	vadd.f32 v57, v32;
	v53 =	vmul.f32 v31, v18;
	v31 =	vmul.f32 v31, v23;
	v29 =	vld.idx.msk [tilespmem:v45+s19+$0x0], $0xffff  }
0x1b8: {  	v13 =	vadd.f32 v30, v26;
	v63 =	vmul.f32 v27, v18;
	v21 =	vadd.f32 v21, v22;
	v22 =	vld [tilespmem:s9+$0x3740]  }
0x1b9: {  	v54 =	vmul.f32 v47, v19;
	v32 =	vadd.f32 v53, v52;
	v31 =	vadd.f32 v31, v35;
	v30 =	vld.idx.msk [tilespmem:v37+s3+$0x0], $0xffff  }
0x1ba: {  	v57 =	vmul.f32 v38, v18;
	v60 =	vmul.f32 v42, v19;
	v16 =	vadd.f32 v16, v33;
	v55 =	vld.idx.msk [tilespmem:v37+s16+$0x0], $0xffff  }
0x1bb: {  	v38 =	vmul.f32 v38, v23;
	v20 =	vadd.f32 v51, v28;
	v33 =	vadd.f32 v61, v54;
	v58 =	vld.idx.msk [tilespmem:v37+s30+$0x0], $0xffff  }
0x1bc: {  	v27 =	vmul.f32 v27, v23;
	v26 =	vadd.f32 v57, v56;
	v40 =	vadd.f32 v50, v60;
	v45 =	vld.idx.msk [tilespmem:v37+s4+$0x0], $0xffff  }
0x1bd: {  	v46 =	vld.idx.msk [tilespmem:v37+s21+$0x0], $0xffff;
	v36 =	vadd.f32 v38, v36;
	v61 =	vmul.f32 v34, v17;
	v52 =	vmul.f32 v29, v19  }
0x1be: {  	v25 =	vld [tilespmem:s9+$0x3F10];
	v32 =	vadd.f32 v33, v32;
	v34 =	vmul.f32 v34, v14;
	v57 =	vmul.f32 v47, v22  }
0x1bf: {  	v33 =	vld.idx.msk [tilespmem:v37+s26+$0x0], $0xffff;
	v40 =	vadd.f32 v40, v26;
	v29 =	vmul.f32 v29, v22;
	v30 =	vmul.f32 v30, v17  }
0x1c0: {  	v62 =	vld.idx.msk [tilespmem:v37+s31+$0x0], $0xffff;
	v28 =	vadd.f32 v63, v61;
	v39 =	vmul.f32 v55, v18;
	v41 =	vmul.f32 v58, v19  }
0x1c1: {  	v56 =	vld.idx.msk [tilespmem:v37+s23+$0x0], $0xffff;
	v43 =	vadd.f32 v59, v52;
	v58 =	vmul.f32 v42, v22;
	v63 =	vmul.f32 v45, v17  }
0x1c2: {  	v26 =	vld [tilespmem:s9+$0x46E0];
	v27 =	vadd.f32 v27, v34;
	v52 =	vmul.f32 v46, v18;
	v45 =	vmul.f32 v45, v14  }
0x1c3: {  	v61 =	vld.idx.msk [tilespmem:v37+s28+$0x0], $0xffff;
	v46 =	vmul.f32 v46, v23;
	v28 =	vadd.f32 v43, v28;
	v31 =	vadd.f32 v57, v31  }
0x1c4: {  	v34 =	vld.idx.msk [tilespmem:v37+s19+$0x0], $0xffff;
	v53 =	vpop (erf);
	v27 =	vadd.f32 v29, v27;
	v57 =	vmul.f32 v33, v19;
	v33 =	vmul.f32 v33, v22  }
0x1c5: {  	v47 =	vld.idx.msk [tilespmem:v37+s0+$0x0], $0xffff;
	v54 =	vmul.f32 v53, v25;
	v55 =	vadd.f32 v62, v41;
	v62 =	vshrl.u32 v24, $0x10  }
0x1c6: {  	v42 =	vld.idx.msk [tilespmem:v37+s25+$0x0], $0xffff;
	v60 =	vadd.f32 v58, v36;
	v38 =	vand.u32 $0xFF, v62;
	v31 =	vmul.f32 v31, v25  }
0x1c7: {  	v30 =	vadd.f32 v39, v30;
	v41 =	vld.idx.msk [tilespmem:v37+s22+$0x0], $0xffff;
	v32 =	vmul.f32 v54, v32;
	v59 =	vmul.f32 v54, v40  }
0x1c8: {  	v39 =	vld.idx.msk [tilespmem:v37+s24+$0x0], $0xffff;
	v44 =	vadd.f32 v52, v63;
	v28 =	vmul.f32 v54, v28;
	v35 =	vmul.f32 v60, v25  }
0x1c9: {  	v30 =	vadd.f32 v55, v30;
	v40 =	vld.idx.msk [tilespmem:v37+s29+$0x0], $0xffff;
	v60 =	vmul.f32 v34, v19;
	v25 =	vmul.f32 v27, v25  }
0x1ca: {  	v37 =	vld.idx.msk [tilespmem:v37+s2+$0x0], $0xffff;
	v36 =	vadd.f32 v61, v57;
	v57 =	vmul.f32 v47, v23;
	v34 =	vmul.f32 v34, v22  }
0x1cb: {  	v45 =	vadd.f32 v46, v45;
	v55 =	vmul.f32 v42, v18;
	(erf) = vrcp.f32 v30;
	v52 =	vld.idx.msk [tilespmem:v38+s21+$0x0], $0xffff  }
0x1cc: {  	v31 =	vadd.f32 $0.0e+00, v31;
	v42 =	vmul.f32 v42, v23;
	v53 =	vmul.f32 v41, v19;
	v61 =	vld.idx.msk [tilespmem:v38+s16+$0x0], $0xffff  }
0x1cd: {  	v32 =	vadd.f32 $0.0e+00, v32;
	v54 =	vmul.f32 v39, v17;
	v39 =	vmul.f32 v39, v14;
	v62 =	vld.idx.msk [tilespmem:v38+s30+$0x0], $0xffff  }
0x1ce: {  	v30 =	vadd.f32 $0.0e+00, v59;
	v41 =	vmul.f32 v41, v22;
	v63 =	vld.idx.msk [tilespmem:v38+s31+$0x0], $0xffff;
	v43 =	vadd.f32 v56, v53  }
0x1cf: {  	v59 =	vmul.f32 v47, v18;
	v48 =	vadd.f32 v55, v54;
	v53 =	vld.idx.msk [tilespmem:v38+s3+$0x0], $0xffff;
	v39 =	vadd.f32 v42, v39  }
0x1d0: {  	v58 =	vmul.f32 v40, v17;
	v37 =	vadd.f32 v37, v60;
	v42 =	vld.idx.msk [tilespmem:v38+s24+$0x0], $0xffff;
	v41 =	vadd.f32 v41, v45  }
0x1d1: {  	v45 =	vshrl.u32 v24, $0x18;
	v56 =	vadd.f32 v43, v44;
	v44 =	vld.idx.msk [tilespmem:v38+s4+$0x0], $0xffff;
	v33 =	vadd.f32 v33, v39  }
0x1d2: {  	v40 =	vmul.f32 v40, v14;
	v36 =	vadd.f32 v36, v48;
	v48 =	vld.idx.msk [tilespmem:v38+s22+$0x0], $0xffff;
	v50 =	vmul.f32 v61, v18  }
0x1d3: {  	v46 =	vld.idx.msk [tilespmem:v38+s23+$0x0], $0xffff;
	v49 =	vadd.f32 v59, v58;
	v43 =	vmul.f32 v62, v19;
	v33 =	vmul.f32 v33, v26  }
0x1d4: {  	v28 =	vadd.f32 $0.0e+00, v28;
	v39 =	vld.idx.msk [tilespmem:v38+s26+$0x0], $0xffff;
	v59 =	vmul.f32 v52, v18;
	v53 =	vmul.f32 v53, v17;
	v51 =	vpop (erf)  }
0x1d5: {  	v37 =	vadd.f32 v37, v49;
	v49 =	vld.idx.msk [tilespmem:v38+s0+$0x0], $0xffff;
	v61 =	vmul.f32 v42, v17;
	v51 =	vmul.f32 v51, v26  }
0x1d6: {  	v27 =	vld.idx.msk [tilespmem:v38+s28+$0x0], $0xffff;
	v43 =	vadd.f32 v63, v43;
	v54 =	vadd.f32 v50, v53;
	v58 =	vmul.f32 v44, v17  }
0x1d7: {  	[tilespmem:s9+$0xBBE0] =	vst v3;
	v35 =	vadd.f32 $0.0e+00, v35;
	v47 =	vld.idx.msk [tilespmem:v45+s3+$0x0], $0xffff;
	v60 =	vmul.f32 v48, v19;
	v29 =	vmul.f32 v51, v56  }
0x1d8: {  	v63 =	vld.idx.msk [tilespmem:v45+s30+$0x0], $0xffff;
	v36 =	vmul.f32 v51, v36;
	v55 =	vmul.f32 v51, v37;
	v24 =	vadd.f32 v43, v54  }
0x1d9: {  	v56 =	vmul.f32 v41, v26;
	v37 =	vadd.f32 v59, v58;
	v29 =	vadd.f32 v29, v32;
	v32 =	vld.idx.msk [tilespmem:v38+s25+$0x0], $0xffff  }
0x1da: {  	v41 =	vld.idx.msk [tilespmem:v38+s29+$0x0], $0xffff;
	v54 =	vmul.f32 v39, v19;
	v58 =	vmul.f32 v49, v18;
	v30 =	vadd.f32 v36, v30  }
0x1db: {  	v43 =	vld.idx.msk [tilespmem:v38+s19+$0x0], $0xffff;
	v49 =	vmul.f32 v49, v23;
	v28 =	vadd.f32 v55, v28;
	v36 =	vadd.f32 v57, v40  }
0x1dc: {  	[tilespmem:s9+$0xC3B0] =	vst v1;
	v51 =	vld.idx.msk [tilespmem:v45+s16+$0x0], $0xffff;
	v31 =	vadd.f32 v56, v31;
	(erf) = vrcp.f32 v24;
	v24 =	vadd.f32 v33, v35  }
0x1dd: {  	v55 =	vadd.f32 v46, v60;
	v60 =	vmul.f32 v47, v17;
	v34 =	vadd.f32 v34, v36;
	v36 =	vld.idx.msk [tilespmem:v38+s2+$0x0], $0xffff  }
0x1de: {  	v57 =	vld.idx.msk [tilespmem:v45+s31+$0x0], $0xffff;
	v27 =	vadd.f32 v27, v54;
	v63 =	vmul.f32 v63, v19;
	v62 =	vmul.f32 v32, v18  }
0x1df: {  	v3 =	vld [tilespmem:s9+$0x4EB0];
	[tilespmem:s9+$0xCB80] =	vst v0;
	v46 =	vmul.f32 v42, v14;
	v1 =	vadd.f32 v55, v37;
	v56 =	vmul.f32 v41, v17  }
0x1e0: {  	v40 =	vld.idx.msk [tilespmem:v45+s4+$0x0], $0xffff;
	v55 =	vmul.f32 v44, v14;
	v59 =	vmul.f32 v43, v19;
	v33 =	vadd.f32 v62, v61  }
0x1e1: {  	v50 =	vld.idx.msk [tilespmem:v45+s29+$0x0], $0xffff;
	v47 =	vmul.f32 v34, v26;
	v61 =	vmul.f32 v51, v18;
	v62 =	vadd.f32 v58, v56  }
0x1e2: {  	v35 =	vld.idx.msk [tilespmem:v45+s22+$0x0], $0xffff;
	v32 =	vmul.f32 v32, v23;
	v51 =	vadd.f32 v36, v59;
	v0 =	vadd.f32 v27, v33  }
0x1e3: {  	v26 =	vld.idx.msk [tilespmem:v45+s24+$0x0], $0xffff;
	v56 =	vmul.f32 v52, v23;
	v53 =	vadd.f32 v61, v60;
	v33 =	vadd.f32 v57, v63  }
0x1e4: {  	v57 =	vadd.f32 $0.0e+00, v25;
	v58 =	vadd.f32 v51, v62;
	v61 =	vmul.f32 v48, v22  }
0x1e5: {  	[tilespmem:s9+$0xD350] =	vst v2;
	v54 =	vpop (erf);
	v60 =	vadd.f32 v56, v55;
	v48 =	vmul.f32 v41, v14;
	v51 =	vmul.f32 v40, v17  }
0x1e6: {  	v36 =	vld.idx.msk [tilespmem:v45+s26+$0x0], $0xffff;
	v59 =	vmul.f32 v54, v3;
	v54 =	vmul.f32 v43, v22;
	v33 =	vadd.f32 v33, v53  }
0x1e7: {  	v27 =	vld.idx.msk [tilespmem:v45+s21+$0x0], $0xffff;
	v2 =	vadd.f32 v47, v57;
	v47 =	vmul.f32 v39, v22;
	v53 =	vmul.f32 v35, v19  }
0x1e8: {  	v62 =	vld.idx.msk [tilespmem:v45+s23+$0x0], $0xffff;
	v44 =	vadd.f32 v61, v60;
	v57 =	vmul.f32 v26, v17;
	v61 =	vmul.f32 v50, v17  }
0x1e9: {  	v55 =	vld.idx.msk [tilespmem:v45+s28+$0x0], $0xffff;
	v50 =	vmul.f32 v50, v14;
	v1 =	vmul.f32 v59, v1  }
0x1ea: {  	[tilespmem:s9+$0xE2F0] =	vst v4;
	v0 =	vmul.f32 v59, v0;
	v63 =	vmul.f32 v59, v58  }
0x1eb: {  	[tilespmem:s9+$0xDB20] =	vst v5;
	v56 =	vld.idx.msk [tilespmem:v45+s2+$0x0], $0xffff;
	v60 =	vmul.f32 v36, v19;
	(erf) = vrcp.f32 v33;
	v1 =	vadd.f32 v1, v29  }
0x1ec: {  	v33 =	vld.idx.msk [tilespmem:v45+s25+$0x0], $0xffff;
	v25 =	vmul.f32 v44, v3;
	v0 =	vadd.f32 v0, v30;
	v29 =	vadd.f32 v32, v46  }
0x1ed: {  	v4 =	vadd.f32 v63, v28;
	v28 =	vld.idx.msk [tilespmem:v45+s0+$0x0], $0xffff;
	v52 =	vmul.f32 v27, v18;
	v32 =	vadd.f32 v49, v48  }
0x1ee: {  	v30 =	vld.idx.msk [tilespmem:v45+s19+$0x0], $0xffff;
	v5 =	vadd.f32 v62, v53;
	v43 =	vadd.f32 v55, v60;
	v45 =	vmul.f32 v40, v14  }
0x1ef: {  	[tilespmem:s9+$0xBBF0] =	vst v6;
	v46 =	vmul.f32 v27, v23;
	v48 =	vmul.f32 v26, v14;
	v29 =	vadd.f32 v47, v29  }
0x1f0: {  	[tilespmem:s9+$0xC3C0] =	vst v8;
	v39 =	vadd.f32 v52, v51;
	v58 =	vadd.f32 v54, v32;
	v47 =	vmul.f32 v35, v22  }
0x1f1: {  	[tilespmem:s9+$0xCB90] =	vst v7;
	v7 =	vadd.f32 v46, v45;
	v52 =	vmul.f32 v36, v22;
	v29 =	vmul.f32 v29, v3  }
0x1f2: {  	[tilespmem:s9+$0xD360] =	vst v10;
	v34 =	vld [tilespmem:s9+$0x5680];
	v25 =	vadd.f32 v25, v31;
	v59 =	vmul.f32 v33, v18;
	v49 =	vmul.f32 v33, v23  }
0x1f3: {  	[tilespmem:s9+$0xDB30] =	vst v9;
	v5 =	vadd.f32 v5, v39;
	v3 =	vmul.f32 v58, v3;
	v7 =	vadd.f32 v47, v7  }
0x1f4: {  	[tilespmem:s9+$0xE300] =	vst v11;
	v62 =	vmul.f32 v28, v18;
	v19 =	vmul.f32 v30, v19;
	v9 =	vadd.f32 v49, v48  }
0x1f5: {  	[tilespmem:s9+$0xCBA0] =	vst v15;
	v51 =	vmul.f32 v28, v23;
	v39 =	vadd.f32 v59, v57;
	v58 =	vadd.f32 v29, v24  }
0x1f6: {  	[tilespmem:s9+$0xBC00] =	vst v12;
	v53 =	vmul.f32 v30, v22;
	v8 =	vadd.f32 v62, v61;
	v63 =	vpop (erf);
	v55 =	vadd.f32 v52, v9  }
0x1f7: {  	[tilespmem:s9+$0xC3D0] =	vst v13;
	v44 =	vadd.f32 v56, v19;
	v56 =	vmul.f32 v7, v34;
	v18 =	vmul.f32 v63, v34  }
0x1f8: {  	[tilespmem:s9+$0xD370] =	vst v16;
	v10 =	vadd.f32 v51, v50;
	v6 =	vadd.f32 v43, v39;
	v59 =	vmul.f32 v55, v34  }
0x1f9: {  	[tilespmem:s9+$0xDB40] =	vst v20;
	v8 =	vadd.f32 v44, v8;
	v61 =	vadd.f32 v56, v25;
	v5 =	vmul.f32 v18, v5  }
0x1fa: {  	s6 =	sadd.s32 $0x4, s6;
	[tilespmem:s9+$0xE310] =	vst v21;
	v57 =	vadd.f32 v53, v10;
	v6 =	vmul.f32 v18, v6;
	v63 =	vadd.f32 v59, v58  }
0x1fb: {  	p2 =	slt.u32 s6, $0x78;
	v54 =	vmul.f32 v18, v8;
	[tilespmem:s9+$0xD380] =	vst v61;
	v1 =	vadd.f32 v5, v1  }
.Ltmp4:
0x1fc: {  	v60 =	vadd.f32 v3, v2;
	v62 =	vmul.f32 v57, v34;
	v0 =	vadd.f32 v6, v0;
	[tilespmem:s9+$0xDB50] =	vst v63;
	(pc) =	sbr.rel @p2 .LBB2_3-.Ltmp4, $4  }
0x1fd: {  	v4 =	vadd.f32 v54, v4;
	[tilespmem:s9+$0xBC10] =	vst v1  }
0x1fe: {  	[tilespmem:s9+$0xC3E0] =	vst v0;
	v1 =	vadd.f32 v62, v60  }
0x1ff: {  	[tilespmem:s9+$0xCBB0] =	vst v4  }
0x200: {  	s8 =	sadd.s32 $0x100, s8;
	[tilespmem:s9+$0xE320] =	vst v1  }
0x201: {  	v7 =	vld [tilespmem:$0x65E0];
	_ =	sdelay $0x4  }
0x202: {  	v4 =	vand.u32 $0xFF, v7  }
0x203: {  	v2 =	vld [tilespmem:$0x17C0]  }
0x204: {  	v3 =	vld [tilespmem:$0x1F90]  }
0x205: {  	v1 =	vld [tilespmem:$0x2760]  }
0x206: {  	v0 =	vld [tilespmem:$0x2F30]  }
0x207: {  	v5 =	vld.idx.msk [tilespmem:v4+s3+$0x0], $0xffff  }
0x208: {  	v6 =	vld.idx.msk [tilespmem:v4+s16+$0x0], $0xffff  }
0x209: {  	v8 =	vld.idx.msk [tilespmem:v4+s30+$0x0], $0xffff  }
0x20a: {  	v9 =	vld.idx.msk [tilespmem:v4+s31+$0x0], $0xffff  }
0x20b: {  	v11 =	vld.idx.msk [tilespmem:v4+s4+$0x0], $0xffff  }
0x20c: {  	v12 =	vld.idx.msk [tilespmem:v4+s21+$0x0], $0xffff  }
0x20d: {  	v13 =	vld.idx.msk [tilespmem:v4+s22+$0x0], $0xffff  }
0x20e: {  	v14 =	vld.idx.msk [tilespmem:v4+s23+$0x0], $0xffff  }
0x20f: {  	v44 =	vld.idx.msk [tilespmem:v4+s24+$0x0], $0xffff  }
0x210: {  	v15 =	vld.idx.msk [tilespmem:v4+s25+$0x0], $0xffff  }
0x211: {  	v16 =	vld.idx.msk [tilespmem:v4+s26+$0x0], $0xffff;
	v5 =	vmul.f32 v5, v2  }
0x212: {  	v46 =	vld.idx.msk [tilespmem:v4+s28+$0x0], $0xffff;
	v6 =	vmul.f32 v6, v3;
	v8 =	vmul.f32 v8, v1  }
0x213: {  	v45 =	vshrl.u32 v7, $0x8;
	v17 =	vld.idx.msk [tilespmem:v4+s29+$0x0], $0xffff  }
0x214: {  	v18 =	vld.idx.msk [tilespmem:v4+s0+$0x0], $0xffff;
	v5 =	vadd.f32 v6, v5;
	v43 =	vadd.f32 v9, v8;
	v6 =	vand.u32 $0xFF, v45  }
0x215: {  	v19 =	vld.idx.msk [tilespmem:v4+s19+$0x0], $0xffff  }
0x216: {  	v27 =	vld.idx.msk [tilespmem:v4+s2+$0x0], $0xffff;
	v5 =	vadd.f32 v43, v5  }
0x217: {  	v4 =	vld [tilespmem:$0x3ED0]  }
0x218: {  	(erf) = vrcp.f32 v5;
	v5 =	vld [tilespmem:$0x3700]  }
0x219: {  	v24 =	vmul.f32 v44, v2;
	v25 =	vmul.f32 v15, v3;
	v20 =	vld.idx.msk [tilespmem:v6+s3+$0x0], $0xffff  }
0x21a: {  	v50 =	vmul.f32 v17, v2;
	v28 =	vmul.f32 v18, v3;
	v23 =	vld.idx.msk [tilespmem:v6+s16+$0x0], $0xffff  }
0x21b: {  	v47 =	vmul.f32 v11, v2;
	v29 =	vmul.f32 v19, v1;
	v26 =	vld.idx.msk [tilespmem:v6+s30+$0x0], $0xffff  }
0x21c: {  	v21 =	vmul.f32 v12, v3;
	v49 =	vadd.f32 v25, v24;
	v24 =	vadd.f32 v28, v50;
	v28 =	vld.idx.msk [tilespmem:v6+s4+$0x0], $0xffff  }
0x21d: {  	v22 =	vmul.f32 v13, v1;
	v48 =	vmul.f32 v16, v1;
	v27 =	vadd.f32 v27, v29;
	v29 =	vld.idx.msk [tilespmem:v6+s21+$0x0], $0xffff  }
0x21e: {  	v11 =	vmul.f32 v11, v0;
	v55 =	vmul.f32 v13, v4;
	v25 =	vld.idx.msk [tilespmem:v6+s22+$0x0], $0xffff  }
0x21f: {  	v17 =	vmul.f32 v17, v0;
	v62 =	vmul.f32 v16, v4;
	v56 =	vld.idx.msk [tilespmem:v6+s24+$0x0], $0xffff  }
0x220: {  	v61 =	vshrl.u32 v7, $0x10;
	v39 =	vmul.f32 v19, v4;
	v9 =	vmul.f32 v44, v0;
	v57 =	vld.idx.msk [tilespmem:v6+s25+$0x0], $0xffff  }
0x221: {  	v7 =	vshrl.u32 v7, $0x18;
	v59 =	vld.idx.msk [tilespmem:v6+s26+$0x0], $0xffff;
	v12 =	vmul.f32 v12, v5;
	v58 =	vmul.f32 v15, v5  }
0x222: {  	v21 =	vadd.f32 v21, v47;
	v40 =	vld.idx.msk [tilespmem:v6+s0+$0x0], $0xffff;
	v18 =	vmul.f32 v18, v5;
	v20 =	vmul.f32 v20, v2  }
0x223: {  	v14 =	vadd.f32 v14, v22;
	v23 =	vmul.f32 v23, v3;
	v26 =	vmul.f32 v26, v1  }
0x224: {  	v10 =	vld [tilespmem:$0x46A0];
	v8 =	vadd.f32 v46, v48;
	v41 =	vmul.f32 v28, v2;
	v31 =	vmul.f32 v29, v3  }
0x225: {  	v14 =	vadd.f32 v14, v21;
	v51 =	vld.idx.msk [tilespmem:v6+s31+$0x0], $0xffff;
	v32 =	vmul.f32 v25, v1;
	v46 =	vmul.f32 v56, v2  }
0x226: {  	v22 =	vadd.f32 v8, v49;
	v47 =	vmul.f32 v57, v3;
	v48 =	vmul.f32 v59, v1  }
0x227: {  	v24 =	vadd.f32 v27, v24;
	v63 =	vld.idx.msk [tilespmem:v6+s29+$0x0], $0xffff;
	v34 =	vmul.f32 v40, v3;
	v28 =	vmul.f32 v28, v0  }
0x228: {  	v37 =	vld.idx.msk [tilespmem:v7+s3+$0x0], $0xffff;
	v29 =	vmul.f32 v29, v5;
	v25 =	vmul.f32 v25, v4;
	v11 =	vadd.f32 v12, v11;
	v30 =	vpop (erf)  }
0x229: {  	v54 =	vld.idx.msk [tilespmem:v6+s23+$0x0], $0xffff;
	v9 =	vadd.f32 v58, v9;
	v17 =	vadd.f32 v18, v17;
	v52 =	vmul.f32 v30, v10  }
0x22a: {  	v8 =	vld [tilespmem:$0x4E70];
	v13 =	vmul.f32 v56, v0;
	v20 =	vadd.f32 v23, v20;
	v53 =	vadd.f32 v51, v26  }
0x22b: {  	v42 =	vld.idx.msk [tilespmem:v6+s19+$0x0], $0xffff;
	v45 =	vadd.f32 v31, v41;
	v21 =	vmul.f32 v52, v24;
	v24 =	vand.u32 $0xFF, v61  }
0x22c: {  	v60 =	vld.idx.msk [tilespmem:v6+s28+$0x0], $0xffff;
	v16 =	vmul.f32 v63, v0;
	v11 =	vadd.f32 v55, v11;
	v20 =	vadd.f32 v53, v20  }
0x22d: {  	v44 =	vld.idx.msk [tilespmem:v6+s2+$0x0], $0xffff;
	v19 =	vmul.f32 v40, v5;
	v9 =	vadd.f32 v62, v9;
	v43 =	vadd.f32 v39, v17  }
0x22e: {  	v6 =	vld [tilespmem:$0x5640];
	v26 =	vadd.f32 v54, v32;
	v11 =	vmul.f32 v11, v10;
	(erf) = vrcp.f32 v20  }
0x22f: {  	v27 =	vadd.f32 v47, v46;
	v9 =	vmul.f32 v9, v10;
	v10 =	vmul.f32 v43, v10;
	v43 =	vld.idx.msk [tilespmem:v7+s30+$0x0], $0xffff  }
0x230: {  	v54 =	vmul.f32 v42, v1;
	v28 =	vadd.f32 v29, v28;
	v23 =	vmul.f32 v57, v5;
	v33 =	vld.idx.msk [tilespmem:v24+s4+$0x0], $0xffff  }
0x231: {  	v16 =	vadd.f32 v19, v16;
	v49 =	vadd.f32 v26, v45;
	v53 =	vmul.f32 v63, v2;
	v51 =	vld.idx.msk [tilespmem:v24+s3+$0x0], $0xffff  }
0x232: {  	v17 =	vadd.f32 v44, v54;
	v14 =	vmul.f32 v52, v14;
	v22 =	vmul.f32 v52, v22;
	v52 =	vld.idx.msk [tilespmem:v24+s16+$0x0], $0xffff  }
0x233: {  	v15 =	vmul.f32 v59, v4;
	v13 =	vadd.f32 v23, v13;
	v20 =	vadd.f32 v60, v48;
	v35 =	vld.idx.msk [tilespmem:v24+s30+$0x0], $0xffff  }
0x234: {  	v62 =	vmul.f32 v42, v4;
	v25 =	vadd.f32 v25, v28;
	v32 =	vadd.f32 v34, v53;
	v36 =	vld.idx.msk [tilespmem:v24+s21+$0x0], $0xffff  }
0x235: {  	v13 =	vadd.f32 v15, v13;
	v20 =	vadd.f32 v20, v27;
	v27 =	vld.idx.msk [tilespmem:v24+s22+$0x0], $0xffff  }
0x236: {  	v16 =	vadd.f32 v62, v16;
	v17 =	vadd.f32 v17, v32;
	v32 =	vld.idx.msk [tilespmem:v24+s24+$0x0], $0xffff  }
0x237: {  	v60 =	vmul.f32 v25, v8;
	v11 =	vadd.f32 $0.0e+00, v11;
	v13 =	vmul.f32 v13, v8;
	v23 =	vld.idx.msk [tilespmem:v24+s25+$0x0], $0xffff;
	v50 =	vpop (erf)  }
0x238: {  	v9 =	vadd.f32 $0.0e+00, v9;
	v54 =	vmul.f32 v43, v1;
	v28 =	vld.idx.msk [tilespmem:v24+s26+$0x0], $0xffff;
	v18 =	vmul.f32 v50, v8  }
0x239: {  	v40 =	vld.idx.msk [tilespmem:v7+s16+$0x0], $0xffff;
	v10 =	vadd.f32 $0.0e+00, v10;
	v26 =	vmul.f32 v51, v2;
	v31 =	vmul.f32 v52, v3  }
0x23a: {  	v48 =	vld.idx.msk [tilespmem:v7+s31+$0x0], $0xffff;
	v14 =	vadd.f32 $0.0e+00, v14;
	v35 =	vmul.f32 v35, v1;
	v63 =	vmul.f32 v33, v2  }
0x23b: {  	v22 =	vadd.f32 $0.0e+00, v22;
	v55 =	vld.idx.msk [tilespmem:v24+s31+$0x0], $0xffff;
	v38 =	vmul.f32 v36, v3;
	v39 =	vmul.f32 v27, v1  }
0x23c: {  	v21 =	vadd.f32 $0.0e+00, v21;
	v56 =	vld.idx.msk [tilespmem:v24+s23+$0x0], $0xffff;
	v41 =	vmul.f32 v32, v2;
	v42 =	vmul.f32 v23, v3  }
0x23d: {  	v11 =	vadd.f32 v60, v11;
	v59 =	vld.idx.msk [tilespmem:v24+s28+$0x0], $0xffff;
	v45 =	vmul.f32 v28, v1;
	v51 =	vmul.f32 v37, v2  }
0x23e: {  	v34 =	vld.idx.msk [tilespmem:v7+s24+$0x0], $0xffff;
	v9 =	vadd.f32 v13, v9;
	v52 =	vmul.f32 v40, v3;
	v8 =	vmul.f32 v16, v8  }
0x23f: {  	v60 =	vld.idx.msk [tilespmem:v7+s21+$0x0], $0xffff;
	v27 =	vmul.f32 v27, v4;
	v62 =	vmul.f32 v32, v0;
	v26 =	vadd.f32 v31, v26  }
0x240: {  	v44 =	vld.idx.msk [tilespmem:v24+s2+$0x0], $0xffff;
	v12 =	vmul.f32 v18, v49;
	v57 =	vadd.f32 v55, v35;
	v19 =	vadd.f32 v38, v63  }
0x241: {  	v37 =	vld.idx.msk [tilespmem:v7+s26+$0x0], $0xffff;
	v58 =	vmul.f32 v18, v20;
	v46 =	vadd.f32 v56, v39;
	v13 =	vadd.f32 v42, v41  }
0x242: {  	v17 =	vmul.f32 v18, v17;
	v20 =	vld.idx.msk [tilespmem:v24+s29+$0x0], $0xffff;
	v15 =	vadd.f32 v59, v45;
	v25 =	vadd.f32 v52, v51  }
0x243: {  	v59 =	vmul.f32 v36, v5;
	v12 =	vadd.f32 v12, v14;
	v14 =	vadd.f32 v58, v22;
	v22 =	vld.idx.msk [tilespmem:v24+s0+$0x0], $0xffff  }
0x244: {  	v8 =	vadd.f32 v8, v10;
	v36 =	vmul.f32 v28, v4;
	v17 =	vadd.f32 v17, v21;
	v21 =	vld.idx.msk [tilespmem:v24+s19+$0x0], $0xffff  }
0x245: {  	v61 =	vadd.f32 v57, v26;
	v19 =	vadd.f32 v46, v19;
	v57 =	vld.idx.msk [tilespmem:v7+s4+$0x0], $0xffff;
	v58 =	vmul.f32 v33, v0  }
0x246: {  	v35 =	vld.idx.msk [tilespmem:v7+s25+$0x0], $0xffff;
	v13 =	vadd.f32 v15, v13;
	v33 =	vmul.f32 v23, v5;
	v51 =	vmul.f32 v37, v1  }
0x247: {  	(erf) = vrcp.f32 v61;
	v61 =	vld.idx.msk [tilespmem:v7+s22+$0x0], $0xffff;
	v16 =	vadd.f32 v59, v58;
	v58 =	vmul.f32 v34, v0  }
0x248: {  	v39 =	vld.idx.msk [tilespmem:v7+s29+$0x0], $0xffff;
	v10 =	vadd.f32 v33, v62;
	v47 =	vmul.f32 v20, v2;
	v38 =	vmul.f32 v20, v0  }
0x249: {  	v41 =	vld.idx.msk [tilespmem:v7+s0+$0x0], $0xffff;
	v16 =	vadd.f32 v27, v16;
	v49 =	vmul.f32 v22, v3;
	v50 =	vmul.f32 v21, v1  }
0x24a: {  	v43 =	vld.idx.msk [tilespmem:v7+s19+$0x0], $0xffff;
	v24 =	vadd.f32 v48, v54;
	v40 =	vmul.f32 v22, v5;
	v42 =	vmul.f32 v57, v2  }
0x24b: {  	v63 =	vld.idx.msk [tilespmem:v7+s23+$0x0], $0xffff;
	v10 =	vadd.f32 v36, v10;
	v46 =	vmul.f32 v21, v4;
	v16 =	vmul.f32 v16, v6  }
0x24c: {  	v55 =	vadd.f32 v44, v50;
	v44 =	vmul.f32 v60, v3;
	v45 =	vmul.f32 v61, v1  }
0x24d: {  	v53 =	vadd.f32 v49, v47;
	v47 =	vld.idx.msk [tilespmem:v7+s28+$0x0], $0xffff;
	v49 =	vmul.f32 v34, v2;
	v50 =	vmul.f32 v35, v3  }
0x24e: {  	v24 =	vadd.f32 v24, v25;
	v7 =	vld.idx.msk [tilespmem:v7+s2+$0x0], $0xffff;
	v2 =	vmul.f32 v39, v2;
	v3 =	vmul.f32 v41, v3  }
0x24f: {  	v10 =	vmul.f32 v10, v6;
	v11 =	vadd.f32 v16, v11;
	v15 =	vadd.f32 v55, v53  }
0x250: {  	v1 =	vmul.f32 v43, v1;
	v48 =	vadd.f32 v63, v45;
	v2 =	vadd.f32 v3, v2  }
0x251: {  	v55 =	vmul.f32 v57, v0;
	v57 =	vmul.f32 v61, v4;
	v61 =	vadd.f32 v10, v9;
	v56 =	vpop (erf)  }
0x252: {  	(erf) = vrcp.f32 v24;
	v24 =	vadd.f32 v44, v42;
	v18 =	vmul.f32 v56, v6  }
0x253: {  	v0 =	vmul.f32 v39, v0;
	v53 =	vadd.f32 v47, v51;
	v1 =	vadd.f32 v7, v1  }
0x254: {  	v56 =	vmul.f32 v60, v5;
	v24 =	vadd.f32 v48, v24;
	v13 =	vmul.f32 v18, v13  }
0x255: {  	v19 =	vmul.f32 v18, v19;
	v15 =	vmul.f32 v18, v15;
	v1 =	vadd.f32 v1, v2  }
0x256: {  	v26 =	vld [tilespmem:$0x5E10];
	v18 =	vmul.f32 v35, v5;
	v7 =	vadd.f32 v56, v55;
	v13 =	vadd.f32 v13, v14  }
0x257: {  	v5 =	vmul.f32 v41, v5;
	v15 =	vadd.f32 v15, v17;
	v14 =	vadd.f32 v40, v38  }
0x258: {  	v59 =	vmul.f32 v37, v4;
	v2 =	vadd.f32 v18, v58;
	v7 =	vadd.f32 v57, v7  }
0x259: {  	v4 =	vmul.f32 v43, v4;
	v0 =	vadd.f32 v5, v0;
	v14 =	vadd.f32 v46, v14  }
0x25a: {  	v17 =	vadd.f32 v50, v49;
	v2 =	vadd.f32 v59, v2  }
0x25b: {  	v7 =	vmul.f32 v7, v26;
	v0 =	vadd.f32 v4, v0;
	v52 =	vpop (erf);
	v6 =	vmul.f32 v14, v6  }
0x25c: {  	v14 =	vadd.f32 v53, v17;
	v2 =	vmul.f32 v2, v26;
	v27 =	vmul.f32 v52, v26  }
0x25d: {  	v63 =	vadd.f32 v7, v11;
	v0 =	vmul.f32 v0, v26;
	v62 =	vadd.f32 v6, v8  }
0x25e: {  	v12 =	vadd.f32 v19, v12;
	v2 =	vadd.f32 v2, v61;
	v54 =	vmul.f32 v27, v24  }
0x25f: {  	[tilespmem:$0xDB10] =	vst v63;
	v14 =	vmul.f32 v27, v14;
	v0 =	vadd.f32 v0, v62  }
0x260: {  	s6 =	sshll.u32 s1, $0x6;
	v1 =	vmul.f32 v27, v1;
	[tilespmem:$0xE2E0] =	vst v2;
	v3 =	vadd.f32 v54, v12  }
0x261: {  	s6 =	sor.u32 s14, s6;
	v60 =	vadd.f32 v14, v13;
	[tilespmem:$0xEAB0] =	vst v0  }
0x262: {  	s6 =	smul.u32 $0xFA, s6;
	v1 =	vadd.f32 v1, v15;
	[tilespmem:$0xC3A0] =	vst v3  }
0x263: {  	s8 =	rddreg [dreg:$0x8];
	[tilespmem:$0xCB70] =	vst v60  }
0x264: {  	s9 =	simm.s32 $0xBBE0;
	s8 =	sadd.s32 s8, s6;
	[tilespmem:$0xD340] =	vst v1  }
0x265: {  	[hbm4b:s8+s4] =	stream.linear.scatter [tilespmem:s9], [sflag:$0x3], $0x7D0, $0x38;
	[tilespmem:$0x119A0] =	vst v63  }
0x266: {  	s9 =	rddreg [dreg:$0x15]  }
0x267: {  	s10 =	simm.s32 $0xC3B0;
	s8 =	sadd.s32 s9, s6;
	s9 =	rddreg [dreg:$0x16]  }
0x268: {  	[hbm4b:s8+s4] =	stream.linear.scatter [tilespmem:s10], [sflag:$0x3], $0x7D0, $0x38;
	[tilespmem:$0x119A0] =	vst v63  }
0x269: {  	s8 =	sadd.s32 s9, s6;
	s10 =	simm.s32 $0xCB80;
	s9 =	rddreg [dreg:$0x18]  }
0x26a: {  	[hbm4b:s8+s4] =	stream.linear.scatter [tilespmem:s10], [sflag:$0x3], $0x7D0, $0x38;
	[tilespmem:$0x119A0] =	vst v63  }
0x26b: {  	s8 =	sadd.s32 s9, s6;
	s10 =	simm.s32 $0xD350;
	s9 =	rddreg [dreg:$0x19]  }
0x26c: {  	[hbm4b:s8+s4] =	stream.linear.scatter [tilespmem:s10], [sflag:$0x3], $0x7D0, $0x38;
	[tilespmem:$0x119A0] =	vst v63  }
0x26d: {  	s8 =	sadd.s32 s9, s6;
	s10 =	simm.s32 $0xDB20  }
0x26e: {  	[hbm4b:s8+s4] =	stream.linear.scatter [tilespmem:s10], [sflag:$0x3], $0x7D0, $0x38;
	[tilespmem:$0x119A0] =	vst v63  }
0x26f: {  	s5 =	sadd.s32 $0x2, s5;
	s10 =	rddreg [dreg:$0x9]  }
0x270: {  	p2 =	sgt.u32 s5, s10  }
0x271: {  	s5 =	sshll.u32 @!p2 s5, $0x5  }
0x272: {  	s9 =	rddreg [dreg:$0x1a];
	s5 =	sor.u32 @!p2 s14, s5  }
0x273: {  	s6 =	sadd.s32 s9, s6;
	s10 =	simm.s32 $0xE2F0;
	s5 =	smul.u32 @!p2 $0xFA, s5  }
0x274: {  	[hbm4b:s6+s4] =	stream.linear.scatter [tilespmem:s10], [sflag:$0x3], $0x7D0, $0x38;
	[tilespmem:$0x119A0] =	vst v63  }
0x275: {  	s8 =	simm.s32 @!p2 $0x0;
	s9 =	simm.s32 @!p2 $0x1000;
	s6 =	sadd.s32 @!p2 s11, s5  }
0x276: {  	[tilespmem:s9], [sflag:$0x1] =	stream.linear.gather @!p2 [hbm4b:s6+s8], $0x7D0, $0x38;
	[tilespmem:$0x119A0] =	vst v63  }
0x277: {  	s6 =	rddreg [dreg:$0x1]  }
0x278: {  	s9 =	simm.s32 @!p2 $0x17D0;
	s6 =	sadd.s32 @!p2 s6, s5  }
0x279: {  	[tilespmem:s9], [sflag:$0x1] =	stream.linear.gather @!p2 [hbm4b:s6+s8], $0x7D0, $0x38;
	[tilespmem:$0x119A0] =	vst v63  }
0x27a: {  	s6 =	rddreg [dreg:$0x2]  }
0x27b: {  	s9 =	simm.s32 @!p2 $0x1FA0;
	s6 =	sadd.s32 @!p2 s6, s5  }
0x27c: {  	[tilespmem:s9], [sflag:$0x1] =	stream.linear.gather @!p2 [hbm4b:s6+s8], $0x7D0, $0x38;
	[tilespmem:$0x119A0] =	vst v63  }
0x27d: {  	s6 =	rddreg [dreg:$0x4]  }
0x27e: {  	s9 =	simm.s32 @!p2 $0x2770;
	s6 =	sadd.s32 @!p2 s6, s5  }
0x27f: {  	[tilespmem:s9], [sflag:$0x1] =	stream.linear.gather @!p2 [hbm4b:s6+s8], $0x7D0, $0x38;
	[tilespmem:$0x119A0] =	vst v63  }
0x280: {  	s6 =	rddreg [dreg:$0x5]  }
0x281: {  	s9 =	simm.s32 @!p2 $0x2F40;
	s6 =	sadd.s32 @!p2 s6, s5  }
0x282: {  	[tilespmem:s9], [sflag:$0x1] =	stream.linear.gather @!p2 [hbm4b:s6+s8], $0x7D0, $0x38;
	[tilespmem:$0x119A0] =	vst v63  }
0x283: {  	s6 =	rddreg [dreg:$0x6]  }
0x284: {  	s9 =	simm.s32 @!p2 $0x3710;
	s6 =	sadd.s32 @!p2 s6, s5  }
0x285: {  	[tilespmem:s9], [sflag:$0x1] =	stream.linear.gather @!p2 [hbm4b:s6+s8], $0x7D0, $0x38;
	[tilespmem:$0x119A0] =	vst v63  }
0x286: {  	s6 =	rddreg [dreg:$0x7]  }
0x287: {  	s9 =	simm.s32 @!p2 $0x3EE0;
	s6 =	sadd.s32 @!p2 s6, s5  }
0x288: {  	[tilespmem:s9], [sflag:$0x1] =	stream.linear.gather @!p2 [hbm4b:s6+s8], $0x7D0, $0x38;
	[tilespmem:$0x119A0] =	vst v63  }
0x289: {  	s6 =	sadd.s32 @!p2 s12, s5;
	s9 =	simm.s32 @!p2 $0x46B0  }
0x28a: {  	[tilespmem:s9], [sflag:$0x1] =	stream.linear.gather @!p2 [hbm4b:s6+s8], $0x7D0, $0x38;
	[tilespmem:$0x119A0] =	vst v63  }
0x28b: {  	s6 =	sadd.s32 @!p2 s13, s5;
	s9 =	simm.s32 @!p2 $0x4E80  }
0x28c: {  	[tilespmem:s9], [sflag:$0x1] =	stream.linear.gather @!p2 [hbm4b:s6+s8], $0x7D0, $0x38;
	[tilespmem:$0x119A0] =	vst v63  }
.Ltmp5:
0x28d: {  	_ = 	snop;
	(pc) =	sbr.rel @p0 .LBB2_8-.Ltmp5, $4  }
0x28e: {  	s6 =	sadd.s32 @!p2 s15, s5;
	s9 =	simm.s32 @!p2 $0x5650  }
0x28f: {  	[tilespmem:s9], [sflag:$0x1] =	stream.linear.gather @!p2 [hbm4b:s6+s8], $0x7D0, $0x38;
	[tilespmem:$0x119A0] =	vst v63  }
0x290: {  	s10 =	smov.u32 s11;
	s5 =	sadd.s32 @!p2 s17, s5;
	s6 =	simm.s32 @!p2 $0x5E20  }
0x291: {  	[tilespmem:s6], [sflag:$0x1] =	stream.linear.gather @!p2 [hbm4b:s5+s8], $0x7D0, $0x38;
	[tilespmem:$0x119A0] =	vst v63  }
0x292: {  	_ =	swait.ge [sflag:s7], $0x7D0  }
0x293: {  	[sflag:s7] =	ssyncset.done $0x0  }
0x294: {  	[sflag:s7] =	ssyncadd.s32 $0xFFFFF830  }
0x295: {  	_ =	swait.ge [sflag:s7], $0x7D0  }
0x296: {  	[sflag:s7] =	ssyncset.done $0x0  }
0x297: {  	[sflag:s7] =	ssyncadd.s32 $0xFFFFF830  }
0x298: {  	_ =	swait.ge [sflag:s7], $0x7D0  }
0x299: {  	[sflag:s7] =	ssyncset.done $0x0  }
0x29a: {  	[sflag:s7] =	ssyncadd.s32 $0xFFFFF830  }
0x29b: {  	_ =	swait.ge [sflag:s7], $0x7D0  }
0x29c: {  	[sflag:s7] =	ssyncset.done $0x0  }
0x29d: {  	[sflag:s7] =	ssyncadd.s32 $0xFFFFF830  }
0x29e: {  	_ =	swait.ge [sflag:s7], $0x7D0  }
0x29f: {  	[sflag:s7] =	ssyncset.done $0x0  }
0x2a0: {  	[sflag:s7] =	ssyncadd.s32 $0xFFFFF830  }
0x2a1: {  	_ =	swait.ge [sflag:s7], $0x7D0  }
0x2a2: {  	[sflag:s7] =	ssyncset.done $0x0  }
0x2a3: {  	[sflag:s7] =	ssyncadd.s32 $0xFFFFF830  }
0x2a4: {  	_ =	swait.ge [sflag:s7], $0x7D0  }
0x2a5: {  	[sflag:s7] =	ssyncset.done $0x0  }
0x2a6: {  	[sflag:s7] =	ssyncadd.s32 $0xFFFFF830  }
0x2a7: {  	_ =	swait.ge [sflag:s7], $0x7D0  }
0x2a8: {  	[sflag:s7] =	ssyncset.done $0x0  }
0x2a9: {  	[sflag:s7] =	ssyncadd.s32 $0xFFFFF830  }
0x2aa: {  	_ =	swait.ge [sflag:s7], $0x7D0  }
0x2ab: {  	[sflag:s7] =	ssyncset.done $0x0  }
0x2ac: {  	[sflag:s7] =	ssyncadd.s32 $0xFFFFF830  }
0x2ad: {  	_ =	swait.ge [sflag:s7], $0x7D0  }
0x2ae: {  	[sflag:s7] =	ssyncset.done $0x0  }
0x2af: {  	[sflag:s7] =	ssyncadd.s32 $0xFFFFF830  }
0x2b0: {  	_ =	swait.ge [sflag:s7], $0x7D0  }
0x2b1: {  	[sflag:s7] =	ssyncset.done $0x0  }
0x2b2: {  	s5 =	simm.s32 @!p1 $0x4;
	[sflag:s7] =	ssyncadd.s32 $0xFFFFF830  }
0x2b3: {  	_ =	swait.ge @!p1 [sflag:s5], $0x7D0  }
0x2b4: {  	[sflag:s5] =	ssyncset.done @!p1 $0x0  }
0x2b5: {  	[sflag:s5] =	ssyncadd.s32 @!p1 $0xFFFFF830  }
0x2b6: {  	_ =	swait.ge @!p1 [sflag:s5], $0x7D0  }
0x2b7: {  	[sflag:s5] =	ssyncset.done @!p1 $0x0  }
0x2b8: {  	[sflag:s5] =	ssyncadd.s32 @!p1 $0xFFFFF830  }
0x2b9: {  	_ =	swait.ge @!p1 [sflag:s5], $0x7D0  }
0x2ba: {  	[sflag:s5] =	ssyncset.done @!p1 $0x0  }
0x2bb: {  	[sflag:s5] =	ssyncadd.s32 @!p1 $0xFFFFF830  }
0x2bc: {  	_ =	swait.ge @!p1 [sflag:s5], $0x7D0  }
0x2bd: {  	[sflag:s5] =	ssyncset.done @!p1 $0x0  }
0x2be: {  	[sflag:s5] =	ssyncadd.s32 @!p1 $0xFFFFF830  }
0x2bf: {  	_ =	swait.ge @!p1 [sflag:s5], $0x7D0  }
0x2c0: {  	[sflag:s5] =	ssyncset.done @!p1 $0x0  }
0x2c1: {  	[sflag:s5] =	ssyncadd.s32 @!p1 $0xFFFFF830  }
0x2c2: {  	_ =	swait.ge @!p1 [sflag:s5], $0x7D0  }
0x2c3: {  	[sflag:s5] =	ssyncset.done @!p1 $0x0  }
0x2c4: {  	s6 =	simm.s32 $0x0;
	[sflag:s5] =	ssyncadd.s32 @!p1 $0xFFFFF830;
	s5 =	simm.s32 $0xFFFFFFFC  }
.LBB2_6:
0x2c5: {  	s8 =	sshra.s32 s6, $0x2  }
0x2c6: {  	v6 =	vld [tilespmem:s8+$0xB410];
	_ =	sdelay $0x2  }
0x2c7: {  	v1 =	vld [tilespmem:s8+$0x65F0]  }
0x2c8: {  	v2 =	vld [tilespmem:s8+$0x6DC0]  }
0x2c9: {  	v0 =	vld [tilespmem:s8+$0x7590];
	v3 =	vand.u32 $0xFF, v6  }
0x2ca: {  	v5 =	vld [tilespmem:s8+$0x7D60]  }
0x2cb: {  	v12 =	vld [tilespmem:s8+$0x8530]  }
0x2cc: {  	v4 =	vld [tilespmem:s8+$0x8D00]  }
0x2cd: {  	v8 =	vld [tilespmem:s8+$0x94D0]  }
0x2ce: {  	v7 =	vld.idx.msk [tilespmem:v3+s3+$0x0], $0xffff  }
0x2cf: {  	v9 =	vld.idx.msk [tilespmem:v3+s16+$0x0], $0xffff  }
0x2d0: {  	v10 =	vld.idx.msk [tilespmem:v3+s30+$0x0], $0xffff  }
0x2d1: {  	v11 =	vld.idx.msk [tilespmem:v3+s4+$0x0], $0xffff  }
0x2d2: {  	v13 =	vld.idx.msk [tilespmem:v3+s31+$0x0], $0xffff  }
0x2d3: {  	v14 =	vld.idx.msk [tilespmem:v3+s21+$0x0], $0xffff  }
0x2d4: {  	v15 =	vld.idx.msk [tilespmem:v3+s22+$0x0], $0xffff  }
0x2d5: {  	v16 =	vld.idx.msk [tilespmem:v3+s23+$0x0], $0xffff  }
0x2d6: {  	v17 =	vld.idx.msk [tilespmem:v3+s24+$0x0], $0xffff  }
0x2d7: {  	v18 =	vld.idx.msk [tilespmem:v3+s25+$0x0], $0xffff;
	v7 =	vmul.f32 v7, v1  }
0x2d8: {  	v63 =	vld.idx.msk [tilespmem:v3+s26+$0x0], $0xffff;
	v9 =	vmul.f32 v9, v2;
	v10 =	vmul.f32 v10, v0  }
0x2d9: {  	v35 =	vshrl.u32 v6, $0x8;
	v34 =	vld.idx.msk [tilespmem:v3+s28+$0x0], $0xffff  }
0x2da: {  	v19 =	vld.idx.msk [tilespmem:v3+s29+$0x0], $0xffff;
	v7 =	vadd.f32 v9, v7;
	v62 =	vadd.f32 v13, v10;
	v9 =	vand.u32 $0xFF, v35  }
0x2db: {  	v20 =	vld.idx.msk [tilespmem:v3+s0+$0x0], $0xffff  }
0x2dc: {  	v21 =	vld.idx.msk [tilespmem:v3+s19+$0x0], $0xffff;
	v22 =	vmul.f32 v11, v1;
	v7 =	vadd.f32 v62, v7  }
0x2dd: {  	v3 =	vld.idx.msk [tilespmem:v3+s2+$0x0], $0xffff;
	v24 =	vmul.f32 v14, v2;
	v25 =	vmul.f32 v15, v0  }
0x2de: {  	v27 =	vmul.f32 v17, v1;
	(erf) = vrcp.f32 v7;
	v7 =	vld [tilespmem:s8+$0x9CA0]  }
0x2df: {  	v28 =	vmul.f32 v18, v2;
	v36 =	vmul.f32 v63, v0;
	v23 =	vld.idx.msk [tilespmem:v9+s3+$0x0], $0xffff  }
0x2e0: {  	v38 =	vmul.f32 v19, v1;
	v40 =	vmul.f32 v20, v2;
	v26 =	vld.idx.msk [tilespmem:v9+s16+$0x0], $0xffff  }
0x2e1: {  	v45 =	vshrl.u32 v6, $0x10;
	v31 =	vmul.f32 v21, v0;
	v11 =	vmul.f32 v11, v5;
	v29 =	vld.idx.msk [tilespmem:v9+s30+$0x0], $0xffff  }
0x2e2: {  	v6 =	vshrl.u32 v6, $0x18;
	v17 =	vmul.f32 v17, v5;
	v18 =	vmul.f32 v18, v12;
	v30 =	vld.idx.msk [tilespmem:v9+s4+$0x0], $0xffff  }
0x2e3: {  	v46 =	vmul.f32 v15, v4;
	v22 =	vadd.f32 v24, v22;
	v24 =	vadd.f32 v40, v38;
	v15 =	vld.idx.msk [tilespmem:v9+s29+$0x0], $0xffff  }
0x2e4: {  	v14 =	vmul.f32 v14, v12;
	v3 =	vadd.f32 v3, v31;
	v17 =	vadd.f32 v18, v17;
	v18 =	vld.idx.msk [tilespmem:v9+s0+$0x0], $0xffff  }
0x2e5: {  	v19 =	vmul.f32 v19, v5;
	v20 =	vmul.f32 v20, v12;
	v37 =	vadd.f32 v28, v27;
	v39 =	vld.idx.msk [tilespmem:v9+s31+$0x0], $0xffff  }
0x2e6: {  	v49 =	vmul.f32 v21, v4;
	v13 =	vadd.f32 v34, v36;
	v3 =	vadd.f32 v3, v24;
	v24 =	vld.idx.msk [tilespmem:v9+s26+$0x0], $0xffff  }
0x2e7: {  	v11 =	vadd.f32 v14, v11;
	v10 =	vmul.f32 v63, v4;
	v33 =	vld.idx.msk [tilespmem:v9+s21+$0x0], $0xffff;
	v23 =	vmul.f32 v23, v1  }
0x2e8: {  	v48 =	vadd.f32 v20, v19;
	v44 =	vld.idx.msk [tilespmem:v9+s28+$0x0], $0xffff;
	v26 =	vmul.f32 v26, v2;
	v29 =	vmul.f32 v29, v0  }
0x2e9: {  	v13 =	vadd.f32 v13, v37;
	v42 =	vld.idx.msk [tilespmem:v9+s23+$0x0], $0xffff;
	v37 =	vmul.f32 v15, v1;
	v57 =	vmul.f32 v18, v2  }
0x2ea: {  	v11 =	vadd.f32 v46, v11;
	v27 =	vld.idx.msk [tilespmem:v9+s24+$0x0], $0xffff;
	v15 =	vmul.f32 v15, v5;
	v18 =	vmul.f32 v18, v12  }
0x2eb: {  	v10 =	vadd.f32 v10, v17;
	v31 =	vld.idx.msk [tilespmem:v9+s25+$0x0], $0xffff;
	v36 =	vmul.f32 v24, v0;
	v23 =	vadd.f32 v26, v23  }
0x2ec: {  	v43 =	vadd.f32 v39, v29;
	v26 =	vand.u32 $0xFF, v45;
	v15 =	vadd.f32 v18, v15;
	v18 =	vld.idx.msk [tilespmem:v6+s4+$0x0], $0xffff  }
0x2ed: {  	v17 =	vadd.f32 v49, v48;
	v58 =	vadd.f32 v44, v36;
	v36 =	vld.idx.msk [tilespmem:v6+s25+$0x0], $0xffff;
	v32 =	vpop (erf)  }
0x2ee: {  	v11 =	vmul.f32 v11, v8;
	v41 =	vmul.f32 v32, v8;
	v32 =	vld.idx.msk [tilespmem:v9+s22+$0x0], $0xffff;
	v23 =	vadd.f32 v43, v23  }
0x2ef: {  	v10 =	vmul.f32 v10, v8;
	v8 =	vmul.f32 v17, v8;
	v17 =	vadd.f32 v57, v37;
	v37 =	vld.idx.msk [tilespmem:v6+s26+$0x0], $0xffff  }
0x2f0: {  	(erf) = vrcp.f32 v23;
	v23 =	vld.idx.msk [tilespmem:v9+s19+$0x0], $0xffff  }
0x2f1: {  	v20 =	vld.idx.msk [tilespmem:v26+s4+$0x0], $0xffff  }
0x2f2: {  	v16 =	vadd.f32 v16, v25;
	v50 =	vmul.f32 v30, v1;
	v51 =	vmul.f32 v33, v2;
	v34 =	vld.idx.msk [tilespmem:v26+s22+$0x0], $0xffff  }
0x2f3: {  	v55 =	vmul.f32 v27, v1;
	v56 =	vmul.f32 v31, v2;
	v54 =	vld.idx.msk [tilespmem:v26+s3+$0x0], $0xffff  }
0x2f4: {  	v16 =	vadd.f32 v16, v22;
	v62 =	vmul.f32 v30, v5;
	v63 =	vmul.f32 v33, v12;
	v35 =	vld.idx.msk [tilespmem:v26+s16+$0x0], $0xffff  }
0x2f5: {  	v11 =	vadd.f32 $0.0e+00, v11;
	v24 =	vmul.f32 v24, v4;
	v44 =	vmul.f32 v27, v5;
	v39 =	vld.idx.msk [tilespmem:v26+s30+$0x0], $0xffff  }
0x2f6: {  	v10 =	vadd.f32 $0.0e+00, v10;
	v45 =	vmul.f32 v31, v12;
	v16 =	vmul.f32 v41, v16;
	v30 =	vld.idx.msk [tilespmem:v26+s24+$0x0], $0xffff  }
0x2f7: {  	v21 =	vadd.f32 v56, v55;
	v13 =	vmul.f32 v41, v13;
	v47 =	vmul.f32 v41, v3;
	v33 =	vld.idx.msk [tilespmem:v26+s25+$0x0], $0xffff  }
0x2f8: {  	v53 =	vadd.f32 v51, v50;
	v25 =	vld.idx.msk [tilespmem:v26+s26+$0x0], $0xffff;
	v52 =	vmul.f32 v32, v0;
	v32 =	vmul.f32 v32, v4  }
0x2f9: {  	v21 =	vadd.f32 v58, v21;
	v9 =	vld.idx.msk [tilespmem:v9+s2+$0x0], $0xffff;
	v59 =	vmul.f32 v23, v0;
	v48 =	vmul.f32 v23, v4  }
0x2fa: {  	v8 =	vadd.f32 $0.0e+00, v8;
	v22 =	vld.idx.msk [tilespmem:v26+s21+$0x0], $0xffff;
	v19 =	vmul.f32 v54, v1;
	v35 =	vmul.f32 v35, v2  }
0x2fb: {  	v41 =	vld.idx.msk [tilespmem:v26+s29+$0x0], $0xffff;
	v14 =	vadd.f32 v42, v52;
	v39 =	vmul.f32 v39, v0;
	v52 =	vmul.f32 v20, v1  }
0x2fc: {  	v60 =	vld.idx.msk [tilespmem:v26+s31+$0x0], $0xffff;
	v16 =	vadd.f32 $0.0e+00, v16;
	v54 =	vmul.f32 v34, v0;
	v55 =	vmul.f32 v30, v1  }
0x2fd: {  	v58 =	vld.idx.msk [tilespmem:v6+s3+$0x0], $0xffff;
	v13 =	vadd.f32 $0.0e+00, v13;
	v56 =	vmul.f32 v33, v2;
	v57 =	vmul.f32 v25, v0  }
0x2fe: {  	v28 =	vld.idx.msk [tilespmem:v26+s0+$0x0], $0xffff;
	v29 =	vadd.f32 $0.0e+00, v47;
	v20 =	vmul.f32 v20, v5;
	v25 =	vmul.f32 v25, v4  }
0x2ff: {  	v3 =	vld [tilespmem:s8+$0xA470];
	v14 =	vadd.f32 v14, v53;
	v9 =	vadd.f32 v9, v59;
	v53 =	vmul.f32 v22, v2  }
0x300: {  	v40 =	vld.idx.msk [tilespmem:v26+s23+$0x0], $0xffff;
	v15 =	vadd.f32 v48, v15;
	v59 =	vmul.f32 v41, v1;
	v22 =	vmul.f32 v22, v12  }
0x301: {  	v46 =	vld.idx.msk [tilespmem:v26+s28+$0x0], $0xffff;
	v48 =	vmul.f32 v34, v4;
	v19 =	vadd.f32 v35, v19;
	v47 =	vadd.f32 v60, v39;
	v38 =	vpop (erf)  }
0x302: {  	v27 =	vld.idx.msk [tilespmem:v26+s19+$0x0], $0xffff;
	v9 =	vadd.f32 v9, v17;
	v17 =	vadd.f32 v45, v44;
	v38 =	vmul.f32 v38, v7  }
0x303: {  	v49 =	vld.idx.msk [tilespmem:v26+s2+$0x0], $0xffff;
	v60 =	vmul.f32 v28, v2;
	v20 =	vadd.f32 v22, v20;
	v19 =	vadd.f32 v47, v19  }
0x304: {  	v26 =	vld.idx.msk [tilespmem:v6+s23+$0x0], $0xffff;
	v47 =	vmul.f32 v33, v12;
	v61 =	vmul.f32 v38, v14;
	v14 =	vadd.f32 v63, v62  }
0x305: {  	v44 =	vld.idx.msk [tilespmem:v6+s30+$0x0], $0xffff;
	v17 =	vadd.f32 v24, v17;
	v20 =	vadd.f32 v48, v20;
	v21 =	vmul.f32 v38, v21  }
0x306: {  	v34 =	vld.idx.msk [tilespmem:v6+s0+$0x0], $0xffff;
	(erf) = vrcp.f32 v19;
	v9 =	vmul.f32 v38, v9;
	v50 =	vadd.f32 v32, v14  }
0x307: {  	v45 =	vld.idx.msk [tilespmem:v6+s31+$0x0], $0xffff;
	v17 =	vmul.f32 v17, v7;
	v16 =	vadd.f32 v61, v16;
	v19 =	vadd.f32 v21, v13  }
0x308: {  	v33 =	vld.idx.msk [tilespmem:v6+s28+$0x0], $0xffff;
	v9 =	vadd.f32 v9, v29;
	v51 =	vmul.f32 v50, v7;
	v7 =	vmul.f32 v15, v7  }
0x309: {  	v28 =	vmul.f32 v28, v12;
	v24 =	vld.idx.msk [tilespmem:v6+s22+$0x0], $0xffff;
	v17 =	vadd.f32 v17, v10;
	v10 =	vadd.f32 v40, v54  }
0x30a: {  	v62 =	vld.idx.msk [tilespmem:v6+s16+$0x0], $0xffff;
	v50 =	vmul.f32 v44, v0;
	v15 =	vadd.f32 v51, v11;
	v35 =	vadd.f32 v7, v8  }
0x30b: {  	v48 =	vmul.f32 v37, v0;
	v14 =	vld [tilespmem:s8+$0xAC40];
	v11 =	vadd.f32 v53, v52;
	v7 =	vadd.f32 v56, v55  }
0x30c: {  	v21 =	vld.idx.msk [tilespmem:v6+s21+$0x0], $0xffff;
	v8 =	vadd.f32 v46, v57;
	v46 =	vmul.f32 v30, v5;
	v53 =	vadd.f32 v45, v50  }
0x30d: {  	v63 =	vmul.f32 v27, v0;
	v13 =	vld [tilespmem:s8+$0xB420];
	v50 =	vadd.f32 v33, v48;
	v10 =	vadd.f32 v10, v11  }
0x30e: {  	v32 =	vld.idx.msk [tilespmem:v6+s24+$0x0], $0xffff;
	v29 =	vmul.f32 v58, v1;
	v7 =	vadd.f32 v8, v7;
	v23 =	vadd.f32 v47, v46  }
0x30f: {  	v30 =	vld.idx.msk [tilespmem:v6+s29+$0x0], $0xffff;
	v55 =	vmul.f32 v20, v3;
	v11 =	vadd.f32 v60, v59;
	v8 =	vadd.f32 v49, v63  }
0x310: {  	v49 =	vmul.f32 v62, v2;
	v60 =	vmul.f32 v18, v1;
	v61 =	vpop (erf);
	v51 =	vadd.f32 v25, v23;
	v23 =	vld.idx.msk [tilespmem:v6+s19+$0x0], $0xffff  }
0x311: {  	v38 =	vadd.f32 v55, v15;
	v63 =	vmul.f32 v24, v0;
	v31 =	vmul.f32 v61, v3;
	v25 =	vld.idx.msk [tilespmem:v6+s2+$0x0], $0xffff  }
0x312: {  	v8 =	vadd.f32 v8, v11;
	v52 =	vadd.f32 v49, v29;
	v29 =	vand.u32 $0xFF, v13;
	v11 =	vld [tilespmem:s8+$0x6DD0]  }
0x313: {  	v6 =	vld [tilespmem:s8+$0x75A0];
	v61 =	vmul.f32 v21, v2;
	v20 =	vadd.f32 v26, v63;
	v10 =	vmul.f32 v31, v10  }
0x314: {  	v7 =	vmul.f32 v31, v7;
	v54 =	vmul.f32 v31, v8;
	v57 =	vadd.f32 v53, v52;
	v8 =	vld [tilespmem:s8+$0x8540]  }
0x315: {  	v58 =	vmul.f32 v41, v5;
	v15 =	vadd.f32 v61, v60;
	v16 =	vadd.f32 v10, v16;
	v10 =	vld [tilespmem:s8+$0x6600]  }
0x316: {  	v45 =	vmul.f32 v32, v1;
	v33 =	vmul.f32 v32, v5;
	v19 =	vadd.f32 v7, v19;
	v7 =	vld [tilespmem:s8+$0x7D70]  }
0x317: {  	v47 =	vmul.f32 v36, v2;
	(erf) = vrcp.f32 v57;
	v20 =	vadd.f32 v20, v15;
	v15 =	vld [tilespmem:s8+$0x94E0]  }
0x318: {  	v18 =	vmul.f32 v18, v5;
	v21 =	vmul.f32 v21, v12;
	v62 =	vld.idx.msk [tilespmem:v29+s3+$0x0], $0xffff  }
0x319: {  	v59 =	vmul.f32 v27, v4;
	v31 =	vadd.f32 v54, v9;
	v9 =	vadd.f32 v28, v58;
	v46 =	vld.idx.msk [tilespmem:v29+s16+$0x0], $0xffff  }
0x31a: {  	v49 =	vadd.f32 v47, v45;
	v57 =	vadd.f32 v21, v18;
	v58 =	vmul.f32 v24, v4;
	v42 =	vld.idx.msk [tilespmem:v29+s30+$0x0], $0xffff  }
0x31b: {  	v2 =	vmul.f32 v34, v2;
	v56 =	vmul.f32 v51, v3;
	v51 =	vld.idx.msk [tilespmem:v29+s31+$0x0], $0xffff;
	v9 =	vadd.f32 v59, v9  }
0x31c: {  	v1 =	vmul.f32 v30, v1;
	v5 =	vmul.f32 v30, v5;
	v27 =	vld.idx.msk [tilespmem:v29+s4+$0x0], $0xffff;
	v18 =	vadd.f32 v58, v57  }
0x31d: {  	v63 =	vshrl.u32 v13, $0x8;
	v0 =	vmul.f32 v23, v0;
	v39 =	vld.idx.msk [tilespmem:v29+s21+$0x0], $0xffff;
	v3 =	vmul.f32 v9, v3  }
0x31e: {  	v22 =	vadd.f32 v50, v49;
	v40 =	vld.idx.msk [tilespmem:v29+s22+$0x0], $0xffff;
	v61 =	vmul.f32 v18, v14;
	v52 =	vmul.f32 v62, v10  }
0x31f: {  	v1 =	vadd.f32 v2, v1;
	v24 =	vld.idx.msk [tilespmem:v29+s24+$0x0], $0xffff;
	v53 =	vmul.f32 v46, v11;
	v54 =	vmul.f32 v42, v6  }
0x320: {  	v28 =	vld.idx.msk [tilespmem:v29+s29+$0x0], $0xffff;
	v60 =	vadd.f32 v3, v35;
	v35 =	vmul.f32 v36, v12;
	v12 =	vmul.f32 v34, v12;
	v55 =	vpop (erf)  }
0x321: {  	v30 =	vld.idx.msk [tilespmem:v29+s0+$0x0], $0xffff;
	v0 =	vadd.f32 v25, v0;
	v36 =	vmul.f32 v37, v4;
	v25 =	vmul.f32 v55, v14  }
0x322: {  	v17 =	vadd.f32 v56, v17;
	v59 =	vld.idx.msk [tilespmem:v29+s23+$0x0], $0xffff;
	v4 =	vmul.f32 v23, v4;
	v37 =	vmul.f32 v27, v10  }
0x323: {  	v9 =	vld [tilespmem:s8+$0x8D10];
	v2 =	vadd.f32 v53, v52;
	v56 =	vadd.f32 v51, v54;
	v22 =	vmul.f32 v25, v22  }
0x324: {  	v0 =	vadd.f32 v0, v1;
	v62 =	vld.idx.msk [tilespmem:v29+s28+$0x0], $0xffff;
	v41 =	vmul.f32 v40, v6;
	v42 =	vmul.f32 v24, v10  }
0x325: {  	v23 =	vld.idx.msk [tilespmem:v29+s19+$0x0], $0xffff;
	v2 =	vadd.f32 v56, v2;
	v1 =	vadd.f32 v22, v19;
	v19 =	vand.u32 $0xFF, v63  }
0x326: {  	v47 =	vmul.f32 v28, v10;
	v5 =	vadd.f32 v12, v5;
	v12 =	vld [tilespmem:s8+$0x9CB0];
	v20 =	vmul.f32 v25, v20  }
0x327: {  	v0 =	vmul.f32 v25, v0;
	v25 =	vld.idx.msk [tilespmem:v29+s25+$0x0], $0xffff;
	(erf) = vrcp.f32 v2  }
0x328: {  	v27 =	vmul.f32 v27, v7;
	v57 =	vmul.f32 v39, v8;
	v3 =	vadd.f32 v20, v16;
	v16 =	vld.idx.msk [tilespmem:v29+s26+$0x0], $0xffff  }
0x329: {  	v50 =	vmul.f32 v30, v11;
	v24 =	vmul.f32 v24, v7;
	v21 =	vadd.f32 v59, v41;
	v29 =	vld.idx.msk [tilespmem:v29+s2+$0x0], $0xffff  }
0x32a: {  	v28 =	vmul.f32 v28, v7;
	v26 =	vadd.f32 v57, v27;
	v20 =	vadd.f32 v35, v33;
	v35 =	vld.idx.msk [tilespmem:v19+s4+$0x0], $0xffff  }
0x32b: {  	v30 =	vmul.f32 v30, v8;
	v4 =	vadd.f32 v4, v5;
	v55 =	vadd.f32 v50, v47;
	v45 =	vld.idx.msk [tilespmem:v19+s3+$0x0], $0xffff  }
0x32c: {  	v54 =	vmul.f32 v23, v6;
	v2 =	vadd.f32 v61, v38;
	v38 =	vmul.f32 v39, v11;
	v49 =	vld.idx.msk [tilespmem:v19+s16+$0x0], $0xffff  }
0x32d: {  	v0 =	vadd.f32 v0, v31;
	v43 =	vmul.f32 v25, v11;
	v25 =	vmul.f32 v25, v8;
	v52 =	vld.idx.msk [tilespmem:v19+s30+$0x0], $0xffff  }
0x32e: {  	v23 =	vmul.f32 v23, v9;
	v31 =	vadd.f32 v38, v37;
	v20 =	vadd.f32 v36, v20;
	v56 =	vld.idx.msk [tilespmem:v19+s31+$0x0], $0xffff  }
0x32f: {  	v44 =	vmul.f32 v16, v6;
	v58 =	vld.idx.msk [tilespmem:v19+s23+$0x0], $0xffff;
	v24 =	vadd.f32 v25, v24;
	v16 =	vmul.f32 v16, v9  }
0x330: {  	v4 =	vmul.f32 v4, v14;
	v21 =	vadd.f32 v21, v31;
	v46 =	vadd.f32 v43, v42;
	v33 =	vld.idx.msk [tilespmem:v19+s24+$0x0], $0xffff;
	v48 =	vpop (erf)  }
0x331: {  	v27 =	vld.idx.msk [tilespmem:v19+s25+$0x0], $0xffff;
	v18 =	vadd.f32 v62, v44;
	v16 =	vadd.f32 v16, v24;
	v51 =	vmul.f32 v48, v15  }
0x332: {  	v4 =	vadd.f32 v4, v60;
	v20 =	vmul.f32 v20, v14;
	v36 =	vld.idx.msk [tilespmem:v19+s26+$0x0], $0xffff;
	v62 =	vmul.f32 v40, v9  }
0x333: {  	v37 =	vld.idx.msk [tilespmem:v19+s29+$0x0], $0xffff;
	v53 =	vadd.f32 v18, v46;
	v16 =	vmul.f32 v16, v15;
	v21 =	vmul.f32 v51, v21  }
0x334: {  	v34 =	vld.idx.msk [tilespmem:v19+s0+$0x0], $0xffff;
	v18 =	vadd.f32 v29, v54;
	v22 =	vmul.f32 v45, v10;
	v59 =	vmul.f32 v49, v11  }
0x335: {  	v63 =	vld.idx.msk [tilespmem:v19+s28+$0x0], $0xffff;
	v60 =	vmul.f32 v52, v6;
	v45 =	vshrl.u32 v13, $0x10;
	v13 =	vshrl.u32 v13, $0x18  }
0x336: {  	v5 =	vadd.f32 v20, v17;
	v20 =	vld.idx.msk [tilespmem:v19+s21+$0x0], $0xffff;
	v46 =	vmul.f32 v35, v10;
	v50 =	vmul.f32 v33, v10  }
0x337: {  	v24 =	vld.idx.msk [tilespmem:v19+s19+$0x0], $0xffff;
	v14 =	vadd.f32 v18, v55;
	v18 =	vadd.f32 v59, v22;
	v22 =	vand.u32 $0xFF, v45  }
0x338: {  	v28 =	vadd.f32 v30, v28;
	v29 =	vld.idx.msk [tilespmem:v19+s22+$0x0], $0xffff;
	v52 =	vmul.f32 v36, v6;
	v54 =	vmul.f32 v37, v10  }
0x339: {  	v26 =	vadd.f32 v62, v26;
	v19 =	vld.idx.msk [tilespmem:v19+s2+$0x0], $0xffff;
	v43 =	vmul.f32 v34, v11;
	v35 =	vmul.f32 v35, v7  }
0x33a: {  	v23 =	vadd.f32 v23, v28;
	v62 =	vmul.f32 v33, v7;
	v17 =	vmul.f32 v51, v53;
	v42 =	vld.idx.msk [tilespmem:v13+s21+$0x0], $0xffff  }
0x33b: {  	v26 =	vmul.f32 v26, v15;
	v47 =	vmul.f32 v20, v11;
	v57 =	vadd.f32 v43, v54;
	v43 =	vld.idx.msk [tilespmem:v13+s26+$0x0], $0xffff  }
0x33c: {  	v16 =	vadd.f32 $0.0e+00, v16;
	v15 =	vmul.f32 v23, v15;
	v20 =	vmul.f32 v20, v8;
	v31 =	vld.idx.msk [tilespmem:v22+s4+$0x0], $0xffff  }
0x33d: {  	v61 =	vadd.f32 v56, v60;
	v21 =	vadd.f32 $0.0e+00, v21;
	v55 =	vmul.f32 v24, v6;
	v39 =	vld.idx.msk [tilespmem:v22+s21+$0x0], $0xffff  }
0x33e: {  	v25 =	vadd.f32 v63, v52;
	v63 =	vmul.f32 v36, v9;
	v14 =	vmul.f32 v51, v14;
	v30 =	vld.idx.msk [tilespmem:v22+s22+$0x0], $0xffff  }
0x33f: {  	v17 =	vadd.f32 $0.0e+00, v17;
	v49 =	vadd.f32 v47, v46;
	v51 =	vmul.f32 v27, v11;
	v53 =	vld.idx.msk [tilespmem:v22+s3+$0x0], $0xffff  }
0x340: {  	v27 =	vmul.f32 v27, v8;
	v20 =	vadd.f32 v20, v35;
	v18 =	vadd.f32 v61, v18;
	v44 =	vld.idx.msk [tilespmem:v22+s16+$0x0], $0xffff  }
0x341: {  	v48 =	vmul.f32 v29, v6;
	v19 =	vadd.f32 v19, v55;
	v29 =	vmul.f32 v29, v9;
	v56 =	vld.idx.msk [tilespmem:v22+s30+$0x0], $0xffff  }
0x342: {  	v55 =	vmul.f32 v24, v9;
	v28 =	vadd.f32 v51, v50;
	v27 =	vadd.f32 v27, v62;
	v59 =	vld.idx.msk [tilespmem:v22+s23+$0x0], $0xffff  }
0x343: {  	(erf) = vrcp.f32 v18;
	v32 =	vadd.f32 v58, v48;
	v20 =	vadd.f32 v29, v20;
	v61 =	vld.idx.msk [tilespmem:v22+s31+$0x0], $0xffff  }
0x344: {  	v48 =	vmul.f32 v37, v7;
	v25 =	vadd.f32 v25, v28;
	v45 =	vld.idx.msk [tilespmem:v22+s29+$0x0], $0xffff;
	v27 =	vadd.f32 v63, v27  }
0x345: {  	v28 =	vld.idx.msk [tilespmem:v22+s0+$0x0], $0xffff;
	v23 =	vadd.f32 v32, v49;
	v20 =	vmul.f32 v20, v12;
	v49 =	vmul.f32 v34, v8  }
0x346: {  	v26 =	vadd.f32 $0.0e+00, v26;
	v33 =	vld.idx.msk [tilespmem:v22+s24+$0x0], $0xffff;
	v47 =	vmul.f32 v27, v12;
	v41 =	vmul.f32 v53, v10  }
0x347: {  	v15 =	vadd.f32 $0.0e+00, v15;
	v32 =	vld.idx.msk [tilespmem:v22+s19+$0x0], $0xffff;
	v44 =	vmul.f32 v44, v11;
	v38 =	vmul.f32 v56, v6  }
0x348: {  	v14 =	vadd.f32 $0.0e+00, v14;
	v40 =	vld.idx.msk [tilespmem:v22+s25+$0x0], $0xffff;
	v50 =	vmul.f32 v31, v10;
	v51 =	vmul.f32 v39, v11  }
0x349: {  	v19 =	vadd.f32 v19, v57;
	v35 =	vld.idx.msk [tilespmem:v22+s26+$0x0], $0xffff;
	v52 =	vmul.f32 v30, v6;
	v62 =	vmul.f32 v45, v10  }
0x34a: {  	v36 =	vld.idx.msk [tilespmem:v22+s28+$0x0], $0xffff;
	v20 =	vadd.f32 v20, v26;
	v63 =	vmul.f32 v28, v11;
	v31 =	vmul.f32 v31, v7  }
0x34b: {  	v34 =	vld.idx.msk [tilespmem:v13+s4+$0x0], $0xffff;
	v54 =	vadd.f32 v49, v48;
	v39 =	vmul.f32 v39, v8;
	v30 =	vmul.f32 v30, v9  }
0x34c: {  	v53 =	vld.idx.msk [tilespmem:v13+s3+$0x0], $0xffff;
	v49 =	vmul.f32 v32, v6;
	v41 =	vadd.f32 v44, v41;
	v38 =	vadd.f32 v61, v38  }
0x34d: {  	v56 =	vld.idx.msk [tilespmem:v13+s16+$0x0], $0xffff;
	v32 =	vmul.f32 v32, v9;
	v26 =	vadd.f32 v51, v50;
	v57 =	vadd.f32 v59, v52  }
0x34e: {  	v22 =	vld.idx.msk [tilespmem:v22+s2+$0x0], $0xffff;
	v61 =	vmul.f32 v35, v6;
	v27 =	vadd.f32 v63, v62;
	v35 =	vmul.f32 v35, v9;
	v58 =	vpop (erf)  }
0x34f: {  	v18 =	vld [tilespmem:s8+$0xA480];
	v62 =	vmul.f32 v42, v11;
	v60 =	vmul.f32 v58, v12;
	v46 =	vadd.f32 v38, v41  }
0x350: {  	v29 =	vld.idx.msk [tilespmem:v13+s0+$0x0], $0xffff;
	v58 =	vmul.f32 v33, v10;
	v26 =	vadd.f32 v57, v26;
	v57 =	vmul.f32 v40, v8  }
0x351: {  	v59 =	vld.idx.msk [tilespmem:v13+s30+$0x0], $0xffff;
	v36 =	vadd.f32 v36, v61;
	v61 =	vmul.f32 v34, v10;
	v38 =	vmul.f32 v53, v10  }
0x352: {  	v48 =	vld.idx.msk [tilespmem:v13+s31+$0x0], $0xffff;
	v31 =	vadd.f32 v39, v31;
	v24 =	vmul.f32 v56, v11;
	(erf) = vrcp.f32 v46  }
0x353: {  	v39 =	vld.idx.msk [tilespmem:v13+s25+$0x0], $0xffff;
	v22 =	vadd.f32 v22, v49;
	v23 =	vmul.f32 v60, v23;
	v25 =	vmul.f32 v60, v25  }
0x354: {  	v41 =	vld.idx.msk [tilespmem:v13+s23+$0x0], $0xffff;
	v30 =	vadd.f32 v30, v31;
	v44 =	vmul.f32 v60, v19;
	v60 =	vmul.f32 v40, v11  }
0x355: {  	v22 =	vadd.f32 v22, v27;
	v27 =	vld.idx.msk [tilespmem:v13+s28+$0x0], $0xffff;
	v56 =	vmul.f32 v33, v7;
	v24 =	vadd.f32 v24, v38  }
0x356: {  	v46 =	vld.idx.msk [tilespmem:v13+s22+$0x0], $0xffff;
	v37 =	vmul.f32 v59, v6;
	v25 =	vadd.f32 v25, v17;
	v17 =	vadd.f32 v60, v58  }
0x357: {  	v59 =	vmul.f32 v45, v7;
	v21 =	vadd.f32 v23, v21;
	v23 =	vadd.f32 v47, v16;
	v47 =	vld.idx.msk [tilespmem:v13+s24+$0x0], $0xffff  }
0x358: {  	v49 =	vmul.f32 v39, v11;
	v16 =	vadd.f32 v55, v54;
	v52 =	vadd.f32 v36, v17;
	v17 =	vld [tilespmem:s8+$0xB430]  }
0x359: {  	v19 =	vld [tilespmem:s8+$0xAC50];
	v11 =	vmul.f32 v29, v11;
	v55 =	vmul.f32 v30, v18;
	v37 =	vadd.f32 v48, v37  }
0x35a: {  	v14 =	vadd.f32 v44, v14;
	v30 =	vld.idx.msk [tilespmem:v13+s19+$0x0], $0xffff;
	v60 =	vmul.f32 v28, v8;
	v12 =	vmul.f32 v16, v12  }
0x35b: {  	v58 =	vld.idx.msk [tilespmem:v13+s2+$0x0], $0xffff;
	v44 =	vmul.f32 v39, v8;
	v20 =	vadd.f32 v55, v20;
	v24 =	vadd.f32 v37, v24;
	v50 =	vpop (erf)  }
0x35c: {  	v16 =	vld [tilespmem:s8+$0x6DE0];
	v31 =	vadd.f32 v12, v15;
	v12 =	vadd.f32 v57, v56;
	v51 =	vmul.f32 v50, v18  }
0x35d: {  	v63 =	vmul.f32 v46, v6;
	v15 =	vld [tilespmem:s8+$0x75B0];
	v48 =	vmul.f32 v47, v10;
	v28 =	vand.u32 $0xFF, v17  }
0x35e: {  	v35 =	vadd.f32 v35, v12;
	v12 =	vld [tilespmem:s8+$0x7D80];
	v53 =	vmul.f32 v51, v52;
	v54 =	vmul.f32 v51, v22  }
0x35f: {  	(erf) = vrcp.f32 v24;
	v38 =	vadd.f32 v49, v48;
	v22 =	vld.idx.msk [tilespmem:v13+s29+$0x0], $0xffff;
	v13 =	vadd.f32 v60, v59  }
0x360: {  	v48 =	vmul.f32 v43, v9;
	v24 =	vadd.f32 v53, v25;
	v25 =	vadd.f32 v54, v14;
	v14 =	vld [tilespmem:s8+$0x6610]  }
0x361: {  	v50 =	vmul.f32 v43, v6;
	v6 =	vmul.f32 v30, v6;
	v32 =	vadd.f32 v32, v13;
	v13 =	vld [tilespmem:s8+$0x8550]  }
0x362: {  	v49 =	vshrl.u32 v17, $0x8;
	v35 =	vmul.f32 v35, v18;
	v26 =	vmul.f32 v51, v26;
	v52 =	vld.idx.msk [tilespmem:v28+s3+$0x0], $0xffff  }
0x363: {  	v51 =	vadd.f32 v41, v63;
	v6 =	vadd.f32 v58, v6;
	v58 =	vmul.f32 v34, v7;
	v54 =	vld.idx.msk [tilespmem:v28+s16+$0x0], $0xffff  }
0x364: {  	v27 =	vadd.f32 v27, v50;
	v59 =	vmul.f32 v42, v8;
	v63 =	vmul.f32 v47, v7;
	v55 =	vld.idx.msk [tilespmem:v28+s30+$0x0], $0xffff  }
0x365: {  	v47 =	vmul.f32 v46, v9;
	v26 =	vadd.f32 v26, v21;
	v21 =	vadd.f32 v62, v61;
	v34 =	vld.idx.msk [tilespmem:v28+s4+$0x0], $0xffff  }
0x366: {  	v23 =	vadd.f32 v35, v23;
	v50 =	vmul.f32 v29, v8;
	v37 =	vld.idx.msk [tilespmem:v28+s22+$0x0], $0xffff;
	v18 =	vmul.f32 v32, v18  }
0x367: {  	v9 =	vmul.f32 v30, v9;
	v27 =	vadd.f32 v27, v38;
	v41 =	vld.idx.msk [tilespmem:v28+s26+$0x0], $0xffff;
	v36 =	vadd.f32 v51, v21  }
0x368: {  	v57 =	vld.idx.msk [tilespmem:v28+s31+$0x0], $0xffff;
	v10 =	vmul.f32 v22, v10;
	v7 =	vmul.f32 v22, v7;
	v53 =	vpop (erf);
	v18 =	vadd.f32 v18, v31  }
0x369: {  	v35 =	vld.idx.msk [tilespmem:v28+s21+$0x0], $0xffff;
	v31 =	vadd.f32 v59, v58;
	v40 =	vmul.f32 v53, v19;
	v60 =	vmul.f32 v52, v14  }
0x36a: {  	v45 =	vld.idx.msk [tilespmem:v28+s23+$0x0], $0xffff;
	v10 =	vadd.f32 v11, v10;
	v61 =	vmul.f32 v54, v16;
	v62 =	vmul.f32 v55, v15  }
0x36b: {  	v33 =	vld.idx.msk [tilespmem:v28+s29+$0x0], $0xffff;
	v11 =	vadd.f32 v44, v63;
	v22 =	vadd.f32 v50, v7;
	v58 =	vmul.f32 v37, v15  }
0x36c: {  	v51 =	vld.idx.msk [tilespmem:v28+s28+$0x0], $0xffff;
	v43 =	vmul.f32 v41, v15;
	v50 =	vmul.f32 v34, v12;
	v31 =	vadd.f32 v47, v31  }
0x36d: {  	v38 =	vld [tilespmem:s8+$0x9CC0];
	v56 =	vmul.f32 v40, v36;
	v36 =	vadd.f32 v61, v60;
	v32 =	vadd.f32 v57, v62  }
0x36e: {  	v52 =	vld.idx.msk [tilespmem:v28+s0+$0x0], $0xffff;
	v27 =	vmul.f32 v40, v27;
	v10 =	vadd.f32 v6, v10;
	v11 =	vadd.f32 v48, v11  }
0x36f: {  	v54 =	vld.idx.msk [tilespmem:v28+s19+$0x0], $0xffff;
	v22 =	vadd.f32 v9, v22;
	v32 =	vadd.f32 v32, v36;
	v36 =	vand.u32 $0xFF, v49  }
0x370: {  	v55 =	vld.idx.msk [tilespmem:v28+s2+$0x0], $0xffff;
	v57 =	vmul.f32 v35, v16;
	v63 =	vadd.f32 v45, v58;
	v45 =	vmul.f32 v33, v14  }
0x371: {  	v29 =	vadd.f32 v51, v43;
	v53 =	vmul.f32 v31, v19;
	v10 =	vmul.f32 v40, v10;
	v40 =	vld.idx.msk [tilespmem:v28+s24+$0x0], $0xffff  }
0x372: {  	v6 =	vadd.f32 v56, v26;
	v26 =	vld.idx.msk [tilespmem:v28+s25+$0x0], $0xffff;
	v11 =	vmul.f32 v11, v19;
	(erf) = vrcp.f32 v32  }
0x373: {  	v56 =	vmul.f32 v34, v14;
	v7 =	vadd.f32 v10, v25;
	v10 =	vadd.f32 v53, v20;
	v20 =	vld [tilespmem:s8+$0x8D20]  }
0x374: {  	v8 =	vadd.f32 v27, v24;
	v19 =	vmul.f32 v22, v19;
	v46 =	vmul.f32 v52, v16;
	v59 =	vld.idx.msk [tilespmem:v36+s3+$0x0], $0xffff  }
0x375: {  	v47 =	vmul.f32 v54, v15;
	v9 =	vadd.f32 v11, v23;
	v60 =	vadd.f32 v57, v56;
	v62 =	vld.idx.msk [tilespmem:v36+s16+$0x0], $0xffff  }
0x376: {  	v35 =	vmul.f32 v35, v13;
	v11 =	vadd.f32 v19, v18;
	v18 =	vadd.f32 v46, v45;
	v44 =	vld.idx.msk [tilespmem:v36+s30+$0x0], $0xffff  }
0x377: {  	v21 =	vld [tilespmem:s8+$0x94F0];
	v24 =	vmul.f32 v52, v13;
	v27 =	vadd.f32 v55, v47;
	v22 =	vadd.f32 v63, v60  }
0x378: {  	v60 =	vshrl.u32 v17, $0x10;
	v61 =	vmul.f32 v40, v14;
	v42 =	vmul.f32 v26, v16;
	v48 =	vld.idx.msk [tilespmem:v36+s31+$0x0], $0xffff  }
0x379: {  	v31 =	vld.idx.msk [tilespmem:v36+s4+$0x0], $0xffff;
	v18 =	vadd.f32 v27, v18;
	v56 =	vmul.f32 v40, v12;
	v26 =	vmul.f32 v26, v13  }
0x37a: {  	v34 =	vld.idx.msk [tilespmem:v36+s22+$0x0], $0xffff;
	v28 =	vadd.f32 v42, v61;
	v57 =	vmul.f32 v37, v20;
	v23 =	vmul.f32 v59, v14  }
0x37b: {  	v51 =	vld.idx.msk [tilespmem:v36+s23+$0x0], $0xffff;
	v27 =	vadd.f32 v35, v50;
	v30 =	vmul.f32 v62, v16;
	v39 =	vmul.f32 v44, v15;
	v49 =	vpop (erf)  }
0x37c: {  	v40 =	vld.idx.msk [tilespmem:v36+s28+$0x0], $0xffff;
	v58 =	vmul.f32 v41, v20;
	v28 =	vadd.f32 v29, v28;
	v19 =	vmul.f32 v49, v21  }
0x37d: {  	v37 =	vld.idx.msk [tilespmem:v36+s25+$0x0], $0xffff;
	v25 =	vmul.f32 v54, v20;
	v23 =	vadd.f32 v30, v23;
	v55 =	vadd.f32 v48, v39  }
0x37e: {  	v35 =	vld.idx.msk [tilespmem:v36+s29+$0x0], $0xffff;
	v27 =	vadd.f32 v57, v27;
	v59 =	vmul.f32 v33, v12;
	v22 =	vmul.f32 v19, v22  }
0x37f: {  	v63 =	vld.idx.msk [tilespmem:v36+s2+$0x0], $0xffff;
	v52 =	vmul.f32 v31, v14;
	v54 =	vmul.f32 v34, v15;
	v23 =	vadd.f32 v55, v23  }
0x380: {  	v29 =	vld.idx.msk [tilespmem:v36+s21+$0x0], $0xffff;
	v31 =	vmul.f32 v31, v12;
	v34 =	vmul.f32 v34, v20;
	v32 =	vadd.f32 $0.0e+00, v22  }
0x381: {  	v33 =	vld.idx.msk [tilespmem:v36+s26+$0x0], $0xffff;
	v22 =	vadd.f32 v26, v56;
	(erf) = vrcp.f32 v23;
	v23 =	vand.u32 $0xFF, v60  }
0x382: {  	v61 =	vmul.f32 v27, v21;
	v27 =	vld.idx.msk [tilespmem:v36+s19+$0x0], $0xffff;
	v24 =	vadd.f32 v24, v59;
	v57 =	vmul.f32 v37, v16  }
0x383: {  	v39 =	vld.idx.msk [tilespmem:v36+s24+$0x0], $0xffff;
	v59 =	vmul.f32 v35, v14;
	v37 =	vmul.f32 v37, v13;
	v22 =	vadd.f32 v58, v22  }
0x384: {  	v35 =	vmul.f32 v35, v12;
	v28 =	vmul.f32 v19, v28;
	v24 =	vadd.f32 v25, v24;
	v26 =	vld.idx.msk [tilespmem:v36+s0+$0x0], $0xffff  }
0x385: {  	v53 =	vmul.f32 v29, v16;
	v62 =	vmul.f32 v22, v21;
	v22 =	vld [tilespmem:s8+$0xA490]  }
0x386: {  	v17 =	vshrl.u32 v17, $0x18;
	v29 =	vmul.f32 v29, v13;
	v21 =	vmul.f32 v24, v21;
	v24 =	vld.idx.msk [tilespmem:v23+s4+$0x0], $0xffff  }
0x387: {  	v18 =	vmul.f32 v19, v18;
	v19 =	vadd.f32 $0.0e+00, v61;
	v55 =	vadd.f32 v51, v54;
	v43 =	vld.idx.msk [tilespmem:v23+s21+$0x0], $0xffff  }
0x388: {  	v36 =	vadd.f32 v53, v52;
	v61 =	vmul.f32 v27, v15;
	v29 =	vadd.f32 v29, v31;
	v46 =	vld.idx.msk [tilespmem:v23+s22+$0x0], $0xffff  }
0x389: {  	v28 =	vadd.f32 $0.0e+00, v28;
	v56 =	vmul.f32 v39, v14;
	v39 =	vmul.f32 v39, v12;
	v49 =	vld.idx.msk [tilespmem:v23+s3+$0x0], $0xffff  }
0x38a: {  	v58 =	vmul.f32 v33, v15;
	v36 =	vadd.f32 v55, v36;
	v29 =	vadd.f32 v34, v29;
	v50 =	vld.idx.msk [tilespmem:v23+s16+$0x0], $0xffff  }
0x38b: {  	v25 =	vadd.f32 v63, v61;
	v33 =	vmul.f32 v33, v20;
	v37 =	vadd.f32 v37, v39;
	v42 =	vld.idx.msk [tilespmem:v23+s23+$0x0], $0xffff  }
0x38c: {  	v40 =	vadd.f32 v40, v58;
	v29 =	vmul.f32 v29, v38;
	v60 =	vmul.f32 v26, v16;
	v63 =	vld.idx.msk [tilespmem:v23+s31+$0x0], $0xffff  }
0x38d: {  	v26 =	vmul.f32 v26, v13;
	v33 =	vadd.f32 v33, v37;
	v30 =	vadd.f32 $0.0e+00, v62;
	v62 =	vld.idx.msk [tilespmem:v23+s30+$0x0], $0xffff  }
0x38e: {  	v27 =	vmul.f32 v27, v20;
	v31 =	vld.idx.msk [tilespmem:v23+s26+$0x0], $0xffff;
	v44 =	vadd.f32 $0.0e+00, v21;
	v21 =	vadd.f32 v57, v56  }
0x38f: {  	v39 =	vld.idx.msk [tilespmem:v23+s28+$0x0], $0xffff;
	v19 =	vadd.f32 v29, v19;
	v26 =	vadd.f32 v26, v35;
	v55 =	vmul.f32 v33, v38;
	v48 =	vpop (erf)  }
0x390: {  	v34 =	vld.idx.msk [tilespmem:v23+s0+$0x0], $0xffff;
	v41 =	vadd.f32 v60, v59;
	v48 =	vmul.f32 v48, v38;
	v52 =	vmul.f32 v49, v14  }
0x391: {  	v35 =	vld.idx.msk [tilespmem:v23+s19+$0x0], $0xffff;
	v26 =	vadd.f32 v27, v26;
	v53 =	vmul.f32 v50, v16;
	v57 =	vmul.f32 v24, v14  }
0x392: {  	v33 =	vld.idx.msk [tilespmem:v17+s3+$0x0], $0xffff;
	v21 =	vadd.f32 v40, v21;
	v58 =	vmul.f32 v43, v16;
	v45 =	vmul.f32 v62, v15  }
0x393: {  	v60 =	vld.idx.msk [tilespmem:v17+s16+$0x0], $0xffff;
	v25 =	vadd.f32 v25, v41;
	v59 =	vmul.f32 v46, v15;
	v56 =	vmul.f32 v26, v38  }
0x394: {  	v29 =	vld.idx.msk [tilespmem:v17+s4+$0x0], $0xffff;
	v36 =	vmul.f32 v48, v36;
	v47 =	vadd.f32 v53, v52;
	v40 =	vadd.f32 v63, v45  }
0x395: {  	v18 =	vadd.f32 $0.0e+00, v18;
	v41 =	vld.idx.msk [tilespmem:v23+s24+$0x0], $0xffff;
	v21 =	vmul.f32 v48, v21;
	v25 =	vmul.f32 v48, v25  }
0x396: {  	v50 =	vld.idx.msk [tilespmem:v23+s29+$0x0], $0xffff;
	v52 =	vadd.f32 v58, v57;
	v53 =	vmul.f32 v31, v15;
	v54 =	vadd.f32 v40, v47  }
0x397: {  	v37 =	vadd.f32 v42, v59;
	v57 =	vmul.f32 v35, v15;
	v33 =	vmul.f32 v33, v14;
	v63 =	vld.idx.msk [tilespmem:v17+s30+$0x0], $0xffff  }
0x398: {  	v38 =	vmul.f32 v60, v16;
	v32 =	vadd.f32 v36, v32;
	v36 =	vld.idx.msk [tilespmem:v23+s25+$0x0], $0xffff;
	(erf) = vrcp.f32 v54  }
0x399: {  	v60 =	vmul.f32 v24, v12;
	v44 =	vadd.f32 v56, v44;
	v56 =	vmul.f32 v34, v16;
	v23 =	vld.idx.msk [tilespmem:v23+s2+$0x0], $0xffff  }
0x39a: {  	v48 =	vld.idx.msk [tilespmem:v17+s22+$0x0], $0xffff;
	v34 =	vmul.f32 v34, v13;
	v27 =	vadd.f32 v21, v28;
	v25 =	vadd.f32 v25, v18  }
0x39b: {  	v28 =	vadd.f32 v55, v30;
	v26 =	vadd.f32 v39, v53;
	v55 =	vmul.f32 v50, v14;
	v54 =	vld.idx.msk [tilespmem:v17+s31+$0x0], $0xffff  }
0x39c: {  	v61 =	vmul.f32 v41, v14;
	v18 =	vadd.f32 v37, v52;
	v33 =	vadd.f32 v38, v33;
	v47 =	vld.idx.msk [tilespmem:v17+s21+$0x0], $0xffff  }
0x39d: {  	v49 =	vld.idx.msk [tilespmem:v17+s25+$0x0], $0xffff;
	v39 =	vadd.f32 v56, v55;
	v45 =	vmul.f32 v63, v15;
	v62 =	vmul.f32 v36, v16  }
0x39e: {  	v63 =	vmul.f32 v46, v20;
	v23 =	vadd.f32 v23, v57;
	v46 =	vmul.f32 v36, v13;
	v36 =	vld.idx.msk [tilespmem:v17+s29+$0x0], $0xffff  }
0x39f: {  	v52 =	vmul.f32 v50, v12;
	v30 =	vadd.f32 v62, v61;
	v61 =	vmul.f32 v43, v13;
	v43 =	vld.idx.msk [tilespmem:v17+s26+$0x0], $0xffff  }
0x3a0: {  	v57 =	vmul.f32 v48, v15;
	v23 =	vadd.f32 v23, v39;
	v39 =	vld.idx.msk [tilespmem:v17+s0+$0x0], $0xffff;
	v59 =	vadd.f32 v54, v45  }
0x3a1: {  	v24 =	vld [tilespmem:s8+$0xB440];
	v53 =	vadd.f32 v34, v52;
	v56 =	vmul.f32 v47, v16;
	v45 =	vmul.f32 v41, v12;
	v58 =	vpop (erf)  }
0x3a2: {  	v40 =	vld.idx.msk [tilespmem:v17+s19+$0x0], $0xffff;
	v54 =	vmul.f32 v35, v20;
	v33 =	vadd.f32 v59, v33;
	v37 =	vmul.f32 v58, v22  }
0x3a3: {  	v42 =	vld.idx.msk [tilespmem:v17+s24+$0x0], $0xffff;
	v62 =	vadd.f32 v61, v60;
	v61 =	vmul.f32 v49, v16;
	v52 =	vmul.f32 v36, v14  }
0x3a4: {  	v35 =	vld.idx.msk [tilespmem:v17+s2+$0x0], $0xffff;
	(erf) = vrcp.f32 v33;
	v18 =	vmul.f32 v37, v18  }
0x3a5: {  	v21 =	vld [tilespmem:s8+$0xAC60];
	v51 =	vadd.f32 v63, v62;
	v63 =	vmul.f32 v43, v15;
	v16 =	vmul.f32 v39, v16  }
0x3a6: {  	v41 =	vld.idx.msk [tilespmem:v17+s28+$0x0], $0xffff;
	v32 =	vadd.f32 v18, v32;
	v18 =	vadd.f32 v46, v45;
	v45 =	vand.u32 $0xFF, v24  }
0x3a7: {  	v26 =	vadd.f32 v26, v30;
	v30 =	vld.idx.msk [tilespmem:v17+s23+$0x0], $0xffff;
	v15 =	vmul.f32 v40, v15;
	v33 =	vmul.f32 v51, v22  }
0x3a8: {  	v31 =	vmul.f32 v31, v20;
	v55 =	vmul.f32 v29, v14;
	v17 =	vld [tilespmem:s8+$0x6620];
	v16 =	vadd.f32 v16, v52  }
0x3a9: {  	v29 =	vmul.f32 v29, v12;
	v15 =	vadd.f32 v35, v15;
	v33 =	vadd.f32 v33, v19;
	v19 =	vld [tilespmem:s8+$0x75C0]  }
0x3aa: {  	v60 =	vmul.f32 v42, v14;
	v23 =	vmul.f32 v37, v23;
	v31 =	vadd.f32 v31, v18;
	v18 =	vld [tilespmem:s8+$0x6DF0]  }
0x3ab: {  	v58 =	vadd.f32 v56, v55;
	v26 =	vmul.f32 v37, v26;
	v15 =	vadd.f32 v15, v16;
	v59 =	vld.idx.msk [tilespmem:v45+s3+$0x0], $0xffff  }
0x3ac: {  	v42 =	vmul.f32 v42, v12;
	v23 =	vadd.f32 v23, v25;
	v25 =	vadd.f32 v30, v57;
	v62 =	vld.idx.msk [tilespmem:v45+s16+$0x0], $0xffff  }
0x3ad: {  	v12 =	vmul.f32 v36, v12;
	v26 =	vadd.f32 v26, v27;
	v27 =	vadd.f32 v54, v53;
	v53 =	vpop (erf);
	v54 =	vld.idx.msk [tilespmem:v45+s30+$0x0], $0xffff  }
0x3ae: {  	v14 =	vld [tilespmem:s8+$0x7D90];
	v25 =	vadd.f32 v25, v58;
	v31 =	vmul.f32 v31, v22;
	v55 =	vmul.f32 v53, v21  }
0x3af: {  	v30 =	vadd.f32 v61, v60;
	v60 =	vmul.f32 v48, v20;
	v22 =	vmul.f32 v27, v22;
	v56 =	vld.idx.msk [tilespmem:v45+s31+$0x0], $0xffff  }
0x3b0: {  	v35 =	vld.idx.msk [tilespmem:v45+s4+$0x0], $0xffff;
	v28 =	vadd.f32 v31, v28;
	v57 =	vmul.f32 v55, v25;
	v15 =	vmul.f32 v55, v15  }
0x3b1: {  	v61 =	vld.idx.msk [tilespmem:v45+s23+$0x0], $0xffff;
	v31 =	vadd.f32 v41, v63;
	v34 =	vmul.f32 v59, v17;
	v38 =	vmul.f32 v62, v18  }
0x3b2: {  	v36 =	vld.idx.msk [tilespmem:v45+s24+$0x0], $0xffff;
	v63 =	vshrl.u32 v24, $0x8;
	v58 =	vmul.f32 v54, v19;
	v59 =	vmul.f32 v47, v13  }
0x3b3: {  	v50 =	vld.idx.msk [tilespmem:v45+s28+$0x0], $0xffff;
	v30 =	vadd.f32 v31, v30;
	v62 =	vmul.f32 v49, v13;
	v13 =	vmul.f32 v39, v13  }
0x3b4: {  	v27 =	vld.idx.msk [tilespmem:v45+s0+$0x0], $0xffff;
	v15 =	vadd.f32 v15, v23;
	v49 =	vmul.f32 v43, v20;
	v20 =	vmul.f32 v40, v20  }
0x3b5: {  	v31 =	vld.idx.msk [tilespmem:v45+s21+$0x0], $0xffff;
	v30 =	vmul.f32 v55, v30;
	v52 =	vmul.f32 v35, v17;
	v34 =	vadd.f32 v38, v34  }
0x3b6: {  	v23 =	vld [tilespmem:s8+$0x8560];
	v35 =	vmul.f32 v35, v14;
	v37 =	vadd.f32 v56, v58;
	v16 =	vadd.f32 v59, v29  }
0x3b7: {  	v47 =	vld.idx.msk [tilespmem:v45+s22+$0x0], $0xffff;
	v29 =	vadd.f32 v62, v42;
	v13 =	vadd.f32 v13, v12;
	v56 =	vmul.f32 v36, v17  }
0x3b8: {  	v38 =	vld.idx.msk [tilespmem:v45+s25+$0x0], $0xffff;
	v36 =	vmul.f32 v36, v14;
	v34 =	vadd.f32 v37, v34;
	v16 =	vadd.f32 v60, v16  }
0x3b9: {  	v42 =	vld.idx.msk [tilespmem:v45+s26+$0x0], $0xffff;
	v37 =	vand.u32 $0xFF, v63;
	v29 =	vadd.f32 v49, v29;
	v20 =	vadd.f32 v20, v13  }
0x3ba: {  	v59 =	vld.idx.msk [tilespmem:v45+s2+$0x0], $0xffff;
	(erf) = vrcp.f32 v34;
	v16 =	vmul.f32 v16, v21  }
0x3bb: {  	v22 =	vadd.f32 v22, v44;
	v34 =	vld.idx.msk [tilespmem:v45+s29+$0x0], $0xffff;
	v51 =	vmul.f32 v29, v21;
	v21 =	vmul.f32 v20, v21  }
0x3bc: {  	v12 =	vadd.f32 v57, v32;
	v53 =	vmul.f32 v31, v18;
	v31 =	vmul.f32 v31, v23;
	v29 =	vld.idx.msk [tilespmem:v45+s19+$0x0], $0xffff  }
0x3bd: {  	v13 =	vadd.f32 v30, v26;
	v63 =	vmul.f32 v27, v18;
	v21 =	vadd.f32 v21, v22;
	v22 =	vld [tilespmem:s8+$0x8D30]  }
0x3be: {  	v54 =	vmul.f32 v47, v19;
	v32 =	vadd.f32 v53, v52;
	v31 =	vadd.f32 v31, v35;
	v30 =	vld.idx.msk [tilespmem:v37+s3+$0x0], $0xffff  }
0x3bf: {  	v57 =	vmul.f32 v38, v18;
	v60 =	vmul.f32 v42, v19;
	v16 =	vadd.f32 v16, v33;
	v55 =	vld.idx.msk [tilespmem:v37+s16+$0x0], $0xffff  }
0x3c0: {  	v38 =	vmul.f32 v38, v23;
	v20 =	vadd.f32 v51, v28;
	v33 =	vadd.f32 v61, v54;
	v58 =	vld.idx.msk [tilespmem:v37+s30+$0x0], $0xffff  }
0x3c1: {  	v27 =	vmul.f32 v27, v23;
	v26 =	vadd.f32 v57, v56;
	v40 =	vadd.f32 v50, v60;
	v45 =	vld.idx.msk [tilespmem:v37+s4+$0x0], $0xffff  }
0x3c2: {  	v46 =	vld.idx.msk [tilespmem:v37+s21+$0x0], $0xffff;
	v36 =	vadd.f32 v38, v36;
	v61 =	vmul.f32 v34, v17;
	v52 =	vmul.f32 v29, v19  }
0x3c3: {  	v25 =	vld [tilespmem:s8+$0x9500];
	v32 =	vadd.f32 v33, v32;
	v34 =	vmul.f32 v34, v14;
	v57 =	vmul.f32 v47, v22  }
0x3c4: {  	v33 =	vld.idx.msk [tilespmem:v37+s26+$0x0], $0xffff;
	v40 =	vadd.f32 v40, v26;
	v29 =	vmul.f32 v29, v22;
	v30 =	vmul.f32 v30, v17  }
0x3c5: {  	v62 =	vld.idx.msk [tilespmem:v37+s31+$0x0], $0xffff;
	v28 =	vadd.f32 v63, v61;
	v39 =	vmul.f32 v55, v18;
	v41 =	vmul.f32 v58, v19  }
0x3c6: {  	v56 =	vld.idx.msk [tilespmem:v37+s23+$0x0], $0xffff;
	v43 =	vadd.f32 v59, v52;
	v58 =	vmul.f32 v42, v22;
	v63 =	vmul.f32 v45, v17  }
0x3c7: {  	v26 =	vld [tilespmem:s8+$0x9CD0];
	v27 =	vadd.f32 v27, v34;
	v52 =	vmul.f32 v46, v18;
	v45 =	vmul.f32 v45, v14  }
0x3c8: {  	v61 =	vld.idx.msk [tilespmem:v37+s28+$0x0], $0xffff;
	v46 =	vmul.f32 v46, v23;
	v28 =	vadd.f32 v43, v28;
	v31 =	vadd.f32 v57, v31  }
0x3c9: {  	v34 =	vld.idx.msk [tilespmem:v37+s19+$0x0], $0xffff;
	v53 =	vpop (erf);
	v27 =	vadd.f32 v29, v27;
	v57 =	vmul.f32 v33, v19;
	v33 =	vmul.f32 v33, v22  }
0x3ca: {  	v47 =	vld.idx.msk [tilespmem:v37+s0+$0x0], $0xffff;
	v54 =	vmul.f32 v53, v25;
	v55 =	vadd.f32 v62, v41;
	v62 =	vshrl.u32 v24, $0x10  }
0x3cb: {  	v42 =	vld.idx.msk [tilespmem:v37+s25+$0x0], $0xffff;
	v60 =	vadd.f32 v58, v36;
	v38 =	vand.u32 $0xFF, v62;
	v31 =	vmul.f32 v31, v25  }
0x3cc: {  	v30 =	vadd.f32 v39, v30;
	v41 =	vld.idx.msk [tilespmem:v37+s22+$0x0], $0xffff;
	v32 =	vmul.f32 v54, v32;
	v59 =	vmul.f32 v54, v40  }
0x3cd: {  	v39 =	vld.idx.msk [tilespmem:v37+s24+$0x0], $0xffff;
	v44 =	vadd.f32 v52, v63;
	v28 =	vmul.f32 v54, v28;
	v35 =	vmul.f32 v60, v25  }
0x3ce: {  	v30 =	vadd.f32 v55, v30;
	v40 =	vld.idx.msk [tilespmem:v37+s29+$0x0], $0xffff;
	v60 =	vmul.f32 v34, v19;
	v25 =	vmul.f32 v27, v25  }
0x3cf: {  	v37 =	vld.idx.msk [tilespmem:v37+s2+$0x0], $0xffff;
	v36 =	vadd.f32 v61, v57;
	v57 =	vmul.f32 v47, v23;
	v34 =	vmul.f32 v34, v22  }
0x3d0: {  	v45 =	vadd.f32 v46, v45;
	v55 =	vmul.f32 v42, v18;
	(erf) = vrcp.f32 v30;
	v52 =	vld.idx.msk [tilespmem:v38+s21+$0x0], $0xffff  }
0x3d1: {  	v31 =	vadd.f32 $0.0e+00, v31;
	v42 =	vmul.f32 v42, v23;
	v53 =	vmul.f32 v41, v19;
	v61 =	vld.idx.msk [tilespmem:v38+s16+$0x0], $0xffff  }
0x3d2: {  	v32 =	vadd.f32 $0.0e+00, v32;
	v54 =	vmul.f32 v39, v17;
	v39 =	vmul.f32 v39, v14;
	v62 =	vld.idx.msk [tilespmem:v38+s30+$0x0], $0xffff  }
0x3d3: {  	v30 =	vadd.f32 $0.0e+00, v59;
	v41 =	vmul.f32 v41, v22;
	v63 =	vld.idx.msk [tilespmem:v38+s31+$0x0], $0xffff;
	v43 =	vadd.f32 v56, v53  }
0x3d4: {  	v59 =	vmul.f32 v47, v18;
	v48 =	vadd.f32 v55, v54;
	v53 =	vld.idx.msk [tilespmem:v38+s3+$0x0], $0xffff;
	v39 =	vadd.f32 v42, v39  }
0x3d5: {  	v58 =	vmul.f32 v40, v17;
	v37 =	vadd.f32 v37, v60;
	v42 =	vld.idx.msk [tilespmem:v38+s24+$0x0], $0xffff;
	v41 =	vadd.f32 v41, v45  }
0x3d6: {  	v45 =	vshrl.u32 v24, $0x18;
	v56 =	vadd.f32 v43, v44;
	v44 =	vld.idx.msk [tilespmem:v38+s4+$0x0], $0xffff;
	v33 =	vadd.f32 v33, v39  }
0x3d7: {  	v40 =	vmul.f32 v40, v14;
	v36 =	vadd.f32 v36, v48;
	v48 =	vld.idx.msk [tilespmem:v38+s22+$0x0], $0xffff;
	v50 =	vmul.f32 v61, v18  }
0x3d8: {  	v46 =	vld.idx.msk [tilespmem:v38+s23+$0x0], $0xffff;
	v49 =	vadd.f32 v59, v58;
	v43 =	vmul.f32 v62, v19;
	v33 =	vmul.f32 v33, v26  }
0x3d9: {  	v28 =	vadd.f32 $0.0e+00, v28;
	v39 =	vld.idx.msk [tilespmem:v38+s26+$0x0], $0xffff;
	v59 =	vmul.f32 v52, v18;
	v53 =	vmul.f32 v53, v17;
	v51 =	vpop (erf)  }
0x3da: {  	v37 =	vadd.f32 v37, v49;
	v49 =	vld.idx.msk [tilespmem:v38+s0+$0x0], $0xffff;
	v61 =	vmul.f32 v42, v17;
	v51 =	vmul.f32 v51, v26  }
0x3db: {  	v27 =	vld.idx.msk [tilespmem:v38+s28+$0x0], $0xffff;
	v43 =	vadd.f32 v63, v43;
	v54 =	vadd.f32 v50, v53;
	v58 =	vmul.f32 v44, v17  }
0x3dc: {  	[tilespmem:s8+$0xEAC0] =	vst v3;
	v35 =	vadd.f32 $0.0e+00, v35;
	v47 =	vld.idx.msk [tilespmem:v45+s3+$0x0], $0xffff;
	v60 =	vmul.f32 v48, v19;
	v29 =	vmul.f32 v51, v56  }
0x3dd: {  	v63 =	vld.idx.msk [tilespmem:v45+s30+$0x0], $0xffff;
	v36 =	vmul.f32 v51, v36;
	v55 =	vmul.f32 v51, v37;
	v24 =	vadd.f32 v43, v54  }
0x3de: {  	v56 =	vmul.f32 v41, v26;
	v37 =	vadd.f32 v59, v58;
	v29 =	vadd.f32 v29, v32;
	v32 =	vld.idx.msk [tilespmem:v38+s25+$0x0], $0xffff  }
0x3df: {  	v41 =	vld.idx.msk [tilespmem:v38+s29+$0x0], $0xffff;
	v54 =	vmul.f32 v39, v19;
	v58 =	vmul.f32 v49, v18;
	v30 =	vadd.f32 v36, v30  }
0x3e0: {  	v43 =	vld.idx.msk [tilespmem:v38+s19+$0x0], $0xffff;
	v49 =	vmul.f32 v49, v23;
	v28 =	vadd.f32 v55, v28;
	v36 =	vadd.f32 v57, v40  }
0x3e1: {  	[tilespmem:s8+$0xF290] =	vst v1;
	v51 =	vld.idx.msk [tilespmem:v45+s16+$0x0], $0xffff;
	v31 =	vadd.f32 v56, v31;
	(erf) = vrcp.f32 v24;
	v24 =	vadd.f32 v33, v35  }
0x3e2: {  	v55 =	vadd.f32 v46, v60;
	v60 =	vmul.f32 v47, v17;
	v34 =	vadd.f32 v34, v36;
	v36 =	vld.idx.msk [tilespmem:v38+s2+$0x0], $0xffff  }
0x3e3: {  	v57 =	vld.idx.msk [tilespmem:v45+s31+$0x0], $0xffff;
	v27 =	vadd.f32 v27, v54;
	v63 =	vmul.f32 v63, v19;
	v62 =	vmul.f32 v32, v18  }
0x3e4: {  	v3 =	vld [tilespmem:s8+$0xA4A0];
	[tilespmem:s8+$0xFA60] =	vst v0;
	v46 =	vmul.f32 v42, v14;
	v1 =	vadd.f32 v55, v37;
	v56 =	vmul.f32 v41, v17  }
0x3e5: {  	v40 =	vld.idx.msk [tilespmem:v45+s4+$0x0], $0xffff;
	v55 =	vmul.f32 v44, v14;
	v59 =	vmul.f32 v43, v19;
	v33 =	vadd.f32 v62, v61  }
0x3e6: {  	v50 =	vld.idx.msk [tilespmem:v45+s29+$0x0], $0xffff;
	v47 =	vmul.f32 v34, v26;
	v61 =	vmul.f32 v51, v18;
	v62 =	vadd.f32 v58, v56  }
0x3e7: {  	v35 =	vld.idx.msk [tilespmem:v45+s22+$0x0], $0xffff;
	v32 =	vmul.f32 v32, v23;
	v51 =	vadd.f32 v36, v59;
	v0 =	vadd.f32 v27, v33  }
0x3e8: {  	v26 =	vld.idx.msk [tilespmem:v45+s24+$0x0], $0xffff;
	v56 =	vmul.f32 v52, v23;
	v53 =	vadd.f32 v61, v60;
	v33 =	vadd.f32 v57, v63  }
0x3e9: {  	v57 =	vadd.f32 $0.0e+00, v25;
	v58 =	vadd.f32 v51, v62;
	v61 =	vmul.f32 v48, v22  }
0x3ea: {  	[tilespmem:s8+$0x10230] =	vst v2;
	v54 =	vpop (erf);
	v60 =	vadd.f32 v56, v55;
	v48 =	vmul.f32 v41, v14;
	v51 =	vmul.f32 v40, v17  }
0x3eb: {  	v36 =	vld.idx.msk [tilespmem:v45+s26+$0x0], $0xffff;
	v59 =	vmul.f32 v54, v3;
	v54 =	vmul.f32 v43, v22;
	v33 =	vadd.f32 v33, v53  }
0x3ec: {  	v27 =	vld.idx.msk [tilespmem:v45+s21+$0x0], $0xffff;
	v2 =	vadd.f32 v47, v57;
	v47 =	vmul.f32 v39, v22;
	v53 =	vmul.f32 v35, v19  }
0x3ed: {  	v62 =	vld.idx.msk [tilespmem:v45+s23+$0x0], $0xffff;
	v44 =	vadd.f32 v61, v60;
	v57 =	vmul.f32 v26, v17;
	v61 =	vmul.f32 v50, v17  }
0x3ee: {  	v55 =	vld.idx.msk [tilespmem:v45+s28+$0x0], $0xffff;
	v50 =	vmul.f32 v50, v14;
	v1 =	vmul.f32 v59, v1  }
0x3ef: {  	[tilespmem:s8+$0x111D0] =	vst v4;
	v0 =	vmul.f32 v59, v0;
	v63 =	vmul.f32 v59, v58  }
0x3f0: {  	[tilespmem:s8+$0x10A00] =	vst v5;
	v56 =	vld.idx.msk [tilespmem:v45+s2+$0x0], $0xffff;
	v60 =	vmul.f32 v36, v19;
	(erf) = vrcp.f32 v33;
	v1 =	vadd.f32 v1, v29  }
0x3f1: {  	v33 =	vld.idx.msk [tilespmem:v45+s25+$0x0], $0xffff;
	v25 =	vmul.f32 v44, v3;
	v0 =	vadd.f32 v0, v30;
	v29 =	vadd.f32 v32, v46  }
0x3f2: {  	v4 =	vadd.f32 v63, v28;
	v28 =	vld.idx.msk [tilespmem:v45+s0+$0x0], $0xffff;
	v52 =	vmul.f32 v27, v18;
	v32 =	vadd.f32 v49, v48  }
0x3f3: {  	v30 =	vld.idx.msk [tilespmem:v45+s19+$0x0], $0xffff;
	v5 =	vadd.f32 v62, v53;
	v43 =	vadd.f32 v55, v60;
	v45 =	vmul.f32 v40, v14  }
0x3f4: {  	[tilespmem:s8+$0xEAD0] =	vst v6;
	v46 =	vmul.f32 v27, v23;
	v48 =	vmul.f32 v26, v14;
	v29 =	vadd.f32 v47, v29  }
0x3f5: {  	[tilespmem:s8+$0xF2A0] =	vst v8;
	v39 =	vadd.f32 v52, v51;
	v58 =	vadd.f32 v54, v32;
	v47 =	vmul.f32 v35, v22  }
0x3f6: {  	[tilespmem:s8+$0xFA70] =	vst v7;
	v7 =	vadd.f32 v46, v45;
	v52 =	vmul.f32 v36, v22;
	v29 =	vmul.f32 v29, v3  }
0x3f7: {  	[tilespmem:s8+$0x10240] =	vst v10;
	v34 =	vld [tilespmem:s8+$0xAC70];
	v25 =	vadd.f32 v25, v31;
	v59 =	vmul.f32 v33, v18;
	v49 =	vmul.f32 v33, v23  }
0x3f8: {  	[tilespmem:s8+$0x10A10] =	vst v9;
	v5 =	vadd.f32 v5, v39;
	v3 =	vmul.f32 v58, v3;
	v7 =	vadd.f32 v47, v7  }
0x3f9: {  	[tilespmem:s8+$0x111E0] =	vst v11;
	v62 =	vmul.f32 v28, v18;
	v19 =	vmul.f32 v30, v19;
	v9 =	vadd.f32 v49, v48  }
0x3fa: {  	[tilespmem:s8+$0xFA80] =	vst v15;
	v51 =	vmul.f32 v28, v23;
	v39 =	vadd.f32 v59, v57;
	v58 =	vadd.f32 v29, v24  }
0x3fb: {  	[tilespmem:s8+$0xEAE0] =	vst v12;
	v53 =	vmul.f32 v30, v22;
	v8 =	vadd.f32 v62, v61;
	v63 =	vpop (erf);
	v55 =	vadd.f32 v52, v9  }
0x3fc: {  	[tilespmem:s8+$0xF2B0] =	vst v13;
	v44 =	vadd.f32 v56, v19;
	v56 =	vmul.f32 v7, v34;
	v18 =	vmul.f32 v63, v34  }
0x3fd: {  	[tilespmem:s8+$0x10250] =	vst v16;
	v10 =	vadd.f32 v51, v50;
	v6 =	vadd.f32 v43, v39;
	v59 =	vmul.f32 v55, v34  }
0x3fe: {  	[tilespmem:s8+$0x10A20] =	vst v20;
	v8 =	vadd.f32 v44, v8;
	v61 =	vadd.f32 v56, v25;
	v5 =	vmul.f32 v18, v5  }
0x3ff: {  	s5 =	sadd.s32 $0x4, s5;
	[tilespmem:s8+$0x111F0] =	vst v21;
	v57 =	vadd.f32 v53, v10;
	v6 =	vmul.f32 v18, v6;
	v63 =	vadd.f32 v59, v58  }
0x400: {  	p0 =	slt.u32 s5, $0x78;
	v54 =	vmul.f32 v18, v8;
	[tilespmem:s8+$0x10260] =	vst v61;
	v1 =	vadd.f32 v5, v1  }
.Ltmp6:
0x401: {  	v60 =	vadd.f32 v3, v2;
	v62 =	vmul.f32 v57, v34;
	v0 =	vadd.f32 v6, v0;
	[tilespmem:s8+$0x10A30] =	vst v63;
	(pc) =	sbr.rel @p0 .LBB2_6-.Ltmp6, $4  }
0x402: {  	v4 =	vadd.f32 v54, v4;
	[tilespmem:s8+$0xEAF0] =	vst v1  }
0x403: {  	[tilespmem:s8+$0xF2C0] =	vst v0;
	v1 =	vadd.f32 v62, v60  }
0x404: {  	[tilespmem:s8+$0xFA90] =	vst v4  }
0x405: {  	s6 =	sadd.s32 $0x100, s6;
	[tilespmem:s8+$0x11200] =	vst v1  }
0x406: {  	v7 =	vld [tilespmem:$0xBBD0];
	_ =	sdelay $0x4  }
0x407: {  	v4 =	vand.u32 $0xFF, v7  }
0x408: {  	v2 =	vld [tilespmem:$0x6DB0]  }
0x409: {  	v3 =	vld [tilespmem:$0x7580]  }
0x40a: {  	v1 =	vld [tilespmem:$0x7D50]  }
0x40b: {  	v0 =	vld [tilespmem:$0x8520]  }
0x40c: {  	v5 =	vld.idx.msk [tilespmem:v4+s3+$0x0], $0xffff  }
0x40d: {  	v6 =	vld.idx.msk [tilespmem:v4+s16+$0x0], $0xffff  }
0x40e: {  	v8 =	vld.idx.msk [tilespmem:v4+s30+$0x0], $0xffff  }
0x40f: {  	v9 =	vld.idx.msk [tilespmem:v4+s31+$0x0], $0xffff  }
0x410: {  	v11 =	vld.idx.msk [tilespmem:v4+s4+$0x0], $0xffff  }
0x411: {  	v12 =	vld.idx.msk [tilespmem:v4+s21+$0x0], $0xffff  }
0x412: {  	v13 =	vld.idx.msk [tilespmem:v4+s22+$0x0], $0xffff  }
0x413: {  	v14 =	vld.idx.msk [tilespmem:v4+s23+$0x0], $0xffff  }
0x414: {  	v44 =	vld.idx.msk [tilespmem:v4+s24+$0x0], $0xffff  }
0x415: {  	v15 =	vld.idx.msk [tilespmem:v4+s25+$0x0], $0xffff  }
0x416: {  	v16 =	vld.idx.msk [tilespmem:v4+s26+$0x0], $0xffff;
	v5 =	vmul.f32 v5, v2  }
0x417: {  	v46 =	vld.idx.msk [tilespmem:v4+s28+$0x0], $0xffff;
	v6 =	vmul.f32 v6, v3;
	v8 =	vmul.f32 v8, v1  }
0x418: {  	v45 =	vshrl.u32 v7, $0x8;
	v17 =	vld.idx.msk [tilespmem:v4+s29+$0x0], $0xffff  }
0x419: {  	v18 =	vld.idx.msk [tilespmem:v4+s0+$0x0], $0xffff;
	v5 =	vadd.f32 v6, v5;
	v43 =	vadd.f32 v9, v8;
	v6 =	vand.u32 $0xFF, v45  }
0x41a: {  	v19 =	vld.idx.msk [tilespmem:v4+s19+$0x0], $0xffff  }
0x41b: {  	v27 =	vld.idx.msk [tilespmem:v4+s2+$0x0], $0xffff;
	v5 =	vadd.f32 v43, v5  }
0x41c: {  	v4 =	vld [tilespmem:$0x94C0]  }
0x41d: {  	(erf) = vrcp.f32 v5;
	v5 =	vld [tilespmem:$0x8CF0]  }
0x41e: {  	v24 =	vmul.f32 v44, v2;
	v25 =	vmul.f32 v15, v3;
	v20 =	vld.idx.msk [tilespmem:v6+s3+$0x0], $0xffff  }
0x41f: {  	v50 =	vmul.f32 v17, v2;
	v28 =	vmul.f32 v18, v3;
	v23 =	vld.idx.msk [tilespmem:v6+s16+$0x0], $0xffff  }
0x420: {  	v47 =	vmul.f32 v11, v2;
	v29 =	vmul.f32 v19, v1;
	v26 =	vld.idx.msk [tilespmem:v6+s30+$0x0], $0xffff  }
0x421: {  	v21 =	vmul.f32 v12, v3;
	v49 =	vadd.f32 v25, v24;
	v24 =	vadd.f32 v28, v50;
	v28 =	vld.idx.msk [tilespmem:v6+s4+$0x0], $0xffff  }
0x422: {  	v22 =	vmul.f32 v13, v1;
	v48 =	vmul.f32 v16, v1;
	v27 =	vadd.f32 v27, v29;
	v29 =	vld.idx.msk [tilespmem:v6+s21+$0x0], $0xffff  }
0x423: {  	v11 =	vmul.f32 v11, v0;
	v55 =	vmul.f32 v13, v4;
	v25 =	vld.idx.msk [tilespmem:v6+s22+$0x0], $0xffff  }
0x424: {  	v17 =	vmul.f32 v17, v0;
	v62 =	vmul.f32 v16, v4;
	v56 =	vld.idx.msk [tilespmem:v6+s24+$0x0], $0xffff  }
0x425: {  	v61 =	vshrl.u32 v7, $0x10;
	v39 =	vmul.f32 v19, v4;
	v9 =	vmul.f32 v44, v0;
	v57 =	vld.idx.msk [tilespmem:v6+s25+$0x0], $0xffff  }
0x426: {  	v7 =	vshrl.u32 v7, $0x18;
	v59 =	vld.idx.msk [tilespmem:v6+s26+$0x0], $0xffff;
	v12 =	vmul.f32 v12, v5;
	v58 =	vmul.f32 v15, v5  }
0x427: {  	v21 =	vadd.f32 v21, v47;
	v40 =	vld.idx.msk [tilespmem:v6+s0+$0x0], $0xffff;
	v18 =	vmul.f32 v18, v5;
	v20 =	vmul.f32 v20, v2  }
0x428: {  	v14 =	vadd.f32 v14, v22;
	v23 =	vmul.f32 v23, v3;
	v26 =	vmul.f32 v26, v1  }
0x429: {  	v10 =	vld [tilespmem:$0x9C90];
	v8 =	vadd.f32 v46, v48;
	v41 =	vmul.f32 v28, v2;
	v31 =	vmul.f32 v29, v3  }
0x42a: {  	v14 =	vadd.f32 v14, v21;
	v51 =	vld.idx.msk [tilespmem:v6+s31+$0x0], $0xffff;
	v32 =	vmul.f32 v25, v1;
	v46 =	vmul.f32 v56, v2  }
0x42b: {  	v22 =	vadd.f32 v8, v49;
	v47 =	vmul.f32 v57, v3;
	v48 =	vmul.f32 v59, v1  }
0x42c: {  	v24 =	vadd.f32 v27, v24;
	v63 =	vld.idx.msk [tilespmem:v6+s29+$0x0], $0xffff;
	v34 =	vmul.f32 v40, v3;
	v28 =	vmul.f32 v28, v0  }
0x42d: {  	v37 =	vld.idx.msk [tilespmem:v7+s3+$0x0], $0xffff;
	v29 =	vmul.f32 v29, v5;
	v25 =	vmul.f32 v25, v4;
	v11 =	vadd.f32 v12, v11;
	v30 =	vpop (erf)  }
0x42e: {  	v54 =	vld.idx.msk [tilespmem:v6+s23+$0x0], $0xffff;
	v9 =	vadd.f32 v58, v9;
	v17 =	vadd.f32 v18, v17;
	v52 =	vmul.f32 v30, v10  }
0x42f: {  	v8 =	vld [tilespmem:$0xA460];
	v13 =	vmul.f32 v56, v0;
	v20 =	vadd.f32 v23, v20;
	v53 =	vadd.f32 v51, v26  }
0x430: {  	v42 =	vld.idx.msk [tilespmem:v6+s19+$0x0], $0xffff;
	v45 =	vadd.f32 v31, v41;
	v21 =	vmul.f32 v52, v24;
	v24 =	vand.u32 $0xFF, v61  }
0x431: {  	v60 =	vld.idx.msk [tilespmem:v6+s28+$0x0], $0xffff;
	v16 =	vmul.f32 v63, v0;
	v11 =	vadd.f32 v55, v11;
	v20 =	vadd.f32 v53, v20  }
0x432: {  	v44 =	vld.idx.msk [tilespmem:v6+s2+$0x0], $0xffff;
	v19 =	vmul.f32 v40, v5;
	v9 =	vadd.f32 v62, v9;
	v43 =	vadd.f32 v39, v17  }
0x433: {  	v6 =	vld [tilespmem:$0xAC30];
	v26 =	vadd.f32 v54, v32;
	v11 =	vmul.f32 v11, v10;
	(erf) = vrcp.f32 v20  }
0x434: {  	v27 =	vadd.f32 v47, v46;
	v9 =	vmul.f32 v9, v10;
	v10 =	vmul.f32 v43, v10;
	v43 =	vld.idx.msk [tilespmem:v7+s30+$0x0], $0xffff  }
0x435: {  	v54 =	vmul.f32 v42, v1;
	v28 =	vadd.f32 v29, v28;
	v23 =	vmul.f32 v57, v5;
	v33 =	vld.idx.msk [tilespmem:v24+s4+$0x0], $0xffff  }
0x436: {  	v16 =	vadd.f32 v19, v16;
	v49 =	vadd.f32 v26, v45;
	v53 =	vmul.f32 v63, v2;
	v51 =	vld.idx.msk [tilespmem:v24+s3+$0x0], $0xffff  }
0x437: {  	v17 =	vadd.f32 v44, v54;
	v14 =	vmul.f32 v52, v14;
	v22 =	vmul.f32 v52, v22;
	v52 =	vld.idx.msk [tilespmem:v24+s16+$0x0], $0xffff  }
0x438: {  	v15 =	vmul.f32 v59, v4;
	v13 =	vadd.f32 v23, v13;
	v20 =	vadd.f32 v60, v48;
	v35 =	vld.idx.msk [tilespmem:v24+s30+$0x0], $0xffff  }
0x439: {  	v62 =	vmul.f32 v42, v4;
	v25 =	vadd.f32 v25, v28;
	v32 =	vadd.f32 v34, v53;
	v36 =	vld.idx.msk [tilespmem:v24+s21+$0x0], $0xffff  }
0x43a: {  	v13 =	vadd.f32 v15, v13;
	v20 =	vadd.f32 v20, v27;
	v27 =	vld.idx.msk [tilespmem:v24+s22+$0x0], $0xffff  }
0x43b: {  	v16 =	vadd.f32 v62, v16;
	v17 =	vadd.f32 v17, v32;
	v32 =	vld.idx.msk [tilespmem:v24+s24+$0x0], $0xffff  }
0x43c: {  	v60 =	vmul.f32 v25, v8;
	v11 =	vadd.f32 $0.0e+00, v11;
	v13 =	vmul.f32 v13, v8;
	v23 =	vld.idx.msk [tilespmem:v24+s25+$0x0], $0xffff;
	v50 =	vpop (erf)  }
0x43d: {  	v9 =	vadd.f32 $0.0e+00, v9;
	v54 =	vmul.f32 v43, v1;
	v28 =	vld.idx.msk [tilespmem:v24+s26+$0x0], $0xffff;
	v18 =	vmul.f32 v50, v8  }
0x43e: {  	v40 =	vld.idx.msk [tilespmem:v7+s16+$0x0], $0xffff;
	v10 =	vadd.f32 $0.0e+00, v10;
	v26 =	vmul.f32 v51, v2;
	v31 =	vmul.f32 v52, v3  }
0x43f: {  	v48 =	vld.idx.msk [tilespmem:v7+s31+$0x0], $0xffff;
	v14 =	vadd.f32 $0.0e+00, v14;
	v35 =	vmul.f32 v35, v1;
	v63 =	vmul.f32 v33, v2  }
0x440: {  	v22 =	vadd.f32 $0.0e+00, v22;
	v55 =	vld.idx.msk [tilespmem:v24+s31+$0x0], $0xffff;
	v38 =	vmul.f32 v36, v3;
	v39 =	vmul.f32 v27, v1  }
0x441: {  	v21 =	vadd.f32 $0.0e+00, v21;
	v56 =	vld.idx.msk [tilespmem:v24+s23+$0x0], $0xffff;
	v41 =	vmul.f32 v32, v2;
	v42 =	vmul.f32 v23, v3  }
0x442: {  	v11 =	vadd.f32 v60, v11;
	v59 =	vld.idx.msk [tilespmem:v24+s28+$0x0], $0xffff;
	v45 =	vmul.f32 v28, v1;
	v51 =	vmul.f32 v37, v2  }
0x443: {  	v34 =	vld.idx.msk [tilespmem:v7+s24+$0x0], $0xffff;
	v9 =	vadd.f32 v13, v9;
	v52 =	vmul.f32 v40, v3;
	v8 =	vmul.f32 v16, v8  }
0x444: {  	v60 =	vld.idx.msk [tilespmem:v7+s21+$0x0], $0xffff;
	v27 =	vmul.f32 v27, v4;
	v62 =	vmul.f32 v32, v0;
	v26 =	vadd.f32 v31, v26  }
0x445: {  	v44 =	vld.idx.msk [tilespmem:v24+s2+$0x0], $0xffff;
	v12 =	vmul.f32 v18, v49;
	v57 =	vadd.f32 v55, v35;
	v19 =	vadd.f32 v38, v63  }
0x446: {  	v37 =	vld.idx.msk [tilespmem:v7+s26+$0x0], $0xffff;
	v58 =	vmul.f32 v18, v20;
	v46 =	vadd.f32 v56, v39;
	v13 =	vadd.f32 v42, v41  }
0x447: {  	v17 =	vmul.f32 v18, v17;
	v20 =	vld.idx.msk [tilespmem:v24+s29+$0x0], $0xffff;
	v15 =	vadd.f32 v59, v45;
	v25 =	vadd.f32 v52, v51  }
0x448: {  	v59 =	vmul.f32 v36, v5;
	v12 =	vadd.f32 v12, v14;
	v14 =	vadd.f32 v58, v22;
	v22 =	vld.idx.msk [tilespmem:v24+s0+$0x0], $0xffff  }
0x449: {  	v8 =	vadd.f32 v8, v10;
	v36 =	vmul.f32 v28, v4;
	v17 =	vadd.f32 v17, v21;
	v21 =	vld.idx.msk [tilespmem:v24+s19+$0x0], $0xffff  }
0x44a: {  	v61 =	vadd.f32 v57, v26;
	v19 =	vadd.f32 v46, v19;
	v57 =	vld.idx.msk [tilespmem:v7+s4+$0x0], $0xffff;
	v58 =	vmul.f32 v33, v0  }
0x44b: {  	v35 =	vld.idx.msk [tilespmem:v7+s25+$0x0], $0xffff;
	v13 =	vadd.f32 v15, v13;
	v33 =	vmul.f32 v23, v5;
	v51 =	vmul.f32 v37, v1  }
0x44c: {  	(erf) = vrcp.f32 v61;
	v61 =	vld.idx.msk [tilespmem:v7+s22+$0x0], $0xffff;
	v16 =	vadd.f32 v59, v58;
	v58 =	vmul.f32 v34, v0  }
0x44d: {  	v39 =	vld.idx.msk [tilespmem:v7+s29+$0x0], $0xffff;
	v10 =	vadd.f32 v33, v62;
	v47 =	vmul.f32 v20, v2;
	v38 =	vmul.f32 v20, v0  }
0x44e: {  	v41 =	vld.idx.msk [tilespmem:v7+s0+$0x0], $0xffff;
	v16 =	vadd.f32 v27, v16;
	v49 =	vmul.f32 v22, v3;
	v50 =	vmul.f32 v21, v1  }
0x44f: {  	v43 =	vld.idx.msk [tilespmem:v7+s19+$0x0], $0xffff;
	v24 =	vadd.f32 v48, v54;
	v40 =	vmul.f32 v22, v5;
	v42 =	vmul.f32 v57, v2  }
0x450: {  	v63 =	vld.idx.msk [tilespmem:v7+s23+$0x0], $0xffff;
	v10 =	vadd.f32 v36, v10;
	v46 =	vmul.f32 v21, v4;
	v16 =	vmul.f32 v16, v6  }
0x451: {  	v55 =	vadd.f32 v44, v50;
	v44 =	vmul.f32 v60, v3;
	v45 =	vmul.f32 v61, v1  }
0x452: {  	v53 =	vadd.f32 v49, v47;
	v47 =	vld.idx.msk [tilespmem:v7+s28+$0x0], $0xffff;
	v49 =	vmul.f32 v34, v2;
	v50 =	vmul.f32 v35, v3  }
0x453: {  	v24 =	vadd.f32 v24, v25;
	v7 =	vld.idx.msk [tilespmem:v7+s2+$0x0], $0xffff;
	v2 =	vmul.f32 v39, v2;
	v3 =	vmul.f32 v41, v3  }
0x454: {  	v10 =	vmul.f32 v10, v6;
	v11 =	vadd.f32 v16, v11;
	v15 =	vadd.f32 v55, v53  }
0x455: {  	v1 =	vmul.f32 v43, v1;
	v48 =	vadd.f32 v63, v45;
	v2 =	vadd.f32 v3, v2  }
0x456: {  	v55 =	vmul.f32 v57, v0;
	v57 =	vmul.f32 v61, v4;
	v61 =	vadd.f32 v10, v9;
	v56 =	vpop (erf)  }
0x457: {  	(erf) = vrcp.f32 v24;
	v24 =	vadd.f32 v44, v42;
	v18 =	vmul.f32 v56, v6  }
0x458: {  	v0 =	vmul.f32 v39, v0;
	v53 =	vadd.f32 v47, v51;
	v1 =	vadd.f32 v7, v1  }
0x459: {  	v56 =	vmul.f32 v60, v5;
	v24 =	vadd.f32 v48, v24;
	v13 =	vmul.f32 v18, v13  }
0x45a: {  	v19 =	vmul.f32 v18, v19;
	v15 =	vmul.f32 v18, v15;
	v1 =	vadd.f32 v1, v2  }
0x45b: {  	v26 =	vld [tilespmem:$0xB400];
	v18 =	vmul.f32 v35, v5;
	v7 =	vadd.f32 v56, v55;
	v13 =	vadd.f32 v13, v14  }
0x45c: {  	v5 =	vmul.f32 v41, v5;
	v15 =	vadd.f32 v15, v17;
	v14 =	vadd.f32 v40, v38  }
0x45d: {  	v59 =	vmul.f32 v37, v4;
	v2 =	vadd.f32 v18, v58;
	v7 =	vadd.f32 v57, v7  }
0x45e: {  	v4 =	vmul.f32 v43, v4;
	v0 =	vadd.f32 v5, v0;
	v14 =	vadd.f32 v46, v14  }
0x45f: {  	v17 =	vadd.f32 v50, v49;
	v2 =	vadd.f32 v59, v2  }
0x460: {  	v7 =	vmul.f32 v7, v26;
	v0 =	vadd.f32 v4, v0;
	v52 =	vpop (erf);
	v6 =	vmul.f32 v14, v6  }
0x461: {  	v14 =	vadd.f32 v53, v17;
	v2 =	vmul.f32 v2, v26;
	v27 =	vmul.f32 v52, v26  }
0x462: {  	v63 =	vadd.f32 v7, v11;
	v0 =	vmul.f32 v0, v26;
	v62 =	vadd.f32 v6, v8  }
0x463: {  	v12 =	vadd.f32 v19, v12;
	v2 =	vadd.f32 v2, v61;
	v54 =	vmul.f32 v27, v24  }
0x464: {  	[tilespmem:$0x109F0] =	vst v63;
	v14 =	vmul.f32 v27, v14;
	v0 =	vadd.f32 v0, v62  }
0x465: {  	s5 =	sshll.u32 s18, $0x5;
	v1 =	vmul.f32 v27, v1;
	[tilespmem:$0x111C0] =	vst v2;
	v3 =	vadd.f32 v54, v12  }
0x466: {  	s5 =	sor.u32 s14, s5;
	v60 =	vadd.f32 v14, v13;
	[tilespmem:$0x11990] =	vst v0  }
0x467: {  	s5 =	smul.u32 $0xFA, s5;
	v1 =	vadd.f32 v1, v15;
	[tilespmem:$0xF280] =	vst v3  }
0x468: {  	s6 =	rddreg [dreg:$0x8];
	[tilespmem:$0xFA50] =	vst v60  }
0x469: {  	s8 =	simm.s32 $0xEAC0;
	s11 =	rddreg [dreg:$0x15];
	s6 =	sadd.s32 s6, s5;
	[tilespmem:$0x10220] =	vst v1  }
0x46a: {  	[hbm4b:s6+s4] =	stream.linear.scatter [tilespmem:s8], [sflag:$0x4], $0x7D0, $0x38;
	[tilespmem:$0x119A0] =	vst v63  }
0x46b: {  	s18 =	simm.s32 $0xF290;
	s6 =	sadd.s32 s11, s5;
	s8 =	rddreg [dreg:$0x16]  }
0x46c: {  	[hbm4b:s6+s4] =	stream.linear.scatter [tilespmem:s18], [sflag:$0x4], $0x7D0, $0x38;
	[tilespmem:$0x119A0] =	vst v63  }
0x46d: {  	s9 =	simm.s32 $0xFA60;
	s11 =	rddreg [dreg:$0x18];
	s6 =	sadd.s32 s8, s5  }
0x46e: {  	[hbm4b:s6+s4] =	stream.linear.scatter [tilespmem:s9], [sflag:$0x4], $0x7D0, $0x38;
	[tilespmem:$0x119A0] =	vst v63  }
0x46f: {  	s18 =	simm.s32 $0x10230;
	s6 =	sadd.s32 s11, s5  }
0x470: {  	[hbm4b:s6+s4] =	stream.linear.scatter [tilespmem:s18], [sflag:$0x4], $0x7D0, $0x38;
	[tilespmem:$0x119A0] =	vst v63  }
.Ltmp7:
0x471: {  	s8 =	rddreg [dreg:$0x19];
	(pc) =	sbr.rel .LBB2_8-.Ltmp7, $4  }
0x472: {  	s9 =	simm.s32 $0x10A00;
	s11 =	rddreg [dreg:$0x1a];
	s6 =	sadd.s32 s8, s5  }
0x473: {  	[hbm4b:s6+s4] =	stream.linear.scatter [tilespmem:s9], [sflag:$0x4], $0x7D0, $0x38;
	[tilespmem:$0x119A0] =	vst v63  }
0x474: {  	s5 =	sadd.s32 s11, s5;
	s18 =	simm.s32 $0x111D0  }
0x475: {  	[hbm4b:s5+s4] =	stream.linear.scatter [tilespmem:s18], [sflag:$0x4], $0x7D0, $0x38;
	[tilespmem:$0x119A0] =	vst v63  }
.LBB2_10:
0x476: {  	_ =	sfence.sel $0x180000  }
0x477: {  	[bflag:$0x0] =	sbarrier.arrive $0xFFFF  }
0x478: {  	_ =	strace $0x90000047  }
0x479: {  	s0 =	stileid.u32;
	[bflag:$0x2] =	sbarrier.arrive $0xFFFF  }
0x47a: {  	p0 =	sne.s32 s0, $0x0;
	s0 =	rddreg [dreg:$0x3]  }
0x47b: {  	s0 =	sadd.s32 @!p0 $0x100000, s0  }
0x47c: {  	[sflag:s0] =	ssyncadd.tile.s32 @!p0 $0x1;
	_ =	shalt  }
.Lfunc_end2:
_tile_overlayer_lowered:
.L_overlay_start_2:
0x47d: {  	(tag) =	ssettag $0x2  }
0x47e: {  	s0 =	rddreg [dreg:$0x0];
	s2 =	stileid.u32  }
0x47f: {  	s1 =	rddreg [dreg:$0x1];
	p0 =	sne.s32 s2, $0x0  }
0x480: {  	s3 =	rddreg [dreg:$0x2];
	[bflag:$0x3] =	sbarrier.arrive $0xFFFF;
	s2 =	simm.s32 @!p0 $0x1C05  }
0x481: {  	[timem:s3], [sflag:s2] =	dma.local @!p0 [hbm:s0], s1  }
0x482: {  	s0 =	simm.s32 @!p0 $0x5  }
0x483: {  	_ =	swait.ge @!p0 [sflag:s0], s1  }
0x484: {  	s1 =	ssub.s32 @!p0 $0x0, s1;
	[sflag:s0] =	ssyncset.done @!p0 $0x0  }
0x485: {  	[sflag:s0] =	ssyncadd.s32 @!p0 s1  }
0x486: {  	[bflag:$0x3] =	sbarrier.arrive $0xFFFF  }
0x487: {  	_ =	shalt  }

</sc_bundles>
